<compile_context>
chip_gen: v7x
topology: tpu7x:2x2x1
jax: 0.10.2.dev20260603
libtpu: 0.0.44.dev20260713+nightly
codegen_flags: <defaults>
</compile_context>

<pallas_src>
import dataclasses

import jax
import jax.numpy as jnp
from jax import lax
from jax.experimental import pallas as pl
from jax.experimental.pallas import tpu as pltpu
from jax.experimental.pallas import tpu_sc as plsc

THRESH = 0.7
IGNORE_INDEX = 255
H_BLK = 64

NC = 2
NS = 16
NW = NC * NS
LANES = 16
HIST_BITS = 10
HIST_BINS = 1 << HIST_BITS
HIST_SHIFT = 31 - HIST_BITS
UNROLL = 4


def _ce_body(lg_ref, lb_ref, loss_ref):
    lb = lb_ref[0]
    C = lg_ref.shape[1]
    zero = jnp.zeros(lb.shape, jnp.float32)
    s0, s1, p0, p1 = zero, zero, zero, zero
    for c in range(0, C, 2):
        x0 = lg_ref[0, c]
        s0 = s0 + jnp.exp(x0)
        p0 = p0 + jnp.where(lb == c, x0, 0.0)
        if c + 1 < C:
            x1 = lg_ref[0, c + 1]
            s1 = s1 + jnp.exp(x1)
            p1 = p1 + jnp.where(lb == c + 1, x1, 0.0)
    lse = jnp.log(s0 + s1)
    valid = lb != IGNORE_INDEX
    nll = jnp.maximum(lse - (p0 + p1), 0.0)
    loss_ref[0] = jnp.where(valid, nll, 0.0)


def _sc_hist_body(loss_hbm, zeros_hbm, hist_hbm, loss_v, hist_v):
    n_per = loss_hbm.shape[0] // NW
    c = lax.axis_index("core")
    s = lax.axis_index("subcore")
    wid = s * NC + c
    base = wid * n_per
    pltpu.sync_copy(loss_hbm.at[pl.ds(base, n_per)], loss_v)
    pltpu.sync_copy(zeros_hbm, hist_v)

    lane = lax.iota(jnp.int32, LANES)
    ones = jnp.ones((LANES,), jnp.int32)

    def body(i, carry):
        for j in range(UNROLL):
            x = loss_v[pl.ds((i * UNROLL + j) * LANES, LANES)]
            bits = plsc.bitcast(x, jnp.int32)
            bins = jnp.clip(lax.shift_right_logical(bits, HIST_SHIFT),
                            0, HIST_BINS - 1)
            plsc.addupdate_scatter(hist_v, [lane, bins], ones)
        return carry

    lax.fori_loop(0, n_per // LANES // UNROLL, body, jnp.int32(0))
    pltpu.sync_copy(hist_v, hist_hbm.at[pl.ds(wid * LANES, LANES)])


def _sel_body(loss_a_ref, loss_b_ref, lb_ref, hist_a_ref, hist_b_ref, out_ref):
    loss_a = loss_a_ref[...]
    loss_b = loss_b_ref[...]
    bits_a = jax.lax.bitcast_convert_type(loss_a, jnp.int32)
    bits_b = jax.lax.bitcast_convert_type(loss_b, jnp.int32)
    n_valid = jnp.sum((lb_ref[...] != IGNORE_INDEX).astype(jnp.int32))
    n_min = n_valid // 16
    thresh = -jnp.log(jnp.float32(THRESH))
    n_hard = (jnp.sum((loss_a > thresh).astype(jnp.int32))
              + jnp.sum((loss_b > thresh).astype(jnp.int32)))
    k = jnp.maximum(n_hard, n_min)

    rows = HIST_BINS // 128
    merged = (jnp.sum(hist_a_ref[...], axis=0)
              + jnp.sum(hist_b_ref[...], axis=0)).reshape(rows, 128)
    bin_idx = (jax.lax.broadcasted_iota(jnp.int32, (rows, 128), 0) * 128
               + jax.lax.broadcasted_iota(jnp.int32, (rows, 128), 1))
    ub = jnp.int32(0)
    for bit in range(HIST_BITS - 1, -1, -1):
        cand = ub | (jnp.int32(1) << bit)
        cnt = jnp.sum(jnp.where(bin_idx >= cand, merged, 0))
        ub = jnp.where(cnt >= k, cand, ub)

    def body(i, u):
        cand = u | (jnp.int32(1) << (HIST_SHIFT - 1 - i))
        cnt = (jnp.sum((bits_a >= cand).astype(jnp.int32))
               + jnp.sum((bits_b >= cand).astype(jnp.int32)))
        return jnp.where(cnt >= k, cand, u)

    u = lax.fori_loop(0, HIST_SHIFT, body, ub << HIST_SHIFT)
    t = jax.lax.bitcast_convert_type(u, jnp.float32)
    gt_a = bits_a > u
    gt_b = bits_b > u
    c = jnp.sum(gt_a.astype(jnp.int32)) + jnp.sum(gt_b.astype(jnp.int32))
    sum_gt = (jnp.sum(jnp.where(gt_a, loss_a, 0.0))
              + jnp.sum(jnp.where(gt_b, loss_b, 0.0)))
    kf = k.astype(jnp.float32)
    res = (sum_gt + (k - c).astype(jnp.float32) * t) / kf
    out_ref[...] = jnp.broadcast_to(res, out_ref.shape)


@jax.jit
def kernel(logits, labels):
    B, C, H, W = logits.shape
    BH = B // 2

    def ce_call(b_off):
        return pl.pallas_call(
            _ce_body,
            grid=(BH, H // H_BLK),
            in_specs=[
                pl.BlockSpec((1, C, H_BLK, W),
                             lambda b, h: (b + b_off, 0, h, 0)),
                pl.BlockSpec((1, H_BLK, W), lambda b, h: (b + b_off, h, 0)),
            ],
            out_specs=pl.BlockSpec((1, H_BLK, W), lambda b, h: (b, h, 0)),
            out_shape=jax.ShapeDtypeStruct((BH, H, W), jnp.float32),
        )(logits, labels)

    loss_a = ce_call(0)
    loss_b = ce_call(BH)

    n = BH * H * W
    mesh = plsc.VectorSubcoreMesh(core_axis_name="core",
                                  subcore_axis_name="subcore")
    cp = pltpu.CompilerParams()
    if "needs_layout_passes" in pltpu.CompilerParams.__dataclass_fields__:
        cp = dataclasses.replace(cp, needs_layout_passes=False)
    sc_hist = pl.kernel(
        _sc_hist_body,
        mesh=mesh,
        compiler_params=cp,
        out_type=jax.ShapeDtypeStruct((NW * LANES, HIST_BINS), jnp.int32),
        scratch_types=[
            pltpu.VMEM((n // NW,), jnp.float32),
            pltpu.VMEM((LANES, HIST_BINS), jnp.int32),
        ],
    )
    zeros = jnp.zeros((LANES, HIST_BINS), jnp.int32)
    hist_a = sc_hist(loss_a.reshape(-1), zeros)
    hist_b = sc_hist(loss_b.reshape(-1), zeros)

    out = pl.pallas_call(
        _sel_body,
        out_shape=jax.ShapeDtypeStruct((8, 128), jnp.float32),
    )(loss_a, loss_b, labels, hist_a, hist_b)
    return out[0, 0]

# --- scband reference (transcript-rebuilt; emitter-appended) ---
"""Pipeline reference for scband-ohem-celoss-45131516347035 (READ-ONLY COPY).

The authoritative reference and input builder live on the scoring server;
editing this copy changes nothing except your own understanding.
"""

import jax, jax.numpy as jnp
import numpy as np

THRESH = 0.7
IGNORE_INDEX = 255

def setup_inputs(seed: int = 0):
    key = jax.random.key(seed)
    k1, k2 = jax.random.split(key)
    logits = jax.random.normal(k1, (4, 150, 384, 384), dtype=jnp.float32)
    labels = jax.random.randint(k2, (4, 384, 384), 0, 150, dtype=jnp.int32)
    return {"logits": logits, "labels": labels}

def _per_pixel_ce(logits, labels):
    B, C, H, W = logits.shape
    lg = jnp.transpose(logits, (0, 2, 3, 1)).reshape(-1, C)
    lb = labels.reshape(-1)
    valid = lb != IGNORE_INDEX
    lb_safe = jnp.where(valid, lb, 0)
    lse = jax.nn.logsumexp(lg, axis=-1)
    picked = jnp.take_along_axis(lg, lb_safe[:, None], axis=-1)[:, 0]
    nll = lse - picked
    return jnp.where(valid, nll, 0.0), valid

def reference(logits, labels):
    # thresh = -log(0.7), matching torch code
    thresh = -jnp.log(jnp.asarray(THRESH, dtype=jnp.float32))
    loss, valid = _per_pixel_ce(logits, labels)
    n_min = jnp.sum(valid) // 16
    # Equivalent reformulation of OHEM selection:
    # loss_hard = loss[loss > thresh]; if fewer than n_min, take topk(n_min).
    # The selected set is always the top max(n_hard, n_min) values of loss.
    n_hard = jnp.sum(loss > thresh)
    k = jnp.maximum(n_hard, n_min)
    sorted_desc = jnp.sort(loss)[::-1]
    mask = (jnp.arange(loss.shape[0]) < k).astype(loss.dtype)
    return jnp.sum(sorted_desc * mask) / k.astype(loss.dtype)

if __name__ == "__main__":
    import jax
    _d = setup_inputs()
    print(jax.jit(kernel)(*tuple(_d.values())))

</pallas_src>

<mosaic_0001>
#map = affine_map<(d0, d1) -> (0)>
#map1 = affine_map<(d0, d1) -> (0, 0)>
module attributes {stable_mosaic.version = 14 : i64} {
  func.func @_sc_hist_body(%arg0: i32, %arg1: i32, %arg2: memref<294912xf32, #tpu.memory_space<hbm>>, %arg3: memref<16x1024xi32, #tpu.memory_space<hbm>>, %arg4: memref<512x1024xi32, #tpu.memory_space<hbm>>, %arg5: memref<9216xf32, #tpu.memory_space<vmem>>, %arg6: memref<16x1024xi32, #tpu.memory_space<vmem>>) attributes {dimension_semantics = [#tpu.dimension_semantics<core_parallel>, #tpu.dimension_semantics<subcore_parallel>], iteration_bounds = array<i64: 2, 16>, scalar_prefetch = 0 : i64, scratch_operands = 2 : i64, tpu.core_type = #tpu.core_type<sc_vector_subcore>, window_params = [{transform_indices = #map}, {transform_indices = #map1}, {transform_indices = #map1}]} {
    %mul3A = arith.constant 2 : i32
    %mul3A_0 = arith.muli %arg1, %mul3A : i32
    %add3A = arith.addi %mul3A_0, %arg0 : i32
    %mul3A_1 = arith.constant 9216 : i32
    %mul3A_2 = arith.muli %add3A, %mul3A_1 : i32
    "tpu.region"() ({
      %run_scoped3A = tpu.sem_alloc : memref<!tpu.dma_semaphore, #tpu.memory_space<semaphore_mem>>
      %dma_start3A = tpu.memref_slice %arg2[%mul3A_2] : memref<294912xf32, #tpu.memory_space<hbm>> -> memref<9216xf32, #tpu.memory_space<hbm>>
      %dma_start3A_11 = tpu.memref_slice %arg2[%mul3A_2] : memref<294912xf32, #tpu.memory_space<hbm>> -> memref<9216xf32, #tpu.memory_space<hbm>>
      tpu.enqueue_dma source(%dma_start3A_11 : memref<9216xf32, #tpu.memory_space<hbm>>) target(%arg5 : memref<9216xf32, #tpu.memory_space<vmem>>) target_semaphore(%run_scoped3A : memref<!tpu.dma_semaphore, #tpu.memory_space<semaphore_mem>>)
      %dma_wait3A = tpu.memref_slice %arg2[%mul3A_2] : memref<294912xf32, #tpu.memory_space<hbm>> -> memref<9216xf32, #tpu.memory_space<hbm>>
      %dma_wait3A_12 = tpu.memref_slice %arg2[%mul3A_2] : memref<294912xf32, #tpu.memory_space<hbm>> -> memref<9216xf32, #tpu.memory_space<hbm>>
      tpu.wait_dma2 semaphore(%run_scoped3A : memref<!tpu.dma_semaphore, #tpu.memory_space<semaphore_mem>>) src(%dma_wait3A_12 : memref<9216xf32, #tpu.memory_space<hbm>>) dst(%arg5 : memref<9216xf32, #tpu.memory_space<vmem>>)
      tpu.yield
    }) : () -> ()
    "tpu.region"() ({
      %run_scoped3A = tpu.sem_alloc : memref<!tpu.dma_semaphore, #tpu.memory_space<semaphore_mem>>
      tpu.enqueue_dma source(%arg3 : memref<16x1024xi32, #tpu.memory_space<hbm>>) target(%arg6 : memref<16x1024xi32, #tpu.memory_space<vmem>>) target_semaphore(%run_scoped3A : memref<!tpu.dma_semaphore, #tpu.memory_space<semaphore_mem>>)
      tpu.wait_dma2 semaphore(%run_scoped3A : memref<!tpu.dma_semaphore, #tpu.memory_space<semaphore_mem>>) src(%arg3 : memref<16x1024xi32, #tpu.memory_space<hbm>>) dst(%arg6 : memref<16x1024xi32, #tpu.memory_space<vmem>>)
      tpu.yield
    }) : () -> ()
    %iota3A = tpu.iota {dimensions = array<i32: 0>} : vector<16xi32>
    %broadcast_in_dim3A = arith.constant 1 : i32
    %broadcast_in_dim3A_3 = vector.broadcast %broadcast_in_dim3A : i32 to vector<16xi32>
    %scan3A = arith.constant 0 : i32
    %scan3A_4 = arith.constant 0 : i32
    %scan3A_5 = arith.constant 144 : i32
    %scan3A_6 = arith.addi %scan3A_4, %scan3A_5 : i32
    %scan3A_7 = arith.constant 1 : i32
    scf.for %scan3A_11 = %scan3A_4 to %scan3A_6 step %scan3A_7  : i32 {
      %mul3A_12 = arith.constant 4 : i32
      %mul3A_13 = arith.muli %scan3A_11, %mul3A_12 : i32
      %add3A_14 = arith.constant 0 : i32
      %add3A_15 = arith.addi %mul3A_13, %add3A_14 : i32
      %mul3A_16 = arith.constant 16 : i32
      %mul3A_17 = arith.muli %add3A_15, %mul3A_16 : i32
      %get3A = arith.index_cast %mul3A_17 : i32 to index
      %get3A_18 = tpu.vector_load %arg5[%get3A] {strides = array<i32>} : memref<9216xf32, #tpu.memory_space<vmem>>, vector<16xf32>,
      %bitcast3A = vector.bitcast %get3A_18 : vector<16xf32> to vector<16xi32>
      %shift_right_logical3A = arith.constant 21 : i32
      %shift_right_logical3A_19 = vector.broadcast %shift_right_logical3A : i32 to vector<16xi32>
      %shift_right_logical3A_20 = arith.shrui %bitcast3A, %shift_right_logical3A_19 : vector<16xi32>
      %jit3A = arith.constant 0 : i32
      %jit3A_21 = arith.constant 1023 : i32
      %max3A = vector.broadcast %jit3A : i32 to vector<16xi32>
      %max3A_22 = arith.maxsi %max3A, %shift_right_logical3A_20 : vector<16xi32>
      %min3A = vector.broadcast %jit3A_21 : i32 to vector<16xi32>
      %min3A_23 = arith.minsi %min3A, %max3A_22 : vector<16xi32>
      tpu.vector_store_idx %arg6[%iota3A, %min3A_23], %broadcast_in_dim3A_3 {add = true} : memref<16x1024xi32, #tpu.memory_space<vmem>>[vector<16xi32>, vector<16xi32>], vector<16xi32>,
      %mul3A_24 = arith.constant 4 : i32
      %mul3A_25 = arith.muli %scan3A_11, %mul3A_24 : i32
      %add3A_26 = arith.constant 1 : i32
      %add3A_27 = arith.addi %mul3A_25, %add3A_26 : i32
      %mul3A_28 = arith.constant 16 : i32
      %mul3A_29 = arith.muli %add3A_27, %mul3A_28 : i32
      %get3A_30 = arith.index_cast %mul3A_29 : i32 to index
      %get3A_31 = tpu.vector_load %arg5[%get3A_30] {strides = array<i32>} : memref<9216xf32, #tpu.memory_space<vmem>>, vector<16xf32>,
      %bitcast3A_32 = vector.bitcast %get3A_31 : vector<16xf32> to vector<16xi32>
      %shift_right_logical3A_33 = arith.constant 21 : i32
      %shift_right_logical3A_34 = vector.broadcast %shift_right_logical3A_33 : i32 to vector<16xi32>
      %shift_right_logical3A_35 = arith.shrui %bitcast3A_32, %shift_right_logical3A_34 : vector<16xi32>
      %jit3A_36 = arith.constant 0 : i32
      %jit3A_37 = arith.constant 1023 : i32
      %max3A_38 = vector.broadcast %jit3A_36 : i32 to vector<16xi32>
      %max3A_39 = arith.maxsi %max3A_38, %shift_right_logical3A_35 : vector<16xi32>
      %min3A_40 = vector.broadcast %jit3A_37 : i32 to vector<16xi32>
      %min3A_41 = arith.minsi %min3A_40, %max3A_39 : vector<16xi32>
      tpu.vector_store_idx %arg6[%iota3A, %min3A_41], %broadcast_in_dim3A_3 {add = true} : memref<16x1024xi32, #tpu.memory_space<vmem>>[vector<16xi32>, vector<16xi32>], vector<16xi32>,
      %mul3A_42 = arith.constant 4 : i32
      %mul3A_43 = arith.muli %scan3A_11, %mul3A_42 : i32
      %add3A_44 = arith.constant 2 : i32
      %add3A_45 = arith.addi %mul3A_43, %add3A_44 : i32
      %mul3A_46 = arith.constant 16 : i32
      %mul3A_47 = arith.muli %add3A_45, %mul3A_46 : i32
      %get3A_48 = arith.index_cast %mul3A_47 : i32 to index
      %get3A_49 = tpu.vector_load %arg5[%get3A_48] {strides = array<i32>} : memref<9216xf32, #tpu.memory_space<vmem>>, vector<16xf32>,
      %bitcast3A_50 = vector.bitcast %get3A_49 : vector<16xf32> to vector<16xi32>
      %shift_right_logical3A_51 = arith.constant 21 : i32
      %shift_right_logical3A_52 = vector.broadcast %shift_right_logical3A_51 : i32 to vector<16xi32>
      %shift_right_logical3A_53 = arith.shrui %bitcast3A_50, %shift_right_logical3A_52 : vector<16xi32>
      %jit3A_54 = arith.constant 0 : i32
      %jit3A_55 = arith.constant 1023 : i32
      %max3A_56 = vector.broadcast %jit3A_54 : i32 to vector<16xi32>
      %max3A_57 = arith.maxsi %max3A_56, %shift_right_logical3A_53 : vector<16xi32>
      %min3A_58 = vector.broadcast %jit3A_55 : i32 to vector<16xi32>
      %min3A_59 = arith.minsi %min3A_58, %max3A_57 : vector<16xi32>
      tpu.vector_store_idx %arg6[%iota3A, %min3A_59], %broadcast_in_dim3A_3 {add = true} : memref<16x1024xi32, #tpu.memory_space<vmem>>[vector<16xi32>, vector<16xi32>], vector<16xi32>,
      %mul3A_60 = arith.constant 4 : i32
      %mul3A_61 = arith.muli %scan3A_11, %mul3A_60 : i32
      %add3A_62 = arith.constant 3 : i32
      %add3A_63 = arith.addi %mul3A_61, %add3A_62 : i32
      %mul3A_64 = arith.constant 16 : i32
      %mul3A_65 = arith.muli %add3A_63, %mul3A_64 : i32
      %get3A_66 = arith.index_cast %mul3A_65 : i32 to index
      %get3A_67 = tpu.vector_load %arg5[%get3A_66] {strides = array<i32>} : memref<9216xf32, #tpu.memory_space<vmem>>, vector<16xf32>,
      %bitcast3A_68 = vector.bitcast %get3A_67 : vector<16xf32> to vector<16xi32>
      %shift_right_logical3A_69 = arith.constant 21 : i32
      %shift_right_logical3A_70 = vector.broadcast %shift_right_logical3A_69 : i32 to vector<16xi32>
      %shift_right_logical3A_71 = arith.shrui %bitcast3A_68, %shift_right_logical3A_70 : vector<16xi32>
      %jit3A_72 = arith.constant 0 : i32
      %jit3A_73 = arith.constant 1023 : i32
      %max3A_74 = vector.broadcast %jit3A_72 : i32 to vector<16xi32>
      %max3A_75 = arith.maxsi %max3A_74, %shift_right_logical3A_71 : vector<16xi32>
      %min3A_76 = vector.broadcast %jit3A_73 : i32 to vector<16xi32>
      %min3A_77 = arith.minsi %min3A_76, %max3A_75 : vector<16xi32>
      tpu.vector_store_idx %arg6[%iota3A, %min3A_77], %broadcast_in_dim3A_3 {add = true} : memref<16x1024xi32, #tpu.memory_space<vmem>>[vector<16xi32>, vector<16xi32>], vector<16xi32>,
    }
    %scan3A_8 = arith.constant 144 : i32
    %mul3A_9 = arith.constant 16 : i32
    %mul3A_10 = arith.muli %add3A, %mul3A_9 : i32
    "tpu.region"() ({
      %run_scoped3A = tpu.sem_alloc : memref<!tpu.dma_semaphore, #tpu.memory_space<semaphore_mem>>
      %dma_start3A = arith.constant 0 : i32
      %dma_start3A_11 = tpu.memref_slice %arg4[%mul3A_10, %dma_start3A] : memref<512x1024xi32, #tpu.memory_space<hbm>> -> memref<16x1024xi32, #tpu.memory_space<hbm>>
      %dma_start3A_12 = arith.constant 0 : i32
      %dma_start3A_13 = tpu.memref_slice %arg4[%mul3A_10, %dma_start3A_12] : memref<512x1024xi32, #tpu.memory_space<hbm>> -> memref<16x1024xi32, #tpu.memory_space<hbm>>
      tpu.enqueue_dma source(%arg6 : memref<16x1024xi32, #tpu.memory_space<vmem>>) target(%dma_start3A_13 : memref<16x1024xi32, #tpu.memory_space<hbm>>) target_semaphore(%run_scoped3A : memref<!tpu.dma_semaphore, #tpu.memory_space<semaphore_mem>>)
      %dma_wait3A = arith.constant 0 : i32
      %dma_wait3A_14 = tpu.memref_slice %arg4[%mul3A_10, %dma_wait3A] : memref<512x1024xi32, #tpu.memory_space<hbm>> -> memref<16x1024xi32, #tpu.memory_space<hbm>>
      %dma_wait3A_15 = arith.constant 0 : i32
      %dma_wait3A_16 = tpu.memref_slice %arg4[%mul3A_10, %dma_wait3A_15] : memref<512x1024xi32, #tpu.memory_space<hbm>> -> memref<16x1024xi32, #tpu.memory_space<hbm>>
      tpu.wait_dma2 semaphore(%run_scoped3A : memref<!tpu.dma_semaphore, #tpu.memory_space<semaphore_mem>>) src(%arg6 : memref<16x1024xi32, #tpu.memory_space<vmem>>) dst(%dma_wait3A_16 : memref<16x1024xi32, #tpu.memory_space<hbm>>)
      tpu.yield
    }) : () -> ()
    return
  }
}

#map = affine_map<(d0, d1) -> (0)>
#map1 = affine_map<(d0, d1) -> (0, 0)>
module attributes {stable_mosaic.version = 14 : i64} {
  func.func @_sc_hist_body(%arg0: i32, %arg1: i32, %arg2: memref<294912xf32, #tpu.memory_space<hbm>>, %arg3: memref<16x1024xi32, #tpu.memory_space<hbm>>, %arg4: memref<512x1024xi32, #tpu.memory_space<hbm>>, %arg5: memref<9216xf32, #tpu.memory_space<vmem>>, %arg6: memref<16x1024xi32, #tpu.memory_space<vmem>>) attributes {dimension_semantics = [#tpu.dimension_semantics<core_parallel>, #tpu.dimension_semantics<subcore_parallel>], iteration_bounds = array<i64: 2, 16>, scalar_prefetch = 0 : i64, scratch_operands = 2 : i64, tpu.core_type = #tpu.core_type<sc_vector_subcore>, window_params = [{transform_indices = #map}, {transform_indices = #map1}, {transform_indices = #map1}]} {
    %mul3A = arith.constant 2 : i32
    %mul3A_0 = arith.muli %arg1, %mul3A : i32
    %add3A = arith.addi %mul3A_0, %arg0 : i32
    %mul3A_1 = arith.constant 9216 : i32
    %mul3A_2 = arith.muli %add3A, %mul3A_1 : i32
    "tpu.region"() ({
      %run_scoped3A = tpu.sem_alloc : memref<!tpu.dma_semaphore, #tpu.memory_space<semaphore_mem>>
      %dma_start3A = tpu.memref_slice %arg2[%mul3A_2] : memref<294912xf32, #tpu.memory_space<hbm>> -> memref<9216xf32, #tpu.memory_space<hbm>>
      %dma_start3A_11 = tpu.memref_slice %arg2[%mul3A_2] : memref<294912xf32, #tpu.memory_space<hbm>> -> memref<9216xf32, #tpu.memory_space<hbm>>
      tpu.enqueue_dma source(%dma_start3A_11 : memref<9216xf32, #tpu.memory_space<hbm>>) target(%arg5 : memref<9216xf32, #tpu.memory_space<vmem>>) target_semaphore(%run_scoped3A : memref<!tpu.dma_semaphore, #tpu.memory_space<semaphore_mem>>)
      %dma_wait3A = tpu.memref_slice %arg2[%mul3A_2] : memref<294912xf32, #tpu.memory_space<hbm>> -> memref<9216xf32, #tpu.memory_space<hbm>>
      %dma_wait3A_12 = tpu.memref_slice %arg2[%mul3A_2] : memref<294912xf32, #tpu.memory_space<hbm>> -> memref<9216xf32, #tpu.memory_space<hbm>>
      tpu.wait_dma2 semaphore(%run_scoped3A : memref<!tpu.dma_semaphore, #tpu.memory_space<semaphore_mem>>) src(%dma_wait3A_12 : memref<9216xf32, #tpu.memory_space<hbm>>) dst(%arg5 : memref<9216xf32, #tpu.memory_space<vmem>>)
      tpu.yield
    }) : () -> ()
    "tpu.region"() ({
      %run_scoped3A = tpu.sem_alloc : memref<!tpu.dma_semaphore, #tpu.memory_space<semaphore_mem>>
      tpu.enqueue_dma source(%arg3 : memref<16x1024xi32, #tpu.memory_space<hbm>>) target(%arg6 : memref<16x1024xi32, #tpu.memory_space<vmem>>) target_semaphore(%run_scoped3A : memref<!tpu.dma_semaphore, #tpu.memory_space<semaphore_mem>>)
      tpu.wait_dma2 semaphore(%run_scoped3A : memref<!tpu.dma_semaphore, #tpu.memory_space<semaphore_mem>>) src(%arg3 : memref<16x1024xi32, #tpu.memory_space<hbm>>) dst(%arg6 : memref<16x1024xi32, #tpu.memory_space<vmem>>)
      tpu.yield
    }) : () -> ()
    %iota3A = tpu.iota {dimensions = array<i32: 0>} : vector<16xi32>
    %broadcast_in_dim3A = arith.constant 1 : i32
    %broadcast_in_dim3A_3 = vector.broadcast %broadcast_in_dim3A : i32 to vector<16xi32>
    %scan3A = arith.constant 0 : i32
    %scan3A_4 = arith.constant 0 : i32
    %scan3A_5 = arith.constant 144 : i32
    %scan3A_6 = arith.addi %scan3A_4, %scan3A_5 : i32
    %scan3A_7 = arith.constant 1 : i32
    scf.for %scan3A_11 = %scan3A_4 to %scan3A_6 step %scan3A_7  : i32 {
      %mul3A_12 = arith.constant 4 : i32
      %mul3A_13 = arith.muli %scan3A_11, %mul3A_12 : i32
      %add3A_14 = arith.constant 0 : i32
      %add3A_15 = arith.addi %mul3A_13, %add3A_14 : i32
      %mul3A_16 = arith.constant 16 : i32
      %mul3A_17 = arith.muli %add3A_15, %mul3A_16 : i32
      %get3A = arith.index_cast %mul3A_17 : i32 to index
      %get3A_18 = tpu.vector_load %arg5[%get3A] {strides = array<i32>} : memref<9216xf32, #tpu.memory_space<vmem>>, vector<16xf32>,
      %bitcast3A = vector.bitcast %get3A_18 : vector<16xf32> to vector<16xi32>
      %shift_right_logical3A = arith.constant 21 : i32
      %shift_right_logical3A_19 = vector.broadcast %shift_right_logical3A : i32 to vector<16xi32>
      %shift_right_logical3A_20 = arith.shrui %bitcast3A, %shift_right_logical3A_19 : vector<16xi32>
      %jit3A = arith.constant 0 : i32
      %jit3A_21 = arith.constant 1023 : i32
      %max3A = vector.broadcast %jit3A : i32 to vector<16xi32>
      %max3A_22 = arith.maxsi %max3A, %shift_right_logical3A_20 : vector<16xi32>
      %min3A = vector.broadcast %jit3A_21 : i32 to vector<16xi32>
      %min3A_23 = arith.minsi %min3A, %max3A_22 : vector<16xi32>
      tpu.vector_store_idx %arg6[%iota3A, %min3A_23], %broadcast_in_dim3A_3 {add = true} : memref<16x1024xi32, #tpu.memory_space<vmem>>[vector<16xi32>, vector<16xi32>], vector<16xi32>,
      %mul3A_24 = arith.constant 4 : i32
      %mul3A_25 = arith.muli %scan3A_11, %mul3A_24 : i32
      %add3A_26 = arith.constant 1 : i32
      %add3A_27 = arith.addi %mul3A_25, %add3A_26 : i32
      %mul3A_28 = arith.constant 16 : i32
      %mul3A_29 = arith.muli %add3A_27, %mul3A_28 : i32
      %get3A_30 = arith.index_cast %mul3A_29 : i32 to index
      %get3A_31 = tpu.vector_load %arg5[%get3A_30] {strides = array<i32>} : memref<9216xf32, #tpu.memory_space<vmem>>, vector<16xf32>,
      %bitcast3A_32 = vector.bitcast %get3A_31 : vector<16xf32> to vector<16xi32>
      %shift_right_logical3A_33 = arith.constant 21 : i32
      %shift_right_logical3A_34 = vector.broadcast %shift_right_logical3A_33 : i32 to vector<16xi32>
      %shift_right_logical3A_35 = arith.shrui %bitcast3A_32, %shift_right_logical3A_34 : vector<16xi32>
      %jit3A_36 = arith.constant 0 : i32
      %jit3A_37 = arith.constant 1023 : i32
      %max3A_38 = vector.broadcast %jit3A_36 : i32 to vector<16xi32>
      %max3A_39 = arith.maxsi %max3A_38, %shift_right_logical3A_35 : vector<16xi32>
      %min3A_40 = vector.broadcast %jit3A_37 : i32 to vector<16xi32>
      %min3A_41 = arith.minsi %min3A_40, %max3A_39 : vector<16xi32>
      tpu.vector_store_idx %arg6[%iota3A, %min3A_41], %broadcast_in_dim3A_3 {add = true} : memref<16x1024xi32, #tpu.memory_space<vmem>>[vector<16xi32>, vector<16xi32>], vector<16xi32>,
      %mul3A_42 = arith.constant 4 : i32
      %mul3A_43 = arith.muli %scan3A_11, %mul3A_42 : i32
      %add3A_44 = arith.constant 2 : i32
      %add3A_45 = arith.addi %mul3A_43, %add3A_44 : i32
      %mul3A_46 = arith.constant 16 : i32
      %mul3A_47 = arith.muli %add3A_45, %mul3A_46 : i32
      %get3A_48 = arith.index_cast %mul3A_47 : i32 to index
      %get3A_49 = tpu.vector_load %arg5[%get3A_48] {strides = array<i32>} : memref<9216xf32, #tpu.memory_space<vmem>>, vector<16xf32>,
      %bitcast3A_50 = vector.bitcast %get3A_49 : vector<16xf32> to vector<16xi32>
      %shift_right_logical3A_51 = arith.constant 21 : i32
      %shift_right_logical3A_52 = vector.broadcast %shift_right_logical3A_51 : i32 to vector<16xi32>
      %shift_right_logical3A_53 = arith.shrui %bitcast3A_50, %shift_right_logical3A_52 : vector<16xi32>
      %jit3A_54 = arith.constant 0 : i32
      %jit3A_55 = arith.constant 1023 : i32
      %max3A_56 = vector.broadcast %jit3A_54 : i32 to vector<16xi32>
      %max3A_57 = arith.maxsi %max3A_56, %shift_right_logical3A_53 : vector<16xi32>
      %min3A_58 = vector.broadcast %jit3A_55 : i32 to vector<16xi32>
      %min3A_59 = arith.minsi %min3A_58, %max3A_57 : vector<16xi32>
      tpu.vector_store_idx %arg6[%iota3A, %min3A_59], %broadcast_in_dim3A_3 {add = true} : memref<16x1024xi32, #tpu.memory_space<vmem>>[vector<16xi32>, vector<16xi32>], vector<16xi32>,
      %mul3A_60 = arith.constant 4 : i32
      %mul3A_61 = arith.muli %scan3A_11, %mul3A_60 : i32
      %add3A_62 = arith.constant 3 : i32
      %add3A_63 = arith.addi %mul3A_61, %add3A_62 : i32
      %mul3A_64 = arith.constant 16 : i32
      %mul3A_65 = arith.muli %add3A_63, %mul3A_64 : i32
      %get3A_66 = arith.index_cast %mul3A_65 : i32 to index
      %get3A_67 = tpu.vector_load %arg5[%get3A_66] {strides = array<i32>} : memref<9216xf32, #tpu.memory_space<vmem>>, vector<16xf32>,
      %bitcast3A_68 = vector.bitcast %get3A_67 : vector<16xf32> to vector<16xi32>
      %shift_right_logical3A_69 = arith.constant 21 : i32
      %shift_right_logical3A_70 = vector.broadcast %shift_right_logical3A_69 : i32 to vector<16xi32>
      %shift_right_logical3A_71 = arith.shrui %bitcast3A_68, %shift_right_logical3A_70 : vector<16xi32>
      %jit3A_72 = arith.constant 0 : i32
      %jit3A_73 = arith.constant 1023 : i32
      %max3A_74 = vector.broadcast %jit3A_72 : i32 to vector<16xi32>
      %max3A_75 = arith.maxsi %max3A_74, %shift_right_logical3A_71 : vector<16xi32>
      %min3A_76 = vector.broadcast %jit3A_73 : i32 to vector<16xi32>
      %min3A_77 = arith.minsi %min3A_76, %max3A_75 : vector<16xi32>
      tpu.vector_store_idx %arg6[%iota3A, %min3A_77], %broadcast_in_dim3A_3 {add = true} : memref<16x1024xi32, #tpu.memory_space<vmem>>[vector<16xi32>, vector<16xi32>], vector<16xi32>,
    }
    %scan3A_8 = arith.constant 144 : i32
    %mul3A_9 = arith.constant 16 : i32
    %mul3A_10 = arith.muli %add3A, %mul3A_9 : i32
    "tpu.region"() ({
      %run_scoped3A = tpu.sem_alloc : memref<!tpu.dma_semaphore, #tpu.memory_space<semaphore_mem>>
      %dma_start3A = arith.constant 0 : i32
      %dma_start3A_11 = tpu.memref_slice %arg4[%mul3A_10, %dma_start3A] : memref<512x1024xi32, #tpu.memory_space<hbm>> -> memref<16x1024xi32, #tpu.memory_space<hbm>>
      %dma_start3A_12 = arith.constant 0 : i32
      %dma_start3A_13 = tpu.memref_slice %arg4[%mul3A_10, %dma_start3A_12] : memref<512x1024xi32, #tpu.memory_space<hbm>> -> memref<16x1024xi32, #tpu.memory_space<hbm>>
      tpu.enqueue_dma source(%arg6 : memref<16x1024xi32, #tpu.memory_space<vmem>>) target(%dma_start3A_13 : memref<16x1024xi32, #tpu.memory_space<hbm>>) target_semaphore(%run_scoped3A : memref<!tpu.dma_semaphore, #tpu.memory_space<semaphore_mem>>)
      %dma_wait3A = arith.constant 0 : i32
      %dma_wait3A_14 = tpu.memref_slice %arg4[%mul3A_10, %dma_wait3A] : memref<512x1024xi32, #tpu.memory_space<hbm>> -> memref<16x1024xi32, #tpu.memory_space<hbm>>
      %dma_wait3A_15 = arith.constant 0 : i32
      %dma_wait3A_16 = tpu.memref_slice %arg4[%mul3A_10, %dma_wait3A_15] : memref<512x1024xi32, #tpu.memory_space<hbm>> -> memref<16x1024xi32, #tpu.memory_space<hbm>>
      tpu.wait_dma2 semaphore(%run_scoped3A : memref<!tpu.dma_semaphore, #tpu.memory_space<semaphore_mem>>) src(%arg6 : memref<16x1024xi32, #tpu.memory_space<vmem>>) dst(%dma_wait3A_16 : memref<16x1024xi32, #tpu.memory_space<hbm>>)
      tpu.yield
    }) : () -> ()
    return
  }
}

module attributes {stable_mosaic.version = 14 : i64} {
  func.func @_sel_body(%arg0: memref<2x384x384xf32, #tpu.memory_space<vmem>>, %arg1: memref<2x384x384xf32, #tpu.memory_space<vmem>>, %arg2: memref<4x384x384xi32, #tpu.memory_space<vmem>>, %arg3: memref<512x1024xi32, #tpu.memory_space<vmem>>, %arg4: memref<512x1024xi32, #tpu.memory_space<vmem>>, %arg5: memref<8x128xf32, #tpu.memory_space<vmem>>) attributes {dimension_semantics = [], scalar_prefetch = 0 : i64, scratch_operands = 0 : i64, tpu.core_type = #tpu.core_type<tc>} {
    %get3A = arith.constant 0 : index
    %get3A_0 = arith.constant 0 : index
    %get3A_1 = arith.constant 0 : index
    %get3A_2 = vector.load %arg0[%get3A, %get3A_0, %get3A_1] : memref<2x384x384xf32, #tpu.memory_space<vmem>>, vector<2x384x384xf32>
    %get3A_3 = arith.constant 0 : index
    %get3A_4 = arith.constant 0 : index
    %get3A_5 = arith.constant 0 : index
    %get3A_6 = vector.load %arg1[%get3A_3, %get3A_4, %get3A_5] : memref<2x384x384xf32, #tpu.memory_space<vmem>>, vector<2x384x384xf32>
    %bitcast_convert_type3A = tpu.bitcast %get3A_2 : vector<2x384x384xf32> -> vector<2x384x384xi32>
    %bitcast_convert_type3A_7 = tpu.bitcast %get3A_6 : vector<2x384x384xf32> -> vector<2x384x384xi32>
    %get3A_8 = arith.constant 0 : index
    %get3A_9 = arith.constant 0 : index
    %get3A_10 = arith.constant 0 : index
    %get3A_11 = vector.load %arg2[%get3A_8, %get3A_9, %get3A_10] : memref<4x384x384xi32, #tpu.memory_space<vmem>>, vector<4x384x384xi32>
    %ne3A = arith.constant 255 : i32
    %ne3A_12 = vector.broadcast %ne3A : i32 to vector<4x384x384xi32>
    %ne3A_13 = arith.cmpi ne, %get3A_11, %ne3A_12 : vector<4x384x384xi32>
    %convert_element_type3A = arith.extui %ne3A_13 : vector<4x384x384xi1> to vector<4x384x384xi32>
    %reduce_sum3A = vector.shape_cast %convert_element_type3A : vector<4x384x384xi32> to vector<1x4x384x384xi32>
    %reduce_sum3A_14 = arith.constant dense<0> : vector<1xi32>
    %reduce_sum3A_15 = vector.multi_reduction <add>, %reduce_sum3A, %reduce_sum3A_14 [1, 2, 3] : vector<1x4x384x384xi32> to vector<1xi32>
    %reduce_sum3A_16 = vector.shape_cast %reduce_sum3A_15 : vector<1xi32> to vector<1x1x1x1xi32>
    %reduce_sum3A_17 = vector.extract %reduce_sum3A_16[0, 0, 0, 0] : i32 from vector<1x1x1x1xi32>
    %jit3A = arith.constant 16 : i32
    %div3A = arith.divsi %reduce_sum3A_17, %jit3A : i32
    %sign3A = arith.constant 0 : i32
    %sign3A_18 = arith.cmpi sgt, %reduce_sum3A_17, %sign3A : i32
    %sign3A_19 = arith.extui %sign3A_18 : i1 to i32
    %sign3A_20 = arith.constant 0 : i32
    %sign3A_21 = arith.cmpi slt, %reduce_sum3A_17, %sign3A_20 : i32
    %sign3A_22 = arith.extui %sign3A_21 : i1 to i32
    %sign3A_23 = arith.subi %sign3A_19, %sign3A_22 : i32
    %sign3A_24 = arith.constant 0 : i32
    %sign3A_25 = arith.cmpi sgt, %jit3A, %sign3A_24 : i32
    %sign3A_26 = arith.extui %sign3A_25 : i1 to i32
    %sign3A_27 = arith.constant 0 : i32
    %sign3A_28 = arith.cmpi slt, %jit3A, %sign3A_27 : i32
    %sign3A_29 = arith.extui %sign3A_28 : i1 to i32
    %sign3A_30 = arith.subi %sign3A_26, %sign3A_29 : i32
    %ne3A_31 = arith.cmpi ne, %sign3A_23, %sign3A_30 : i32
    %rem3A = arith.remsi %reduce_sum3A_17, %jit3A : i32
    %ne3A_32 = arith.constant 0 : i32
    %ne3A_33 = arith.cmpi ne, %rem3A, %ne3A_32 : i32
    %and3A = arith.andi %ne3A_31, %ne3A_33 : i1
    %sub3A = arith.constant 1 : i32
    %sub3A_34 = arith.subi %div3A, %sub3A : i32
    %select_n3A = arith.select %and3A, %sub3A_34, %div3A : i32
    %log3A = arith.constant 0.699999988 : f32
    %log3A_35 = math.log %log3A : f32
    %neg3A = arith.constant 0.000000e+00 : f32
    %neg3A_36 = arith.subf %neg3A, %log3A_35 : f32
    %gt3A = vector.broadcast %neg3A_36 : f32 to vector<2x384x384xf32>
    %gt3A_37 = arith.cmpf ogt, %get3A_2, %gt3A : vector<2x384x384xf32>
    %convert_element_type3A_38 = arith.extui %gt3A_37 : vector<2x384x384xi1> to vector<2x384x384xi32>
    %reduce_sum3A_39 = vector.shape_cast %convert_element_type3A_38 : vector<2x384x384xi32> to vector<1x2x384x384xi32>
    %reduce_sum3A_40 = arith.constant dense<0> : vector<1xi32>
    %reduce_sum3A_41 = vector.multi_reduction <add>, %reduce_sum3A_39, %reduce_sum3A_40 [1, 2, 3] : vector<1x2x384x384xi32> to vector<1xi32>
    %reduce_sum3A_42 = vector.shape_cast %reduce_sum3A_41 : vector<1xi32> to vector<1x1x1x1xi32>
    %reduce_sum3A_43 = vector.extract %reduce_sum3A_42[0, 0, 0, 0] : i32 from vector<1x1x1x1xi32>
    %gt3A_44 = vector.broadcast %neg3A_36 : f32 to vector<2x384x384xf32>
    %gt3A_45 = arith.cmpf ogt, %get3A_6, %gt3A_44 : vector<2x384x384xf32>
    %convert_element_type3A_46 = arith.extui %gt3A_45 : vector<2x384x384xi1> to vector<2x384x384xi32>
    %reduce_sum3A_47 = vector.shape_cast %convert_element_type3A_46 : vector<2x384x384xi32> to vector<1x2x384x384xi32>
    %reduce_sum3A_48 = arith.constant dense<0> : vector<1xi32>
    %reduce_sum3A_49 = vector.multi_reduction <add>, %reduce_sum3A_47, %reduce_sum3A_48 [1, 2, 3] : vector<1x2x384x384xi32> to vector<1xi32>
    %reduce_sum3A_50 = vector.shape_cast %reduce_sum3A_49 : vector<1xi32> to vector<1x1x1x1xi32>
    %reduce_sum3A_51 = vector.extract %reduce_sum3A_50[0, 0, 0, 0] : i32 from vector<1x1x1x1xi32>
    %add3A = arith.addi %reduce_sum3A_43, %reduce_sum3A_51 : i32
    %max3A = arith.maxsi %add3A, %select_n3A : i32
    %get3A_52 = arith.constant 0 : index
    %get3A_53 = arith.constant 0 : index
    %get3A_54 = vector.load %arg3[%get3A_52, %get3A_53] : memref<512x1024xi32, #tpu.memory_space<vmem>>, vector<512x1024xi32>
    %reduce_sum3A_55 = arith.constant dense<0> : vector<1024xi32>
    %reduce_sum3A_56 = vector.multi_reduction <add>, %get3A_54, %reduce_sum3A_55 [0] : vector<512x1024xi32> to vector<1024xi32>
    %get3A_57 = arith.constant 0 : index
    %get3A_58 = arith.constant 0 : index
    %get3A_59 = vector.load %arg4[%get3A_57, %get3A_58] : memref<512x1024xi32, #tpu.memory_space<vmem>>, vector<512x1024xi32>
    %reduce_sum3A_60 = arith.constant dense<0> : vector<1024xi32>
    %reduce_sum3A_61 = vector.multi_reduction <add>, %get3A_59, %reduce_sum3A_60 [0] : vector<512x1024xi32> to vector<1024xi32>
    %add3A_62 = arith.addi %reduce_sum3A_56, %reduce_sum3A_61 : vector<1024xi32>
    %reshape3A = vector.shape_cast %add3A_62 : vector<1024xi32> to vector<8x128xi32>
    %iota3A = tpu.iota {dimensions = array<i32: 0>} : vector<8x128xi32>
    %mul3A = arith.constant 128 : i32
    %mul3A_63 = vector.broadcast %mul3A : i32 to vector<8x128xi32>
    %mul3A_64 = arith.muli %iota3A, %mul3A_63 : vector<8x128xi32>
    %iota3A_65 = tpu.iota {dimensions = array<i32: 1>} : vector<8x128xi32>
    %add3A_66 = arith.addi %mul3A_64, %iota3A_65 : vector<8x128xi32>
    %shift_left3A = arith.constant 1 : i32
    %shift_left3A_67 = arith.constant 9 : i32
    %shift_left3A_68 = arith.shli %shift_left3A, %shift_left3A_67 : i32
    %or3A = arith.constant 0 : i32
    %or3A_69 = arith.ori %or3A, %shift_left3A_68 : i32
    %ge3A = vector.broadcast %or3A_69 : i32 to vector<8x128xi32>
    %ge3A_70 = arith.cmpi sge, %add3A_66, %ge3A : vector<8x128xi32>
    %jit3A_71 = arith.constant 0 : i32
    %broadcast_in_dim3A = vector.broadcast %jit3A_71 : i32 to vector<8x128xi32>
    %select_n3A_72 = arith.select %ge3A_70, %reshape3A, %broadcast_in_dim3A : vector<8x128xi1>, vector<8x128xi32>
    %reduce_sum3A_73 = vector.shape_cast %select_n3A_72 : vector<8x128xi32> to vector<1x8x128xi32>
    %reduce_sum3A_74 = arith.constant dense<0> : vector<1xi32>
    %reduce_sum3A_75 = vector.multi_reduction <add>, %reduce_sum3A_73, %reduce_sum3A_74 [1, 2] : vector<1x8x128xi32> to vector<1xi32>
    %reduce_sum3A_76 = vector.shape_cast %reduce_sum3A_75 : vector<1xi32> to vector<1x1x1xi32>
    %reduce_sum3A_77 = vector.extract %reduce_sum3A_76[0, 0, 0] : i32 from vector<1x1x1xi32>
    %ge3A_78 = arith.cmpi sge, %reduce_sum3A_77, %max3A : i32
    %jit3A_79 = arith.constant 0 : i32
    %select_n3A_80 = arith.select %ge3A_78, %or3A_69, %jit3A_79 : i32
    %shift_left3A_81 = arith.constant 1 : i32
    %shift_left3A_82 = arith.constant 8 : i32
    %shift_left3A_83 = arith.shli %shift_left3A_81, %shift_left3A_82 : i32
    %or3A_84 = arith.ori %select_n3A_80, %shift_left3A_83 : i32
    %ge3A_85 = vector.broadcast %or3A_84 : i32 to vector<8x128xi32>
    %ge3A_86 = arith.cmpi sge, %add3A_66, %ge3A_85 : vector<8x128xi32>
    %jit3A_87 = arith.constant 0 : i32
    %broadcast_in_dim3A_88 = vector.broadcast %jit3A_87 : i32 to vector<8x128xi32>
    %select_n3A_89 = arith.select %ge3A_86, %reshape3A, %broadcast_in_dim3A_88 : vector<8x128xi1>, vector<8x128xi32>
    %reduce_sum3A_90 = vector.shape_cast %select_n3A_89 : vector<8x128xi32> to vector<1x8x128xi32>
    %reduce_sum3A_91 = arith.constant dense<0> : vector<1xi32>
    %reduce_sum3A_92 = vector.multi_reduction <add>, %reduce_sum3A_90, %reduce_sum3A_91 [1, 2] : vector<1x8x128xi32> to vector<1xi32>
    %reduce_sum3A_93 = vector.shape_cast %reduce_sum3A_92 : vector<1xi32> to vector<1x1x1xi32>
    %reduce_sum3A_94 = vector.extract %reduce_sum3A_93[0, 0, 0] : i32 from vector<1x1x1xi32>
    %ge3A_95 = arith.cmpi sge, %reduce_sum3A_94, %max3A : i32
    %select_n3A_96 = arith.select %ge3A_95, %or3A_84, %select_n3A_80 : i32
    %shift_left3A_97 = arith.constant 1 : i32
    %shift_left3A_98 = arith.constant 7 : i32
    %shift_left3A_99 = arith.shli %shift_left3A_97, %shift_left3A_98 : i32
    %or3A_100 = arith.ori %select_n3A_96, %shift_left3A_99 : i32
    %ge3A_101 = vector.broadcast %or3A_100 : i32 to vector<8x128xi32>
    %ge3A_102 = arith.cmpi sge, %add3A_66, %ge3A_101 : vector<8x128xi32>
    %jit3A_103 = arith.constant 0 : i32
    %broadcast_in_dim3A_104 = vector.broadcast %jit3A_103 : i32 to vector<8x128xi32>
    %select_n3A_105 = arith.select %ge3A_102, %reshape3A, %broadcast_in_dim3A_104 : vector<8x128xi1>, vector<8x128xi32>
    %reduce_sum3A_106 = vector.shape_cast %select_n3A_105 : vector<8x128xi32> to vector<1x8x128xi32>
    %reduce_sum3A_107 = arith.constant dense<0> : vector<1xi32>
    %reduce_sum3A_108 = vector.multi_reduction <add>, %reduce_sum3A_106, %reduce_sum3A_107 [1, 2] : vector<1x8x128xi32> to vector<1xi32>
    %reduce_sum3A_109 = vector.shape_cast %reduce_sum3A_108 : vector<1xi32> to vector<1x1x1xi32>
    %reduce_sum3A_110 = vector.extract %reduce_sum3A_109[0, 0, 0] : i32 from vector<1x1x1xi32>
    %ge3A_111 = arith.cmpi sge, %reduce_sum3A_110, %max3A : i32
    %select_n3A_112 = arith.select %ge3A_111, %or3A_100, %select_n3A_96 : i32
    %shift_left3A_113 = arith.constant 1 : i32
    %shift_left3A_114 = arith.constant 6 : i32
    %shift_left3A_115 = arith.shli %shift_left3A_113, %shift_left3A_114 : i32
    %or3A_116 = arith.ori %select_n3A_112, %shift_left3A_115 : i32
    %ge3A_117 = vector.broadcast %or3A_116 : i32 to vector<8x128xi32>
    %ge3A_118 = arith.cmpi sge, %add3A_66, %ge3A_117 : vector<8x128xi32>
    %jit3A_119 = arith.constant 0 : i32
    %broadcast_in_dim3A_120 = vector.broadcast %jit3A_119 : i32 to vector<8x128xi32>
    %select_n3A_121 = arith.select %ge3A_118, %reshape3A, %broadcast_in_dim3A_120 : vector<8x128xi1>, vector<8x128xi32>
    %reduce_sum3A_122 = vector.shape_cast %select_n3A_121 : vector<8x128xi32> to vector<1x8x128xi32>
    %reduce_sum3A_123 = arith.constant dense<0> : vector<1xi32>
    %reduce_sum3A_124 = vector.multi_reduction <add>, %reduce_sum3A_122, %reduce_sum3A_123 [1, 2] : vector<1x8x128xi32> to vector<1xi32>
    %reduce_sum3A_125 = vector.shape_cast %reduce_sum3A_124 : vector<1xi32> to vector<1x1x1xi32>
    %reduce_sum3A_126 = vector.extract %reduce_sum3A_125[0, 0, 0] : i32 from vector<1x1x1xi32>
    %ge3A_127 = arith.cmpi sge, %reduce_sum3A_126, %max3A : i32
    %select_n3A_128 = arith.select %ge3A_127, %or3A_116, %select_n3A_112 : i32
    %shift_left3A_129 = arith.constant 1 : i32
    %shift_left3A_130 = arith.constant 5 : i32
    %shift_left3A_131 = arith.shli %shift_left3A_129, %shift_left3A_130 : i32
    %or3A_132 = arith.ori %select_n3A_128, %shift_left3A_131 : i32
    %ge3A_133 = vector.broadcast %or3A_132 : i32 to vector<8x128xi32>
    %ge3A_134 = arith.cmpi sge, %add3A_66, %ge3A_133 : vector<8x128xi32>
    %jit3A_135 = arith.constant 0 : i32
    %broadcast_in_dim3A_136 = vector.broadcast %jit3A_135 : i32 to vector<8x128xi32>
    %select_n3A_137 = arith.select %ge3A_134, %reshape3A, %broadcast_in_dim3A_136 : vector<8x128xi1>, vector<8x128xi32>
    %reduce_sum3A_138 = vector.shape_cast %select_n3A_137 : vector<8x128xi32> to vector<1x8x128xi32>
    %reduce_sum3A_139 = arith.constant dense<0> : vector<1xi32>
    %reduce_sum3A_140 = vector.multi_reduction <add>, %reduce_sum3A_138, %reduce_sum3A_139 [1, 2] : vector<1x8x128xi32> to vector<1xi32>
    %reduce_sum3A_141 = vector.shape_cast %reduce_sum3A_140 : vector<1xi32> to vector<1x1x1xi32>
    %reduce_sum3A_142 = vector.extract %reduce_sum3A_141[0, 0, 0] : i32 from vector<1x1x1xi32>
    %ge3A_143 = arith.cmpi sge, %reduce_sum3A_142, %max3A : i32
    %select_n3A_144 = arith.select %ge3A_143, %or3A_132, %select_n3A_128 : i32
    %shift_left3A_145 = arith.constant 1 : i32
    %shift_left3A_146 = arith.constant 4 : i32
    %shift_left3A_147 = arith.shli %shift_left3A_145, %shift_left3A_146 : i32
    %or3A_148 = arith.ori %select_n3A_144, %shift_left3A_147 : i32
    %ge3A_149 = vector.broadcast %or3A_148 : i32 to vector<8x128xi32>
    %ge3A_150 = arith.cmpi sge, %add3A_66, %ge3A_149 : vector<8x128xi32>
    %jit3A_151 = arith.constant 0 : i32
    %broadcast_in_dim3A_152 = vector.broadcast %jit3A_151 : i32 to vector<8x128xi32>
    %select_n3A_153 = arith.select %ge3A_150, %reshape3A, %broadcast_in_dim3A_152 : vector<8x128xi1>, vector<8x128xi32>
    %reduce_sum3A_154 = vector.shape_cast %select_n3A_153 : vector<8x128xi32> to vector<1x8x128xi32>
    %reduce_sum3A_155 = arith.constant dense<0> : vector<1xi32>
    %reduce_sum3A_156 = vector.multi_reduction <add>, %reduce_sum3A_154, %reduce_sum3A_155 [1, 2] : vector<1x8x128xi32> to vector<1xi32>
    %reduce_sum3A_157 = vector.shape_cast %reduce_sum3A_156 : vector<1xi32> to vector<1x1x1xi32>
    %reduce_sum3A_158 = vector.extract %reduce_sum3A_157[0, 0, 0] : i32 from vector<1x1x1xi32>
    %ge3A_159 = arith.cmpi sge, %reduce_sum3A_158, %max3A : i32
    %select_n3A_160 = arith.select %ge3A_159, %or3A_148, %select_n3A_144 : i32
    %shift_left3A_161 = arith.constant 1 : i32
    %shift_left3A_162 = arith.constant 3 : i32
    %shift_left3A_163 = arith.shli %shift_left3A_161, %shift_left3A_162 : i32
    %or3A_164 = arith.ori %select_n3A_160, %shift_left3A_163 : i32
    %ge3A_165 = vector.broadcast %or3A_164 : i32 to vector<8x128xi32>
    %ge3A_166 = arith.cmpi sge, %add3A_66, %ge3A_165 : vector<8x128xi32>
    %jit3A_167 = arith.constant 0 : i32
    %broadcast_in_dim3A_168 = vector.broadcast %jit3A_167 : i32 to vector<8x128xi32>
    %select_n3A_169 = arith.select %ge3A_166, %reshape3A, %broadcast_in_dim3A_168 : vector<8x128xi1>, vector<8x128xi32>
    %reduce_sum3A_170 = vector.shape_cast %select_n3A_169 : vector<8x128xi32> to vector<1x8x128xi32>
    %reduce_sum3A_171 = arith.constant dense<0> : vector<1xi32>
    %reduce_sum3A_172 = vector.multi_reduction <add>, %reduce_sum3A_170, %reduce_sum3A_171 [1, 2] : vector<1x8x128xi32> to vector<1xi32>
    %reduce_sum3A_173 = vector.shape_cast %reduce_sum3A_172 : vector<1xi32> to vector<1x1x1xi32>
    %reduce_sum3A_174 = vector.extract %reduce_sum3A_173[0, 0, 0] : i32 from vector<1x1x1xi32>
    %ge3A_175 = arith.cmpi sge, %reduce_sum3A_174, %max3A : i32
    %select_n3A_176 = arith.select %ge3A_175, %or3A_164, %select_n3A_160 : i32
    %shift_left3A_177 = arith.constant 1 : i32
    %shift_left3A_178 = arith.constant 2 : i32
    %shift_left3A_179 = arith.shli %shift_left3A_177, %shift_left3A_178 : i32
    %or3A_180 = arith.ori %select_n3A_176, %shift_left3A_179 : i32
    %ge3A_181 = vector.broadcast %or3A_180 : i32 to vector<8x128xi32>
    %ge3A_182 = arith.cmpi sge, %add3A_66, %ge3A_181 : vector<8x128xi32>
    %jit3A_183 = arith.constant 0 : i32
    %broadcast_in_dim3A_184 = vector.broadcast %jit3A_183 : i32 to vector<8x128xi32>
    %select_n3A_185 = arith.select %ge3A_182, %reshape3A, %broadcast_in_dim3A_184 : vector<8x128xi1>, vector<8x128xi32>
    %reduce_sum3A_186 = vector.shape_cast %select_n3A_185 : vector<8x128xi32> to vector<1x8x128xi32>
    %reduce_sum3A_187 = arith.constant dense<0> : vector<1xi32>
    %reduce_sum3A_188 = vector.multi_reduction <add>, %reduce_sum3A_186, %reduce_sum3A_187 [1, 2] : vector<1x8x128xi32> to vector<1xi32>
    %reduce_sum3A_189 = vector.shape_cast %reduce_sum3A_188 : vector<1xi32> to vector<1x1x1xi32>
    %reduce_sum3A_190 = vector.extract %reduce_sum3A_189[0, 0, 0] : i32 from vector<1x1x1xi32>
    %ge3A_191 = arith.cmpi sge, %reduce_sum3A_190, %max3A : i32
    %select_n3A_192 = arith.select %ge3A_191, %or3A_180, %select_n3A_176 : i32
    %shift_left3A_193 = arith.constant 1 : i32
    %shift_left3A_194 = arith.constant 1 : i32
    %shift_left3A_195 = arith.shli %shift_left3A_193, %shift_left3A_194 : i32
    %or3A_196 = arith.ori %select_n3A_192, %shift_left3A_195 : i32
    %ge3A_197 = vector.broadcast %or3A_196 : i32 to vector<8x128xi32>
    %ge3A_198 = arith.cmpi sge, %add3A_66, %ge3A_197 : vector<8x128xi32>
    %jit3A_199 = arith.constant 0 : i32
    %broadcast_in_dim3A_200 = vector.broadcast %jit3A_199 : i32 to vector<8x128xi32>
    %select_n3A_201 = arith.select %ge3A_198, %reshape3A, %broadcast_in_dim3A_200 : vector<8x128xi1>, vector<8x128xi32>
    %reduce_sum3A_202 = vector.shape_cast %select_n3A_201 : vector<8x128xi32> to vector<1x8x128xi32>
    %reduce_sum3A_203 = arith.constant dense<0> : vector<1xi32>
    %reduce_sum3A_204 = vector.multi_reduction <add>, %reduce_sum3A_202, %reduce_sum3A_203 [1, 2] : vector<1x8x128xi32> to vector<1xi32>
    %reduce_sum3A_205 = vector.shape_cast %reduce_sum3A_204 : vector<1xi32> to vector<1x1x1xi32>
    %reduce_sum3A_206 = vector.extract %reduce_sum3A_205[0, 0, 0] : i32 from vector<1x1x1xi32>
    %ge3A_207 = arith.cmpi sge, %reduce_sum3A_206, %max3A : i32
    %select_n3A_208 = arith.select %ge3A_207, %or3A_196, %select_n3A_192 : i32
    %shift_left3A_209 = arith.constant 1 : i32
    %shift_left3A_210 = arith.constant 0 : i32
    %shift_left3A_211 = arith.shli %shift_left3A_209, %shift_left3A_210 : i32
    %or3A_212 = arith.ori %select_n3A_208, %shift_left3A_211 : i32
    %ge3A_213 = vector.broadcast %or3A_212 : i32 to vector<8x128xi32>
    %ge3A_214 = arith.cmpi sge, %add3A_66, %ge3A_213 : vector<8x128xi32>
    %jit3A_215 = arith.constant 0 : i32
    %broadcast_in_dim3A_216 = vector.broadcast %jit3A_215 : i32 to vector<8x128xi32>
    %select_n3A_217 = arith.select %ge3A_214, %reshape3A, %broadcast_in_dim3A_216 : vector<8x128xi1>, vector<8x128xi32>
    %reduce_sum3A_218 = vector.shape_cast %select_n3A_217 : vector<8x128xi32> to vector<1x8x128xi32>
    %reduce_sum3A_219 = arith.constant dense<0> : vector<1xi32>
    %reduce_sum3A_220 = vector.multi_reduction <add>, %reduce_sum3A_218, %reduce_sum3A_219 [1, 2] : vector<1x8x128xi32> to vector<1xi32>
    %reduce_sum3A_221 = vector.shape_cast %reduce_sum3A_220 : vector<1xi32> to vector<1x1x1xi32>
    %reduce_sum3A_222 = vector.extract %reduce_sum3A_221[0, 0, 0] : i32 from vector<1x1x1xi32>
    %ge3A_223 = arith.cmpi sge, %reduce_sum3A_222, %max3A : i32
    %select_n3A_224 = arith.select %ge3A_223, %or3A_212, %select_n3A_208 : i32
    %shift_left3A_225 = arith.constant 21 : i32
    %shift_left3A_226 = arith.shli %select_n3A_224, %shift_left3A_225 : i32
    %scan3A = arith.constant 0 : i32
    %scan3A_227 = arith.constant 21 : i32
    %scan3A_228 = arith.addi %scan3A, %scan3A_227 : i32
    %scan3A_229 = arith.constant 1 : i32
    %scan3A_230 = scf.for %scan3A_276 = %scan3A to %scan3A_228 step %scan3A_229 iter_args(%scan3A_277 = %shift_left3A_226) -> (i32)  : i32 {
      %sub3A_278 = arith.constant 20 : i32
      %sub3A_279 = arith.subi %sub3A_278, %scan3A_276 : i32
      %shift_left3A_280 = arith.constant 1 : i32
      %shift_left3A_281 = arith.shli %shift_left3A_280, %sub3A_279 : i32
      %or3A_282 = arith.ori %scan3A_277, %shift_left3A_281 : i32
      %ge3A_283 = vector.broadcast %or3A_282 : i32 to vector<2x384x384xi32>
      %ge3A_284 = arith.cmpi sge, %bitcast_convert_type3A, %ge3A_283 : vector<2x384x384xi32>
      %convert_element_type3A_285 = arith.extui %ge3A_284 : vector<2x384x384xi1> to vector<2x384x384xi32>
      %reduce_sum3A_286 = vector.shape_cast %convert_element_type3A_285 : vector<2x384x384xi32> to vector<1x2x384x384xi32>
      %reduce_sum3A_287 = arith.constant dense<0> : vector<1xi32>
      %reduce_sum3A_288 = vector.multi_reduction <add>, %reduce_sum3A_286, %reduce_sum3A_287 [1, 2, 3] : vector<1x2x384x384xi32> to vector<1xi32>
      %reduce_sum3A_289 = vector.shape_cast %reduce_sum3A_288 : vector<1xi32> to vector<1x1x1x1xi32>
      %reduce_sum3A_290 = vector.extract %reduce_sum3A_289[0, 0, 0, 0] : i32 from vector<1x1x1x1xi32>
      %ge3A_291 = vector.broadcast %or3A_282 : i32 to vector<2x384x384xi32>
      %ge3A_292 = arith.cmpi sge, %bitcast_convert_type3A_7, %ge3A_291 : vector<2x384x384xi32>
      %convert_element_type3A_293 = arith.extui %ge3A_292 : vector<2x384x384xi1> to vector<2x384x384xi32>
      %reduce_sum3A_294 = vector.shape_cast %convert_element_type3A_293 : vector<2x384x384xi32> to vector<1x2x384x384xi32>
      %reduce_sum3A_295 = arith.constant dense<0> : vector<1xi32>
      %reduce_sum3A_296 = vector.multi_reduction <add>, %reduce_sum3A_294, %reduce_sum3A_295 [1, 2, 3] : vector<1x2x384x384xi32> to vector<1xi32>
      %reduce_sum3A_297 = vector.shape_cast %reduce_sum3A_296 : vector<1xi32> to vector<1x1x1x1xi32>
      %reduce_sum3A_298 = vector.extract %reduce_sum3A_297[0, 0, 0, 0] : i32 from vector<1x1x1x1xi32>
      %add3A_299 = arith.addi %reduce_sum3A_290, %reduce_sum3A_298 : i32
      %ge3A_300 = arith.cmpi sge, %add3A_299, %max3A : i32
      %select_n3A_301 = arith.select %ge3A_300, %or3A_282, %scan3A_277 : i32
      scf.yield %select_n3A_301 : i32
    }
    %scan3A_231 = arith.constant 21 : i32
    %bitcast_convert_type3A_232 = arith.bitcast %scan3A_230 : i32 to f32
    %gt3A_233 = vector.broadcast %scan3A_230 : i32 to vector<2x384x384xi32>
    %gt3A_234 = arith.cmpi sgt, %bitcast_convert_type3A, %gt3A_233 : vector<2x384x384xi32>
    %gt3A_235 = vector.broadcast %scan3A_230 : i32 to vector<2x384x384xi32>
    %gt3A_236 = arith.cmpi sgt, %bitcast_convert_type3A_7, %gt3A_235 : vector<2x384x384xi32>
    %convert_element_type3A_237 = arith.extui %gt3A_234 : vector<2x384x384xi1> to vector<2x384x384xi32>
    %reduce_sum3A_238 = vector.shape_cast %convert_element_type3A_237 : vector<2x384x384xi32> to vector<1x2x384x384xi32>
    %reduce_sum3A_239 = arith.constant dense<0> : vector<1xi32>
    %reduce_sum3A_240 = vector.multi_reduction <add>, %reduce_sum3A_238, %reduce_sum3A_239 [1, 2, 3] : vector<1x2x384x384xi32> to vector<1xi32>
    %reduce_sum3A_241 = vector.shape_cast %reduce_sum3A_240 : vector<1xi32> to vector<1x1x1x1xi32>
    %reduce_sum3A_242 = vector.extract %reduce_sum3A_241[0, 0, 0, 0] : i32 from vector<1x1x1x1xi32>
    %convert_element_type3A_243 = arith.extui %gt3A_236 : vector<2x384x384xi1> to vector<2x384x384xi32>
    %reduce_sum3A_244 = vector.shape_cast %convert_element_type3A_243 : vector<2x384x384xi32> to vector<1x2x384x384xi32>
    %reduce_sum3A_245 = arith.constant dense<0> : vector<1xi32>
    %reduce_sum3A_246 = vector.multi_reduction <add>, %reduce_sum3A_244, %reduce_sum3A_245 [1, 2, 3] : vector<1x2x384x384xi32> to vector<1xi32>
    %reduce_sum3A_247 = vector.shape_cast %reduce_sum3A_246 : vector<1xi32> to vector<1x1x1x1xi32>
    %reduce_sum3A_248 = vector.extract %reduce_sum3A_247[0, 0, 0, 0] : i32 from vector<1x1x1x1xi32>
    %add3A_249 = arith.addi %reduce_sum3A_242, %reduce_sum3A_248 : i32
    %jit3A_250 = arith.constant 0.000000e+00 : f32
    %broadcast_in_dim3A_251 = vector.broadcast %jit3A_250 : f32 to vector<2x384x384xf32>
    %select_n3A_252 = arith.select %gt3A_234, %get3A_2, %broadcast_in_dim3A_251 : vector<2x384x384xi1>, vector<2x384x384xf32>
    %reduce_sum3A_253 = vector.shape_cast %select_n3A_252 : vector<2x384x384xf32> to vector<1x2x384x384xf32>
    %reduce_sum3A_254 = arith.constant dense<0.000000e+00> : vector<1xf32>
    %reduce_sum3A_255 = vector.multi_reduction <add>, %reduce_sum3A_253, %reduce_sum3A_254 [1, 2, 3] : vector<1x2x384x384xf32> to vector<1xf32>
    %reduce_sum3A_256 = vector.shape_cast %reduce_sum3A_255 : vector<1xf32> to vector<1x1x1x1xf32>
    %reduce_sum3A_257 = vector.extract %reduce_sum3A_256[0, 0, 0, 0] : f32 from vector<1x1x1x1xf32>
    %jit3A_258 = arith.constant 0.000000e+00 : f32
    %broadcast_in_dim3A_259 = vector.broadcast %jit3A_258 : f32 to vector<2x384x384xf32>
    %select_n3A_260 = arith.select %gt3A_236, %get3A_6, %broadcast_in_dim3A_259 : vector<2x384x384xi1>, vector<2x384x384xf32>
    %reduce_sum3A_261 = vector.shape_cast %select_n3A_260 : vector<2x384x384xf32> to vector<1x2x384x384xf32>
    %reduce_sum3A_262 = arith.constant dense<0.000000e+00> : vector<1xf32>
    %reduce_sum3A_263 = vector.multi_reduction <add>, %reduce_sum3A_261, %reduce_sum3A_262 [1, 2, 3] : vector<1x2x384x384xf32> to vector<1xf32>
    %reduce_sum3A_264 = vector.shape_cast %reduce_sum3A_263 : vector<1xf32> to vector<1x1x1x1xf32>
    %reduce_sum3A_265 = vector.extract %reduce_sum3A_264[0, 0, 0, 0] : f32 from vector<1x1x1x1xf32>
    %add3A_266 = arith.addf %reduce_sum3A_257, %reduce_sum3A_265 : f32
    %convert_element_type3A_267 = arith.sitofp %max3A : i32 to f32
    %sub3A_268 = arith.subi %max3A, %add3A_249 : i32
    %convert_element_type3A_269 = arith.sitofp %sub3A_268 : i32 to f32
    %mul3A_270 = arith.mulf %convert_element_type3A_269, %bitcast_convert_type3A_232 : f32
    %add3A_271 = arith.addf %add3A_266, %mul3A_270 : f32
    %div3A_272 = arith.divf %add3A_271, %convert_element_type3A_267 : f32
    %broadcast_in_dim3A_273 = vector.broadcast %div3A_272 : f32 to vector<8x128xf32>
    %swap3A = arith.constant 0 : index
    %swap3A_274 = arith.constant 0 : index
    %swap3A_275 = vector.load %arg5[%swap3A, %swap3A_274] : memref<8x128xf32, #tpu.memory_space<vmem>>, vector<8x128xf32>
    tpu.vector_store %arg5[%swap3A, %swap3A_274], %broadcast_in_dim3A_273 {strides = array<i32>} : memref<8x128xf32, #tpu.memory_space<vmem>>, vector<8x128xf32>,
    return
  }
}

module attributes {stable_mosaic.version = 14 : i64} {
  func.func @_ce_body(%arg0: i32, %arg1: i32, %arg2: memref<1x150x64x384xf32, #tpu.memory_space<vmem>>, %arg3: memref<1x64x384xi32, #tpu.memory_space<vmem>>, %arg4: memref<1x64x384xf32, #tpu.memory_space<vmem>>) attributes {dimension_semantics = [#tpu.dimension_semantics<arbitrary>, #tpu.dimension_semantics<arbitrary>], iteration_bounds = array<i64: 2, 6>, scalar_prefetch = 0 : i64, scratch_operands = 0 : i64, tpu.core_type = #tpu.core_type<tc>, window_params = [{transform_indices = @transform_0, window_bounds = array<i64: 1, 150, 64, 384>}, {transform_indices = @transform_1, window_bounds = array<i64: 1, 64, 384>}, {transform_indices = @transform_2, window_bounds = array<i64: 1, 64, 384>}]} {
    %get3A = arith.constant 0 : index
    %get3A_0 = arith.constant 0 : index
    %get3A_1 = arith.constant 0 : index
    %get3A_2 = vector.load %arg3[%get3A, %get3A_0, %get3A_1] : memref<1x64x384xi32, #tpu.memory_space<vmem>>, vector<1x64x384xi32>
    %get3A_3 = vector.shape_cast %get3A_2 : vector<1x64x384xi32> to vector<64x384xi32>
    %broadcast_in_dim3A = arith.constant 0.000000e+00 : f32
    %broadcast_in_dim3A_4 = vector.broadcast %broadcast_in_dim3A : f32 to vector<64x384xf32>
    %get3A_5 = arith.constant 0 : index
    %get3A_6 = arith.constant 0 : index
    %get3A_7 = arith.constant 0 : index
    %get3A_8 = arith.constant 0 : index
    %get3A_9 = vector.load %arg2[%get3A_5, %get3A_6, %get3A_7, %get3A_8] : memref<1x150x64x384xf32, #tpu.memory_space<vmem>>, vector<1x1x64x384xf32>
    %get3A_10 = vector.shape_cast %get3A_9 : vector<1x1x64x384xf32> to vector<64x384xf32>
    %exp3A = math.exp %get3A_10 : vector<64x384xf32>
    %add3A = arith.addf %broadcast_in_dim3A_4, %exp3A : vector<64x384xf32>
    %eq3A = arith.constant 0 : i32
    %eq3A_11 = vector.broadcast %eq3A : i32 to vector<64x384xi32>
    %eq3A_12 = arith.cmpi eq, %get3A_3, %eq3A_11 : vector<64x384xi32>
    %jit3A = arith.constant 0.000000e+00 : f32
    %broadcast_in_dim3A_13 = vector.broadcast %jit3A : f32 to vector<64x384xf32>
    %select_n3A = arith.select %eq3A_12, %get3A_10, %broadcast_in_dim3A_13 : vector<64x384xi1>, vector<64x384xf32>
    %add3A_14 = arith.addf %broadcast_in_dim3A_4, %select_n3A : vector<64x384xf32>
    %get3A_15 = arith.constant 0 : index
    %get3A_16 = arith.constant 1 : index
    %get3A_17 = arith.constant 0 : index
    %get3A_18 = arith.constant 0 : index
    %get3A_19 = vector.load %arg2[%get3A_15, %get3A_16, %get3A_17, %get3A_18] : memref<1x150x64x384xf32, #tpu.memory_space<vmem>>, vector<1x1x64x384xf32>
    %get3A_20 = vector.shape_cast %get3A_19 : vector<1x1x64x384xf32> to vector<64x384xf32>
    %exp3A_21 = math.exp %get3A_20 : vector<64x384xf32>
    %add3A_22 = arith.addf %broadcast_in_dim3A_4, %exp3A_21 : vector<64x384xf32>
    %eq3A_23 = arith.constant 1 : i32
    %eq3A_24 = vector.broadcast %eq3A_23 : i32 to vector<64x384xi32>
    %eq3A_25 = arith.cmpi eq, %get3A_3, %eq3A_24 : vector<64x384xi32>
    %jit3A_26 = arith.constant 0.000000e+00 : f32
    %broadcast_in_dim3A_27 = vector.broadcast %jit3A_26 : f32 to vector<64x384xf32>
    %select_n3A_28 = arith.select %eq3A_25, %get3A_20, %broadcast_in_dim3A_27 : vector<64x384xi1>, vector<64x384xf32>
    %add3A_29 = arith.addf %broadcast_in_dim3A_4, %select_n3A_28 : vector<64x384xf32>
    %get3A_30 = arith.constant 0 : index
    %get3A_31 = arith.constant 2 : index
    %get3A_32 = arith.constant 0 : index
    %get3A_33 = arith.constant 0 : index
    %get3A_34 = vector.load %arg2[%get3A_30, %get3A_31, %get3A_32, %get3A_33] : memref<1x150x64x384xf32, #tpu.memory_space<vmem>>, vector<1x1x64x384xf32>
    %get3A_35 = vector.shape_cast %get3A_34 : vector<1x1x64x384xf32> to vector<64x384xf32>
    %exp3A_36 = math.exp %get3A_35 : vector<64x384xf32>
    %add3A_37 = arith.addf %add3A, %exp3A_36 : vector<64x384xf32>
    %eq3A_38 = arith.constant 2 : i32
    %eq3A_39 = vector.broadcast %eq3A_38 : i32 to vector<64x384xi32>
    %eq3A_40 = arith.cmpi eq, %get3A_3, %eq3A_39 : vector<64x384xi32>
    %jit3A_41 = arith.constant 0.000000e+00 : f32
    %broadcast_in_dim3A_42 = vector.broadcast %jit3A_41 : f32 to vector<64x384xf32>
    %select_n3A_43 = arith.select %eq3A_40, %get3A_35, %broadcast_in_dim3A_42 : vector<64x384xi1>, vector<64x384xf32>
    %add3A_44 = arith.addf %add3A_14, %select_n3A_43 : vector<64x384xf32>
    %get3A_45 = arith.constant 0 : index
    %get3A_46 = arith.constant 3 : index
    %get3A_47 = arith.constant 0 : index
    %get3A_48 = arith.constant 0 : index
    %get3A_49 = vector.load %arg2[%get3A_45, %get3A_46, %get3A_47, %get3A_48] : memref<1x150x64x384xf32, #tpu.memory_space<vmem>>, vector<1x1x64x384xf32>
    %get3A_50 = vector.shape_cast %get3A_49 : vector<1x1x64x384xf32> to vector<64x384xf32>
    %exp3A_51 = math.exp %get3A_50 : vector<64x384xf32>
    %add3A_52 = arith.addf %add3A_22, %exp3A_51 : vector<64x384xf32>
    %eq3A_53 = arith.constant 3 : i32
    %eq3A_54 = vector.broadcast %eq3A_53 : i32 to vector<64x384xi32>
    %eq3A_55 = arith.cmpi eq, %get3A_3, %eq3A_54 : vector<64x384xi32>
    %jit3A_56 = arith.constant 0.000000e+00 : f32
    %broadcast_in_dim3A_57 = vector.broadcast %jit3A_56 : f32 to vector<64x384xf32>
    %select_n3A_58 = arith.select %eq3A_55, %get3A_50, %broadcast_in_dim3A_57 : vector<64x384xi1>, vector<64x384xf32>
    %add3A_59 = arith.addf %add3A_29, %select_n3A_58 : vector<64x384xf32>
    %get3A_60 = arith.constant 0 : index
    %get3A_61 = arith.constant 4 : index
    %get3A_62 = arith.constant 0 : index
    %get3A_63 = arith.constant 0 : index
    %get3A_64 = vector.load %arg2[%get3A_60, %get3A_61, %get3A_62, %get3A_63] : memref<1x150x64x384xf32, #tpu.memory_space<vmem>>, vector<1x1x64x384xf32>
    %get3A_65 = vector.shape_cast %get3A_64 : vector<1x1x64x384xf32> to vector<64x384xf32>
    %exp3A_66 = math.exp %get3A_65 : vector<64x384xf32>
    %add3A_67 = arith.addf %add3A_37, %exp3A_66 : vector<64x384xf32>
    %eq3A_68 = arith.constant 4 : i32
    %eq3A_69 = vector.broadcast %eq3A_68 : i32 to vector<64x384xi32>
    %eq3A_70 = arith.cmpi eq, %get3A_3, %eq3A_69 : vector<64x384xi32>
    %jit3A_71 = arith.constant 0.000000e+00 : f32
    %broadcast_in_dim3A_72 = vector.broadcast %jit3A_71 : f32 to vector<64x384xf32>
    %select_n3A_73 = arith.select %eq3A_70, %get3A_65, %broadcast_in_dim3A_72 : vector<64x384xi1>, vector<64x384xf32>
    %add3A_74 = arith.addf %add3A_44, %select_n3A_73 : vector<64x384xf32>
    %get3A_75 = arith.constant 0 : index
    %get3A_76 = arith.constant 5 : index
    %get3A_77 = arith.constant 0 : index
    %get3A_78 = arith.constant 0 : index
    %get3A_79 = vector.load %arg2[%get3A_75, %get3A_76, %get3A_77, %get3A_78] : memref<1x150x64x384xf32, #tpu.memory_space<vmem>>, vector<1x1x64x384xf32>
    %get3A_80 = vector.shape_cast %get3A_79 : vector<1x1x64x384xf32> to vector<64x384xf32>
    %exp3A_81 = math.exp %get3A_80 : vector<64x384xf32>
    %add3A_82 = arith.addf %add3A_52, %exp3A_81 : vector<64x384xf32>
    %eq3A_83 = arith.constant 5 : i32
    %eq3A_84 = vector.broadcast %eq3A_83 : i32 to vector<64x384xi32>
    %eq3A_85 = arith.cmpi eq, %get3A_3, %eq3A_84 : vector<64x384xi32>
    %jit3A_86 = arith.constant 0.000000e+00 : f32
    %broadcast_in_dim3A_87 = vector.broadcast %jit3A_86 : f32 to vector<64x384xf32>
    %select_n3A_88 = arith.select %eq3A_85, %get3A_80, %broadcast_in_dim3A_87 : vector<64x384xi1>, vector<64x384xf32>
    %add3A_89 = arith.addf %add3A_59, %select_n3A_88 : vector<64x384xf32>
    %get3A_90 = arith.constant 0 : index
    %get3A_91 = arith.constant 6 : index
    %get3A_92 = arith.constant 0 : index
    %get3A_93 = arith.constant 0 : index
    %get3A_94 = vector.load %arg2[%get3A_90, %get3A_91, %get3A_92, %get3A_93] : memref<1x150x64x384xf32, #tpu.memory_space<vmem>>, vector<1x1x64x384xf32>
    %get3A_95 = vector.shape_cast %get3A_94 : vector<1x1x64x384xf32> to vector<64x384xf32>
    %exp3A_96 = math.exp %get3A_95 : vector<64x384xf32>
    %add3A_97 = arith.addf %add3A_67, %exp3A_96 : vector<64x384xf32>
    %eq3A_98 = arith.constant 6 : i32
    %eq3A_99 = vector.broadcast %eq3A_98 : i32 to vector<64x384xi32>
    %eq3A_100 = arith.cmpi eq, %get3A_3, %eq3A_99 : vector<64x384xi32>
    %jit3A_101 = arith.constant 0.000000e+00 : f32
    %broadcast_in_dim3A_102 = vector.broadcast %jit3A_101 : f32 to vector<64x384xf32>
    %select_n3A_103 = arith.select %eq3A_100, %get3A_95, %broadcast_in_dim3A_102 : vector<64x384xi1>, vector<64x384xf32>
    %add3A_104 = arith.addf %add3A_74, %select_n3A_103 : vector<64x384xf32>
    %get3A_105 = arith.constant 0 : index
    %get3A_106 = arith.constant 7 : index
    %get3A_107 = arith.constant 0 : index
    %get3A_108 = arith.constant 0 : index
    %get3A_109 = vector.load %arg2[%get3A_105, %get3A_106, %get3A_107, %get3A_108] : memref<1x150x64x384xf32, #tpu.memory_space<vmem>>, vector<1x1x64x384xf32>
    %get3A_110 = vector.shape_cast %get3A_109 : vector<1x1x64x384xf32> to vector<64x384xf32>
    %exp3A_111 = math.exp %get3A_110 : vector<64x384xf32>
    %add3A_112 = arith.addf %add3A_82, %exp3A_111 : vector<64x384xf32>
    %eq3A_113 = arith.constant 7 : i32
    %eq3A_114 = vector.broadcast %eq3A_113 : i32 to vector<64x384xi32>
    %eq3A_115 = arith.cmpi eq, %get3A_3, %eq3A_114 : vector<64x384xi32>
    %jit3A_116 = arith.constant 0.000000e+00 : f32
    %broadcast_in_dim3A_117 = vector.broadcast %jit3A_116 : f32 to vector<64x384xf32>
    %select_n3A_118 = arith.select %eq3A_115, %get3A_110, %broadcast_in_dim3A_117 : vector<64x384xi1>, vector<64x384xf32>
    %add3A_119 = arith.addf %add3A_89, %select_n3A_118 : vector<64x384xf32>
    %get3A_120 = arith.constant 0 : index
    %get3A_121 = arith.constant 8 : index
    %get3A_122 = arith.constant 0 : index
    %get3A_123 = arith.constant 0 : index
    %get3A_124 = vector.load %arg2[%get3A_120, %get3A_121, %get3A_122, %get3A_123] : memref<1x150x64x384xf32, #tpu.memory_space<vmem>>, vector<1x1x64x384xf32>
    %get3A_125 = vector.shape_cast %get3A_124 : vector<1x1x64x384xf32> to vector<64x384xf32>
    %exp3A_126 = math.exp %get3A_125 : vector<64x384xf32>
    %add3A_127 = arith.addf %add3A_97, %exp3A_126 : vector<64x384xf32>
    %eq3A_128 = arith.constant 8 : i32
    %eq3A_129 = vector.broadcast %eq3A_128 : i32 to vector<64x384xi32>
    %eq3A_130 = arith.cmpi eq, %get3A_3, %eq3A_129 : vector<64x384xi32>
    %jit3A_131 = arith.constant 0.000000e+00 : f32
    %broadcast_in_dim3A_132 = vector.broadcast %jit3A_131 : f32 to vector<64x384xf32>
    %select_n3A_133 = arith.select %eq3A_130, %get3A_125, %broadcast_in_dim3A_132 : vector<64x384xi1>, vector<64x384xf32>
    %add3A_134 = arith.addf %add3A_104, %select_n3A_133 : vector<64x384xf32>
    %get3A_135 = arith.constant 0 : index
    %get3A_136 = arith.constant 9 : index
    %get3A_137 = arith.constant 0 : index
    %get3A_138 = arith.constant 0 : index
    %get3A_139 = vector.load %arg2[%get3A_135, %get3A_136, %get3A_137, %get3A_138] : memref<1x150x64x384xf32, #tpu.memory_space<vmem>>, vector<1x1x64x384xf32>
    %get3A_140 = vector.shape_cast %get3A_139 : vector<1x1x64x384xf32> to vector<64x384xf32>
    %exp3A_141 = math.exp %get3A_140 : vector<64x384xf32>
    %add3A_142 = arith.addf %add3A_112, %exp3A_141 : vector<64x384xf32>
    %eq3A_143 = arith.constant 9 : i32
    %eq3A_144 = vector.broadcast %eq3A_143 : i32 to vector<64x384xi32>
    %eq3A_145 = arith.cmpi eq, %get3A_3, %eq3A_144 : vector<64x384xi32>
    %jit3A_146 = arith.constant 0.000000e+00 : f32
    %broadcast_in_dim3A_147 = vector.broadcast %jit3A_146 : f32 to vector<64x384xf32>
    %select_n3A_148 = arith.select %eq3A_145, %get3A_140, %broadcast_in_dim3A_147 : vector<64x384xi1>, vector<64x384xf32>
    %add3A_149 = arith.addf %add3A_119, %select_n3A_148 : vector<64x384xf32>
    %get3A_150 = arith.constant 0 : index
    %get3A_151 = arith.constant 10 : index
    %get3A_152 = arith.constant 0 : index
    %get3A_153 = arith.constant 0 : index
    %get3A_154 = vector.load %arg2[%get3A_150, %get3A_151, %get3A_152, %get3A_153] : memref<1x150x64x384xf32, #tpu.memory_space<vmem>>, vector<1x1x64x384xf32>
    %get3A_155 = vector.shape_cast %get3A_154 : vector<1x1x64x384xf32> to vector<64x384xf32>
    %exp3A_156 = math.exp %get3A_155 : vector<64x384xf32>
    %add3A_157 = arith.addf %add3A_127, %exp3A_156 : vector<64x384xf32>
    %eq3A_158 = arith.constant 10 : i32
    %eq3A_159 = vector.broadcast %eq3A_158 : i32 to vector<64x384xi32>
    %eq3A_160 = arith.cmpi eq, %get3A_3, %eq3A_159 : vector<64x384xi32>
    %jit3A_161 = arith.constant 0.000000e+00 : f32
    %broadcast_in_dim3A_162 = vector.broadcast %jit3A_161 : f32 to vector<64x384xf32>
    %select_n3A_163 = arith.select %eq3A_160, %get3A_155, %broadcast_in_dim3A_162 : vector<64x384xi1>, vector<64x384xf32>
    %add3A_164 = arith.addf %add3A_134, %select_n3A_163 : vector<64x384xf32>
    %get3A_165 = arith.constant 0 : index
    %get3A_166 = arith.constant 11 : index
    %get3A_167 = arith.constant 0 : index
    %get3A_168 = arith.constant 0 : index
    %get3A_169 = vector.load %arg2[%get3A_165, %get3A_166, %get3A_167, %get3A_168] : memref<1x150x64x384xf32, #tpu.memory_space<vmem>>, vector<1x1x64x384xf32>
    %get3A_170 = vector.shape_cast %get3A_169 : vector<1x1x64x384xf32> to vector<64x384xf32>
    %exp3A_171 = math.exp %get3A_170 : vector<64x384xf32>
    %add3A_172 = arith.addf %add3A_142, %exp3A_171 : vector<64x384xf32>
    %eq3A_173 = arith.constant 11 : i32
    %eq3A_174 = vector.broadcast %eq3A_173 : i32 to vector<64x384xi32>
    %eq3A_175 = arith.cmpi eq, %get3A_3, %eq3A_174 : vector<64x384xi32>
    %jit3A_176 = arith.constant 0.000000e+00 : f32
    %broadcast_in_dim3A_177 = vector.broadcast %jit3A_176 : f32 to vector<64x384xf32>
    %select_n3A_178 = arith.select %eq3A_175, %get3A_170, %broadcast_in_dim3A_177 : vector<64x384xi1>, vector<64x384xf32>
    %add3A_179 = arith.addf %add3A_149, %select_n3A_178 : vector<64x384xf32>
    %get3A_180 = arith.constant 0 : index
    %get3A_181 = arith.constant 12 : index
    %get3A_182 = arith.constant 0 : index
    %get3A_183 = arith.constant 0 : index
    %get3A_184 = vector.load %arg2[%get3A_180, %get3A_181, %get3A_182, %get3A_183] : memref<1x150x64x384xf32, #tpu.memory_space<vmem>>, vector<1x1x64x384xf32>
    %get3A_185 = vector.shape_cast %get3A_184 : vector<1x1x64x384xf32> to vector<64x384xf32>
    %exp3A_186 = math.exp %get3A_185 : vector<64x384xf32>
    %add3A_187 = arith.addf %add3A_157, %exp3A_186 : vector<64x384xf32>
    %eq3A_188 = arith.constant 12 : i32
    %eq3A_189 = vector.broadcast %eq3A_188 : i32 to vector<64x384xi32>
    %eq3A_190 = arith.cmpi eq, %get3A_3, %eq3A_189 : vector<64x384xi32>
    %jit3A_191 = arith.constant 0.000000e+00 : f32
    %broadcast_in_dim3A_192 = vector.broadcast %jit3A_191 : f32 to vector<64x384xf32>
    %select_n3A_193 = arith.select %eq3A_190, %get3A_185, %broadcast_in_dim3A_192 : vector<64x384xi1>, vector<64x384xf32>
    %add3A_194 = arith.addf %add3A_164, %select_n3A_193 : vector<64x384xf32>
    %get3A_195 = arith.constant 0 : index
    %get3A_196 = arith.constant 13 : index
    %get3A_197 = arith.constant 0 : index
    %get3A_198 = arith.constant 0 : index
    %get3A_199 = vector.load %arg2[%get3A_195, %get3A_196, %get3A_197, %get3A_198] : memref<1x150x64x384xf32, #tpu.memory_space<vmem>>, vector<1x1x64x384xf32>
    %get3A_200 = vector.shape_cast %get3A_199 : vector<1x1x64x384xf32> to vector<64x384xf32>
    %exp3A_201 = math.exp %get3A_200 : vector<64x384xf32>
    %add3A_202 = arith.addf %add3A_172, %exp3A_201 : vector<64x384xf32>
    %eq3A_203 = arith.constant 13 : i32
    %eq3A_204 = vector.broadcast %eq3A_203 : i32 to vector<64x384xi32>
    %eq3A_205 = arith.cmpi eq, %get3A_3, %eq3A_204 : vector<64x384xi32>
    %jit3A_206 = arith.constant 0.000000e+00 : f32
    %broadcast_in_dim3A_207 = vector.broadcast %jit3A_206 : f32 to vector<64x384xf32>
    %select_n3A_208 = arith.select %eq3A_205, %get3A_200, %broadcast_in_dim3A_207 : vector<64x384xi1>, vector<64x384xf32>
    %add3A_209 = arith.addf %add3A_179, %select_n3A_208 : vector<64x384xf32>
    %get3A_210 = arith.constant 0 : index
    %get3A_211 = arith.constant 14 : index
    %get3A_212 = arith.constant 0 : index
    %get3A_213 = arith.constant 0 : index
    %get3A_214 = vector.load %arg2[%get3A_210, %get3A_211, %get3A_212, %get3A_213] : memref<1x150x64x384xf32, #tpu.memory_space<vmem>>, vector<1x1x64x384xf32>
    %get3A_215 = vector.shape_cast %get3A_214 : vector<1x1x64x384xf32> to vector<64x384xf32>
    %exp3A_216 = math.exp %get3A_215 : vector<64x384xf32>
    %add3A_217 = arith.addf %add3A_187, %exp3A_216 : vector<64x384xf32>
    %eq3A_218 = arith.constant 14 : i32
    %eq3A_219 = vector.broadcast %eq3A_218 : i32 to vector<64x384xi32>
    %eq3A_220 = arith.cmpi eq, %get3A_3, %eq3A_219 : vector<64x384xi32>
    %jit3A_221 = arith.constant 0.000000e+00 : f32
    %broadcast_in_dim3A_222 = vector.broadcast %jit3A_221 : f32 to vector<64x384xf32>
    %select_n3A_223 = arith.select %eq3A_220, %get3A_215, %broadcast_in_dim3A_222 : vector<64x384xi1>, vector<64x384xf32>
    %add3A_224 = arith.addf %add3A_194, %select_n3A_223 : vector<64x384xf32>
    %get3A_225 = arith.constant 0 : index
    %get3A_226 = arith.constant 15 : index
    %get3A_227 = arith.constant 0 : index
    %get3A_228 = arith.constant 0 : index
    %get3A_229 = vector.load %arg2[%get3A_225, %get3A_226, %get3A_227, %get3A_228] : memref<1x150x64x384xf32, #tpu.memory_space<vmem>>, vector<1x1x64x384xf32>
    %get3A_230 = vector.shape_cast %get3A_229 : vector<1x1x64x384xf32> to vector<64x384xf32>
    %exp3A_231 = math.exp %get3A_230 : vector<64x384xf32>
    %add3A_232 = arith.addf %add3A_202, %exp3A_231 : vector<64x384xf32>
    %eq3A_233 = arith.constant 15 : i32
    %eq3A_234 = vector.broadcast %eq3A_233 : i32 to vector<64x384xi32>
    %eq3A_235 = arith.cmpi eq, %get3A_3, %eq3A_234 : vector<64x384xi32>
    %jit3A_236 = arith.constant 0.000000e+00 : f32
    %broadcast_in_dim3A_237 = vector.broadcast %jit3A_236 : f32 to vector<64x384xf32>
    %select_n3A_238 = arith.select %eq3A_235, %get3A_230, %broadcast_in_dim3A_237 : vector<64x384xi1>, vector<64x384xf32>
    %add3A_239 = arith.addf %add3A_209, %select_n3A_238 : vector<64x384xf32>
    %get3A_240 = arith.constant 0 : index
    %get3A_241 = arith.constant 16 : index
    %get3A_242 = arith.constant 0 : index
    %get3A_243 = arith.constant 0 : index
    %get3A_244 = vector.load %arg2[%get3A_240, %get3A_241, %get3A_242, %get3A_243] : memref<1x150x64x384xf32, #tpu.memory_space<vmem>>, vector<1x1x64x384xf32>
    %get3A_245 = vector.shape_cast %get3A_244 : vector<1x1x64x384xf32> to vector<64x384xf32>
    %exp3A_246 = math.exp %get3A_245 : vector<64x384xf32>
    %add3A_247 = arith.addf %add3A_217, %exp3A_246 : vector<64x384xf32>
    %eq3A_248 = arith.constant 16 : i32
    %eq3A_249 = vector.broadcast %eq3A_248 : i32 to vector<64x384xi32>
    %eq3A_250 = arith.cmpi eq, %get3A_3, %eq3A_249 : vector<64x384xi32>
    %jit3A_251 = arith.constant 0.000000e+00 : f32
    %broadcast_in_dim3A_252 = vector.broadcast %jit3A_251 : f32 to vector<64x384xf32>
    %select_n3A_253 = arith.select %eq3A_250, %get3A_245, %broadcast_in_dim3A_252 : vector<64x384xi1>, vector<64x384xf32>
    %add3A_254 = arith.addf %add3A_224, %select_n3A_253 : vector<64x384xf32>
    %get3A_255 = arith.constant 0 : index
    %get3A_256 = arith.constant 17 : index
    %get3A_257 = arith.constant 0 : index
    %get3A_258 = arith.constant 0 : index
    %get3A_259 = vector.load %arg2[%get3A_255, %get3A_256, %get3A_257, %get3A_258] : memref<1x150x64x384xf32, #tpu.memory_space<vmem>>, vector<1x1x64x384xf32>
    %get3A_260 = vector.shape_cast %get3A_259 : vector<1x1x64x384xf32> to vector<64x384xf32>
    %exp3A_261 = math.exp %get3A_260 : vector<64x384xf32>
    %add3A_262 = arith.addf %add3A_232, %exp3A_261 : vector<64x384xf32>
    %eq3A_263 = arith.constant 17 : i32
    %eq3A_264 = vector.broadcast %eq3A_263 : i32 to vector<64x384xi32>
    %eq3A_265 = arith.cmpi eq, %get3A_3, %eq3A_264 : vector<64x384xi32>
    %jit3A_266 = arith.constant 0.000000e+00 : f32
    %broadcast_in_dim3A_267 = vector.broadcast %jit3A_266 : f32 to vector<64x384xf32>
    %select_n3A_268 = arith.select %eq3A_265, %get3A_260, %broadcast_in_dim3A_267 : vector<64x384xi1>, vector<64x384xf32>
    %add3A_269 = arith.addf %add3A_239, %select_n3A_268 : vector<64x384xf32>
    %get3A_270 = arith.constant 0 : index
    %get3A_271 = arith.constant 18 : index
    %get3A_272 = arith.constant 0 : index
    %get3A_273 = arith.constant 0 : index
    %get3A_274 = vector.load %arg2[%get3A_270, %get3A_271, %get3A_272, %get3A_273] : memref<1x150x64x384xf32, #tpu.memory_space<vmem>>, vector<1x1x64x384xf32>
    %get3A_275 = vector.shape_cast %get3A_274 : vector<1x1x64x384xf32> to vector<64x384xf32>
    %exp3A_276 = math.exp %get3A_275 : vector<64x384xf32>
    %add3A_277 = arith.addf %add3A_247, %exp3A_276 : vector<64x384xf32>
    %eq3A_278 = arith.constant 18 : i32
    %eq3A_279 = vector.broadcast %eq3A_278 : i32 to vector<64x384xi32>
    %eq3A_280 = arith.cmpi eq, %get3A_3, %eq3A_279 : vector<64x384xi32>
    %jit3A_281 = arith.constant 0.000000e+00 : f32
    %broadcast_in_dim3A_282 = vector.broadcast %jit3A_281 : f32 to vector<64x384xf32>
    %select_n3A_283 = arith.select %eq3A_280, %get3A_275, %broadcast_in_dim3A_282 : vector<64x384xi1>, vector<64x384xf32>
    %add3A_284 = arith.addf %add3A_254, %select_n3A_283 : vector<64x384xf32>
    %get3A_285 = arith.constant 0 : index
    %get3A_286 = arith.constant 19 : index
    %get3A_287 = arith.constant 0 : index
    %get3A_288 = arith.constant 0 : index
    %get3A_289 = vector.load %arg2[%get3A_285, %get3A_286, %get3A_287, %get3A_288] : memref<1x150x64x384xf32, #tpu.memory_space<vmem>>, vector<1x1x64x384xf32>
    %get3A_290 = vector.shape_cast %get3A_289 : vector<1x1x64x384xf32> to vector<64x384xf32>
    %exp3A_291 = math.exp %get3A_290 : vector<64x384xf32>
    %add3A_292 = arith.addf %add3A_262, %exp3A_291 : vector<64x384xf32>
    %eq3A_293 = arith.constant 19 : i32
    %eq3A_294 = vector.broadcast %eq3A_293 : i32 to vector<64x384xi32>
    %eq3A_295 = arith.cmpi eq, %get3A_3, %eq3A_294 : vector<64x384xi32>
    %jit3A_296 = arith.constant 0.000000e+00 : f32
    %broadcast_in_dim3A_297 = vector.broadcast %jit3A_296 : f32 to vector<64x384xf32>
    %select_n3A_298 = arith.select %eq3A_295, %get3A_290, %broadcast_in_dim3A_297 : vector<64x384xi1>, vector<64x384xf32>
    %add3A_299 = arith.addf %add3A_269, %select_n3A_298 : vector<64x384xf32>
    %get3A_300 = arith.constant 0 : index
    %get3A_301 = arith.constant 20 : index
    %get3A_302 = arith.constant 0 : index
    %get3A_303 = arith.constant 0 : index
    %get3A_304 = vector.load %arg2[%get3A_300, %get3A_301, %get3A_302, %get3A_303] : memref<1x150x64x384xf32, #tpu.memory_space<vmem>>, vector<1x1x64x384xf32>
    %get3A_305 = vector.shape_cast %get3A_304 : vector<1x1x64x384xf32> to vector<64x384xf32>
    %exp3A_306 = math.exp %get3A_305 : vector<64x384xf32>
    %add3A_307 = arith.addf %add3A_277, %exp3A_306 : vector<64x384xf32>
    %eq3A_308 = arith.constant 20 : i32
    %eq3A_309 = vector.broadcast %eq3A_308 : i32 to vector<64x384xi32>
    %eq3A_310 = arith.cmpi eq, %get3A_3, %eq3A_309 : vector<64x384xi32>
    %jit3A_311 = arith.constant 0.000000e+00 : f32
    %broadcast_in_dim3A_312 = vector.broadcast %jit3A_311 : f32 to vector<64x384xf32>
    %select_n3A_313 = arith.select %eq3A_310, %get3A_305, %broadcast_in_dim3A_312 : vector<64x384xi1>, vector<64x384xf32>
    %add3A_314 = arith.addf %add3A_284, %select_n3A_313 : vector<64x384xf32>
    %get3A_315 = arith.constant 0 : index
    %get3A_316 = arith.constant 21 : index
    %get3A_317 = arith.constant 0 : index
    %get3A_318 = arith.constant 0 : index
    %get3A_319 = vector.load %arg2[%get3A_315, %get3A_316, %get3A_317, %get3A_318] : memref<1x150x64x384xf32, #tpu.memory_space<vmem>>, vector<1x1x64x384xf32>
    %get3A_320 = vector.shape_cast %get3A_319 : vector<1x1x64x384xf32> to vector<64x384xf32>
    %exp3A_321 = math.exp %get3A_320 : vector<64x384xf32>
    %add3A_322 = arith.addf %add3A_292, %exp3A_321 : vector<64x384xf32>
    %eq3A_323 = arith.constant 21 : i32
    %eq3A_324 = vector.broadcast %eq3A_323 : i32 to vector<64x384xi32>
    %eq3A_325 = arith.cmpi eq, %get3A_3, %eq3A_324 : vector<64x384xi32>
    %jit3A_326 = arith.constant 0.000000e+00 : f32
    %broadcast_in_dim3A_327 = vector.broadcast %jit3A_326 : f32 to vector<64x384xf32>
    %select_n3A_328 = arith.select %eq3A_325, %get3A_320, %broadcast_in_dim3A_327 : vector<64x384xi1>, vector<64x384xf32>
    %add3A_329 = arith.addf %add3A_299, %select_n3A_328 : vector<64x384xf32>
    %get3A_330 = arith.constant 0 : index
    %get3A_331 = arith.constant 22 : index
    %get3A_332 = arith.constant 0 : index
    %get3A_333 = arith.constant 0 : index
    %get3A_334 = vector.load %arg2[%get3A_330, %get3A_331, %get3A_332, %get3A_333] : memref<1x150x64x384xf32, #tpu.memory_space<vmem>>, vector<1x1x64x384xf32>
    %get3A_335 = vector.shape_cast %get3A_334 : vector<1x1x64x384xf32> to vector<64x384xf32>
    %exp3A_336 = math.exp %get3A_335 : vector<64x384xf32>
    %add3A_337 = arith.addf %add3A_307, %exp3A_336 : vector<64x384xf32>
    %eq3A_338 = arith.constant 22 : i32
    %eq3A_339 = vector.broadcast %eq3A_338 : i32 to vector<64x384xi32>
    %eq3A_340 = arith.cmpi eq, %get3A_3, %eq3A_339 : vector<64x384xi32>
    %jit3A_341 = arith.constant 0.000000e+00 : f32
    %broadcast_in_dim3A_342 = vector.broadcast %jit3A_341 : f32 to vector<64x384xf32>
    %select_n3A_343 = arith.select %eq3A_340, %get3A_335, %broadcast_in_dim3A_342 : vector<64x384xi1>, vector<64x384xf32>
    %add3A_344 = arith.addf %add3A_314, %select_n3A_343 : vector<64x384xf32>
    %get3A_345 = arith.constant 0 : index
    %get3A_346 = arith.constant 23 : index
    %get3A_347 = arith.constant 0 : index
    %get3A_348 = arith.constant 0 : index
    %get3A_349 = vector.load %arg2[%get3A_345, %get3A_346, %get3A_347, %get3A_348] : memref<1x150x64x384xf32, #tpu.memory_space<vmem>>, vector<1x1x64x384xf32>
    %get3A_350 = vector.shape_cast %get3A_349 : vector<1x1x64x384xf32> to vector<64x384xf32>
    %exp3A_351 = math.exp %get3A_350 : vector<64x384xf32>
    %add3A_352 = arith.addf %add3A_322, %exp3A_351 : vector<64x384xf32>
    %eq3A_353 = arith.constant 23 : i32
    %eq3A_354 = vector.broadcast %eq3A_353 : i32 to vector<64x384xi32>
    %eq3A_355 = arith.cmpi eq, %get3A_3, %eq3A_354 : vector<64x384xi32>
    %jit3A_356 = arith.constant 0.000000e+00 : f32
    %broadcast_in_dim3A_357 = vector.broadcast %jit3A_356 : f32 to vector<64x384xf32>
    %select_n3A_358 = arith.select %eq3A_355, %get3A_350, %broadcast_in_dim3A_357 : vector<64x384xi1>, vector<64x384xf32>
    %add3A_359 = arith.addf %add3A_329, %select_n3A_358 : vector<64x384xf32>
    %get3A_360 = arith.constant 0 : index
    %get3A_361 = arith.constant 24 : index
    %get3A_362 = arith.constant 0 : index
    %get3A_363 = arith.constant 0 : index
    %get3A_364 = vector.load %arg2[%get3A_360, %get3A_361, %get3A_362, %get3A_363] : memref<1x150x64x384xf32, #tpu.memory_space<vmem>>, vector<1x1x64x384xf32>
    %get3A_365 = vector.shape_cast %get3A_364 : vector<1x1x64x384xf32> to vector<64x384xf32>
    %exp3A_366 = math.exp %get3A_365 : vector<64x384xf32>
    %add3A_367 = arith.addf %add3A_337, %exp3A_366 : vector<64x384xf32>
    %eq3A_368 = arith.constant 24 : i32
    %eq3A_369 = vector.broadcast %eq3A_368 : i32 to vector<64x384xi32>
    %eq3A_370 = arith.cmpi eq, %get3A_3, %eq3A_369 : vector<64x384xi32>
    %jit3A_371 = arith.constant 0.000000e+00 : f32
    %broadcast_in_dim3A_372 = vector.broadcast %jit3A_371 : f32 to vector<64x384xf32>
    %select_n3A_373 = arith.select %eq3A_370, %get3A_365, %broadcast_in_dim3A_372 : vector<64x384xi1>, vector<64x384xf32>
    %add3A_374 = arith.addf %add3A_344, %select_n3A_373 : vector<64x384xf32>
    %get3A_375 = arith.constant 0 : index
    %get3A_376 = arith.constant 25 : index
    %get3A_377 = arith.constant 0 : index
    %get3A_378 = arith.constant 0 : index
    %get3A_379 = vector.load %arg2[%get3A_375, %get3A_376, %get3A_377, %get3A_378] : memref<1x150x64x384xf32, #tpu.memory_space<vmem>>, vector<1x1x64x384xf32>
    %get3A_380 = vector.shape_cast %get3A_379 : vector<1x1x64x384xf32> to vector<64x384xf32>
    %exp3A_381 = math.exp %get3A_380 : vector<64x384xf32>
    %add3A_382 = arith.addf %add3A_352, %exp3A_381 : vector<64x384xf32>
    %eq3A_383 = arith.constant 25 : i32
    %eq3A_384 = vector.broadcast %eq3A_383 : i32 to vector<64x384xi32>
    %eq3A_385 = arith.cmpi eq, %get3A_3, %eq3A_384 : vector<64x384xi32>
    %jit3A_386 = arith.constant 0.000000e+00 : f32
    %broadcast_in_dim3A_387 = vector.broadcast %jit3A_386 : f32 to vector<64x384xf32>
    %select_n3A_388 = arith.select %eq3A_385, %get3A_380, %broadcast_in_dim3A_387 : vector<64x384xi1>, vector<64x384xf32>
    %add3A_389 = arith.addf %add3A_359, %select_n3A_388 : vector<64x384xf32>
    %get3A_390 = arith.constant 0 : index
    %get3A_391 = arith.constant 26 : index
    %get3A_392 = arith.constant 0 : index
    %get3A_393 = arith.constant 0 : index
    %get3A_394 = vector.load %arg2[%get3A_390, %get3A_391, %get3A_392, %get3A_393] : memref<1x150x64x384xf32, #tpu.memory_space<vmem>>, vector<1x1x64x384xf32>
    %get3A_395 = vector.shape_cast %get3A_394 : vector<1x1x64x384xf32> to vector<64x384xf32>
    %exp3A_396 = math.exp %get3A_395 : vector<64x384xf32>
    %add3A_397 = arith.addf %add3A_367, %exp3A_396 : vector<64x384xf32>
    %eq3A_398 = arith.constant 26 : i32
    %eq3A_399 = vector.broadcast %eq3A_398 : i32 to vector<64x384xi32>
    %eq3A_400 = arith.cmpi eq, %get3A_3, %eq3A_399 : vector<64x384xi32>
    %jit3A_401 = arith.constant 0.000000e+00 : f32
    %broadcast_in_dim3A_402 = vector.broadcast %jit3A_401 : f32 to vector<64x384xf32>
    %select_n3A_403 = arith.select %eq3A_400, %get3A_395, %broadcast_in_dim3A_402 : vector<64x384xi1>, vector<64x384xf32>
    %add3A_404 = arith.addf %add3A_374, %select_n3A_403 : vector<64x384xf32>
    %get3A_405 = arith.constant 0 : index
    %get3A_406 = arith.constant 27 : index
    %get3A_407 = arith.constant 0 : index
    %get3A_408 = arith.constant 0 : index
    %get3A_409 = vector.load %arg2[%get3A_405, %get3A_406, %get3A_407, %get3A_408] : memref<1x150x64x384xf32, #tpu.memory_space<vmem>>, vector<1x1x64x384xf32>
    %get3A_410 = vector.shape_cast %get3A_409 : vector<1x1x64x384xf32> to vector<64x384xf32>
    %exp3A_411 = math.exp %get3A_410 : vector<64x384xf32>
    %add3A_412 = arith.addf %add3A_382, %exp3A_411 : vector<64x384xf32>
    %eq3A_413 = arith.constant 27 : i32
    %eq3A_414 = vector.broadcast %eq3A_413 : i32 to vector<64x384xi32>
    %eq3A_415 = arith.cmpi eq, %get3A_3, %eq3A_414 : vector<64x384xi32>
    %jit3A_416 = arith.constant 0.000000e+00 : f32
    %broadcast_in_dim3A_417 = vector.broadcast %jit3A_416 : f32 to vector<64x384xf32>
    %select_n3A_418 = arith.select %eq3A_415, %get3A_410, %broadcast_in_dim3A_417 : vector<64x384xi1>, vector<64x384xf32>
    %add3A_419 = arith.addf %add3A_389, %select_n3A_418 : vector<64x384xf32>
    %get3A_420 = arith.constant 0 : index
    %get3A_421 = arith.constant 28 : index
    %get3A_422 = arith.constant 0 : index
    %get3A_423 = arith.constant 0 : index
    %get3A_424 = vector.load %arg2[%get3A_420, %get3A_421, %get3A_422, %get3A_423] : memref<1x150x64x384xf32, #tpu.memory_space<vmem>>, vector<1x1x64x384xf32>
    %get3A_425 = vector.shape_cast %get3A_424 : vector<1x1x64x384xf32> to vector<64x384xf32>
    %exp3A_426 = math.exp %get3A_425 : vector<64x384xf32>
    %add3A_427 = arith.addf %add3A_397, %exp3A_426 : vector<64x384xf32>
    %eq3A_428 = arith.constant 28 : i32
    %eq3A_429 = vector.broadcast %eq3A_428 : i32 to vector<64x384xi32>
    %eq3A_430 = arith.cmpi eq, %get3A_3, %eq3A_429 : vector<64x384xi32>
    %jit3A_431 = arith.constant 0.000000e+00 : f32
    %broadcast_in_dim3A_432 = vector.broadcast %jit3A_431 : f32 to vector<64x384xf32>
    %select_n3A_433 = arith.select %eq3A_430, %get3A_425, %broadcast_in_dim3A_432 : vector<64x384xi1>, vector<64x384xf32>
    %add3A_434 = arith.addf %add3A_404, %select_n3A_433 : vector<64x384xf32>
    %get3A_435 = arith.constant 0 : index
    %get3A_436 = arith.constant 29 : index
    %get3A_437 = arith.constant 0 : index
    %get3A_438 = arith.constant 0 : index
    %get3A_439 = vector.load %arg2[%get3A_435, %get3A_436, %get3A_437, %get3A_438] : memref<1x150x64x384xf32, #tpu.memory_space<vmem>>, vector<1x1x64x384xf32>
    %get3A_440 = vector.shape_cast %get3A_439 : vector<1x1x64x384xf32> to vector<64x384xf32>
    %exp3A_441 = math.exp %get3A_440 : vector<64x384xf32>
    %add3A_442 = arith.addf %add3A_412, %exp3A_441 : vector<64x384xf32>
    %eq3A_443 = arith.constant 29 : i32
    %eq3A_444 = vector.broadcast %eq3A_443 : i32 to vector<64x384xi32>
    %eq3A_445 = arith.cmpi eq, %get3A_3, %eq3A_444 : vector<64x384xi32>
    %jit3A_446 = arith.constant 0.000000e+00 : f32
    %broadcast_in_dim3A_447 = vector.broadcast %jit3A_446 : f32 to vector<64x384xf32>
    %select_n3A_448 = arith.select %eq3A_445, %get3A_440, %broadcast_in_dim3A_447 : vector<64x384xi1>, vector<64x384xf32>
    %add3A_449 = arith.addf %add3A_419, %select_n3A_448 : vector<64x384xf32>
    %get3A_450 = arith.constant 0 : index
    %get3A_451 = arith.constant 30 : index
    %get3A_452 = arith.constant 0 : index
    %get3A_453 = arith.constant 0 : index
    %get3A_454 = vector.load %arg2[%get3A_450, %get3A_451, %get3A_452, %get3A_453] : memref<1x150x64x384xf32, #tpu.memory_space<vmem>>, vector<1x1x64x384xf32>
    %get3A_455 = vector.shape_cast %get3A_454 : vector<1x1x64x384xf32> to vector<64x384xf32>
    %exp3A_456 = math.exp %get3A_455 : vector<64x384xf32>
    %add3A_457 = arith.addf %add3A_427, %exp3A_456 : vector<64x384xf32>
    %eq3A_458 = arith.constant 30 : i32
    %eq3A_459 = vector.broadcast %eq3A_458 : i32 to vector<64x384xi32>
    %eq3A_460 = arith.cmpi eq, %get3A_3, %eq3A_459 : vector<64x384xi32>
    %jit3A_461 = arith.constant 0.000000e+00 : f32
    %broadcast_in_dim3A_462 = vector.broadcast %jit3A_461 : f32 to vector<64x384xf32>
    %select_n3A_463 = arith.select %eq3A_460, %get3A_455, %broadcast_in_dim3A_462 : vector<64x384xi1>, vector<64x384xf32>
    %add3A_464 = arith.addf %add3A_434, %select_n3A_463 : vector<64x384xf32>
    %get3A_465 = arith.constant 0 : index
    %get3A_466 = arith.constant 31 : index
    %get3A_467 = arith.constant 0 : index
    %get3A_468 = arith.constant 0 : index
    %get3A_469 = vector.load %arg2[%get3A_465, %get3A_466, %get3A_467, %get3A_468] : memref<1x150x64x384xf32, #tpu.memory_space<vmem>>, vector<1x1x64x384xf32>
    %get3A_470 = vector.shape_cast %get3A_469 : vector<1x1x64x384xf32> to vector<64x384xf32>
    %exp3A_471 = math.exp %get3A_470 : vector<64x384xf32>
    %add3A_472 = arith.addf %add3A_442, %exp3A_471 : vector<64x384xf32>
    %eq3A_473 = arith.constant 31 : i32
    %eq3A_474 = vector.broadcast %eq3A_473 : i32 to vector<64x384xi32>
    %eq3A_475 = arith.cmpi eq, %get3A_3, %eq3A_474 : vector<64x384xi32>
    %jit3A_476 = arith.constant 0.000000e+00 : f32
    %broadcast_in_dim3A_477 = vector.broadcast %jit3A_476 : f32 to vector<64x384xf32>
    %select_n3A_478 = arith.select %eq3A_475, %get3A_470, %broadcast_in_dim3A_477 : vector<64x384xi1>, vector<64x384xf32>
    %add3A_479 = arith.addf %add3A_449, %select_n3A_478 : vector<64x384xf32>
    %get3A_480 = arith.constant 0 : index
    %get3A_481 = arith.constant 32 : index
    %get3A_482 = arith.constant 0 : index
    %get3A_483 = arith.constant 0 : index
    %get3A_484 = vector.load %arg2[%get3A_480, %get3A_481, %get3A_482, %get3A_483] : memref<1x150x64x384xf32, #tpu.memory_space<vmem>>, vector<1x1x64x384xf32>
    %get3A_485 = vector.shape_cast %get3A_484 : vector<1x1x64x384xf32> to vector<64x384xf32>
    %exp3A_486 = math.exp %get3A_485 : vector<64x384xf32>
    %add3A_487 = arith.addf %add3A_457, %exp3A_486 : vector<64x384xf32>
    %eq3A_488 = arith.constant 32 : i32
    %eq3A_489 = vector.broadcast %eq3A_488 : i32 to vector<64x384xi32>
    %eq3A_490 = arith.cmpi eq, %get3A_3, %eq3A_489 : vector<64x384xi32>
    %jit3A_491 = arith.constant 0.000000e+00 : f32
    %broadcast_in_dim3A_492 = vector.broadcast %jit3A_491 : f32 to vector<64x384xf32>
    %select_n3A_493 = arith.select %eq3A_490, %get3A_485, %broadcast_in_dim3A_492 : vector<64x384xi1>, vector<64x384xf32>
    %add3A_494 = arith.addf %add3A_464, %select_n3A_493 : vector<64x384xf32>
    %get3A_495 = arith.constant 0 : index
    %get3A_496 = arith.constant 33 : index
    %get3A_497 = arith.constant 0 : index
    %get3A_498 = arith.constant 0 : index
    %get3A_499 = vector.load %arg2[%get3A_495, %get3A_496, %get3A_497, %get3A_498] : memref<1x150x64x384xf32, #tpu.memory_space<vmem>>, vector<1x1x64x384xf32>
    %get3A_500 = vector.shape_cast %get3A_499 : vector<1x1x64x384xf32> to vector<64x384xf32>
    %exp3A_501 = math.exp %get3A_500 : vector<64x384xf32>
    %add3A_502 = arith.addf %add3A_472, %exp3A_501 : vector<64x384xf32>
    %eq3A_503 = arith.constant 33 : i32
    %eq3A_504 = vector.broadcast %eq3A_503 : i32 to vector<64x384xi32>
    %eq3A_505 = arith.cmpi eq, %get3A_3, %eq3A_504 : vector<64x384xi32>
    %jit3A_506 = arith.constant 0.000000e+00 : f32
    %broadcast_in_dim3A_507 = vector.broadcast %jit3A_506 : f32 to vector<64x384xf32>
    %select_n3A_508 = arith.select %eq3A_505, %get3A_500, %broadcast_in_dim3A_507 : vector<64x384xi1>, vector<64x384xf32>
    %add3A_509 = arith.addf %add3A_479, %select_n3A_508 : vector<64x384xf32>
    %get3A_510 = arith.constant 0 : index
    %get3A_511 = arith.constant 34 : index
    %get3A_512 = arith.constant 0 : index
    %get3A_513 = arith.constant 0 : index
    %get3A_514 = vector.load %arg2[%get3A_510, %get3A_511, %get3A_512, %get3A_513] : memref<1x150x64x384xf32, #tpu.memory_space<vmem>>, vector<1x1x64x384xf32>
    %get3A_515 = vector.shape_cast %get3A_514 : vector<1x1x64x384xf32> to vector<64x384xf32>
    %exp3A_516 = math.exp %get3A_515 : vector<64x384xf32>
    %add3A_517 = arith.addf %add3A_487, %exp3A_516 : vector<64x384xf32>
    %eq3A_518 = arith.constant 34 : i32
    %eq3A_519 = vector.broadcast %eq3A_518 : i32 to vector<64x384xi32>
    %eq3A_520 = arith.cmpi eq, %get3A_3, %eq3A_519 : vector<64x384xi32>
    %jit3A_521 = arith.constant 0.000000e+00 : f32
    %broadcast_in_dim3A_522 = vector.broadcast %jit3A_521 : f32 to vector<64x384xf32>
    %select_n3A_523 = arith.select %eq3A_520, %get3A_515, %broadcast_in_dim3A_522 : vector<64x384xi1>, vector<64x384xf32>
    %add3A_524 = arith.addf %add3A_494, %select_n3A_523 : vector<64x384xf32>
    %get3A_525 = arith.constant 0 : index
    %get3A_526 = arith.constant 35 : index
    %get3A_527 = arith.constant 0 : index
    %get3A_528 = arith.constant 0 : index
    %get3A_529 = vector.load %arg2[%get3A_525, %get3A_526, %get3A_527, %get3A_528] : memref<1x150x64x384xf32, #tpu.memory_space<vmem>>, vector<1x1x64x384xf32>
    %get3A_530 = vector.shape_cast %get3A_529 : vector<1x1x64x384xf32> to vector<64x384xf32>
    %exp3A_531 = math.exp %get3A_530 : vector<64x384xf32>
    %add3A_532 = arith.addf %add3A_502, %exp3A_531 : vector<64x384xf32>
    %eq3A_533 = arith.constant 35 : i32
    %eq3A_534 = vector.broadcast %eq3A_533 : i32 to vector<64x384xi32>
    %eq3A_535 = arith.cmpi eq, %get3A_3, %eq3A_534 : vector<64x384xi32>
    %jit3A_536 = arith.constant 0.000000e+00 : f32
    %broadcast_in_dim3A_537 = vector.broadcast %jit3A_536 : f32 to vector<64x384xf32>
    %select_n3A_538 = arith.select %eq3A_535, %get3A_530, %broadcast_in_dim3A_537 : vector<64x384xi1>, vector<64x384xf32>
    %add3A_539 = arith.addf %add3A_509, %select_n3A_538 : vector<64x384xf32>
    %get3A_540 = arith.constant 0 : index
    %get3A_541 = arith.constant 36 : index
    %get3A_542 = arith.constant 0 : index
    %get3A_543 = arith.constant 0 : index
    %get3A_544 = vector.load %arg2[%get3A_540, %get3A_541, %get3A_542, %get3A_543] : memref<1x150x64x384xf32, #tpu.memory_space<vmem>>, vector<1x1x64x384xf32>
    %get3A_545 = vector.shape_cast %get3A_544 : vector<1x1x64x384xf32> to vector<64x384xf32>
    %exp3A_546 = math.exp %get3A_545 : vector<64x384xf32>
    %add3A_547 = arith.addf %add3A_517, %exp3A_546 : vector<64x384xf32>
    %eq3A_548 = arith.constant 36 : i32
    %eq3A_549 = vector.broadcast %eq3A_548 : i32 to vector<64x384xi32>
    %eq3A_550 = arith.cmpi eq, %get3A_3, %eq3A_549 : vector<64x384xi32>
    %jit3A_551 = arith.constant 0.000000e+00 : f32
    %broadcast_in_dim3A_552 = vector.broadcast %jit3A_551 : f32 to vector<64x384xf32>
    %select_n3A_553 = arith.select %eq3A_550, %get3A_545, %broadcast_in_dim3A_552 : vector<64x384xi1>, vector<64x384xf32>
    %add3A_554 = arith.addf %add3A_524, %select_n3A_553 : vector<64x384xf32>
    %get3A_555 = arith.constant 0 : index
    %get3A_556 = arith.constant 37 : index
    %get3A_557 = arith.constant 0 : index
    %get3A_558 = arith.constant 0 : index
    %get3A_559 = vector.load %arg2[%get3A_555, %get3A_556, %get3A_557, %get3A_558] : memref<1x150x64x384xf32, #tpu.memory_space<vmem>>, vector<1x1x64x384xf32>
    %get3A_560 = vector.shape_cast %get3A_559 : vector<1x1x64x384xf32> to vector<64x384xf32>
    %exp3A_561 = math.exp %get3A_560 : vector<64x384xf32>
    %add3A_562 = arith.addf %add3A_532, %exp3A_561 : vector<64x384xf32>
    %eq3A_563 = arith.constant 37 : i32
    %eq3A_564 = vector.broadcast %eq3A_563 : i32 to vector<64x384xi32>
    %eq3A_565 = arith.cmpi eq, %get3A_3, %eq3A_564 : vector<64x384xi32>
    %jit3A_566 = arith.constant 0.000000e+00 : f32
    %broadcast_in_dim3A_567 = vector.broadcast %jit3A_566 : f32 to vector<64x384xf32>
    %select_n3A_568 = arith.select %eq3A_565, %get3A_560, %broadcast_in_dim3A_567 : vector<64x384xi1>, vector<64x384xf32>
    %add3A_569 = arith.addf %add3A_539, %select_n3A_568 : vector<64x384xf32>
    %get3A_570 = arith.constant 0 : index
    %get3A_571 = arith.constant 38 : index
    %get3A_572 = arith.constant 0 : index
    %get3A_573 = arith.constant 0 : index
    %get3A_574 = vector.load %arg2[%get3A_570, %get3A_571, %get3A_572, %get3A_573] : memref<1x150x64x384xf32, #tpu.memory_space<vmem>>, vector<1x1x64x384xf32>
    %get3A_575 = vector.shape_cast %get3A_574 : vector<1x1x64x384xf32> to vector<64x384xf32>
    %exp3A_576 = math.exp %get3A_575 : vector<64x384xf32>
    %add3A_577 = arith.addf %add3A_547, %exp3A_576 : vector<64x384xf32>
    %eq3A_578 = arith.constant 38 : i32
    %eq3A_579 = vector.broadcast %eq3A_578 : i32 to vector<64x384xi32>
    %eq3A_580 = arith.cmpi eq, %get3A_3, %eq3A_579 : vector<64x384xi32>
    %jit3A_581 = arith.constant 0.000000e+00 : f32
    %broadcast_in_dim3A_582 = vector.broadcast %jit3A_581 : f32 to vector<64x384xf32>
    %select_n3A_583 = arith.select %eq3A_580, %get3A_575, %broadcast_in_dim3A_582 : vector<64x384xi1>, vector<64x384xf32>
    %add3A_584 = arith.addf %add3A_554, %select_n3A_583 : vector<64x384xf32>
    %get3A_585 = arith.constant 0 : index
    %get3A_586 = arith.constant 39 : index
    %get3A_587 = arith.constant 0 : index
    %get3A_588 = arith.constant 0 : index
    %get3A_589 = vector.load %arg2[%get3A_585, %get3A_586, %get3A_587, %get3A_588] : memref<1x150x64x384xf32, #tpu.memory_space<vmem>>, vector<1x1x64x384xf32>
    %get3A_590 = vector.shape_cast %get3A_589 : vector<1x1x64x384xf32> to vector<64x384xf32>
    %exp3A_591 = math.exp %get3A_590 : vector<64x384xf32>
    %add3A_592 = arith.addf %add3A_562, %exp3A_591 : vector<64x384xf32>
    %eq3A_593 = arith.constant 39 : i32
    %eq3A_594 = vector.broadcast %eq3A_593 : i32 to vector<64x384xi32>
    %eq3A_595 = arith.cmpi eq, %get3A_3, %eq3A_594 : vector<64x384xi32>
    %jit3A_596 = arith.constant 0.000000e+00 : f32
    %broadcast_in_dim3A_597 = vector.broadcast %jit3A_596 : f32 to vector<64x384xf32>
    %select_n3A_598 = arith.select %eq3A_595, %get3A_590, %broadcast_in_dim3A_597 : vector<64x384xi1>, vector<64x384xf32>
    %add3A_599 = arith.addf %add3A_569, %select_n3A_598 : vector<64x384xf32>
    %get3A_600 = arith.constant 0 : index
    %get3A_601 = arith.constant 40 : index
    %get3A_602 = arith.constant 0 : index
    %get3A_603 = arith.constant 0 : index
    %get3A_604 = vector.load %arg2[%get3A_600, %get3A_601, %get3A_602, %get3A_603] : memref<1x150x64x384xf32, #tpu.memory_space<vmem>>, vector<1x1x64x384xf32>
    %get3A_605 = vector.shape_cast %get3A_604 : vector<1x1x64x384xf32> to vector<64x384xf32>
    %exp3A_606 = math.exp %get3A_605 : vector<64x384xf32>
    %add3A_607 = arith.addf %add3A_577, %exp3A_606 : vector<64x384xf32>
    %eq3A_608 = arith.constant 40 : i32
    %eq3A_609 = vector.broadcast %eq3A_608 : i32 to vector<64x384xi32>
    %eq3A_610 = arith.cmpi eq, %get3A_3, %eq3A_609 : vector<64x384xi32>
    %jit3A_611 = arith.constant 0.000000e+00 : f32
    %broadcast_in_dim3A_612 = vector.broadcast %jit3A_611 : f32 to vector<64x384xf32>
    %select_n3A_613 = arith.select %eq3A_610, %get3A_605, %broadcast_in_dim3A_612 : vector<64x384xi1>, vector<64x384xf32>
    %add3A_614 = arith.addf %add3A_584, %select_n3A_613 : vector<64x384xf32>
    %get3A_615 = arith.constant 0 : index
    %get3A_616 = arith.constant 41 : index
    %get3A_617 = arith.constant 0 : index
    %get3A_618 = arith.constant 0 : index
    %get3A_619 = vector.load %arg2[%get3A_615, %get3A_616, %get3A_617, %get3A_618] : memref<1x150x64x384xf32, #tpu.memory_space<vmem>>, vector<1x1x64x384xf32>
    %get3A_620 = vector.shape_cast %get3A_619 : vector<1x1x64x384xf32> to vector<64x384xf32>
    %exp3A_621 = math.exp %get3A_620 : vector<64x384xf32>
    %add3A_622 = arith.addf %add3A_592, %exp3A_621 : vector<64x384xf32>
    %eq3A_623 = arith.constant 41 : i32
    %eq3A_624 = vector.broadcast %eq3A_623 : i32 to vector<64x384xi32>
    %eq3A_625 = arith.cmpi eq, %get3A_3, %eq3A_624 : vector<64x384xi32>
    %jit3A_626 = arith.constant 0.000000e+00 : f32
    %broadcast_in_dim3A_627 = vector.broadcast %jit3A_626 : f32 to vector<64x384xf32>
    %select_n3A_628 = arith.select %eq3A_625, %get3A_620, %broadcast_in_dim3A_627 : vector<64x384xi1>, vector<64x384xf32>
    %add3A_629 = arith.addf %add3A_599, %select_n3A_628 : vector<64x384xf32>
    %get3A_630 = arith.constant 0 : index
    %get3A_631 = arith.constant 42 : index
    %get3A_632 = arith.constant 0 : index
    %get3A_633 = arith.constant 0 : index
    %get3A_634 = vector.load %arg2[%get3A_630, %get3A_631, %get3A_632, %get3A_633] : memref<1x150x64x384xf32, #tpu.memory_space<vmem>>, vector<1x1x64x384xf32>
    %get3A_635 = vector.shape_cast %get3A_634 : vector<1x1x64x384xf32> to vector<64x384xf32>
    %exp3A_636 = math.exp %get3A_635 : vector<64x384xf32>
    %add3A_637 = arith.addf %add3A_607, %exp3A_636 : vector<64x384xf32>
    %eq3A_638 = arith.constant 42 : i32
    %eq3A_639 = vector.broadcast %eq3A_638 : i32 to vector<64x384xi32>
    %eq3A_640 = arith.cmpi eq, %get3A_3, %eq3A_639 : vector<64x384xi32>
    %jit3A_641 = arith.constant 0.000000e+00 : f32
    %broadcast_in_dim3A_642 = vector.broadcast %jit3A_641 : f32 to vector<64x384xf32>
    %select_n3A_643 = arith.select %eq3A_640, %get3A_635, %broadcast_in_dim3A_642 : vector<64x384xi1>, vector<64x384xf32>
    %add3A_644 = arith.addf %add3A_614, %select_n3A_643 : vector<64x384xf32>
    %get3A_645 = arith.constant 0 : index
    %get3A_646 = arith.constant 43 : index
    %get3A_647 = arith.constant 0 : index
    %get3A_648 = arith.constant 0 : index
    %get3A_649 = vector.load %arg2[%get3A_645, %get3A_646, %get3A_647, %get3A_648] : memref<1x150x64x384xf32, #tpu.memory_space<vmem>>, vector<1x1x64x384xf32>
    %get3A_650 = vector.shape_cast %get3A_649 : vector<1x1x64x384xf32> to vector<64x384xf32>
    %exp3A_651 = math.exp %get3A_650 : vector<64x384xf32>
    %add3A_652 = arith.addf %add3A_622, %exp3A_651 : vector<64x384xf32>
    %eq3A_653 = arith.constant 43 : i32
    %eq3A_654 = vector.broadcast %eq3A_653 : i32 to vector<64x384xi32>
    %eq3A_655 = arith.cmpi eq, %get3A_3, %eq3A_654 : vector<64x384xi32>
    %jit3A_656 = arith.constant 0.000000e+00 : f32
    %broadcast_in_dim3A_657 = vector.broadcast %jit3A_656 : f32 to vector<64x384xf32>
    %select_n3A_658 = arith.select %eq3A_655, %get3A_650, %broadcast_in_dim3A_657 : vector<64x384xi1>, vector<64x384xf32>
    %add3A_659 = arith.addf %add3A_629, %select_n3A_658 : vector<64x384xf32>
    %get3A_660 = arith.constant 0 : index
    %get3A_661 = arith.constant 44 : index
    %get3A_662 = arith.constant 0 : index
    %get3A_663 = arith.constant 0 : index
    %get3A_664 = vector.load %arg2[%get3A_660, %get3A_661, %get3A_662, %get3A_663] : memref<1x150x64x384xf32, #tpu.memory_space<vmem>>, vector<1x1x64x384xf32>
    %get3A_665 = vector.shape_cast %get3A_664 : vector<1x1x64x384xf32> to vector<64x384xf32>
    %exp3A_666 = math.exp %get3A_665 : vector<64x384xf32>
    %add3A_667 = arith.addf %add3A_637, %exp3A_666 : vector<64x384xf32>
    %eq3A_668 = arith.constant 44 : i32
    %eq3A_669 = vector.broadcast %eq3A_668 : i32 to vector<64x384xi32>
    %eq3A_670 = arith.cmpi eq, %get3A_3, %eq3A_669 : vector<64x384xi32>
    %jit3A_671 = arith.constant 0.000000e+00 : f32
    %broadcast_in_dim3A_672 = vector.broadcast %jit3A_671 : f32 to vector<64x384xf32>
    %select_n3A_673 = arith.select %eq3A_670, %get3A_665, %broadcast_in_dim3A_672 : vector<64x384xi1>, vector<64x384xf32>
    %add3A_674 = arith.addf %add3A_644, %select_n3A_673 : vector<64x384xf32>
    %get3A_675 = arith.constant 0 : index
    %get3A_676 = arith.constant 45 : index
    %get3A_677 = arith.constant 0 : index
    %get3A_678 = arith.constant 0 : index
    %get3A_679 = vector.load %arg2[%get3A_675, %get3A_676, %get3A_677, %get3A_678] : memref<1x150x64x384xf32, #tpu.memory_space<vmem>>, vector<1x1x64x384xf32>
    %get3A_680 = vector.shape_cast %get3A_679 : vector<1x1x64x384xf32> to vector<64x384xf32>
    %exp3A_681 = math.exp %get3A_680 : vector<64x384xf32>
    %add3A_682 = arith.addf %add3A_652, %exp3A_681 : vector<64x384xf32>
    %eq3A_683 = arith.constant 45 : i32
    %eq3A_684 = vector.broadcast %eq3A_683 : i32 to vector<64x384xi32>
    %eq3A_685 = arith.cmpi eq, %get3A_3, %eq3A_684 : vector<64x384xi32>
    %jit3A_686 = arith.constant 0.000000e+00 : f32
    %broadcast_in_dim3A_687 = vector.broadcast %jit3A_686 : f32 to vector<64x384xf32>
    %select_n3A_688 = arith.select %eq3A_685, %get3A_680, %broadcast_in_dim3A_687 : vector<64x384xi1>, vector<64x384xf32>
    %add3A_689 = arith.addf %add3A_659, %select_n3A_688 : vector<64x384xf32>
    %get3A_690 = arith.constant 0 : index
    %get3A_691 = arith.constant 46 : index
    %get3A_692 = arith.constant 0 : index
    %get3A_693 = arith.constant 0 : index
    %get3A_694 = vector.load %arg2[%get3A_690, %get3A_691, %get3A_692, %get3A_693] : memref<1x150x64x384xf32, #tpu.memory_space<vmem>>, vector<1x1x64x384xf32>
    %get3A_695 = vector.shape_cast %get3A_694 : vector<1x1x64x384xf32> to vector<64x384xf32>
    %exp3A_696 = math.exp %get3A_695 : vector<64x384xf32>
    %add3A_697 = arith.addf %add3A_667, %exp3A_696 : vector<64x384xf32>
    %eq3A_698 = arith.constant 46 : i32
    %eq3A_699 = vector.broadcast %eq3A_698 : i32 to vector<64x384xi32>
    %eq3A_700 = arith.cmpi eq, %get3A_3, %eq3A_699 : vector<64x384xi32>
    %jit3A_701 = arith.constant 0.000000e+00 : f32
    %broadcast_in_dim3A_702 = vector.broadcast %jit3A_701 : f32 to vector<64x384xf32>
    %select_n3A_703 = arith.select %eq3A_700, %get3A_695, %broadcast_in_dim3A_702 : vector<64x384xi1>, vector<64x384xf32>
    %add3A_704 = arith.addf %add3A_674, %select_n3A_703 : vector<64x384xf32>
    %get3A_705 = arith.constant 0 : index
    %get3A_706 = arith.constant 47 : index
    %get3A_707 = arith.constant 0 : index
    %get3A_708 = arith.constant 0 : index
    %get3A_709 = vector.load %arg2[%get3A_705, %get3A_706, %get3A_707, %get3A_708] : memref<1x150x64x384xf32, #tpu.memory_space<vmem>>, vector<1x1x64x384xf32>
    %get3A_710 = vector.shape_cast %get3A_709 : vector<1x1x64x384xf32> to vector<64x384xf32>
    %exp3A_711 = math.exp %get3A_710 : vector<64x384xf32>
    %add3A_712 = arith.addf %add3A_682, %exp3A_711 : vector<64x384xf32>
    %eq3A_713 = arith.constant 47 : i32
    %eq3A_714 = vector.broadcast %eq3A_713 : i32 to vector<64x384xi32>
    %eq3A_715 = arith.cmpi eq, %get3A_3, %eq3A_714 : vector<64x384xi32>
    %jit3A_716 = arith.constant 0.000000e+00 : f32
    %broadcast_in_dim3A_717 = vector.broadcast %jit3A_716 : f32 to vector<64x384xf32>
    %select_n3A_718 = arith.select %eq3A_715, %get3A_710, %broadcast_in_dim3A_717 : vector<64x384xi1>, vector<64x384xf32>
    %add3A_719 = arith.addf %add3A_689, %select_n3A_718 : vector<64x384xf32>
    %get3A_720 = arith.constant 0 : index
    %get3A_721 = arith.constant 48 : index
    %get3A_722 = arith.constant 0 : index
    %get3A_723 = arith.constant 0 : index
    %get3A_724 = vector.load %arg2[%get3A_720, %get3A_721, %get3A_722, %get3A_723] : memref<1x150x64x384xf32, #tpu.memory_space<vmem>>, vector<1x1x64x384xf32>
    %get3A_725 = vector.shape_cast %get3A_724 : vector<1x1x64x384xf32> to vector<64x384xf32>
    %exp3A_726 = math.exp %get3A_725 : vector<64x384xf32>
    %add3A_727 = arith.addf %add3A_697, %exp3A_726 : vector<64x384xf32>
    %eq3A_728 = arith.constant 48 : i32
    %eq3A_729 = vector.broadcast %eq3A_728 : i32 to vector<64x384xi32>
    %eq3A_730 = arith.cmpi eq, %get3A_3, %eq3A_729 : vector<64x384xi32>
    %jit3A_731 = arith.constant 0.000000e+00 : f32
    %broadcast_in_dim3A_732 = vector.broadcast %jit3A_731 : f32 to vector<64x384xf32>
    %select_n3A_733 = arith.select %eq3A_730, %get3A_725, %broadcast_in_dim3A_732 : vector<64x384xi1>, vector<64x384xf32>
    %add3A_734 = arith.addf %add3A_704, %select_n3A_733 : vector<64x384xf32>
    %get3A_735 = arith.constant 0 : index
    %get3A_736 = arith.constant 49 : index
    %get3A_737 = arith.constant 0 : index
    %get3A_738 = arith.constant 0 : index
    %get3A_739 = vector.load %arg2[%get3A_735, %get3A_736, %get3A_737, %get3A_738] : memref<1x150x64x384xf32, #tpu.memory_space<vmem>>, vector<1x1x64x384xf32>
    %get3A_740 = vector.shape_cast %get3A_739 : vector<1x1x64x384xf32> to vector<64x384xf32>
    %exp3A_741 = math.exp %get3A_740 : vector<64x384xf32>
    %add3A_742 = arith.addf %add3A_712, %exp3A_741 : vector<64x384xf32>
    %eq3A_743 = arith.constant 49 : i32
    %eq3A_744 = vector.broadcast %eq3A_743 : i32 to vector<64x384xi32>
    %eq3A_745 = arith.cmpi eq, %get3A_3, %eq3A_744 : vector<64x384xi32>
    %jit3A_746 = arith.constant 0.000000e+00 : f32
    %broadcast_in_dim3A_747 = vector.broadcast %jit3A_746 : f32 to vector<64x384xf32>
    %select_n3A_748 = arith.select %eq3A_745, %get3A_740, %broadcast_in_dim3A_747 : vector<64x384xi1>, vector<64x384xf32>
    %add3A_749 = arith.addf %add3A_719, %select_n3A_748 : vector<64x384xf32>
    %get3A_750 = arith.constant 0 : index
    %get3A_751 = arith.constant 50 : index
    %get3A_752 = arith.constant 0 : index
    %get3A_753 = arith.constant 0 : index
    %get3A_754 = vector.load %arg2[%get3A_750, %get3A_751, %get3A_752, %get3A_753] : memref<1x150x64x384xf32, #tpu.memory_space<vmem>>, vector<1x1x64x384xf32>
    %get3A_755 = vector.shape_cast %get3A_754 : vector<1x1x64x384xf32> to vector<64x384xf32>
    %exp3A_756 = math.exp %get3A_755 : vector<64x384xf32>
    %add3A_757 = arith.addf %add3A_727, %exp3A_756 : vector<64x384xf32>
    %eq3A_758 = arith.constant 50 : i32
    %eq3A_759 = vector.broadcast %eq3A_758 : i32 to vector<64x384xi32>
    %eq3A_760 = arith.cmpi eq, %get3A_3, %eq3A_759 : vector<64x384xi32>
    %jit3A_761 = arith.constant 0.000000e+00 : f32
    %broadcast_in_dim3A_762 = vector.broadcast %jit3A_761 : f32 to vector<64x384xf32>
    %select_n3A_763 = arith.select %eq3A_760, %get3A_755, %broadcast_in_dim3A_762 : vector<64x384xi1>, vector<64x384xf32>
    %add3A_764 = arith.addf %add3A_734, %select_n3A_763 : vector<64x384xf32>
    %get3A_765 = arith.constant 0 : index
    %get3A_766 = arith.constant 51 : index
    %get3A_767 = arith.constant 0 : index
    %get3A_768 = arith.constant 0 : index
    %get3A_769 = vector.load %arg2[%get3A_765, %get3A_766, %get3A_767, %get3A_768] : memref<1x150x64x384xf32, #tpu.memory_space<vmem>>, vector<1x1x64x384xf32>
    %get3A_770 = vector.shape_cast %get3A_769 : vector<1x1x64x384xf32> to vector<64x384xf32>
    %exp3A_771 = math.exp %get3A_770 : vector<64x384xf32>
    %add3A_772 = arith.addf %add3A_742, %exp3A_771 : vector<64x384xf32>
    %eq3A_773 = arith.constant 51 : i32
    %eq3A_774 = vector.broadcast %eq3A_773 : i32 to vector<64x384xi32>
    %eq3A_775 = arith.cmpi eq, %get3A_3, %eq3A_774 : vector<64x384xi32>
    %jit3A_776 = arith.constant 0.000000e+00 : f32
    %broadcast_in_dim3A_777 = vector.broadcast %jit3A_776 : f32 to vector<64x384xf32>
    %select_n3A_778 = arith.select %eq3A_775, %get3A_770, %broadcast_in_dim3A_777 : vector<64x384xi1>, vector<64x384xf32>
    %add3A_779 = arith.addf %add3A_749, %select_n3A_778 : vector<64x384xf32>
    %get3A_780 = arith.constant 0 : index
    %get3A_781 = arith.constant 52 : index
    %get3A_782 = arith.constant 0 : index
    %get3A_783 = arith.constant 0 : index
    %get3A_784 = vector.load %arg2[%get3A_780, %get3A_781, %get3A_782, %get3A_783] : memref<1x150x64x384xf32, #tpu.memory_space<vmem>>, vector<1x1x64x384xf32>
    %get3A_785 = vector.shape_cast %get3A_784 : vector<1x1x64x384xf32> to vector<64x384xf32>
    %exp3A_786 = math.exp %get3A_785 : vector<64x384xf32>
    %add3A_787 = arith.addf %add3A_757, %exp3A_786 : vector<64x384xf32>
    %eq3A_788 = arith.constant 52 : i32
    %eq3A_789 = vector.broadcast %eq3A_788 : i32 to vector<64x384xi32>
    %eq3A_790 = arith.cmpi eq, %get3A_3, %eq3A_789 : vector<64x384xi32>
    %jit3A_791 = arith.constant 0.000000e+00 : f32
    %broadcast_in_dim3A_792 = vector.broadcast %jit3A_791 : f32 to vector<64x384xf32>
    %select_n3A_793 = arith.select %eq3A_790, %get3A_785, %broadcast_in_dim3A_792 : vector<64x384xi1>, vector<64x384xf32>
    %add3A_794 = arith.addf %add3A_764, %select_n3A_793 : vector<64x384xf32>
    %get3A_795 = arith.constant 0 : index
    %get3A_796 = arith.constant 53 : index
    %get3A_797 = arith.constant 0 : index
    %get3A_798 = arith.constant 0 : index
    %get3A_799 = vector.load %arg2[%get3A_795, %get3A_796, %get3A_797, %get3A_798] : memref<1x150x64x384xf32, #tpu.memory_space<vmem>>, vector<1x1x64x384xf32>
    %get3A_800 = vector.shape_cast %get3A_799 : vector<1x1x64x384xf32> to vector<64x384xf32>
    %exp3A_801 = math.exp %get3A_800 : vector<64x384xf32>
    %add3A_802 = arith.addf %add3A_772, %exp3A_801 : vector<64x384xf32>
    %eq3A_803 = arith.constant 53 : i32
    %eq3A_804 = vector.broadcast %eq3A_803 : i32 to vector<64x384xi32>
    %eq3A_805 = arith.cmpi eq, %get3A_3, %eq3A_804 : vector<64x384xi32>
    %jit3A_806 = arith.constant 0.000000e+00 : f32
    %broadcast_in_dim3A_807 = vector.broadcast %jit3A_806 : f32 to vector<64x384xf32>
    %select_n3A_808 = arith.select %eq3A_805, %get3A_800, %broadcast_in_dim3A_807 : vector<64x384xi1>, vector<64x384xf32>
    %add3A_809 = arith.addf %add3A_779, %select_n3A_808 : vector<64x384xf32>
    %get3A_810 = arith.constant 0 : index
    %get3A_811 = arith.constant 54 : index
    %get3A_812 = arith.constant 0 : index
    %get3A_813 = arith.constant 0 : index
    %get3A_814 = vector.load %arg2[%get3A_810, %get3A_811, %get3A_812, %get3A_813] : memref<1x150x64x384xf32, #tpu.memory_space<vmem>>, vector<1x1x64x384xf32>
    %get3A_815 = vector.shape_cast %get3A_814 : vector<1x1x64x384xf32> to vector<64x384xf32>
    %exp3A_816 = math.exp %get3A_815 : vector<64x384xf32>
    %add3A_817 = arith.addf %add3A_787, %exp3A_816 : vector<64x384xf32>
    %eq3A_818 = arith.constant 54 : i32
    %eq3A_819 = vector.broadcast %eq3A_818 : i32 to vector<64x384xi32>
    %eq3A_820 = arith.cmpi eq, %get3A_3, %eq3A_819 : vector<64x384xi32>
    %jit3A_821 = arith.constant 0.000000e+00 : f32
    %broadcast_in_dim3A_822 = vector.broadcast %jit3A_821 : f32 to vector<64x384xf32>
    %select_n3A_823 = arith.select %eq3A_820, %get3A_815, %broadcast_in_dim3A_822 : vector<64x384xi1>, vector<64x384xf32>
    %add3A_824 = arith.addf %add3A_794, %select_n3A_823 : vector<64x384xf32>
    %get3A_825 = arith.constant 0 : index
    %get3A_826 = arith.constant 55 : index
    %get3A_827 = arith.constant 0 : index
    %get3A_828 = arith.constant 0 : index
    %get3A_829 = vector.load %arg2[%get3A_825, %get3A_826, %get3A_827, %get3A_828] : memref<1x150x64x384xf32, #tpu.memory_space<vmem>>, vector<1x1x64x384xf32>
    %get3A_830 = vector.shape_cast %get3A_829 : vector<1x1x64x384xf32> to vector<64x384xf32>
    %exp3A_831 = math.exp %get3A_830 : vector<64x384xf32>
    %add3A_832 = arith.addf %add3A_802, %exp3A_831 : vector<64x384xf32>
    %eq3A_833 = arith.constant 55 : i32
    %eq3A_834 = vector.broadcast %eq3A_833 : i32 to vector<64x384xi32>
    %eq3A_835 = arith.cmpi eq, %get3A_3, %eq3A_834 : vector<64x384xi32>
    %jit3A_836 = arith.constant 0.000000e+00 : f32
    %broadcast_in_dim3A_837 = vector.broadcast %jit3A_836 : f32 to vector<64x384xf32>
    %select_n3A_838 = arith.select %eq3A_835, %get3A_830, %broadcast_in_dim3A_837 : vector<64x384xi1>, vector<64x384xf32>
    %add3A_839 = arith.addf %add3A_809, %select_n3A_838 : vector<64x384xf32>
    %get3A_840 = arith.constant 0 : index
    %get3A_841 = arith.constant 56 : index
    %get3A_842 = arith.constant 0 : index
    %get3A_843 = arith.constant 0 : index
    %get3A_844 = vector.load %arg2[%get3A_840, %get3A_841, %get3A_842, %get3A_843] : memref<1x150x64x384xf32, #tpu.memory_space<vmem>>, vector<1x1x64x384xf32>
    %get3A_845 = vector.shape_cast %get3A_844 : vector<1x1x64x384xf32> to vector<64x384xf32>
    %exp3A_846 = math.exp %get3A_845 : vector<64x384xf32>
    %add3A_847 = arith.addf %add3A_817, %exp3A_846 : vector<64x384xf32>
    %eq3A_848 = arith.constant 56 : i32
    %eq3A_849 = vector.broadcast %eq3A_848 : i32 to vector<64x384xi32>
    %eq3A_850 = arith.cmpi eq, %get3A_3, %eq3A_849 : vector<64x384xi32>
    %jit3A_851 = arith.constant 0.000000e+00 : f32
    %broadcast_in_dim3A_852 = vector.broadcast %jit3A_851 : f32 to vector<64x384xf32>
    %select_n3A_853 = arith.select %eq3A_850, %get3A_845, %broadcast_in_dim3A_852 : vector<64x384xi1>, vector<64x384xf32>
    %add3A_854 = arith.addf %add3A_824, %select_n3A_853 : vector<64x384xf32>
    %get3A_855 = arith.constant 0 : index
    %get3A_856 = arith.constant 57 : index
    %get3A_857 = arith.constant 0 : index
    %get3A_858 = arith.constant 0 : index
    %get3A_859 = vector.load %arg2[%get3A_855, %get3A_856, %get3A_857, %get3A_858] : memref<1x150x64x384xf32, #tpu.memory_space<vmem>>, vector<1x1x64x384xf32>
    %get3A_860 = vector.shape_cast %get3A_859 : vector<1x1x64x384xf32> to vector<64x384xf32>
    %exp3A_861 = math.exp %get3A_860 : vector<64x384xf32>
    %add3A_862 = arith.addf %add3A_832, %exp3A_861 : vector<64x384xf32>
    %eq3A_863 = arith.constant 57 : i32
    %eq3A_864 = vector.broadcast %eq3A_863 : i32 to vector<64x384xi32>
    %eq3A_865 = arith.cmpi eq, %get3A_3, %eq3A_864 : vector<64x384xi32>
    %jit3A_866 = arith.constant 0.000000e+00 : f32
    %broadcast_in_dim3A_867 = vector.broadcast %jit3A_866 : f32 to vector<64x384xf32>
    %select_n3A_868 = arith.select %eq3A_865, %get3A_860, %broadcast_in_dim3A_867 : vector<64x384xi1>, vector<64x384xf32>
    %add3A_869 = arith.addf %add3A_839, %select_n3A_868 : vector<64x384xf32>
    %get3A_870 = arith.constant 0 : index
    %get3A_871 = arith.constant 58 : index
    %get3A_872 = arith.constant 0 : index
    %get3A_873 = arith.constant 0 : index
    %get3A_874 = vector.load %arg2[%get3A_870, %get3A_871, %get3A_872, %get3A_873] : memref<1x150x64x384xf32, #tpu.memory_space<vmem>>, vector<1x1x64x384xf32>
    %get3A_875 = vector.shape_cast %get3A_874 : vector<1x1x64x384xf32> to vector<64x384xf32>
    %exp3A_876 = math.exp %get3A_875 : vector<64x384xf32>
    %add3A_877 = arith.addf %add3A_847, %exp3A_876 : vector<64x384xf32>
    %eq3A_878 = arith.constant 58 : i32
    %eq3A_879 = vector.broadcast %eq3A_878 : i32 to vector<64x384xi32>
    %eq3A_880 = arith.cmpi eq, %get3A_3, %eq3A_879 : vector<64x384xi32>
    %jit3A_881 = arith.constant 0.000000e+00 : f32
    %broadcast_in_dim3A_882 = vector.broadcast %jit3A_881 : f32 to vector<64x384xf32>
    %select_n3A_883 = arith.select %eq3A_880, %get3A_875, %broadcast_in_dim3A_882 : vector<64x384xi1>, vector<64x384xf32>
    %add3A_884 = arith.addf %add3A_854, %select_n3A_883 : vector<64x384xf32>
    %get3A_885 = arith.constant 0 : index
    %get3A_886 = arith.constant 59 : index
    %get3A_887 = arith.constant 0 : index
    %get3A_888 = arith.constant 0 : index
    %get3A_889 = vector.load %arg2[%get3A_885, %get3A_886, %get3A_887, %get3A_888] : memref<1x150x64x384xf32, #tpu.memory_space<vmem>>, vector<1x1x64x384xf32>
    %get3A_890 = vector.shape_cast %get3A_889 : vector<1x1x64x384xf32> to vector<64x384xf32>
    %exp3A_891 = math.exp %get3A_890 : vector<64x384xf32>
    %add3A_892 = arith.addf %add3A_862, %exp3A_891 : vector<64x384xf32>
    %eq3A_893 = arith.constant 59 : i32
    %eq3A_894 = vector.broadcast %eq3A_893 : i32 to vector<64x384xi32>
    %eq3A_895 = arith.cmpi eq, %get3A_3, %eq3A_894 : vector<64x384xi32>
    %jit3A_896 = arith.constant 0.000000e+00 : f32
    %broadcast_in_dim3A_897 = vector.broadcast %jit3A_896 : f32 to vector<64x384xf32>
    %select_n3A_898 = arith.select %eq3A_895, %get3A_890, %broadcast_in_dim3A_897 : vector<64x384xi1>, vector<64x384xf32>
    %add3A_899 = arith.addf %add3A_869, %select_n3A_898 : vector<64x384xf32>
    %get3A_900 = arith.constant 0 : index
    %get3A_901 = arith.constant 60 : index
    %get3A_902 = arith.constant 0 : index
    %get3A_903 = arith.constant 0 : index
    %get3A_904 = vector.load %arg2[%get3A_900, %get3A_901, %get3A_902, %get3A_903] : memref<1x150x64x384xf32, #tpu.memory_space<vmem>>, vector<1x1x64x384xf32>
    %get3A_905 = vector.shape_cast %get3A_904 : vector<1x1x64x384xf32> to vector<64x384xf32>
    %exp3A_906 = math.exp %get3A_905 : vector<64x384xf32>
    %add3A_907 = arith.addf %add3A_877, %exp3A_906 : vector<64x384xf32>
    %eq3A_908 = arith.constant 60 : i32
    %eq3A_909 = vector.broadcast %eq3A_908 : i32 to vector<64x384xi32>
    %eq3A_910 = arith.cmpi eq, %get3A_3, %eq3A_909 : vector<64x384xi32>
    %jit3A_911 = arith.constant 0.000000e+00 : f32
    %broadcast_in_dim3A_912 = vector.broadcast %jit3A_911 : f32 to vector<64x384xf32>
    %select_n3A_913 = arith.select %eq3A_910, %get3A_905, %broadcast_in_dim3A_912 : vector<64x384xi1>, vector<64x384xf32>
    %add3A_914 = arith.addf %add3A_884, %select_n3A_913 : vector<64x384xf32>
    %get3A_915 = arith.constant 0 : index
    %get3A_916 = arith.constant 61 : index
    %get3A_917 = arith.constant 0 : index
    %get3A_918 = arith.constant 0 : index
    %get3A_919 = vector.load %arg2[%get3A_915, %get3A_916, %get3A_917, %get3A_918] : memref<1x150x64x384xf32, #tpu.memory_space<vmem>>, vector<1x1x64x384xf32>
    %get3A_920 = vector.shape_cast %get3A_919 : vector<1x1x64x384xf32> to vector<64x384xf32>
    %exp3A_921 = math.exp %get3A_920 : vector<64x384xf32>
    %add3A_922 = arith.addf %add3A_892, %exp3A_921 : vector<64x384xf32>
    %eq3A_923 = arith.constant 61 : i32
    %eq3A_924 = vector.broadcast %eq3A_923 : i32 to vector<64x384xi32>
    %eq3A_925 = arith.cmpi eq, %get3A_3, %eq3A_924 : vector<64x384xi32>
    %jit3A_926 = arith.constant 0.000000e+00 : f32
    %broadcast_in_dim3A_927 = vector.broadcast %jit3A_926 : f32 to vector<64x384xf32>
    %select_n3A_928 = arith.select %eq3A_925, %get3A_920, %broadcast_in_dim3A_927 : vector<64x384xi1>, vector<64x384xf32>
    %add3A_929 = arith.addf %add3A_899, %select_n3A_928 : vector<64x384xf32>
    %get3A_930 = arith.constant 0 : index
    %get3A_931 = arith.constant 62 : index
    %get3A_932 = arith.constant 0 : index
    %get3A_933 = arith.constant 0 : index
    %get3A_934 = vector.load %arg2[%get3A_930, %get3A_931, %get3A_932, %get3A_933] : memref<1x150x64x384xf32, #tpu.memory_space<vmem>>, vector<1x1x64x384xf32>
    %get3A_935 = vector.shape_cast %get3A_934 : vector<1x1x64x384xf32> to vector<64x384xf32>
    %exp3A_936 = math.exp %get3A_935 : vector<64x384xf32>
    %add3A_937 = arith.addf %add3A_907, %exp3A_936 : vector<64x384xf32>
    %eq3A_938 = arith.constant 62 : i32
    %eq3A_939 = vector.broadcast %eq3A_938 : i32 to vector<64x384xi32>
    %eq3A_940 = arith.cmpi eq, %get3A_3, %eq3A_939 : vector<64x384xi32>
    %jit3A_941 = arith.constant 0.000000e+00 : f32
    %broadcast_in_dim3A_942 = vector.broadcast %jit3A_941 : f32 to vector<64x384xf32>
    %select_n3A_943 = arith.select %eq3A_940, %get3A_935, %broadcast_in_dim3A_942 : vector<64x384xi1>, vector<64x384xf32>
    %add3A_944 = arith.addf %add3A_914, %select_n3A_943 : vector<64x384xf32>
    %get3A_945 = arith.constant 0 : index
    %get3A_946 = arith.constant 63 : index
    %get3A_947 = arith.constant 0 : index
    %get3A_948 = arith.constant 0 : index
    %get3A_949 = vector.load %arg2[%get3A_945, %get3A_946, %get3A_947, %get3A_948] : memref<1x150x64x384xf32, #tpu.memory_space<vmem>>, vector<1x1x64x384xf32>
    %get3A_950 = vector.shape_cast %get3A_949 : vector<1x1x64x384xf32> to vector<64x384xf32>
    %exp3A_951 = math.exp %get3A_950 : vector<64x384xf32>
    %add3A_952 = arith.addf %add3A_922, %exp3A_951 : vector<64x384xf32>
    %eq3A_953 = arith.constant 63 : i32
    %eq3A_954 = vector.broadcast %eq3A_953 : i32 to vector<64x384xi32>
    %eq3A_955 = arith.cmpi eq, %get3A_3, %eq3A_954 : vector<64x384xi32>
    %jit3A_956 = arith.constant 0.000000e+00 : f32
    %broadcast_in_dim3A_957 = vector.broadcast %jit3A_956 : f32 to vector<64x384xf32>
    %select_n3A_958 = arith.select %eq3A_955, %get3A_950, %broadcast_in_dim3A_957 : vector<64x384xi1>, vector<64x384xf32>
    %add3A_959 = arith.addf %add3A_929, %select_n3A_958 : vector<64x384xf32>
    %get3A_960 = arith.constant 0 : index
    %get3A_961 = arith.constant 64 : index
    %get3A_962 = arith.constant 0 : index
    %get3A_963 = arith.constant 0 : index
    %get3A_964 = vector.load %arg2[%get3A_960, %get3A_961, %get3A_962, %get3A_963] : memref<1x150x64x384xf32, #tpu.memory_space<vmem>>, vector<1x1x64x384xf32>
    %get3A_965 = vector.shape_cast %get3A_964 : vector<1x1x64x384xf32> to vector<64x384xf32>
    %exp3A_966 = math.exp %get3A_965 : vector<64x384xf32>
    %add3A_967 = arith.addf %add3A_937, %exp3A_966 : vector<64x384xf32>
    %eq3A_968 = arith.constant 64 : i32
    %eq3A_969 = vector.broadcast %eq3A_968 : i32 to vector<64x384xi32>
    %eq3A_970 = arith.cmpi eq, %get3A_3, %eq3A_969 : vector<64x384xi32>
    %jit3A_971 = arith.constant 0.000000e+00 : f32
    %broadcast_in_dim3A_972 = vector.broadcast %jit3A_971 : f32 to vector<64x384xf32>
    %select_n3A_973 = arith.select %eq3A_970, %get3A_965, %broadcast_in_dim3A_972 : vector<64x384xi1>, vector<64x384xf32>
    %add3A_974 = arith.addf %add3A_944, %select_n3A_973 : vector<64x384xf32>
    %get3A_975 = arith.constant 0 : index
    %get3A_976 = arith.constant 65 : index
    %get3A_977 = arith.constant 0 : index
    %get3A_978 = arith.constant 0 : index
    %get3A_979 = vector.load %arg2[%get3A_975, %get3A_976, %get3A_977, %get3A_978] : memref<1x150x64x384xf32, #tpu.memory_space<vmem>>, vector<1x1x64x384xf32>
    %get3A_980 = vector.shape_cast %get3A_979 : vector<1x1x64x384xf32> to vector<64x384xf32>
    %exp3A_981 = math.exp %get3A_980 : vector<64x384xf32>
    %add3A_982 = arith.addf %add3A_952, %exp3A_981 : vector<64x384xf32>
    %eq3A_983 = arith.constant 65 : i32
    %eq3A_984 = vector.broadcast %eq3A_983 : i32 to vector<64x384xi32>
    %eq3A_985 = arith.cmpi eq, %get3A_3, %eq3A_984 : vector<64x384xi32>
    %jit3A_986 = arith.constant 0.000000e+00 : f32
    %broadcast_in_dim3A_987 = vector.broadcast %jit3A_986 : f32 to vector<64x384xf32>
    %select_n3A_988 = arith.select %eq3A_985, %get3A_980, %broadcast_in_dim3A_987 : vector<64x384xi1>, vector<64x384xf32>
    %add3A_989 = arith.addf %add3A_959, %select_n3A_988 : vector<64x384xf32>
    %get3A_990 = arith.constant 0 : index
    %get3A_991 = arith.constant 66 : index
    %get3A_992 = arith.constant 0 : index
    %get3A_993 = arith.constant 0 : index
    %get3A_994 = vector.load %arg2[%get3A_990, %get3A_991, %get3A_992, %get3A_993] : memref<1x150x64x384xf32, #tpu.memory_space<vmem>>, vector<1x1x64x384xf32>
    %get3A_995 = vector.shape_cast %get3A_994 : vector<1x1x64x384xf32> to vector<64x384xf32>
    %exp3A_996 = math.exp %get3A_995 : vector<64x384xf32>
    %add3A_997 = arith.addf %add3A_967, %exp3A_996 : vector<64x384xf32>
    %eq3A_998 = arith.constant 66 : i32
    %eq3A_999 = vector.broadcast %eq3A_998 : i32 to vector<64x384xi32>
    %eq3A_1000 = arith.cmpi eq, %get3A_3, %eq3A_999 : vector<64x384xi32>
    %jit3A_1001 = arith.constant 0.000000e+00 : f32
    %broadcast_in_dim3A_1002 = vector.broadcast %jit3A_1001 : f32 to vector<64x384xf32>
    %select_n3A_1003 = arith.select %eq3A_1000, %get3A_995, %broadcast_in_dim3A_1002 : vector<64x384xi1>, vector<64x384xf32>
    %add3A_1004 = arith.addf %add3A_974, %select_n3A_1003 : vector<64x384xf32>
    %get3A_1005 = arith.constant 0 : index
    %get3A_1006 = arith.constant 67 : index
    %get3A_1007 = arith.constant 0 : index
    %get3A_1008 = arith.constant 0 : index
    %get3A_1009 = vector.load %arg2[%get3A_1005, %get3A_1006, %get3A_1007, %get3A_1008] : memref<1x150x64x384xf32, #tpu.memory_space<vmem>>, vector<1x1x64x384xf32>
    %get3A_1010 = vector.shape_cast %get3A_1009 : vector<1x1x64x384xf32> to vector<64x384xf32>
    %exp3A_1011 = math.exp %get3A_1010 : vector<64x384xf32>
    %add3A_1012 = arith.addf %add3A_982, %exp3A_1011 : vector<64x384xf32>
    %eq3A_1013 = arith.constant 67 : i32
    %eq3A_1014 = vector.broadcast %eq3A_1013 : i32 to vector<64x384xi32>
    %eq3A_1015 = arith.cmpi eq, %get3A_3, %eq3A_1014 : vector<64x384xi32>
    %jit3A_1016 = arith.constant 0.000000e+00 : f32
    %broadcast_in_dim3A_1017 = vector.broadcast %jit3A_1016 : f32 to vector<64x384xf32>
    %select_n3A_1018 = arith.select %eq3A_1015, %get3A_1010, %broadcast_in_dim3A_1017 : vector<64x384xi1>, vector<64x384xf32>
    %add3A_1019 = arith.addf %add3A_989, %select_n3A_1018 : vector<64x384xf32>
    %get3A_1020 = arith.constant 0 : index
    %get3A_1021 = arith.constant 68 : index
    %get3A_1022 = arith.constant 0 : index
    %get3A_1023 = arith.constant 0 : index
    %get3A_1024 = vector.load %arg2[%get3A_1020, %get3A_1021, %get3A_1022, %get3A_1023] : memref<1x150x64x384xf32, #tpu.memory_space<vmem>>, vector<1x1x64x384xf32>
    %get3A_1025 = vector.shape_cast %get3A_1024 : vector<1x1x64x384xf32> to vector<64x384xf32>
    %exp3A_1026 = math.exp %get3A_1025 : vector<64x384xf32>
    %add3A_1027 = arith.addf %add3A_997, %exp3A_1026 : vector<64x384xf32>
    %eq3A_1028 = arith.constant 68 : i32
    %eq3A_1029 = vector.broadcast %eq3A_1028 : i32 to vector<64x384xi32>
    %eq3A_1030 = arith.cmpi eq, %get3A_3, %eq3A_1029 : vector<64x384xi32>
    %jit3A_1031 = arith.constant 0.000000e+00 : f32
    %broadcast_in_dim3A_1032 = vector.broadcast %jit3A_1031 : f32 to vector<64x384xf32>
    %select_n3A_1033 = arith.select %eq3A_1030, %get3A_1025, %broadcast_in_dim3A_1032 : vector<64x384xi1>, vector<64x384xf32>
    %add3A_1034 = arith.addf %add3A_1004, %select_n3A_1033 : vector<64x384xf32>
    %get3A_1035 = arith.constant 0 : index
    %get3A_1036 = arith.constant 69 : index
    %get3A_1037 = arith.constant 0 : index
    %get3A_1038 = arith.constant 0 : index
    %get3A_1039 = vector.load %arg2[%get3A_1035, %get3A_1036, %get3A_1037, %get3A_1038] : memref<1x150x64x384xf32, #tpu.memory_space<vmem>>, vector<1x1x64x384xf32>
    %get3A_1040 = vector.shape_cast %get3A_1039 : vector<1x1x64x384xf32> to vector<64x384xf32>
    %exp3A_1041 = math.exp %get3A_1040 : vector<64x384xf32>
    %add3A_1042 = arith.addf %add3A_1012, %exp3A_1041 : vector<64x384xf32>
    %eq3A_1043 = arith.constant 69 : i32
    %eq3A_1044 = vector.broadcast %eq3A_1043 : i32 to vector<64x384xi32>
    %eq3A_1045 = arith.cmpi eq, %get3A_3, %eq3A_1044 : vector<64x384xi32>
    %jit3A_1046 = arith.constant 0.000000e+00 : f32
    %broadcast_in_dim3A_1047 = vector.broadcast %jit3A_1046 : f32 to vector<64x384xf32>
    %select_n3A_1048 = arith.select %eq3A_1045, %get3A_1040, %broadcast_in_dim3A_1047 : vector<64x384xi1>, vector<64x384xf32>
    %add3A_1049 = arith.addf %add3A_1019, %select_n3A_1048 : vector<64x384xf32>
    %get3A_1050 = arith.constant 0 : index
    %get3A_1051 = arith.constant 70 : index
    %get3A_1052 = arith.constant 0 : index
    %get3A_1053 = arith.constant 0 : index
    %get3A_1054 = vector.load %arg2[%get3A_1050, %get3A_1051, %get3A_1052, %get3A_1053] : memref<1x150x64x384xf32, #tpu.memory_space<vmem>>, vector<1x1x64x384xf32>
    %get3A_1055 = vector.shape_cast %get3A_1054 : vector<1x1x64x384xf32> to vector<64x384xf32>
    %exp3A_1056 = math.exp %get3A_1055 : vector<64x384xf32>
    %add3A_1057 = arith.addf %add3A_1027, %exp3A_1056 : vector<64x384xf32>
    %eq3A_1058 = arith.constant 70 : i32
    %eq3A_1059 = vector.broadcast %eq3A_1058 : i32 to vector<64x384xi32>
    %eq3A_1060 = arith.cmpi eq, %get3A_3, %eq3A_1059 : vector<64x384xi32>
    %jit3A_1061 = arith.constant 0.000000e+00 : f32
    %broadcast_in_dim3A_1062 = vector.broadcast %jit3A_1061 : f32 to vector<64x384xf32>
    %select_n3A_1063 = arith.select %eq3A_1060, %get3A_1055, %broadcast_in_dim3A_1062 : vector<64x384xi1>, vector<64x384xf32>
    %add3A_1064 = arith.addf %add3A_1034, %select_n3A_1063 : vector<64x384xf32>
    %get3A_1065 = arith.constant 0 : index
    %get3A_1066 = arith.constant 71 : index
    %get3A_1067 = arith.constant 0 : index
    %get3A_1068 = arith.constant 0 : index
    %get3A_1069 = vector.load %arg2[%get3A_1065, %get3A_1066, %get3A_1067, %get3A_1068] : memref<1x150x64x384xf32, #tpu.memory_space<vmem>>, vector<1x1x64x384xf32>
    %get3A_1070 = vector.shape_cast %get3A_1069 : vector<1x1x64x384xf32> to vector<64x384xf32>
    %exp3A_1071 = math.exp %get3A_1070 : vector<64x384xf32>
    %add3A_1072 = arith.addf %add3A_1042, %exp3A_1071 : vector<64x384xf32>
    %eq3A_1073 = arith.constant 71 : i32
    %eq3A_1074 = vector.broadcast %eq3A_1073 : i32 to vector<64x384xi32>
    %eq3A_1075 = arith.cmpi eq, %get3A_3, %eq3A_1074 : vector<64x384xi32>
    %jit3A_1076 = arith.constant 0.000000e+00 : f32
    %broadcast_in_dim3A_1077 = vector.broadcast %jit3A_1076 : f32 to vector<64x384xf32>
    %select_n3A_1078 = arith.select %eq3A_1075, %get3A_1070, %broadcast_in_dim3A_1077 : vector<64x384xi1>, vector<64x384xf32>
    %add3A_1079 = arith.addf %add3A_1049, %select_n3A_1078 : vector<64x384xf32>
    %get3A_1080 = arith.constant 0 : index
    %get3A_1081 = arith.constant 72 : index
    %get3A_1082 = arith.constant 0 : index
    %get3A_1083 = arith.constant 0 : index
    %get3A_1084 = vector.load %arg2[%get3A_1080, %get3A_1081, %get3A_1082, %get3A_1083] : memref<1x150x64x384xf32, #tpu.memory_space<vmem>>, vector<1x1x64x384xf32>
    %get3A_1085 = vector.shape_cast %get3A_1084 : vector<1x1x64x384xf32> to vector<64x384xf32>
    %exp3A_1086 = math.exp %get3A_1085 : vector<64x384xf32>
    %add3A_1087 = arith.addf %add3A_1057, %exp3A_1086 : vector<64x384xf32>
    %eq3A_1088 = arith.constant 72 : i32
    %eq3A_1089 = vector.broadcast %eq3A_1088 : i32 to vector<64x384xi32>
    %eq3A_1090 = arith.cmpi eq, %get3A_3, %eq3A_1089 : vector<64x384xi32>
    %jit3A_1091 = arith.constant 0.000000e+00 : f32
    %broadcast_in_dim3A_1092 = vector.broadcast %jit3A_1091 : f32 to vector<64x384xf32>
    %select_n3A_1093 = arith.select %eq3A_1090, %get3A_1085, %broadcast_in_dim3A_1092 : vector<64x384xi1>, vector<64x384xf32>
    %add3A_1094 = arith.addf %add3A_1064, %select_n3A_1093 : vector<64x384xf32>
    %get3A_1095 = arith.constant 0 : index
    %get3A_1096 = arith.constant 73 : index
    %get3A_1097 = arith.constant 0 : index
    %get3A_1098 = arith.constant 0 : index
    %get3A_1099 = vector.load %arg2[%get3A_1095, %get3A_1096, %get3A_1097, %get3A_1098] : memref<1x150x64x384xf32, #tpu.memory_space<vmem>>, vector<1x1x64x384xf32>
    %get3A_1100 = vector.shape_cast %get3A_1099 : vector<1x1x64x384xf32> to vector<64x384xf32>
    %exp3A_1101 = math.exp %get3A_1100 : vector<64x384xf32>
    %add3A_1102 = arith.addf %add3A_1072, %exp3A_1101 : vector<64x384xf32>
    %eq3A_1103 = arith.constant 73 : i32
    %eq3A_1104 = vector.broadcast %eq3A_1103 : i32 to vector<64x384xi32>
    %eq3A_1105 = arith.cmpi eq, %get3A_3, %eq3A_1104 : vector<64x384xi32>
    %jit3A_1106 = arith.constant 0.000000e+00 : f32
    %broadcast_in_dim3A_1107 = vector.broadcast %jit3A_1106 : f32 to vector<64x384xf32>
    %select_n3A_1108 = arith.select %eq3A_1105, %get3A_1100, %broadcast_in_dim3A_1107 : vector<64x384xi1>, vector<64x384xf32>
    %add3A_1109 = arith.addf %add3A_1079, %select_n3A_1108 : vector<64x384xf32>
    %get3A_1110 = arith.constant 0 : index
    %get3A_1111 = arith.constant 74 : index
    %get3A_1112 = arith.constant 0 : index
    %get3A_1113 = arith.constant 0 : index
    %get3A_1114 = vector.load %arg2[%get3A_1110, %get3A_1111, %get3A_1112, %get3A_1113] : memref<1x150x64x384xf32, #tpu.memory_space<vmem>>, vector<1x1x64x384xf32>
    %get3A_1115 = vector.shape_cast %get3A_1114 : vector<1x1x64x384xf32> to vector<64x384xf32>
    %exp3A_1116 = math.exp %get3A_1115 : vector<64x384xf32>
    %add3A_1117 = arith.addf %add3A_1087, %exp3A_1116 : vector<64x384xf32>
    %eq3A_1118 = arith.constant 74 : i32
    %eq3A_1119 = vector.broadcast %eq3A_1118 : i32 to vector<64x384xi32>
    %eq3A_1120 = arith.cmpi eq, %get3A_3, %eq3A_1119 : vector<64x384xi32>
    %jit3A_1121 = arith.constant 0.000000e+00 : f32
    %broadcast_in_dim3A_1122 = vector.broadcast %jit3A_1121 : f32 to vector<64x384xf32>
    %select_n3A_1123 = arith.select %eq3A_1120, %get3A_1115, %broadcast_in_dim3A_1122 : vector<64x384xi1>, vector<64x384xf32>
    %add3A_1124 = arith.addf %add3A_1094, %select_n3A_1123 : vector<64x384xf32>
    %get3A_1125 = arith.constant 0 : index
    %get3A_1126 = arith.constant 75 : index
    %get3A_1127 = arith.constant 0 : index
    %get3A_1128 = arith.constant 0 : index
    %get3A_1129 = vector.load %arg2[%get3A_1125, %get3A_1126, %get3A_1127, %get3A_1128] : memref<1x150x64x384xf32, #tpu.memory_space<vmem>>, vector<1x1x64x384xf32>
    %get3A_1130 = vector.shape_cast %get3A_1129 : vector<1x1x64x384xf32> to vector<64x384xf32>
    %exp3A_1131 = math.exp %get3A_1130 : vector<64x384xf32>
    %add3A_1132 = arith.addf %add3A_1102, %exp3A_1131 : vector<64x384xf32>
    %eq3A_1133 = arith.constant 75 : i32
    %eq3A_1134 = vector.broadcast %eq3A_1133 : i32 to vector<64x384xi32>
    %eq3A_1135 = arith.cmpi eq, %get3A_3, %eq3A_1134 : vector<64x384xi32>
    %jit3A_1136 = arith.constant 0.000000e+00 : f32
    %broadcast_in_dim3A_1137 = vector.broadcast %jit3A_1136 : f32 to vector<64x384xf32>
    %select_n3A_1138 = arith.select %eq3A_1135, %get3A_1130, %broadcast_in_dim3A_1137 : vector<64x384xi1>, vector<64x384xf32>
    %add3A_1139 = arith.addf %add3A_1109, %select_n3A_1138 : vector<64x384xf32>
    %get3A_1140 = arith.constant 0 : index
    %get3A_1141 = arith.constant 76 : index
    %get3A_1142 = arith.constant 0 : index
    %get3A_1143 = arith.constant 0 : index
    %get3A_1144 = vector.load %arg2[%get3A_1140, %get3A_1141, %get3A_1142, %get3A_1143] : memref<1x150x64x384xf32, #tpu.memory_space<vmem>>, vector<1x1x64x384xf32>
    %get3A_1145 = vector.shape_cast %get3A_1144 : vector<1x1x64x384xf32> to vector<64x384xf32>
    %exp3A_1146 = math.exp %get3A_1145 : vector<64x384xf32>
    %add3A_1147 = arith.addf %add3A_1117, %exp3A_1146 : vector<64x384xf32>
    %eq3A_1148 = arith.constant 76 : i32
    %eq3A_1149 = vector.broadcast %eq3A_1148 : i32 to vector<64x384xi32>
    %eq3A_1150 = arith.cmpi eq, %get3A_3, %eq3A_1149 : vector<64x384xi32>
    %jit3A_1151 = arith.constant 0.000000e+00 : f32
    %broadcast_in_dim3A_1152 = vector.broadcast %jit3A_1151 : f32 to vector<64x384xf32>
    %select_n3A_1153 = arith.select %eq3A_1150, %get3A_1145, %broadcast_in_dim3A_1152 : vector<64x384xi1>, vector<64x384xf32>
    %add3A_1154 = arith.addf %add3A_1124, %select_n3A_1153 : vector<64x384xf32>
    %get3A_1155 = arith.constant 0 : index
    %get3A_1156 = arith.constant 77 : index
    %get3A_1157 = arith.constant 0 : index
    %get3A_1158 = arith.constant 0 : index
    %get3A_1159 = vector.load %arg2[%get3A_1155, %get3A_1156, %get3A_1157, %get3A_1158] : memref<1x150x64x384xf32, #tpu.memory_space<vmem>>, vector<1x1x64x384xf32>
    %get3A_1160 = vector.shape_cast %get3A_1159 : vector<1x1x64x384xf32> to vector<64x384xf32>
    %exp3A_1161 = math.exp %get3A_1160 : vector<64x384xf32>
    %add3A_1162 = arith.addf %add3A_1132, %exp3A_1161 : vector<64x384xf32>
    %eq3A_1163 = arith.constant 77 : i32
    %eq3A_1164 = vector.broadcast %eq3A_1163 : i32 to vector<64x384xi32>
    %eq3A_1165 = arith.cmpi eq, %get3A_3, %eq3A_1164 : vector<64x384xi32>
    %jit3A_1166 = arith.constant 0.000000e+00 : f32
    %broadcast_in_dim3A_1167 = vector.broadcast %jit3A_1166 : f32 to vector<64x384xf32>
    %select_n3A_1168 = arith.select %eq3A_1165, %get3A_1160, %broadcast_in_dim3A_1167 : vector<64x384xi1>, vector<64x384xf32>
    %add3A_1169 = arith.addf %add3A_1139, %select_n3A_1168 : vector<64x384xf32>
    %get3A_1170 = arith.constant 0 : index
    %get3A_1171 = arith.constant 78 : index
    %get3A_1172 = arith.constant 0 : index
    %get3A_1173 = arith.constant 0 : index
    %get3A_1174 = vector.load %arg2[%get3A_1170, %get3A_1171, %get3A_1172, %get3A_1173] : memref<1x150x64x384xf32, #tpu.memory_space<vmem>>, vector<1x1x64x384xf32>
    %get3A_1175 = vector.shape_cast %get3A_1174 : vector<1x1x64x384xf32> to vector<64x384xf32>
    %exp3A_1176 = math.exp %get3A_1175 : vector<64x384xf32>
    %add3A_1177 = arith.addf %add3A_1147, %exp3A_1176 : vector<64x384xf32>
    %eq3A_1178 = arith.constant 78 : i32
    %eq3A_1179 = vector.broadcast %eq3A_1178 : i32 to vector<64x384xi32>
    %eq3A_1180 = arith.cmpi eq, %get3A_3, %eq3A_1179 : vector<64x384xi32>
    %jit3A_1181 = arith.constant 0.000000e+00 : f32
    %broadcast_in_dim3A_1182 = vector.broadcast %jit3A_1181 : f32 to vector<64x384xf32>
    %select_n3A_1183 = arith.select %eq3A_1180, %get3A_1175, %broadcast_in_dim3A_1182 : vector<64x384xi1>, vector<64x384xf32>
    %add3A_1184 = arith.addf %add3A_1154, %select_n3A_1183 : vector<64x384xf32>
    %get3A_1185 = arith.constant 0 : index
    %get3A_1186 = arith.constant 79 : index
    %get3A_1187 = arith.constant 0 : index
    %get3A_1188 = arith.constant 0 : index
    %get3A_1189 = vector.load %arg2[%get3A_1185, %get3A_1186, %get3A_1187, %get3A_1188] : memref<1x150x64x384xf32, #tpu.memory_space<vmem>>, vector<1x1x64x384xf32>
    %get3A_1190 = vector.shape_cast %get3A_1189 : vector<1x1x64x384xf32> to vector<64x384xf32>
    %exp3A_1191 = math.exp %get3A_1190 : vector<64x384xf32>
    %add3A_1192 = arith.addf %add3A_1162, %exp3A_1191 : vector<64x384xf32>
    %eq3A_1193 = arith.constant 79 : i32
    %eq3A_1194 = vector.broadcast %eq3A_1193 : i32 to vector<64x384xi32>
    %eq3A_1195 = arith.cmpi eq, %get3A_3, %eq3A_1194 : vector<64x384xi32>
    %jit3A_1196 = arith.constant 0.000000e+00 : f32
    %broadcast_in_dim3A_1197 = vector.broadcast %jit3A_1196 : f32 to vector<64x384xf32>
    %select_n3A_1198 = arith.select %eq3A_1195, %get3A_1190, %broadcast_in_dim3A_1197 : vector<64x384xi1>, vector<64x384xf32>
    %add3A_1199 = arith.addf %add3A_1169, %select_n3A_1198 : vector<64x384xf32>
    %get3A_1200 = arith.constant 0 : index
    %get3A_1201 = arith.constant 80 : index
    %get3A_1202 = arith.constant 0 : index
    %get3A_1203 = arith.constant 0 : index
    %get3A_1204 = vector.load %arg2[%get3A_1200, %get3A_1201, %get3A_1202, %get3A_1203] : memref<1x150x64x384xf32, #tpu.memory_space<vmem>>, vector<1x1x64x384xf32>
    %get3A_1205 = vector.shape_cast %get3A_1204 : vector<1x1x64x384xf32> to vector<64x384xf32>
    %exp3A_1206 = math.exp %get3A_1205 : vector<64x384xf32>
    %add3A_1207 = arith.addf %add3A_1177, %exp3A_1206 : vector<64x384xf32>
    %eq3A_1208 = arith.constant 80 : i32
    %eq3A_1209 = vector.broadcast %eq3A_1208 : i32 to vector<64x384xi32>
    %eq3A_1210 = arith.cmpi eq, %get3A_3, %eq3A_1209 : vector<64x384xi32>
    %jit3A_1211 = arith.constant 0.000000e+00 : f32
    %broadcast_in_dim3A_1212 = vector.broadcast %jit3A_1211 : f32 to vector<64x384xf32>
    %select_n3A_1213 = arith.select %eq3A_1210, %get3A_1205, %broadcast_in_dim3A_1212 : vector<64x384xi1>, vector<64x384xf32>
    %add3A_1214 = arith.addf %add3A_1184, %select_n3A_1213 : vector<64x384xf32>
    %get3A_1215 = arith.constant 0 : index
    %get3A_1216 = arith.constant 81 : index
    %get3A_1217 = arith.constant 0 : index
    %get3A_1218 = arith.constant 0 : index
    %get3A_1219 = vector.load %arg2[%get3A_1215, %get3A_1216, %get3A_1217, %get3A_1218] : memref<1x150x64x384xf32, #tpu.memory_space<vmem>>, vector<1x1x64x384xf32>
    %get3A_1220 = vector.shape_cast %get3A_1219 : vector<1x1x64x384xf32> to vector<64x384xf32>
    %exp3A_1221 = math.exp %get3A_1220 : vector<64x384xf32>
    %add3A_1222 = arith.addf %add3A_1192, %exp3A_1221 : vector<64x384xf32>
    %eq3A_1223 = arith.constant 81 : i32
    %eq3A_1224 = vector.broadcast %eq3A_1223 : i32 to vector<64x384xi32>
    %eq3A_1225 = arith.cmpi eq, %get3A_3, %eq3A_1224 : vector<64x384xi32>
    %jit3A_1226 = arith.constant 0.000000e+00 : f32
    %broadcast_in_dim3A_1227 = vector.broadcast %jit3A_1226 : f32 to vector<64x384xf32>
    %select_n3A_1228 = arith.select %eq3A_1225, %get3A_1220, %broadcast_in_dim3A_1227 : vector<64x384xi1>, vector<64x384xf32>
    %add3A_1229 = arith.addf %add3A_1199, %select_n3A_1228 : vector<64x384xf32>
    %get3A_1230 = arith.constant 0 : index
    %get3A_1231 = arith.constant 82 : index
    %get3A_1232 = arith.constant 0 : index
    %get3A_1233 = arith.constant 0 : index
    %get3A_1234 = vector.load %arg2[%get3A_1230, %get3A_1231, %get3A_1232, %get3A_1233] : memref<1x150x64x384xf32, #tpu.memory_space<vmem>>, vector<1x1x64x384xf32>
    %get3A_1235 = vector.shape_cast %get3A_1234 : vector<1x1x64x384xf32> to vector<64x384xf32>
    %exp3A_1236 = math.exp %get3A_1235 : vector<64x384xf32>
    %add3A_1237 = arith.addf %add3A_1207, %exp3A_1236 : vector<64x384xf32>
    %eq3A_1238 = arith.constant 82 : i32
    %eq3A_1239 = vector.broadcast %eq3A_1238 : i32 to vector<64x384xi32>
    %eq3A_1240 = arith.cmpi eq, %get3A_3, %eq3A_1239 : vector<64x384xi32>
    %jit3A_1241 = arith.constant 0.000000e+00 : f32
    %broadcast_in_dim3A_1242 = vector.broadcast %jit3A_1241 : f32 to vector<64x384xf32>
    %select_n3A_1243 = arith.select %eq3A_1240, %get3A_1235, %broadcast_in_dim3A_1242 : vector<64x384xi1>, vector<64x384xf32>
    %add3A_1244 = arith.addf %add3A_1214, %select_n3A_1243 : vector<64x384xf32>
    %get3A_1245 = arith.constant 0 : index
    %get3A_1246 = arith.constant 83 : index
    %get3A_1247 = arith.constant 0 : index
    %get3A_1248 = arith.constant 0 : index
    %get3A_1249 = vector.load %arg2[%get3A_1245, %get3A_1246, %get3A_1247, %get3A_1248] : memref<1x150x64x384xf32, #tpu.memory_space<vmem>>, vector<1x1x64x384xf32>
    %get3A_1250 = vector.shape_cast %get3A_1249 : vector<1x1x64x384xf32> to vector<64x384xf32>
    %exp3A_1251 = math.exp %get3A_1250 : vector<64x384xf32>
    %add3A_1252 = arith.addf %add3A_1222, %exp3A_1251 : vector<64x384xf32>
    %eq3A_1253 = arith.constant 83 : i32
    %eq3A_1254 = vector.broadcast %eq3A_1253 : i32 to vector<64x384xi32>
    %eq3A_1255 = arith.cmpi eq, %get3A_3, %eq3A_1254 : vector<64x384xi32>
    %jit3A_1256 = arith.constant 0.000000e+00 : f32
    %broadcast_in_dim3A_1257 = vector.broadcast %jit3A_1256 : f32 to vector<64x384xf32>
    %select_n3A_1258 = arith.select %eq3A_1255, %get3A_1250, %broadcast_in_dim3A_1257 : vector<64x384xi1>, vector<64x384xf32>
    %add3A_1259 = arith.addf %add3A_1229, %select_n3A_1258 : vector<64x384xf32>
    %get3A_1260 = arith.constant 0 : index
    %get3A_1261 = arith.constant 84 : index
    %get3A_1262 = arith.constant 0 : index
    %get3A_1263 = arith.constant 0 : index
    %get3A_1264 = vector.load %arg2[%get3A_1260, %get3A_1261, %get3A_1262, %get3A_1263] : memref<1x150x64x384xf32, #tpu.memory_space<vmem>>, vector<1x1x64x384xf32>
    %get3A_1265 = vector.shape_cast %get3A_1264 : vector<1x1x64x384xf32> to vector<64x384xf32>
    %exp3A_1266 = math.exp %get3A_1265 : vector<64x384xf32>
    %add3A_1267 = arith.addf %add3A_1237, %exp3A_1266 : vector<64x384xf32>
    %eq3A_1268 = arith.constant 84 : i32
    %eq3A_1269 = vector.broadcast %eq3A_1268 : i32 to vector<64x384xi32>
    %eq3A_1270 = arith.cmpi eq, %get3A_3, %eq3A_1269 : vector<64x384xi32>
    %jit3A_1271 = arith.constant 0.000000e+00 : f32
    %broadcast_in_dim3A_1272 = vector.broadcast %jit3A_1271 : f32 to vector<64x384xf32>
    %select_n3A_1273 = arith.select %eq3A_1270, %get3A_1265, %broadcast_in_dim3A_1272 : vector<64x384xi1>, vector<64x384xf32>
    %add3A_1274 = arith.addf %add3A_1244, %select_n3A_1273 : vector<64x384xf32>
    %get3A_1275 = arith.constant 0 : index
    %get3A_1276 = arith.constant 85 : index
    %get3A_1277 = arith.constant 0 : index
    %get3A_1278 = arith.constant 0 : index
    %get3A_1279 = vector.load %arg2[%get3A_1275, %get3A_1276, %get3A_1277, %get3A_1278] : memref<1x150x64x384xf32, #tpu.memory_space<vmem>>, vector<1x1x64x384xf32>
    %get3A_1280 = vector.shape_cast %get3A_1279 : vector<1x1x64x384xf32> to vector<64x384xf32>
    %exp3A_1281 = math.exp %get3A_1280 : vector<64x384xf32>
    %add3A_1282 = arith.addf %add3A_1252, %exp3A_1281 : vector<64x384xf32>
    %eq3A_1283 = arith.constant 85 : i32
    %eq3A_1284 = vector.broadcast %eq3A_1283 : i32 to vector<64x384xi32>
    %eq3A_1285 = arith.cmpi eq, %get3A_3, %eq3A_1284 : vector<64x384xi32>
    %jit3A_1286 = arith.constant 0.000000e+00 : f32
    %broadcast_in_dim3A_1287 = vector.broadcast %jit3A_1286 : f32 to vector<64x384xf32>
    %select_n3A_1288 = arith.select %eq3A_1285, %get3A_1280, %broadcast_in_dim3A_1287 : vector<64x384xi1>, vector<64x384xf32>
    %add3A_1289 = arith.addf %add3A_1259, %select_n3A_1288 : vector<64x384xf32>
    %get3A_1290 = arith.constant 0 : index
    %get3A_1291 = arith.constant 86 : index
    %get3A_1292 = arith.constant 0 : index
    %get3A_1293 = arith.constant 0 : index
    %get3A_1294 = vector.load %arg2[%get3A_1290, %get3A_1291, %get3A_1292, %get3A_1293] : memref<1x150x64x384xf32, #tpu.memory_space<vmem>>, vector<1x1x64x384xf32>
    %get3A_1295 = vector.shape_cast %get3A_1294 : vector<1x1x64x384xf32> to vector<64x384xf32>
    %exp3A_1296 = math.exp %get3A_1295 : vector<64x384xf32>
    %add3A_1297 = arith.addf %add3A_1267, %exp3A_1296 : vector<64x384xf32>
    %eq3A_1298 = arith.constant 86 : i32
    %eq3A_1299 = vector.broadcast %eq3A_1298 : i32 to vector<64x384xi32>
    %eq3A_1300 = arith.cmpi eq, %get3A_3, %eq3A_1299 : vector<64x384xi32>
    %jit3A_1301 = arith.constant 0.000000e+00 : f32
    %broadcast_in_dim3A_1302 = vector.broadcast %jit3A_1301 : f32 to vector<64x384xf32>
    %select_n3A_1303 = arith.select %eq3A_1300, %get3A_1295, %broadcast_in_dim3A_1302 : vector<64x384xi1>, vector<64x384xf32>
    %add3A_1304 = arith.addf %add3A_1274, %select_n3A_1303 : vector<64x384xf32>
    %get3A_1305 = arith.constant 0 : index
    %get3A_1306 = arith.constant 87 : index
    %get3A_1307 = arith.constant 0 : index
    %get3A_1308 = arith.constant 0 : index
    %get3A_1309 = vector.load %arg2[%get3A_1305, %get3A_1306, %get3A_1307, %get3A_1308] : memref<1x150x64x384xf32, #tpu.memory_space<vmem>>, vector<1x1x64x384xf32>
    %get3A_1310 = vector.shape_cast %get3A_1309 : vector<1x1x64x384xf32> to vector<64x384xf32>
    %exp3A_1311 = math.exp %get3A_1310 : vector<64x384xf32>
    %add3A_1312 = arith.addf %add3A_1282, %exp3A_1311 : vector<64x384xf32>
    %eq3A_1313 = arith.constant 87 : i32
    %eq3A_1314 = vector.broadcast %eq3A_1313 : i32 to vector<64x384xi32>
    %eq3A_1315 = arith.cmpi eq, %get3A_3, %eq3A_1314 : vector<64x384xi32>
    %jit3A_1316 = arith.constant 0.000000e+00 : f32
    %broadcast_in_dim3A_1317 = vector.broadcast %jit3A_1316 : f32 to vector<64x384xf32>
    %select_n3A_1318 = arith.select %eq3A_1315, %get3A_1310, %broadcast_in_dim3A_1317 : vector<64x384xi1>, vector<64x384xf32>
    %add3A_1319 = arith.addf %add3A_1289, %select_n3A_1318 : vector<64x384xf32>
    %get3A_1320 = arith.constant 0 : index
    %get3A_1321 = arith.constant 88 : index
    %get3A_1322 = arith.constant 0 : index
    %get3A_1323 = arith.constant 0 : index
    %get3A_1324 = vector.load %arg2[%get3A_1320, %get3A_1321, %get3A_1322, %get3A_1323] : memref<1x150x64x384xf32, #tpu.memory_space<vmem>>, vector<1x1x64x384xf32>
    %get3A_1325 = vector.shape_cast %get3A_1324 : vector<1x1x64x384xf32> to vector<64x384xf32>
    %exp3A_1326 = math.exp %get3A_1325 : vector<64x384xf32>
    %add3A_1327 = arith.addf %add3A_1297, %exp3A_1326 : vector<64x384xf32>
    %eq3A_1328 = arith.constant 88 : i32
    %eq3A_1329 = vector.broadcast %eq3A_1328 : i32 to vector<64x384xi32>
    %eq3A_1330 = arith.cmpi eq, %get3A_3, %eq3A_1329 : vector<64x384xi32>
    %jit3A_1331 = arith.constant 0.000000e+00 : f32
    %broadcast_in_dim3A_1332 = vector.broadcast %jit3A_1331 : f32 to vector<64x384xf32>
    %select_n3A_1333 = arith.select %eq3A_1330, %get3A_1325, %broadcast_in_dim3A_1332 : vector<64x384xi1>, vector<64x384xf32>
    %add3A_1334 = arith.addf %add3A_1304, %select_n3A_1333 : vector<64x384xf32>
    %get3A_1335 = arith.constant 0 : index
    %get3A_1336 = arith.constant 89 : index
    %get3A_1337 = arith.constant 0 : index
    %get3A_1338 = arith.constant 0 : index
    %get3A_1339 = vector.load %arg2[%get3A_1335, %get3A_1336, %get3A_1337, %get3A_1338] : memref<1x150x64x384xf32, #tpu.memory_space<vmem>>, vector<1x1x64x384xf32>
    %get3A_1340 = vector.shape_cast %get3A_1339 : vector<1x1x64x384xf32> to vector<64x384xf32>
    %exp3A_1341 = math.exp %get3A_1340 : vector<64x384xf32>
    %add3A_1342 = arith.addf %add3A_1312, %exp3A_1341 : vector<64x384xf32>
    %eq3A_1343 = arith.constant 89 : i32
    %eq3A_1344 = vector.broadcast %eq3A_1343 : i32 to vector<64x384xi32>
    %eq3A_1345 = arith.cmpi eq, %get3A_3, %eq3A_1344 : vector<64x384xi32>
    %jit3A_1346 = arith.constant 0.000000e+00 : f32
    %broadcast_in_dim3A_1347 = vector.broadcast %jit3A_1346 : f32 to vector<64x384xf32>
    %select_n3A_1348 = arith.select %eq3A_1345, %get3A_1340, %broadcast_in_dim3A_1347 : vector<64x384xi1>, vector<64x384xf32>
    %add3A_1349 = arith.addf %add3A_1319, %select_n3A_1348 : vector<64x384xf32>
    %get3A_1350 = arith.constant 0 : index
    %get3A_1351 = arith.constant 90 : index
    %get3A_1352 = arith.constant 0 : index
    %get3A_1353 = arith.constant 0 : index
    %get3A_1354 = vector.load %arg2[%get3A_1350, %get3A_1351, %get3A_1352, %get3A_1353] : memref<1x150x64x384xf32, #tpu.memory_space<vmem>>, vector<1x1x64x384xf32>
    %get3A_1355 = vector.shape_cast %get3A_1354 : vector<1x1x64x384xf32> to vector<64x384xf32>
    %exp3A_1356 = math.exp %get3A_1355 : vector<64x384xf32>
    %add3A_1357 = arith.addf %add3A_1327, %exp3A_1356 : vector<64x384xf32>
    %eq3A_1358 = arith.constant 90 : i32
    %eq3A_1359 = vector.broadcast %eq3A_1358 : i32 to vector<64x384xi32>
    %eq3A_1360 = arith.cmpi eq, %get3A_3, %eq3A_1359 : vector<64x384xi32>
    %jit3A_1361 = arith.constant 0.000000e+00 : f32
    %broadcast_in_dim3A_1362 = vector.broadcast %jit3A_1361 : f32 to vector<64x384xf32>
    %select_n3A_1363 = arith.select %eq3A_1360, %get3A_1355, %broadcast_in_dim3A_1362 : vector<64x384xi1>, vector<64x384xf32>
    %add3A_1364 = arith.addf %add3A_1334, %select_n3A_1363 : vector<64x384xf32>
    %get3A_1365 = arith.constant 0 : index
    %get3A_1366 = arith.constant 91 : index
    %get3A_1367 = arith.constant 0 : index
    %get3A_1368 = arith.constant 0 : index
    %get3A_1369 = vector.load %arg2[%get3A_1365, %get3A_1366, %get3A_1367, %get3A_1368] : memref<1x150x64x384xf32, #tpu.memory_space<vmem>>, vector<1x1x64x384xf32>
    %get3A_1370 = vector.shape_cast %get3A_1369 : vector<1x1x64x384xf32> to vector<64x384xf32>
    %exp3A_1371 = math.exp %get3A_1370 : vector<64x384xf32>
    %add3A_1372 = arith.addf %add3A_1342, %exp3A_1371 : vector<64x384xf32>
    %eq3A_1373 = arith.constant 91 : i32
    %eq3A_1374 = vector.broadcast %eq3A_1373 : i32 to vector<64x384xi32>
    %eq3A_1375 = arith.cmpi eq, %get3A_3, %eq3A_1374 : vector<64x384xi32>
    %jit3A_1376 = arith.constant 0.000000e+00 : f32
    %broadcast_in_dim3A_1377 = vector.broadcast %jit3A_1376 : f32 to vector<64x384xf32>
    %select_n3A_1378 = arith.select %eq3A_1375, %get3A_1370, %broadcast_in_dim3A_1377 : vector<64x384xi1>, vector<64x384xf32>
    %add3A_1379 = arith.addf %add3A_1349, %select_n3A_1378 : vector<64x384xf32>
    %get3A_1380 = arith.constant 0 : index
    %get3A_1381 = arith.constant 92 : index
    %get3A_1382 = arith.constant 0 : index
    %get3A_1383 = arith.constant 0 : index
    %get3A_1384 = vector.load %arg2[%get3A_1380, %get3A_1381, %get3A_1382, %get3A_1383] : memref<1x150x64x384xf32, #tpu.memory_space<vmem>>, vector<1x1x64x384xf32>
    %get3A_1385 = vector.shape_cast %get3A_1384 : vector<1x1x64x384xf32> to vector<64x384xf32>
    %exp3A_1386 = math.exp %get3A_1385 : vector<64x384xf32>
    %add3A_1387 = arith.addf %add3A_1357, %exp3A_1386 : vector<64x384xf32>
    %eq3A_1388 = arith.constant 92 : i32
    %eq3A_1389 = vector.broadcast %eq3A_1388 : i32 to vector<64x384xi32>
    %eq3A_1390 = arith.cmpi eq, %get3A_3, %eq3A_1389 : vector<64x384xi32>
    %jit3A_1391 = arith.constant 0.000000e+00 : f32
    %broadcast_in_dim3A_1392 = vector.broadcast %jit3A_1391 : f32 to vector<64x384xf32>
    %select_n3A_1393 = arith.select %eq3A_1390, %get3A_1385, %broadcast_in_dim3A_1392 : vector<64x384xi1>, vector<64x384xf32>
    %add3A_1394 = arith.addf %add3A_1364, %select_n3A_1393 : vector<64x384xf32>
    %get3A_1395 = arith.constant 0 : index
    %get3A_1396 = arith.constant 93 : index
    %get3A_1397 = arith.constant 0 : index
    %get3A_1398 = arith.constant 0 : index
    %get3A_1399 = vector.load %arg2[%get3A_1395, %get3A_1396, %get3A_1397, %get3A_1398] : memref<1x150x64x384xf32, #tpu.memory_space<vmem>>, vector<1x1x64x384xf32>
    %get3A_1400 = vector.shape_cast %get3A_1399 : vector<1x1x64x384xf32> to vector<64x384xf32>
    %exp3A_1401 = math.exp %get3A_1400 : vector<64x384xf32>
    %add3A_1402 = arith.addf %add3A_1372, %exp3A_1401 : vector<64x384xf32>
    %eq3A_1403 = arith.constant 93 : i32
    %eq3A_1404 = vector.broadcast %eq3A_1403 : i32 to vector<64x384xi32>
    %eq3A_1405 = arith.cmpi eq, %get3A_3, %eq3A_1404 : vector<64x384xi32>
    %jit3A_1406 = arith.constant 0.000000e+00 : f32
    %broadcast_in_dim3A_1407 = vector.broadcast %jit3A_1406 : f32 to vector<64x384xf32>
    %select_n3A_1408 = arith.select %eq3A_1405, %get3A_1400, %broadcast_in_dim3A_1407 : vector<64x384xi1>, vector<64x384xf32>
    %add3A_1409 = arith.addf %add3A_1379, %select_n3A_1408 : vector<64x384xf32>
    %get3A_1410 = arith.constant 0 : index
    %get3A_1411 = arith.constant 94 : index
    %get3A_1412 = arith.constant 0 : index
    %get3A_1413 = arith.constant 0 : index
    %get3A_1414 = vector.load %arg2[%get3A_1410, %get3A_1411, %get3A_1412, %get3A_1413] : memref<1x150x64x384xf32, #tpu.memory_space<vmem>>, vector<1x1x64x384xf32>
    %get3A_1415 = vector.shape_cast %get3A_1414 : vector<1x1x64x384xf32> to vector<64x384xf32>
    %exp3A_1416 = math.exp %get3A_1415 : vector<64x384xf32>
    %add3A_1417 = arith.addf %add3A_1387, %exp3A_1416 : vector<64x384xf32>
    %eq3A_1418 = arith.constant 94 : i32
    %eq3A_1419 = vector.broadcast %eq3A_1418 : i32 to vector<64x384xi32>
    %eq3A_1420 = arith.cmpi eq, %get3A_3, %eq3A_1419 : vector<64x384xi32>
    %jit3A_1421 = arith.constant 0.000000e+00 : f32
    %broadcast_in_dim3A_1422 = vector.broadcast %jit3A_1421 : f32 to vector<64x384xf32>
    %select_n3A_1423 = arith.select %eq3A_1420, %get3A_1415, %broadcast_in_dim3A_1422 : vector<64x384xi1>, vector<64x384xf32>
    %add3A_1424 = arith.addf %add3A_1394, %select_n3A_1423 : vector<64x384xf32>
    %get3A_1425 = arith.constant 0 : index
    %get3A_1426 = arith.constant 95 : index
    %get3A_1427 = arith.constant 0 : index
    %get3A_1428 = arith.constant 0 : index
    %get3A_1429 = vector.load %arg2[%get3A_1425, %get3A_1426, %get3A_1427, %get3A_1428] : memref<1x150x64x384xf32, #tpu.memory_space<vmem>>, vector<1x1x64x384xf32>
    %get3A_1430 = vector.shape_cast %get3A_1429 : vector<1x1x64x384xf32> to vector<64x384xf32>
    %exp3A_1431 = math.exp %get3A_1430 : vector<64x384xf32>
    %add3A_1432 = arith.addf %add3A_1402, %exp3A_1431 : vector<64x384xf32>
    %eq3A_1433 = arith.constant 95 : i32
    %eq3A_1434 = vector.broadcast %eq3A_1433 : i32 to vector<64x384xi32>
    %eq3A_1435 = arith.cmpi eq, %get3A_3, %eq3A_1434 : vector<64x384xi32>
    %jit3A_1436 = arith.constant 0.000000e+00 : f32
    %broadcast_in_dim3A_1437 = vector.broadcast %jit3A_1436 : f32 to vector<64x384xf32>
    %select_n3A_1438 = arith.select %eq3A_1435, %get3A_1430, %broadcast_in_dim3A_1437 : vector<64x384xi1>, vector<64x384xf32>
    %add3A_1439 = arith.addf %add3A_1409, %select_n3A_1438 : vector<64x384xf32>
    %get3A_1440 = arith.constant 0 : index
    %get3A_1441 = arith.constant 96 : index
    %get3A_1442 = arith.constant 0 : index
    %get3A_1443 = arith.constant 0 : index
    %get3A_1444 = vector.load %arg2[%get3A_1440, %get3A_1441, %get3A_1442, %get3A_1443] : memref<1x150x64x384xf32, #tpu.memory_space<vmem>>, vector<1x1x64x384xf32>
    %get3A_1445 = vector.shape_cast %get3A_1444 : vector<1x1x64x384xf32> to vector<64x384xf32>
    %exp3A_1446 = math.exp %get3A_1445 : vector<64x384xf32>
    %add3A_1447 = arith.addf %add3A_1417, %exp3A_1446 : vector<64x384xf32>
    %eq3A_1448 = arith.constant 96 : i32
    %eq3A_1449 = vector.broadcast %eq3A_1448 : i32 to vector<64x384xi32>
    %eq3A_1450 = arith.cmpi eq, %get3A_3, %eq3A_1449 : vector<64x384xi32>
    %jit3A_1451 = arith.constant 0.000000e+00 : f32
    %broadcast_in_dim3A_1452 = vector.broadcast %jit3A_1451 : f32 to vector<64x384xf32>
    %select_n3A_1453 = arith.select %eq3A_1450, %get3A_1445, %broadcast_in_dim3A_1452 : vector<64x384xi1>, vector<64x384xf32>
    %add3A_1454 = arith.addf %add3A_1424, %select_n3A_1453 : vector<64x384xf32>
    %get3A_1455 = arith.constant 0 : index
    %get3A_1456 = arith.constant 97 : index
    %get3A_1457 = arith.constant 0 : index
    %get3A_1458 = arith.constant 0 : index
    %get3A_1459 = vector.load %arg2[%get3A_1455, %get3A_1456, %get3A_1457, %get3A_1458] : memref<1x150x64x384xf32, #tpu.memory_space<vmem>>, vector<1x1x64x384xf32>
    %get3A_1460 = vector.shape_cast %get3A_1459 : vector<1x1x64x384xf32> to vector<64x384xf32>
    %exp3A_1461 = math.exp %get3A_1460 : vector<64x384xf32>
    %add3A_1462 = arith.addf %add3A_1432, %exp3A_1461 : vector<64x384xf32>
    %eq3A_1463 = arith.constant 97 : i32
    %eq3A_1464 = vector.broadcast %eq3A_1463 : i32 to vector<64x384xi32>
    %eq3A_1465 = arith.cmpi eq, %get3A_3, %eq3A_1464 : vector<64x384xi32>
    %jit3A_1466 = arith.constant 0.000000e+00 : f32
    %broadcast_in_dim3A_1467 = vector.broadcast %jit3A_1466 : f32 to vector<64x384xf32>
    %select_n3A_1468 = arith.select %eq3A_1465, %get3A_1460, %broadcast_in_dim3A_1467 : vector<64x384xi1>, vector<64x384xf32>
    %add3A_1469 = arith.addf %add3A_1439, %select_n3A_1468 : vector<64x384xf32>
    %get3A_1470 = arith.constant 0 : index
    %get3A_1471 = arith.constant 98 : index
    %get3A_1472 = arith.constant 0 : index
    %get3A_1473 = arith.constant 0 : index
    %get3A_1474 = vector.load %arg2[%get3A_1470, %get3A_1471, %get3A_1472, %get3A_1473] : memref<1x150x64x384xf32, #tpu.memory_space<vmem>>, vector<1x1x64x384xf32>
    %get3A_1475 = vector.shape_cast %get3A_1474 : vector<1x1x64x384xf32> to vector<64x384xf32>
    %exp3A_1476 = math.exp %get3A_1475 : vector<64x384xf32>
    %add3A_1477 = arith.addf %add3A_1447, %exp3A_1476 : vector<64x384xf32>
    %eq3A_1478 = arith.constant 98 : i32
    %eq3A_1479 = vector.broadcast %eq3A_1478 : i32 to vector<64x384xi32>
    %eq3A_1480 = arith.cmpi eq, %get3A_3, %eq3A_1479 : vector<64x384xi32>
    %jit3A_1481 = arith.constant 0.000000e+00 : f32
    %broadcast_in_dim3A_1482 = vector.broadcast %jit3A_1481 : f32 to vector<64x384xf32>
    %select_n3A_1483 = arith.select %eq3A_1480, %get3A_1475, %broadcast_in_dim3A_1482 : vector<64x384xi1>, vector<64x384xf32>
    %add3A_1484 = arith.addf %add3A_1454, %select_n3A_1483 : vector<64x384xf32>
    %get3A_1485 = arith.constant 0 : index
    %get3A_1486 = arith.constant 99 : index
    %get3A_1487 = arith.constant 0 : index
    %get3A_1488 = arith.constant 0 : index
    %get3A_1489 = vector.load %arg2[%get3A_1485, %get3A_1486, %get3A_1487, %get3A_1488] : memref<1x150x64x384xf32, #tpu.memory_space<vmem>>, vector<1x1x64x384xf32>
    %get3A_1490 = vector.shape_cast %get3A_1489 : vector<1x1x64x384xf32> to vector<64x384xf32>
    %exp3A_1491 = math.exp %get3A_1490 : vector<64x384xf32>
    %add3A_1492 = arith.addf %add3A_1462, %exp3A_1491 : vector<64x384xf32>
    %eq3A_1493 = arith.constant 99 : i32
    %eq3A_1494 = vector.broadcast %eq3A_1493 : i32 to vector<64x384xi32>
    %eq3A_1495 = arith.cmpi eq, %get3A_3, %eq3A_1494 : vector<64x384xi32>
    %jit3A_1496 = arith.constant 0.000000e+00 : f32
    %broadcast_in_dim3A_1497 = vector.broadcast %jit3A_1496 : f32 to vector<64x384xf32>
    %select_n3A_1498 = arith.select %eq3A_1495, %get3A_1490, %broadcast_in_dim3A_1497 : vector<64x384xi1>, vector<64x384xf32>
    %add3A_1499 = arith.addf %add3A_1469, %select_n3A_1498 : vector<64x384xf32>
    %get3A_1500 = arith.constant 0 : index
    %get3A_1501 = arith.constant 100 : index
    %get3A_1502 = arith.constant 0 : index
    %get3A_1503 = arith.constant 0 : index
    %get3A_1504 = vector.load %arg2[%get3A_1500, %get3A_1501, %get3A_1502, %get3A_1503] : memref<1x150x64x384xf32, #tpu.memory_space<vmem>>, vector<1x1x64x384xf32>
    %get3A_1505 = vector.shape_cast %get3A_1504 : vector<1x1x64x384xf32> to vector<64x384xf32>
    %exp3A_1506 = math.exp %get3A_1505 : vector<64x384xf32>
    %add3A_1507 = arith.addf %add3A_1477, %exp3A_1506 : vector<64x384xf32>
    %eq3A_1508 = arith.constant 100 : i32
    %eq3A_1509 = vector.broadcast %eq3A_1508 : i32 to vector<64x384xi32>
    %eq3A_1510 = arith.cmpi eq, %get3A_3, %eq3A_1509 : vector<64x384xi32>
    %jit3A_1511 = arith.constant 0.000000e+00 : f32
    %broadcast_in_dim3A_1512 = vector.broadcast %jit3A_1511 : f32 to vector<64x384xf32>
    %select_n3A_1513 = arith.select %eq3A_1510, %get3A_1505, %broadcast_in_dim3A_1512 : vector<64x384xi1>, vector<64x384xf32>
    %add3A_1514 = arith.addf %add3A_1484, %select_n3A_1513 : vector<64x384xf32>
    %get3A_1515 = arith.constant 0 : index
    %get3A_1516 = arith.constant 101 : index
    %get3A_1517 = arith.constant 0 : index
    %get3A_1518 = arith.constant 0 : index
    %get3A_1519 = vector.load %arg2[%get3A_1515, %get3A_1516, %get3A_1517, %get3A_1518] : memref<1x150x64x384xf32, #tpu.memory_space<vmem>>, vector<1x1x64x384xf32>
    %get3A_1520 = vector.shape_cast %get3A_1519 : vector<1x1x64x384xf32> to vector<64x384xf32>
    %exp3A_1521 = math.exp %get3A_1520 : vector<64x384xf32>
    %add3A_1522 = arith.addf %add3A_1492, %exp3A_1521 : vector<64x384xf32>
    %eq3A_1523 = arith.constant 101 : i32
    %eq3A_1524 = vector.broadcast %eq3A_1523 : i32 to vector<64x384xi32>
    %eq3A_1525 = arith.cmpi eq, %get3A_3, %eq3A_1524 : vector<64x384xi32>
    %jit3A_1526 = arith.constant 0.000000e+00 : f32
    %broadcast_in_dim3A_1527 = vector.broadcast %jit3A_1526 : f32 to vector<64x384xf32>
    %select_n3A_1528 = arith.select %eq3A_1525, %get3A_1520, %broadcast_in_dim3A_1527 : vector<64x384xi1>, vector<64x384xf32>
    %add3A_1529 = arith.addf %add3A_1499, %select_n3A_1528 : vector<64x384xf32>
    %get3A_1530 = arith.constant 0 : index
    %get3A_1531 = arith.constant 102 : index
    %get3A_1532 = arith.constant 0 : index
    %get3A_1533 = arith.constant 0 : index
    %get3A_1534 = vector.load %arg2[%get3A_1530, %get3A_1531, %get3A_1532, %get3A_1533] : memref<1x150x64x384xf32, #tpu.memory_space<vmem>>, vector<1x1x64x384xf32>
    %get3A_1535 = vector.shape_cast %get3A_1534 : vector<1x1x64x384xf32> to vector<64x384xf32>
    %exp3A_1536 = math.exp %get3A_1535 : vector<64x384xf32>
    %add3A_1537 = arith.addf %add3A_1507, %exp3A_1536 : vector<64x384xf32>
    %eq3A_1538 = arith.constant 102 : i32
    %eq3A_1539 = vector.broadcast %eq3A_1538 : i32 to vector<64x384xi32>
    %eq3A_1540 = arith.cmpi eq, %get3A_3, %eq3A_1539 : vector<64x384xi32>
    %jit3A_1541 = arith.constant 0.000000e+00 : f32
    %broadcast_in_dim3A_1542 = vector.broadcast %jit3A_1541 : f32 to vector<64x384xf32>
    %select_n3A_1543 = arith.select %eq3A_1540, %get3A_1535, %broadcast_in_dim3A_1542 : vector<64x384xi1>, vector<64x384xf32>
    %add3A_1544 = arith.addf %add3A_1514, %select_n3A_1543 : vector<64x384xf32>
    %get3A_1545 = arith.constant 0 : index
    %get3A_1546 = arith.constant 103 : index
    %get3A_1547 = arith.constant 0 : index
    %get3A_1548 = arith.constant 0 : index
    %get3A_1549 = vector.load %arg2[%get3A_1545, %get3A_1546, %get3A_1547, %get3A_1548] : memref<1x150x64x384xf32, #tpu.memory_space<vmem>>, vector<1x1x64x384xf32>
    %get3A_1550 = vector.shape_cast %get3A_1549 : vector<1x1x64x384xf32> to vector<64x384xf32>
    %exp3A_1551 = math.exp %get3A_1550 : vector<64x384xf32>
    %add3A_1552 = arith.addf %add3A_1522, %exp3A_1551 : vector<64x384xf32>
    %eq3A_1553 = arith.constant 103 : i32
    %eq3A_1554 = vector.broadcast %eq3A_1553 : i32 to vector<64x384xi32>
    %eq3A_1555 = arith.cmpi eq, %get3A_3, %eq3A_1554 : vector<64x384xi32>
    %jit3A_1556 = arith.constant 0.000000e+00 : f32
    %broadcast_in_dim3A_1557 = vector.broadcast %jit3A_1556 : f32 to vector<64x384xf32>
    %select_n3A_1558 = arith.select %eq3A_1555, %get3A_1550, %broadcast_in_dim3A_1557 : vector<64x384xi1>, vector<64x384xf32>
    %add3A_1559 = arith.addf %add3A_1529, %select_n3A_1558 : vector<64x384xf32>
    %get3A_1560 = arith.constant 0 : index
    %get3A_1561 = arith.constant 104 : index
    %get3A_1562 = arith.constant 0 : index
    %get3A_1563 = arith.constant 0 : index
    %get3A_1564 = vector.load %arg2[%get3A_1560, %get3A_1561, %get3A_1562, %get3A_1563] : memref<1x150x64x384xf32, #tpu.memory_space<vmem>>, vector<1x1x64x384xf32>
    %get3A_1565 = vector.shape_cast %get3A_1564 : vector<1x1x64x384xf32> to vector<64x384xf32>
    %exp3A_1566 = math.exp %get3A_1565 : vector<64x384xf32>
    %add3A_1567 = arith.addf %add3A_1537, %exp3A_1566 : vector<64x384xf32>
    %eq3A_1568 = arith.constant 104 : i32
    %eq3A_1569 = vector.broadcast %eq3A_1568 : i32 to vector<64x384xi32>
    %eq3A_1570 = arith.cmpi eq, %get3A_3, %eq3A_1569 : vector<64x384xi32>
    %jit3A_1571 = arith.constant 0.000000e+00 : f32
    %broadcast_in_dim3A_1572 = vector.broadcast %jit3A_1571 : f32 to vector<64x384xf32>
    %select_n3A_1573 = arith.select %eq3A_1570, %get3A_1565, %broadcast_in_dim3A_1572 : vector<64x384xi1>, vector<64x384xf32>
    %add3A_1574 = arith.addf %add3A_1544, %select_n3A_1573 : vector<64x384xf32>
    %get3A_1575 = arith.constant 0 : index
    %get3A_1576 = arith.constant 105 : index
    %get3A_1577 = arith.constant 0 : index
    %get3A_1578 = arith.constant 0 : index
    %get3A_1579 = vector.load %arg2[%get3A_1575, %get3A_1576, %get3A_1577, %get3A_1578] : memref<1x150x64x384xf32, #tpu.memory_space<vmem>>, vector<1x1x64x384xf32>
    %get3A_1580 = vector.shape_cast %get3A_1579 : vector<1x1x64x384xf32> to vector<64x384xf32>
    %exp3A_1581 = math.exp %get3A_1580 : vector<64x384xf32>
    %add3A_1582 = arith.addf %add3A_1552, %exp3A_1581 : vector<64x384xf32>
    %eq3A_1583 = arith.constant 105 : i32
    %eq3A_1584 = vector.broadcast %eq3A_1583 : i32 to vector<64x384xi32>
    %eq3A_1585 = arith.cmpi eq, %get3A_3, %eq3A_1584 : vector<64x384xi32>
    %jit3A_1586 = arith.constant 0.000000e+00 : f32
    %broadcast_in_dim3A_1587 = vector.broadcast %jit3A_1586 : f32 to vector<64x384xf32>
    %select_n3A_1588 = arith.select %eq3A_1585, %get3A_1580, %broadcast_in_dim3A_1587 : vector<64x384xi1>, vector<64x384xf32>
    %add3A_1589 = arith.addf %add3A_1559, %select_n3A_1588 : vector<64x384xf32>
    %get3A_1590 = arith.constant 0 : index
    %get3A_1591 = arith.constant 106 : index
    %get3A_1592 = arith.constant 0 : index
    %get3A_1593 = arith.constant 0 : index
    %get3A_1594 = vector.load %arg2[%get3A_1590, %get3A_1591, %get3A_1592, %get3A_1593] : memref<1x150x64x384xf32, #tpu.memory_space<vmem>>, vector<1x1x64x384xf32>
    %get3A_1595 = vector.shape_cast %get3A_1594 : vector<1x1x64x384xf32> to vector<64x384xf32>
    %exp3A_1596 = math.exp %get3A_1595 : vector<64x384xf32>
    %add3A_1597 = arith.addf %add3A_1567, %exp3A_1596 : vector<64x384xf32>
    %eq3A_1598 = arith.constant 106 : i32
    %eq3A_1599 = vector.broadcast %eq3A_1598 : i32 to vector<64x384xi32>
    %eq3A_1600 = arith.cmpi eq, %get3A_3, %eq3A_1599 : vector<64x384xi32>
    %jit3A_1601 = arith.constant 0.000000e+00 : f32
    %broadcast_in_dim3A_1602 = vector.broadcast %jit3A_1601 : f32 to vector<64x384xf32>
    %select_n3A_1603 = arith.select %eq3A_1600, %get3A_1595, %broadcast_in_dim3A_1602 : vector<64x384xi1>, vector<64x384xf32>
    %add3A_1604 = arith.addf %add3A_1574, %select_n3A_1603 : vector<64x384xf32>
    %get3A_1605 = arith.constant 0 : index
    %get3A_1606 = arith.constant 107 : index
    %get3A_1607 = arith.constant 0 : index
    %get3A_1608 = arith.constant 0 : index
    %get3A_1609 = vector.load %arg2[%get3A_1605, %get3A_1606, %get3A_1607, %get3A_1608] : memref<1x150x64x384xf32, #tpu.memory_space<vmem>>, vector<1x1x64x384xf32>
    %get3A_1610 = vector.shape_cast %get3A_1609 : vector<1x1x64x384xf32> to vector<64x384xf32>
    %exp3A_1611 = math.exp %get3A_1610 : vector<64x384xf32>
    %add3A_1612 = arith.addf %add3A_1582, %exp3A_1611 : vector<64x384xf32>
    %eq3A_1613 = arith.constant 107 : i32
    %eq3A_1614 = vector.broadcast %eq3A_1613 : i32 to vector<64x384xi32>
    %eq3A_1615 = arith.cmpi eq, %get3A_3, %eq3A_1614 : vector<64x384xi32>
    %jit3A_1616 = arith.constant 0.000000e+00 : f32
    %broadcast_in_dim3A_1617 = vector.broadcast %jit3A_1616 : f32 to vector<64x384xf32>
    %select_n3A_1618 = arith.select %eq3A_1615, %get3A_1610, %broadcast_in_dim3A_1617 : vector<64x384xi1>, vector<64x384xf32>
    %add3A_1619 = arith.addf %add3A_1589, %select_n3A_1618 : vector<64x384xf32>
    %get3A_1620 = arith.constant 0 : index
    %get3A_1621 = arith.constant 108 : index
    %get3A_1622 = arith.constant 0 : index
    %get3A_1623 = arith.constant 0 : index
    %get3A_1624 = vector.load %arg2[%get3A_1620, %get3A_1621, %get3A_1622, %get3A_1623] : memref<1x150x64x384xf32, #tpu.memory_space<vmem>>, vector<1x1x64x384xf32>
    %get3A_1625 = vector.shape_cast %get3A_1624 : vector<1x1x64x384xf32> to vector<64x384xf32>
    %exp3A_1626 = math.exp %get3A_1625 : vector<64x384xf32>
    %add3A_1627 = arith.addf %add3A_1597, %exp3A_1626 : vector<64x384xf32>
    %eq3A_1628 = arith.constant 108 : i32
    %eq3A_1629 = vector.broadcast %eq3A_1628 : i32 to vector<64x384xi32>
    %eq3A_1630 = arith.cmpi eq, %get3A_3, %eq3A_1629 : vector<64x384xi32>
    %jit3A_1631 = arith.constant 0.000000e+00 : f32
    %broadcast_in_dim3A_1632 = vector.broadcast %jit3A_1631 : f32 to vector<64x384xf32>
    %select_n3A_1633 = arith.select %eq3A_1630, %get3A_1625, %broadcast_in_dim3A_1632 : vector<64x384xi1>, vector<64x384xf32>
    %add3A_1634 = arith.addf %add3A_1604, %select_n3A_1633 : vector<64x384xf32>
    %get3A_1635 = arith.constant 0 : index
    %get3A_1636 = arith.constant 109 : index
    %get3A_1637 = arith.constant 0 : index
    %get3A_1638 = arith.constant 0 : index
    %get3A_1639 = vector.load %arg2[%get3A_1635, %get3A_1636, %get3A_1637, %get3A_1638] : memref<1x150x64x384xf32, #tpu.memory_space<vmem>>, vector<1x1x64x384xf32>
    %get3A_1640 = vector.shape_cast %get3A_1639 : vector<1x1x64x384xf32> to vector<64x384xf32>
    %exp3A_1641 = math.exp %get3A_1640 : vector<64x384xf32>
    %add3A_1642 = arith.addf %add3A_1612, %exp3A_1641 : vector<64x384xf32>
    %eq3A_1643 = arith.constant 109 : i32
    %eq3A_1644 = vector.broadcast %eq3A_1643 : i32 to vector<64x384xi32>
    %eq3A_1645 = arith.cmpi eq, %get3A_3, %eq3A_1644 : vector<64x384xi32>
    %jit3A_1646 = arith.constant 0.000000e+00 : f32
    %broadcast_in_dim3A_1647 = vector.broadcast %jit3A_1646 : f32 to vector<64x384xf32>
    %select_n3A_1648 = arith.select %eq3A_1645, %get3A_1640, %broadcast_in_dim3A_1647 : vector<64x384xi1>, vector<64x384xf32>
    %add3A_1649 = arith.addf %add3A_1619, %select_n3A_1648 : vector<64x384xf32>
    %get3A_1650 = arith.constant 0 : index
    %get3A_1651 = arith.constant 110 : index
    %get3A_1652 = arith.constant 0 : index
    %get3A_1653 = arith.constant 0 : index
    %get3A_1654 = vector.load %arg2[%get3A_1650, %get3A_1651, %get3A_1652, %get3A_1653] : memref<1x150x64x384xf32, #tpu.memory_space<vmem>>, vector<1x1x64x384xf32>
    %get3A_1655 = vector.shape_cast %get3A_1654 : vector<1x1x64x384xf32> to vector<64x384xf32>
    %exp3A_1656 = math.exp %get3A_1655 : vector<64x384xf32>
    %add3A_1657 = arith.addf %add3A_1627, %exp3A_1656 : vector<64x384xf32>
    %eq3A_1658 = arith.constant 110 : i32
    %eq3A_1659 = vector.broadcast %eq3A_1658 : i32 to vector<64x384xi32>
    %eq3A_1660 = arith.cmpi eq, %get3A_3, %eq3A_1659 : vector<64x384xi32>
    %jit3A_1661 = arith.constant 0.000000e+00 : f32
    %broadcast_in_dim3A_1662 = vector.broadcast %jit3A_1661 : f32 to vector<64x384xf32>
    %select_n3A_1663 = arith.select %eq3A_1660, %get3A_1655, %broadcast_in_dim3A_1662 : vector<64x384xi1>, vector<64x384xf32>
    %add3A_1664 = arith.addf %add3A_1634, %select_n3A_1663 : vector<64x384xf32>
    %get3A_1665 = arith.constant 0 : index
    %get3A_1666 = arith.constant 111 : index
    %get3A_1667 = arith.constant 0 : index
    %get3A_1668 = arith.constant 0 : index
    %get3A_1669 = vector.load %arg2[%get3A_1665, %get3A_1666, %get3A_1667, %get3A_1668] : memref<1x150x64x384xf32, #tpu.memory_space<vmem>>, vector<1x1x64x384xf32>
    %get3A_1670 = vector.shape_cast %get3A_1669 : vector<1x1x64x384xf32> to vector<64x384xf32>
    %exp3A_1671 = math.exp %get3A_1670 : vector<64x384xf32>
    %add3A_1672 = arith.addf %add3A_1642, %exp3A_1671 : vector<64x384xf32>
    %eq3A_1673 = arith.constant 111 : i32
    %eq3A_1674 = vector.broadcast %eq3A_1673 : i32 to vector<64x384xi32>
    %eq3A_1675 = arith.cmpi eq, %get3A_3, %eq3A_1674 : vector<64x384xi32>
    %jit3A_1676 = arith.constant 0.000000e+00 : f32
    %broadcast_in_dim3A_1677 = vector.broadcast %jit3A_1676 : f32 to vector<64x384xf32>
    %select_n3A_1678 = arith.select %eq3A_1675, %get3A_1670, %broadcast_in_dim3A_1677 : vector<64x384xi1>, vector<64x384xf32>
    %add3A_1679 = arith.addf %add3A_1649, %select_n3A_1678 : vector<64x384xf32>
    %get3A_1680 = arith.constant 0 : index
    %get3A_1681 = arith.constant 112 : index
    %get3A_1682 = arith.constant 0 : index
    %get3A_1683 = arith.constant 0 : index
    %get3A_1684 = vector.load %arg2[%get3A_1680, %get3A_1681, %get3A_1682, %get3A_1683] : memref<1x150x64x384xf32, #tpu.memory_space<vmem>>, vector<1x1x64x384xf32>
    %get3A_1685 = vector.shape_cast %get3A_1684 : vector<1x1x64x384xf32> to vector<64x384xf32>
    %exp3A_1686 = math.exp %get3A_1685 : vector<64x384xf32>
    %add3A_1687 = arith.addf %add3A_1657, %exp3A_1686 : vector<64x384xf32>
    %eq3A_1688 = arith.constant 112 : i32
    %eq3A_1689 = vector.broadcast %eq3A_1688 : i32 to vector<64x384xi32>
    %eq3A_1690 = arith.cmpi eq, %get3A_3, %eq3A_1689 : vector<64x384xi32>
    %jit3A_1691 = arith.constant 0.000000e+00 : f32
    %broadcast_in_dim3A_1692 = vector.broadcast %jit3A_1691 : f32 to vector<64x384xf32>
    %select_n3A_1693 = arith.select %eq3A_1690, %get3A_1685, %broadcast_in_dim3A_1692 : vector<64x384xi1>, vector<64x384xf32>
    %add3A_1694 = arith.addf %add3A_1664, %select_n3A_1693 : vector<64x384xf32>
    %get3A_1695 = arith.constant 0 : index
    %get3A_1696 = arith.constant 113 : index
    %get3A_1697 = arith.constant 0 : index
    %get3A_1698 = arith.constant 0 : index
    %get3A_1699 = vector.load %arg2[%get3A_1695, %get3A_1696, %get3A_1697, %get3A_1698] : memref<1x150x64x384xf32, #tpu.memory_space<vmem>>, vector<1x1x64x384xf32>
    %get3A_1700 = vector.shape_cast %get3A_1699 : vector<1x1x64x384xf32> to vector<64x384xf32>
    %exp3A_1701 = math.exp %get3A_1700 : vector<64x384xf32>
    %add3A_1702 = arith.addf %add3A_1672, %exp3A_1701 : vector<64x384xf32>
    %eq3A_1703 = arith.constant 113 : i32
    %eq3A_1704 = vector.broadcast %eq3A_1703 : i32 to vector<64x384xi32>
    %eq3A_1705 = arith.cmpi eq, %get3A_3, %eq3A_1704 : vector<64x384xi32>
    %jit3A_1706 = arith.constant 0.000000e+00 : f32
    %broadcast_in_dim3A_1707 = vector.broadcast %jit3A_1706 : f32 to vector<64x384xf32>
    %select_n3A_1708 = arith.select %eq3A_1705, %get3A_1700, %broadcast_in_dim3A_1707 : vector<64x384xi1>, vector<64x384xf32>
    %add3A_1709 = arith.addf %add3A_1679, %select_n3A_1708 : vector<64x384xf32>
    %get3A_1710 = arith.constant 0 : index
    %get3A_1711 = arith.constant 114 : index
    %get3A_1712 = arith.constant 0 : index
    %get3A_1713 = arith.constant 0 : index
    %get3A_1714 = vector.load %arg2[%get3A_1710, %get3A_1711, %get3A_1712, %get3A_1713] : memref<1x150x64x384xf32, #tpu.memory_space<vmem>>, vector<1x1x64x384xf32>
    %get3A_1715 = vector.shape_cast %get3A_1714 : vector<1x1x64x384xf32> to vector<64x384xf32>
    %exp3A_1716 = math.exp %get3A_1715 : vector<64x384xf32>
    %add3A_1717 = arith.addf %add3A_1687, %exp3A_1716 : vector<64x384xf32>
    %eq3A_1718 = arith.constant 114 : i32
    %eq3A_1719 = vector.broadcast %eq3A_1718 : i32 to vector<64x384xi32>
    %eq3A_1720 = arith.cmpi eq, %get3A_3, %eq3A_1719 : vector<64x384xi32>
    %jit3A_1721 = arith.constant 0.000000e+00 : f32
    %broadcast_in_dim3A_1722 = vector.broadcast %jit3A_1721 : f32 to vector<64x384xf32>
    %select_n3A_1723 = arith.select %eq3A_1720, %get3A_1715, %broadcast_in_dim3A_1722 : vector<64x384xi1>, vector<64x384xf32>
    %add3A_1724 = arith.addf %add3A_1694, %select_n3A_1723 : vector<64x384xf32>
    %get3A_1725 = arith.constant 0 : index
    %get3A_1726 = arith.constant 115 : index
    %get3A_1727 = arith.constant 0 : index
    %get3A_1728 = arith.constant 0 : index
    %get3A_1729 = vector.load %arg2[%get3A_1725, %get3A_1726, %get3A_1727, %get3A_1728] : memref<1x150x64x384xf32, #tpu.memory_space<vmem>>, vector<1x1x64x384xf32>
    %get3A_1730 = vector.shape_cast %get3A_1729 : vector<1x1x64x384xf32> to vector<64x384xf32>
    %exp3A_1731 = math.exp %get3A_1730 : vector<64x384xf32>
    %add3A_1732 = arith.addf %add3A_1702, %exp3A_1731 : vector<64x384xf32>
    %eq3A_1733 = arith.constant 115 : i32
    %eq3A_1734 = vector.broadcast %eq3A_1733 : i32 to vector<64x384xi32>
    %eq3A_1735 = arith.cmpi eq, %get3A_3, %eq3A_1734 : vector<64x384xi32>
    %jit3A_1736 = arith.constant 0.000000e+00 : f32
    %broadcast_in_dim3A_1737 = vector.broadcast %jit3A_1736 : f32 to vector<64x384xf32>
    %select_n3A_1738 = arith.select %eq3A_1735, %get3A_1730, %broadcast_in_dim3A_1737 : vector<64x384xi1>, vector<64x384xf32>
    %add3A_1739 = arith.addf %add3A_1709, %select_n3A_1738 : vector<64x384xf32>
    %get3A_1740 = arith.constant 0 : index
    %get3A_1741 = arith.constant 116 : index
    %get3A_1742 = arith.constant 0 : index
    %get3A_1743 = arith.constant 0 : index
    %get3A_1744 = vector.load %arg2[%get3A_1740, %get3A_1741, %get3A_1742, %get3A_1743] : memref<1x150x64x384xf32, #tpu.memory_space<vmem>>, vector<1x1x64x384xf32>
    %get3A_1745 = vector.shape_cast %get3A_1744 : vector<1x1x64x384xf32> to vector<64x384xf32>
    %exp3A_1746 = math.exp %get3A_1745 : vector<64x384xf32>
    %add3A_1747 = arith.addf %add3A_1717, %exp3A_1746 : vector<64x384xf32>
    %eq3A_1748 = arith.constant 116 : i32
    %eq3A_1749 = vector.broadcast %eq3A_1748 : i32 to vector<64x384xi32>
    %eq3A_1750 = arith.cmpi eq, %get3A_3, %eq3A_1749 : vector<64x384xi32>
    %jit3A_1751 = arith.constant 0.000000e+00 : f32
    %broadcast_in_dim3A_1752 = vector.broadcast %jit3A_1751 : f32 to vector<64x384xf32>
    %select_n3A_1753 = arith.select %eq3A_1750, %get3A_1745, %broadcast_in_dim3A_1752 : vector<64x384xi1>, vector<64x384xf32>
    %add3A_1754 = arith.addf %add3A_1724, %select_n3A_1753 : vector<64x384xf32>
    %get3A_1755 = arith.constant 0 : index
    %get3A_1756 = arith.constant 117 : index
    %get3A_1757 = arith.constant 0 : index
    %get3A_1758 = arith.constant 0 : index
    %get3A_1759 = vector.load %arg2[%get3A_1755, %get3A_1756, %get3A_1757, %get3A_1758] : memref<1x150x64x384xf32, #tpu.memory_space<vmem>>, vector<1x1x64x384xf32>
    %get3A_1760 = vector.shape_cast %get3A_1759 : vector<1x1x64x384xf32> to vector<64x384xf32>
    %exp3A_1761 = math.exp %get3A_1760 : vector<64x384xf32>
    %add3A_1762 = arith.addf %add3A_1732, %exp3A_1761 : vector<64x384xf32>
    %eq3A_1763 = arith.constant 117 : i32
    %eq3A_1764 = vector.broadcast %eq3A_1763 : i32 to vector<64x384xi32>
    %eq3A_1765 = arith.cmpi eq, %get3A_3, %eq3A_1764 : vector<64x384xi32>
    %jit3A_1766 = arith.constant 0.000000e+00 : f32
    %broadcast_in_dim3A_1767 = vector.broadcast %jit3A_1766 : f32 to vector<64x384xf32>
    %select_n3A_1768 = arith.select %eq3A_1765, %get3A_1760, %broadcast_in_dim3A_1767 : vector<64x384xi1>, vector<64x384xf32>
    %add3A_1769 = arith.addf %add3A_1739, %select_n3A_1768 : vector<64x384xf32>
    %get3A_1770 = arith.constant 0 : index
    %get3A_1771 = arith.constant 118 : index
    %get3A_1772 = arith.constant 0 : index
    %get3A_1773 = arith.constant 0 : index
    %get3A_1774 = vector.load %arg2[%get3A_1770, %get3A_1771, %get3A_1772, %get3A_1773] : memref<1x150x64x384xf32, #tpu.memory_space<vmem>>, vector<1x1x64x384xf32>
    %get3A_1775 = vector.shape_cast %get3A_1774 : vector<1x1x64x384xf32> to vector<64x384xf32>
    %exp3A_1776 = math.exp %get3A_1775 : vector<64x384xf32>
    %add3A_1777 = arith.addf %add3A_1747, %exp3A_1776 : vector<64x384xf32>
    %eq3A_1778 = arith.constant 118 : i32
    %eq3A_1779 = vector.broadcast %eq3A_1778 : i32 to vector<64x384xi32>
    %eq3A_1780 = arith.cmpi eq, %get3A_3, %eq3A_1779 : vector<64x384xi32>
    %jit3A_1781 = arith.constant 0.000000e+00 : f32
    %broadcast_in_dim3A_1782 = vector.broadcast %jit3A_1781 : f32 to vector<64x384xf32>
    %select_n3A_1783 = arith.select %eq3A_1780, %get3A_1775, %broadcast_in_dim3A_1782 : vector<64x384xi1>, vector<64x384xf32>
    %add3A_1784 = arith.addf %add3A_1754, %select_n3A_1783 : vector<64x384xf32>
    %get3A_1785 = arith.constant 0 : index
    %get3A_1786 = arith.constant 119 : index
    %get3A_1787 = arith.constant 0 : index
    %get3A_1788 = arith.constant 0 : index
    %get3A_1789 = vector.load %arg2[%get3A_1785, %get3A_1786, %get3A_1787, %get3A_1788] : memref<1x150x64x384xf32, #tpu.memory_space<vmem>>, vector<1x1x64x384xf32>
    %get3A_1790 = vector.shape_cast %get3A_1789 : vector<1x1x64x384xf32> to vector<64x384xf32>
    %exp3A_1791 = math.exp %get3A_1790 : vector<64x384xf32>
    %add3A_1792 = arith.addf %add3A_1762, %exp3A_1791 : vector<64x384xf32>
    %eq3A_1793 = arith.constant 119 : i32
    %eq3A_1794 = vector.broadcast %eq3A_1793 : i32 to vector<64x384xi32>
    %eq3A_1795 = arith.cmpi eq, %get3A_3, %eq3A_1794 : vector<64x384xi32>
    %jit3A_1796 = arith.constant 0.000000e+00 : f32
    %broadcast_in_dim3A_1797 = vector.broadcast %jit3A_1796 : f32 to vector<64x384xf32>
    %select_n3A_1798 = arith.select %eq3A_1795, %get3A_1790, %broadcast_in_dim3A_1797 : vector<64x384xi1>, vector<64x384xf32>
    %add3A_1799 = arith.addf %add3A_1769, %select_n3A_1798 : vector<64x384xf32>
    %get3A_1800 = arith.constant 0 : index
    %get3A_1801 = arith.constant 120 : index
    %get3A_1802 = arith.constant 0 : index
    %get3A_1803 = arith.constant 0 : index
    %get3A_1804 = vector.load %arg2[%get3A_1800, %get3A_1801, %get3A_1802, %get3A_1803] : memref<1x150x64x384xf32, #tpu.memory_space<vmem>>, vector<1x1x64x384xf32>
    %get3A_1805 = vector.shape_cast %get3A_1804 : vector<1x1x64x384xf32> to vector<64x384xf32>
    %exp3A_1806 = math.exp %get3A_1805 : vector<64x384xf32>
    %add3A_1807 = arith.addf %add3A_1777, %exp3A_1806 : vector<64x384xf32>
    %eq3A_1808 = arith.constant 120 : i32
    %eq3A_1809 = vector.broadcast %eq3A_1808 : i32 to vector<64x384xi32>
    %eq3A_1810 = arith.cmpi eq, %get3A_3, %eq3A_1809 : vector<64x384xi32>
    %jit3A_1811 = arith.constant 0.000000e+00 : f32
    %broadcast_in_dim3A_1812 = vector.broadcast %jit3A_1811 : f32 to vector<64x384xf32>
    %select_n3A_1813 = arith.select %eq3A_1810, %get3A_1805, %broadcast_in_dim3A_1812 : vector<64x384xi1>, vector<64x384xf32>
    %add3A_1814 = arith.addf %add3A_1784, %select_n3A_1813 : vector<64x384xf32>
    %get3A_1815 = arith.constant 0 : index
    %get3A_1816 = arith.constant 121 : index
    %get3A_1817 = arith.constant 0 : index
    %get3A_1818 = arith.constant 0 : index
    %get3A_1819 = vector.load %arg2[%get3A_1815, %get3A_1816, %get3A_1817, %get3A_1818] : memref<1x150x64x384xf32, #tpu.memory_space<vmem>>, vector<1x1x64x384xf32>
    %get3A_1820 = vector.shape_cast %get3A_1819 : vector<1x1x64x384xf32> to vector<64x384xf32>
    %exp3A_1821 = math.exp %get3A_1820 : vector<64x384xf32>
    %add3A_1822 = arith.addf %add3A_1792, %exp3A_1821 : vector<64x384xf32>
    %eq3A_1823 = arith.constant 121 : i32
    %eq3A_1824 = vector.broadcast %eq3A_1823 : i32 to vector<64x384xi32>
    %eq3A_1825 = arith.cmpi eq, %get3A_3, %eq3A_1824 : vector<64x384xi32>
    %jit3A_1826 = arith.constant 0.000000e+00 : f32
    %broadcast_in_dim3A_1827 = vector.broadcast %jit3A_1826 : f32 to vector<64x384xf32>
    %select_n3A_1828 = arith.select %eq3A_1825, %get3A_1820, %broadcast_in_dim3A_1827 : vector<64x384xi1>, vector<64x384xf32>
    %add3A_1829 = arith.addf %add3A_1799, %select_n3A_1828 : vector<64x384xf32>
    %get3A_1830 = arith.constant 0 : index
    %get3A_1831 = arith.constant 122 : index
    %get3A_1832 = arith.constant 0 : index
    %get3A_1833 = arith.constant 0 : index
    %get3A_1834 = vector.load %arg2[%get3A_1830, %get3A_1831, %get3A_1832, %get3A_1833] : memref<1x150x64x384xf32, #tpu.memory_space<vmem>>, vector<1x1x64x384xf32>
    %get3A_1835 = vector.shape_cast %get3A_1834 : vector<1x1x64x384xf32> to vector<64x384xf32>
    %exp3A_1836 = math.exp %get3A_1835 : vector<64x384xf32>
    %add3A_1837 = arith.addf %add3A_1807, %exp3A_1836 : vector<64x384xf32>
    %eq3A_1838 = arith.constant 122 : i32
    %eq3A_1839 = vector.broadcast %eq3A_1838 : i32 to vector<64x384xi32>
    %eq3A_1840 = arith.cmpi eq, %get3A_3, %eq3A_1839 : vector<64x384xi32>
    %jit3A_1841 = arith.constant 0.000000e+00 : f32
    %broadcast_in_dim3A_1842 = vector.broadcast %jit3A_1841 : f32 to vector<64x384xf32>
    %select_n3A_1843 = arith.select %eq3A_1840, %get3A_1835, %broadcast_in_dim3A_1842 : vector<64x384xi1>, vector<64x384xf32>
    %add3A_1844 = arith.addf %add3A_1814, %select_n3A_1843 : vector<64x384xf32>
    %get3A_1845 = arith.constant 0 : index
    %get3A_1846 = arith.constant 123 : index
    %get3A_1847 = arith.constant 0 : index
    %get3A_1848 = arith.constant 0 : index
    %get3A_1849 = vector.load %arg2[%get3A_1845, %get3A_1846, %get3A_1847, %get3A_1848] : memref<1x150x64x384xf32, #tpu.memory_space<vmem>>, vector<1x1x64x384xf32>
    %get3A_1850 = vector.shape_cast %get3A_1849 : vector<1x1x64x384xf32> to vector<64x384xf32>
    %exp3A_1851 = math.exp %get3A_1850 : vector<64x384xf32>
    %add3A_1852 = arith.addf %add3A_1822, %exp3A_1851 : vector<64x384xf32>
    %eq3A_1853 = arith.constant 123 : i32
    %eq3A_1854 = vector.broadcast %eq3A_1853 : i32 to vector<64x384xi32>
    %eq3A_1855 = arith.cmpi eq, %get3A_3, %eq3A_1854 : vector<64x384xi32>
    %jit3A_1856 = arith.constant 0.000000e+00 : f32
    %broadcast_in_dim3A_1857 = vector.broadcast %jit3A_1856 : f32 to vector<64x384xf32>
    %select_n3A_1858 = arith.select %eq3A_1855, %get3A_1850, %broadcast_in_dim3A_1857 : vector<64x384xi1>, vector<64x384xf32>
    %add3A_1859 = arith.addf %add3A_1829, %select_n3A_1858 : vector<64x384xf32>
    %get3A_1860 = arith.constant 0 : index
    %get3A_1861 = arith.constant 124 : index
    %get3A_1862 = arith.constant 0 : index
    %get3A_1863 = arith.constant 0 : index
    %get3A_1864 = vector.load %arg2[%get3A_1860, %get3A_1861, %get3A_1862, %get3A_1863] : memref<1x150x64x384xf32, #tpu.memory_space<vmem>>, vector<1x1x64x384xf32>
    %get3A_1865 = vector.shape_cast %get3A_1864 : vector<1x1x64x384xf32> to vector<64x384xf32>
    %exp3A_1866 = math.exp %get3A_1865 : vector<64x384xf32>
    %add3A_1867 = arith.addf %add3A_1837, %exp3A_1866 : vector<64x384xf32>
    %eq3A_1868 = arith.constant 124 : i32
    %eq3A_1869 = vector.broadcast %eq3A_1868 : i32 to vector<64x384xi32>
    %eq3A_1870 = arith.cmpi eq, %get3A_3, %eq3A_1869 : vector<64x384xi32>
    %jit3A_1871 = arith.constant 0.000000e+00 : f32
    %broadcast_in_dim3A_1872 = vector.broadcast %jit3A_1871 : f32 to vector<64x384xf32>
    %select_n3A_1873 = arith.select %eq3A_1870, %get3A_1865, %broadcast_in_dim3A_1872 : vector<64x384xi1>, vector<64x384xf32>
    %add3A_1874 = arith.addf %add3A_1844, %select_n3A_1873 : vector<64x384xf32>
    %get3A_1875 = arith.constant 0 : index
    %get3A_1876 = arith.constant 125 : index
    %get3A_1877 = arith.constant 0 : index
    %get3A_1878 = arith.constant 0 : index
    %get3A_1879 = vector.load %arg2[%get3A_1875, %get3A_1876, %get3A_1877, %get3A_1878] : memref<1x150x64x384xf32, #tpu.memory_space<vmem>>, vector<1x1x64x384xf32>
    %get3A_1880 = vector.shape_cast %get3A_1879 : vector<1x1x64x384xf32> to vector<64x384xf32>
    %exp3A_1881 = math.exp %get3A_1880 : vector<64x384xf32>
    %add3A_1882 = arith.addf %add3A_1852, %exp3A_1881 : vector<64x384xf32>
    %eq3A_1883 = arith.constant 125 : i32
    %eq3A_1884 = vector.broadcast %eq3A_1883 : i32 to vector<64x384xi32>
    %eq3A_1885 = arith.cmpi eq, %get3A_3, %eq3A_1884 : vector<64x384xi32>
    %jit3A_1886 = arith.constant 0.000000e+00 : f32
    %broadcast_in_dim3A_1887 = vector.broadcast %jit3A_1886 : f32 to vector<64x384xf32>
    %select_n3A_1888 = arith.select %eq3A_1885, %get3A_1880, %broadcast_in_dim3A_1887 : vector<64x384xi1>, vector<64x384xf32>
    %add3A_1889 = arith.addf %add3A_1859, %select_n3A_1888 : vector<64x384xf32>
    %get3A_1890 = arith.constant 0 : index
    %get3A_1891 = arith.constant 126 : index
    %get3A_1892 = arith.constant 0 : index
    %get3A_1893 = arith.constant 0 : index
    %get3A_1894 = vector.load %arg2[%get3A_1890, %get3A_1891, %get3A_1892, %get3A_1893] : memref<1x150x64x384xf32, #tpu.memory_space<vmem>>, vector<1x1x64x384xf32>
    %get3A_1895 = vector.shape_cast %get3A_1894 : vector<1x1x64x384xf32> to vector<64x384xf32>
    %exp3A_1896 = math.exp %get3A_1895 : vector<64x384xf32>
    %add3A_1897 = arith.addf %add3A_1867, %exp3A_1896 : vector<64x384xf32>
    %eq3A_1898 = arith.constant 126 : i32
    %eq3A_1899 = vector.broadcast %eq3A_1898 : i32 to vector<64x384xi32>
    %eq3A_1900 = arith.cmpi eq, %get3A_3, %eq3A_1899 : vector<64x384xi32>
    %jit3A_1901 = arith.constant 0.000000e+00 : f32
    %broadcast_in_dim3A_1902 = vector.broadcast %jit3A_1901 : f32 to vector<64x384xf32>
    %select_n3A_1903 = arith.select %eq3A_1900, %get3A_1895, %broadcast_in_dim3A_1902 : vector<64x384xi1>, vector<64x384xf32>
    %add3A_1904 = arith.addf %add3A_1874, %select_n3A_1903 : vector<64x384xf32>
    %get3A_1905 = arith.constant 0 : index
    %get3A_1906 = arith.constant 127 : index
    %get3A_1907 = arith.constant 0 : index
    %get3A_1908 = arith.constant 0 : index
    %get3A_1909 = vector.load %arg2[%get3A_1905, %get3A_1906, %get3A_1907, %get3A_1908] : memref<1x150x64x384xf32, #tpu.memory_space<vmem>>, vector<1x1x64x384xf32>
    %get3A_1910 = vector.shape_cast %get3A_1909 : vector<1x1x64x384xf32> to vector<64x384xf32>
    %exp3A_1911 = math.exp %get3A_1910 : vector<64x384xf32>
    %add3A_1912 = arith.addf %add3A_1882, %exp3A_1911 : vector<64x384xf32>
    %eq3A_1913 = arith.constant 127 : i32
    %eq3A_1914 = vector.broadcast %eq3A_1913 : i32 to vector<64x384xi32>
    %eq3A_1915 = arith.cmpi eq, %get3A_3, %eq3A_1914 : vector<64x384xi32>
    %jit3A_1916 = arith.constant 0.000000e+00 : f32
    %broadcast_in_dim3A_1917 = vector.broadcast %jit3A_1916 : f32 to vector<64x384xf32>
    %select_n3A_1918 = arith.select %eq3A_1915, %get3A_1910, %broadcast_in_dim3A_1917 : vector<64x384xi1>, vector<64x384xf32>
    %add3A_1919 = arith.addf %add3A_1889, %select_n3A_1918 : vector<64x384xf32>
    %get3A_1920 = arith.constant 0 : index
    %get3A_1921 = arith.constant 128 : index
    %get3A_1922 = arith.constant 0 : index
    %get3A_1923 = arith.constant 0 : index
    %get3A_1924 = vector.load %arg2[%get3A_1920, %get3A_1921, %get3A_1922, %get3A_1923] : memref<1x150x64x384xf32, #tpu.memory_space<vmem>>, vector<1x1x64x384xf32>
    %get3A_1925 = vector.shape_cast %get3A_1924 : vector<1x1x64x384xf32> to vector<64x384xf32>
    %exp3A_1926 = math.exp %get3A_1925 : vector<64x384xf32>
    %add3A_1927 = arith.addf %add3A_1897, %exp3A_1926 : vector<64x384xf32>
    %eq3A_1928 = arith.constant 128 : i32
    %eq3A_1929 = vector.broadcast %eq3A_1928 : i32 to vector<64x384xi32>
    %eq3A_1930 = arith.cmpi eq, %get3A_3, %eq3A_1929 : vector<64x384xi32>
    %jit3A_1931 = arith.constant 0.000000e+00 : f32
    %broadcast_in_dim3A_1932 = vector.broadcast %jit3A_1931 : f32 to vector<64x384xf32>
    %select_n3A_1933 = arith.select %eq3A_1930, %get3A_1925, %broadcast_in_dim3A_1932 : vector<64x384xi1>, vector<64x384xf32>
    %add3A_1934 = arith.addf %add3A_1904, %select_n3A_1933 : vector<64x384xf32>
    %get3A_1935 = arith.constant 0 : index
    %get3A_1936 = arith.constant 129 : index
    %get3A_1937 = arith.constant 0 : index
    %get3A_1938 = arith.constant 0 : index
    %get3A_1939 = vector.load %arg2[%get3A_1935, %get3A_1936, %get3A_1937, %get3A_1938] : memref<1x150x64x384xf32, #tpu.memory_space<vmem>>, vector<1x1x64x384xf32>
    %get3A_1940 = vector.shape_cast %get3A_1939 : vector<1x1x64x384xf32> to vector<64x384xf32>
    %exp3A_1941 = math.exp %get3A_1940 : vector<64x384xf32>
    %add3A_1942 = arith.addf %add3A_1912, %exp3A_1941 : vector<64x384xf32>
    %eq3A_1943 = arith.constant 129 : i32
    %eq3A_1944 = vector.broadcast %eq3A_1943 : i32 to vector<64x384xi32>
    %eq3A_1945 = arith.cmpi eq, %get3A_3, %eq3A_1944 : vector<64x384xi32>
    %jit3A_1946 = arith.constant 0.000000e+00 : f32
    %broadcast_in_dim3A_1947 = vector.broadcast %jit3A_1946 : f32 to vector<64x384xf32>
    %select_n3A_1948 = arith.select %eq3A_1945, %get3A_1940, %broadcast_in_dim3A_1947 : vector<64x384xi1>, vector<64x384xf32>
    %add3A_1949 = arith.addf %add3A_1919, %select_n3A_1948 : vector<64x384xf32>
    %get3A_1950 = arith.constant 0 : index
    %get3A_1951 = arith.constant 130 : index
    %get3A_1952 = arith.constant 0 : index
    %get3A_1953 = arith.constant 0 : index
    %get3A_1954 = vector.load %arg2[%get3A_1950, %get3A_1951, %get3A_1952, %get3A_1953] : memref<1x150x64x384xf32, #tpu.memory_space<vmem>>, vector<1x1x64x384xf32>
    %get3A_1955 = vector.shape_cast %get3A_1954 : vector<1x1x64x384xf32> to vector<64x384xf32>
    %exp3A_1956 = math.exp %get3A_1955 : vector<64x384xf32>
    %add3A_1957 = arith.addf %add3A_1927, %exp3A_1956 : vector<64x384xf32>
    %eq3A_1958 = arith.constant 130 : i32
    %eq3A_1959 = vector.broadcast %eq3A_1958 : i32 to vector<64x384xi32>
    %eq3A_1960 = arith.cmpi eq, %get3A_3, %eq3A_1959 : vector<64x384xi32>
    %jit3A_1961 = arith.constant 0.000000e+00 : f32
    %broadcast_in_dim3A_1962 = vector.broadcast %jit3A_1961 : f32 to vector<64x384xf32>
    %select_n3A_1963 = arith.select %eq3A_1960, %get3A_1955, %broadcast_in_dim3A_1962 : vector<64x384xi1>, vector<64x384xf32>
    %add3A_1964 = arith.addf %add3A_1934, %select_n3A_1963 : vector<64x384xf32>
    %get3A_1965 = arith.constant 0 : index
    %get3A_1966 = arith.constant 131 : index
    %get3A_1967 = arith.constant 0 : index
    %get3A_1968 = arith.constant 0 : index
    %get3A_1969 = vector.load %arg2[%get3A_1965, %get3A_1966, %get3A_1967, %get3A_1968] : memref<1x150x64x384xf32, #tpu.memory_space<vmem>>, vector<1x1x64x384xf32>
    %get3A_1970 = vector.shape_cast %get3A_1969 : vector<1x1x64x384xf32> to vector<64x384xf32>
    %exp3A_1971 = math.exp %get3A_1970 : vector<64x384xf32>
    %add3A_1972 = arith.addf %add3A_1942, %exp3A_1971 : vector<64x384xf32>
    %eq3A_1973 = arith.constant 131 : i32
    %eq3A_1974 = vector.broadcast %eq3A_1973 : i32 to vector<64x384xi32>
    %eq3A_1975 = arith.cmpi eq, %get3A_3, %eq3A_1974 : vector<64x384xi32>
    %jit3A_1976 = arith.constant 0.000000e+00 : f32
    %broadcast_in_dim3A_1977 = vector.broadcast %jit3A_1976 : f32 to vector<64x384xf32>
    %select_n3A_1978 = arith.select %eq3A_1975, %get3A_1970, %broadcast_in_dim3A_1977 : vector<64x384xi1>, vector<64x384xf32>
    %add3A_1979 = arith.addf %add3A_1949, %select_n3A_1978 : vector<64x384xf32>
    %get3A_1980 = arith.constant 0 : index
    %get3A_1981 = arith.constant 132 : index
    %get3A_1982 = arith.constant 0 : index
    %get3A_1983 = arith.constant 0 : index
    %get3A_1984 = vector.load %arg2[%get3A_1980, %get3A_1981, %get3A_1982, %get3A_1983] : memref<1x150x64x384xf32, #tpu.memory_space<vmem>>, vector<1x1x64x384xf32>
    %get3A_1985 = vector.shape_cast %get3A_1984 : vector<1x1x64x384xf32> to vector<64x384xf32>
    %exp3A_1986 = math.exp %get3A_1985 : vector<64x384xf32>
    %add3A_1987 = arith.addf %add3A_1957, %exp3A_1986 : vector<64x384xf32>
    %eq3A_1988 = arith.constant 132 : i32
    %eq3A_1989 = vector.broadcast %eq3A_1988 : i32 to vector<64x384xi32>
    %eq3A_1990 = arith.cmpi eq, %get3A_3, %eq3A_1989 : vector<64x384xi32>
    %jit3A_1991 = arith.constant 0.000000e+00 : f32
    %broadcast_in_dim3A_1992 = vector.broadcast %jit3A_1991 : f32 to vector<64x384xf32>
    %select_n3A_1993 = arith.select %eq3A_1990, %get3A_1985, %broadcast_in_dim3A_1992 : vector<64x384xi1>, vector<64x384xf32>
    %add3A_1994 = arith.addf %add3A_1964, %select_n3A_1993 : vector<64x384xf32>
    %get3A_1995 = arith.constant 0 : index
    %get3A_1996 = arith.constant 133 : index
    %get3A_1997 = arith.constant 0 : index
    %get3A_1998 = arith.constant 0 : index
    %get3A_1999 = vector.load %arg2[%get3A_1995, %get3A_1996, %get3A_1997, %get3A_1998] : memref<1x150x64x384xf32, #tpu.memory_space<vmem>>, vector<1x1x64x384xf32>
    %get3A_2000 = vector.shape_cast %get3A_1999 : vector<1x1x64x384xf32> to vector<64x384xf32>
    %exp3A_2001 = math.exp %get3A_2000 : vector<64x384xf32>
    %add3A_2002 = arith.addf %add3A_1972, %exp3A_2001 : vector<64x384xf32>
    %eq3A_2003 = arith.constant 133 : i32
    %eq3A_2004 = vector.broadcast %eq3A_2003 : i32 to vector<64x384xi32>
    %eq3A_2005 = arith.cmpi eq, %get3A_3, %eq3A_2004 : vector<64x384xi32>
    %jit3A_2006 = arith.constant 0.000000e+00 : f32
    %broadcast_in_dim3A_2007 = vector.broadcast %jit3A_2006 : f32 to vector<64x384xf32>
    %select_n3A_2008 = arith.select %eq3A_2005, %get3A_2000, %broadcast_in_dim3A_2007 : vector<64x384xi1>, vector<64x384xf32>
    %add3A_2009 = arith.addf %add3A_1979, %select_n3A_2008 : vector<64x384xf32>
    %get3A_2010 = arith.constant 0 : index
    %get3A_2011 = arith.constant 134 : index
    %get3A_2012 = arith.constant 0 : index
    %get3A_2013 = arith.constant 0 : index
    %get3A_2014 = vector.load %arg2[%get3A_2010, %get3A_2011, %get3A_2012, %get3A_2013] : memref<1x150x64x384xf32, #tpu.memory_space<vmem>>, vector<1x1x64x384xf32>
    %get3A_2015 = vector.shape_cast %get3A_2014 : vector<1x1x64x384xf32> to vector<64x384xf32>
    %exp3A_2016 = math.exp %get3A_2015 : vector<64x384xf32>
    %add3A_2017 = arith.addf %add3A_1987, %exp3A_2016 : vector<64x384xf32>
    %eq3A_2018 = arith.constant 134 : i32
    %eq3A_2019 = vector.broadcast %eq3A_2018 : i32 to vector<64x384xi32>
    %eq3A_2020 = arith.cmpi eq, %get3A_3, %eq3A_2019 : vector<64x384xi32>
    %jit3A_2021 = arith.constant 0.000000e+00 : f32
    %broadcast_in_dim3A_2022 = vector.broadcast %jit3A_2021 : f32 to vector<64x384xf32>
    %select_n3A_2023 = arith.select %eq3A_2020, %get3A_2015, %broadcast_in_dim3A_2022 : vector<64x384xi1>, vector<64x384xf32>
    %add3A_2024 = arith.addf %add3A_1994, %select_n3A_2023 : vector<64x384xf32>
    %get3A_2025 = arith.constant 0 : index
    %get3A_2026 = arith.constant 135 : index
    %get3A_2027 = arith.constant 0 : index
    %get3A_2028 = arith.constant 0 : index
    %get3A_2029 = vector.load %arg2[%get3A_2025, %get3A_2026, %get3A_2027, %get3A_2028] : memref<1x150x64x384xf32, #tpu.memory_space<vmem>>, vector<1x1x64x384xf32>
    %get3A_2030 = vector.shape_cast %get3A_2029 : vector<1x1x64x384xf32> to vector<64x384xf32>
    %exp3A_2031 = math.exp %get3A_2030 : vector<64x384xf32>
    %add3A_2032 = arith.addf %add3A_2002, %exp3A_2031 : vector<64x384xf32>
    %eq3A_2033 = arith.constant 135 : i32
    %eq3A_2034 = vector.broadcast %eq3A_2033 : i32 to vector<64x384xi32>
    %eq3A_2035 = arith.cmpi eq, %get3A_3, %eq3A_2034 : vector<64x384xi32>
    %jit3A_2036 = arith.constant 0.000000e+00 : f32
    %broadcast_in_dim3A_2037 = vector.broadcast %jit3A_2036 : f32 to vector<64x384xf32>
    %select_n3A_2038 = arith.select %eq3A_2035, %get3A_2030, %broadcast_in_dim3A_2037 : vector<64x384xi1>, vector<64x384xf32>
    %add3A_2039 = arith.addf %add3A_2009, %select_n3A_2038 : vector<64x384xf32>
    %get3A_2040 = arith.constant 0 : index
    %get3A_2041 = arith.constant 136 : index
    %get3A_2042 = arith.constant 0 : index
    %get3A_2043 = arith.constant 0 : index
    %get3A_2044 = vector.load %arg2[%get3A_2040, %get3A_2041, %get3A_2042, %get3A_2043] : memref<1x150x64x384xf32, #tpu.memory_space<vmem>>, vector<1x1x64x384xf32>
    %get3A_2045 = vector.shape_cast %get3A_2044 : vector<1x1x64x384xf32> to vector<64x384xf32>
    %exp3A_2046 = math.exp %get3A_2045 : vector<64x384xf32>
    %add3A_2047 = arith.addf %add3A_2017, %exp3A_2046 : vector<64x384xf32>
    %eq3A_2048 = arith.constant 136 : i32
    %eq3A_2049 = vector.broadcast %eq3A_2048 : i32 to vector<64x384xi32>
    %eq3A_2050 = arith.cmpi eq, %get3A_3, %eq3A_2049 : vector<64x384xi32>
    %jit3A_2051 = arith.constant 0.000000e+00 : f32
    %broadcast_in_dim3A_2052 = vector.broadcast %jit3A_2051 : f32 to vector<64x384xf32>
    %select_n3A_2053 = arith.select %eq3A_2050, %get3A_2045, %broadcast_in_dim3A_2052 : vector<64x384xi1>, vector<64x384xf32>
    %add3A_2054 = arith.addf %add3A_2024, %select_n3A_2053 : vector<64x384xf32>
    %get3A_2055 = arith.constant 0 : index
    %get3A_2056 = arith.constant 137 : index
    %get3A_2057 = arith.constant 0 : index
    %get3A_2058 = arith.constant 0 : index
    %get3A_2059 = vector.load %arg2[%get3A_2055, %get3A_2056, %get3A_2057, %get3A_2058] : memref<1x150x64x384xf32, #tpu.memory_space<vmem>>, vector<1x1x64x384xf32>
    %get3A_2060 = vector.shape_cast %get3A_2059 : vector<1x1x64x384xf32> to vector<64x384xf32>
    %exp3A_2061 = math.exp %get3A_2060 : vector<64x384xf32>
    %add3A_2062 = arith.addf %add3A_2032, %exp3A_2061 : vector<64x384xf32>
    %eq3A_2063 = arith.constant 137 : i32
    %eq3A_2064 = vector.broadcast %eq3A_2063 : i32 to vector<64x384xi32>
    %eq3A_2065 = arith.cmpi eq, %get3A_3, %eq3A_2064 : vector<64x384xi32>
    %jit3A_2066 = arith.constant 0.000000e+00 : f32
    %broadcast_in_dim3A_2067 = vector.broadcast %jit3A_2066 : f32 to vector<64x384xf32>
    %select_n3A_2068 = arith.select %eq3A_2065, %get3A_2060, %broadcast_in_dim3A_2067 : vector<64x384xi1>, vector<64x384xf32>
    %add3A_2069 = arith.addf %add3A_2039, %select_n3A_2068 : vector<64x384xf32>
    %get3A_2070 = arith.constant 0 : index
    %get3A_2071 = arith.constant 138 : index
    %get3A_2072 = arith.constant 0 : index
    %get3A_2073 = arith.constant 0 : index
    %get3A_2074 = vector.load %arg2[%get3A_2070, %get3A_2071, %get3A_2072, %get3A_2073] : memref<1x150x64x384xf32, #tpu.memory_space<vmem>>, vector<1x1x64x384xf32>
    %get3A_2075 = vector.shape_cast %get3A_2074 : vector<1x1x64x384xf32> to vector<64x384xf32>
    %exp3A_2076 = math.exp %get3A_2075 : vector<64x384xf32>
    %add3A_2077 = arith.addf %add3A_2047, %exp3A_2076 : vector<64x384xf32>
    %eq3A_2078 = arith.constant 138 : i32
    %eq3A_2079 = vector.broadcast %eq3A_2078 : i32 to vector<64x384xi32>
    %eq3A_2080 = arith.cmpi eq, %get3A_3, %eq3A_2079 : vector<64x384xi32>
    %jit3A_2081 = arith.constant 0.000000e+00 : f32
    %broadcast_in_dim3A_2082 = vector.broadcast %jit3A_2081 : f32 to vector<64x384xf32>
    %select_n3A_2083 = arith.select %eq3A_2080, %get3A_2075, %broadcast_in_dim3A_2082 : vector<64x384xi1>, vector<64x384xf32>
    %add3A_2084 = arith.addf %add3A_2054, %select_n3A_2083 : vector<64x384xf32>
    %get3A_2085 = arith.constant 0 : index
    %get3A_2086 = arith.constant 139 : index
    %get3A_2087 = arith.constant 0 : index
    %get3A_2088 = arith.constant 0 : index
    %get3A_2089 = vector.load %arg2[%get3A_2085, %get3A_2086, %get3A_2087, %get3A_2088] : memref<1x150x64x384xf32, #tpu.memory_space<vmem>>, vector<1x1x64x384xf32>
    %get3A_2090 = vector.shape_cast %get3A_2089 : vector<1x1x64x384xf32> to vector<64x384xf32>
    %exp3A_2091 = math.exp %get3A_2090 : vector<64x384xf32>
    %add3A_2092 = arith.addf %add3A_2062, %exp3A_2091 : vector<64x384xf32>
    %eq3A_2093 = arith.constant 139 : i32
    %eq3A_2094 = vector.broadcast %eq3A_2093 : i32 to vector<64x384xi32>
    %eq3A_2095 = arith.cmpi eq, %get3A_3, %eq3A_2094 : vector<64x384xi32>
    %jit3A_2096 = arith.constant 0.000000e+00 : f32
    %broadcast_in_dim3A_2097 = vector.broadcast %jit3A_2096 : f32 to vector<64x384xf32>
    %select_n3A_2098 = arith.select %eq3A_2095, %get3A_2090, %broadcast_in_dim3A_2097 : vector<64x384xi1>, vector<64x384xf32>
    %add3A_2099 = arith.addf %add3A_2069, %select_n3A_2098 : vector<64x384xf32>
    %get3A_2100 = arith.constant 0 : index
    %get3A_2101 = arith.constant 140 : index
    %get3A_2102 = arith.constant 0 : index
    %get3A_2103 = arith.constant 0 : index
    %get3A_2104 = vector.load %arg2[%get3A_2100, %get3A_2101, %get3A_2102, %get3A_2103] : memref<1x150x64x384xf32, #tpu.memory_space<vmem>>, vector<1x1x64x384xf32>
    %get3A_2105 = vector.shape_cast %get3A_2104 : vector<1x1x64x384xf32> to vector<64x384xf32>
    %exp3A_2106 = math.exp %get3A_2105 : vector<64x384xf32>
    %add3A_2107 = arith.addf %add3A_2077, %exp3A_2106 : vector<64x384xf32>
    %eq3A_2108 = arith.constant 140 : i32
    %eq3A_2109 = vector.broadcast %eq3A_2108 : i32 to vector<64x384xi32>
    %eq3A_2110 = arith.cmpi eq, %get3A_3, %eq3A_2109 : vector<64x384xi32>
    %jit3A_2111 = arith.constant 0.000000e+00 : f32
    %broadcast_in_dim3A_2112 = vector.broadcast %jit3A_2111 : f32 to vector<64x384xf32>
    %select_n3A_2113 = arith.select %eq3A_2110, %get3A_2105, %broadcast_in_dim3A_2112 : vector<64x384xi1>, vector<64x384xf32>
    %add3A_2114 = arith.addf %add3A_2084, %select_n3A_2113 : vector<64x384xf32>
    %get3A_2115 = arith.constant 0 : index
    %get3A_2116 = arith.constant 141 : index
    %get3A_2117 = arith.constant 0 : index
    %get3A_2118 = arith.constant 0 : index
    %get3A_2119 = vector.load %arg2[%get3A_2115, %get3A_2116, %get3A_2117, %get3A_2118] : memref<1x150x64x384xf32, #tpu.memory_space<vmem>>, vector<1x1x64x384xf32>
    %get3A_2120 = vector.shape_cast %get3A_2119 : vector<1x1x64x384xf32> to vector<64x384xf32>
    %exp3A_2121 = math.exp %get3A_2120 : vector<64x384xf32>
    %add3A_2122 = arith.addf %add3A_2092, %exp3A_2121 : vector<64x384xf32>
    %eq3A_2123 = arith.constant 141 : i32
    %eq3A_2124 = vector.broadcast %eq3A_2123 : i32 to vector<64x384xi32>
    %eq3A_2125 = arith.cmpi eq, %get3A_3, %eq3A_2124 : vector<64x384xi32>
    %jit3A_2126 = arith.constant 0.000000e+00 : f32
    %broadcast_in_dim3A_2127 = vector.broadcast %jit3A_2126 : f32 to vector<64x384xf32>
    %select_n3A_2128 = arith.select %eq3A_2125, %get3A_2120, %broadcast_in_dim3A_2127 : vector<64x384xi1>, vector<64x384xf32>
    %add3A_2129 = arith.addf %add3A_2099, %select_n3A_2128 : vector<64x384xf32>
    %get3A_2130 = arith.constant 0 : index
    %get3A_2131 = arith.constant 142 : index
    %get3A_2132 = arith.constant 0 : index
    %get3A_2133 = arith.constant 0 : index
    %get3A_2134 = vector.load %arg2[%get3A_2130, %get3A_2131, %get3A_2132, %get3A_2133] : memref<1x150x64x384xf32, #tpu.memory_space<vmem>>, vector<1x1x64x384xf32>
    %get3A_2135 = vector.shape_cast %get3A_2134 : vector<1x1x64x384xf32> to vector<64x384xf32>
    %exp3A_2136 = math.exp %get3A_2135 : vector<64x384xf32>
    %add3A_2137 = arith.addf %add3A_2107, %exp3A_2136 : vector<64x384xf32>
    %eq3A_2138 = arith.constant 142 : i32
    %eq3A_2139 = vector.broadcast %eq3A_2138 : i32 to vector<64x384xi32>
    %eq3A_2140 = arith.cmpi eq, %get3A_3, %eq3A_2139 : vector<64x384xi32>
    %jit3A_2141 = arith.constant 0.000000e+00 : f32
    %broadcast_in_dim3A_2142 = vector.broadcast %jit3A_2141 : f32 to vector<64x384xf32>
    %select_n3A_2143 = arith.select %eq3A_2140, %get3A_2135, %broadcast_in_dim3A_2142 : vector<64x384xi1>, vector<64x384xf32>
    %add3A_2144 = arith.addf %add3A_2114, %select_n3A_2143 : vector<64x384xf32>
    %get3A_2145 = arith.constant 0 : index
    %get3A_2146 = arith.constant 143 : index
    %get3A_2147 = arith.constant 0 : index
    %get3A_2148 = arith.constant 0 : index
    %get3A_2149 = vector.load %arg2[%get3A_2145, %get3A_2146, %get3A_2147, %get3A_2148] : memref<1x150x64x384xf32, #tpu.memory_space<vmem>>, vector<1x1x64x384xf32>
    %get3A_2150 = vector.shape_cast %get3A_2149 : vector<1x1x64x384xf32> to vector<64x384xf32>
    %exp3A_2151 = math.exp %get3A_2150 : vector<64x384xf32>
    %add3A_2152 = arith.addf %add3A_2122, %exp3A_2151 : vector<64x384xf32>
    %eq3A_2153 = arith.constant 143 : i32
    %eq3A_2154 = vector.broadcast %eq3A_2153 : i32 to vector<64x384xi32>
    %eq3A_2155 = arith.cmpi eq, %get3A_3, %eq3A_2154 : vector<64x384xi32>
    %jit3A_2156 = arith.constant 0.000000e+00 : f32
    %broadcast_in_dim3A_2157 = vector.broadcast %jit3A_2156 : f32 to vector<64x384xf32>
    %select_n3A_2158 = arith.select %eq3A_2155, %get3A_2150, %broadcast_in_dim3A_2157 : vector<64x384xi1>, vector<64x384xf32>
    %add3A_2159 = arith.addf %add3A_2129, %select_n3A_2158 : vector<64x384xf32>
    %get3A_2160 = arith.constant 0 : index
    %get3A_2161 = arith.constant 144 : index
    %get3A_2162 = arith.constant 0 : index
    %get3A_2163 = arith.constant 0 : index
    %get3A_2164 = vector.load %arg2[%get3A_2160, %get3A_2161, %get3A_2162, %get3A_2163] : memref<1x150x64x384xf32, #tpu.memory_space<vmem>>, vector<1x1x64x384xf32>
    %get3A_2165 = vector.shape_cast %get3A_2164 : vector<1x1x64x384xf32> to vector<64x384xf32>
    %exp3A_2166 = math.exp %get3A_2165 : vector<64x384xf32>
    %add3A_2167 = arith.addf %add3A_2137, %exp3A_2166 : vector<64x384xf32>
    %eq3A_2168 = arith.constant 144 : i32
    %eq3A_2169 = vector.broadcast %eq3A_2168 : i32 to vector<64x384xi32>
    %eq3A_2170 = arith.cmpi eq, %get3A_3, %eq3A_2169 : vector<64x384xi32>
    %jit3A_2171 = arith.constant 0.000000e+00 : f32
    %broadcast_in_dim3A_2172 = vector.broadcast %jit3A_2171 : f32 to vector<64x384xf32>
    %select_n3A_2173 = arith.select %eq3A_2170, %get3A_2165, %broadcast_in_dim3A_2172 : vector<64x384xi1>, vector<64x384xf32>
    %add3A_2174 = arith.addf %add3A_2144, %select_n3A_2173 : vector<64x384xf32>
    %get3A_2175 = arith.constant 0 : index
    %get3A_2176 = arith.constant 145 : index
    %get3A_2177 = arith.constant 0 : index
    %get3A_2178 = arith.constant 0 : index
    %get3A_2179 = vector.load %arg2[%get3A_2175, %get3A_2176, %get3A_2177, %get3A_2178] : memref<1x150x64x384xf32, #tpu.memory_space<vmem>>, vector<1x1x64x384xf32>
    %get3A_2180 = vector.shape_cast %get3A_2179 : vector<1x1x64x384xf32> to vector<64x384xf32>
    %exp3A_2181 = math.exp %get3A_2180 : vector<64x384xf32>
    %add3A_2182 = arith.addf %add3A_2152, %exp3A_2181 : vector<64x384xf32>
    %eq3A_2183 = arith.constant 145 : i32
    %eq3A_2184 = vector.broadcast %eq3A_2183 : i32 to vector<64x384xi32>
    %eq3A_2185 = arith.cmpi eq, %get3A_3, %eq3A_2184 : vector<64x384xi32>
    %jit3A_2186 = arith.constant 0.000000e+00 : f32
    %broadcast_in_dim3A_2187 = vector.broadcast %jit3A_2186 : f32 to vector<64x384xf32>
    %select_n3A_2188 = arith.select %eq3A_2185, %get3A_2180, %broadcast_in_dim3A_2187 : vector<64x384xi1>, vector<64x384xf32>
    %add3A_2189 = arith.addf %add3A_2159, %select_n3A_2188 : vector<64x384xf32>
    %get3A_2190 = arith.constant 0 : index
    %get3A_2191 = arith.constant 146 : index
    %get3A_2192 = arith.constant 0 : index
    %get3A_2193 = arith.constant 0 : index
    %get3A_2194 = vector.load %arg2[%get3A_2190, %get3A_2191, %get3A_2192, %get3A_2193] : memref<1x150x64x384xf32, #tpu.memory_space<vmem>>, vector<1x1x64x384xf32>
    %get3A_2195 = vector.shape_cast %get3A_2194 : vector<1x1x64x384xf32> to vector<64x384xf32>
    %exp3A_2196 = math.exp %get3A_2195 : vector<64x384xf32>
    %add3A_2197 = arith.addf %add3A_2167, %exp3A_2196 : vector<64x384xf32>
    %eq3A_2198 = arith.constant 146 : i32
    %eq3A_2199 = vector.broadcast %eq3A_2198 : i32 to vector<64x384xi32>
    %eq3A_2200 = arith.cmpi eq, %get3A_3, %eq3A_2199 : vector<64x384xi32>
    %jit3A_2201 = arith.constant 0.000000e+00 : f32
    %broadcast_in_dim3A_2202 = vector.broadcast %jit3A_2201 : f32 to vector<64x384xf32>
    %select_n3A_2203 = arith.select %eq3A_2200, %get3A_2195, %broadcast_in_dim3A_2202 : vector<64x384xi1>, vector<64x384xf32>
    %add3A_2204 = arith.addf %add3A_2174, %select_n3A_2203 : vector<64x384xf32>
    %get3A_2205 = arith.constant 0 : index
    %get3A_2206 = arith.constant 147 : index
    %get3A_2207 = arith.constant 0 : index
    %get3A_2208 = arith.constant 0 : index
    %get3A_2209 = vector.load %arg2[%get3A_2205, %get3A_2206, %get3A_2207, %get3A_2208] : memref<1x150x64x384xf32, #tpu.memory_space<vmem>>, vector<1x1x64x384xf32>
    %get3A_2210 = vector.shape_cast %get3A_2209 : vector<1x1x64x384xf32> to vector<64x384xf32>
    %exp3A_2211 = math.exp %get3A_2210 : vector<64x384xf32>
    %add3A_2212 = arith.addf %add3A_2182, %exp3A_2211 : vector<64x384xf32>
    %eq3A_2213 = arith.constant 147 : i32
    %eq3A_2214 = vector.broadcast %eq3A_2213 : i32 to vector<64x384xi32>
    %eq3A_2215 = arith.cmpi eq, %get3A_3, %eq3A_2214 : vector<64x384xi32>
    %jit3A_2216 = arith.constant 0.000000e+00 : f32
    %broadcast_in_dim3A_2217 = vector.broadcast %jit3A_2216 : f32 to vector<64x384xf32>
    %select_n3A_2218 = arith.select %eq3A_2215, %get3A_2210, %broadcast_in_dim3A_2217 : vector<64x384xi1>, vector<64x384xf32>
    %add3A_2219 = arith.addf %add3A_2189, %select_n3A_2218 : vector<64x384xf32>
    %get3A_2220 = arith.constant 0 : index
    %get3A_2221 = arith.constant 148 : index
    %get3A_2222 = arith.constant 0 : index
    %get3A_2223 = arith.constant 0 : index
    %get3A_2224 = vector.load %arg2[%get3A_2220, %get3A_2221, %get3A_2222, %get3A_2223] : memref<1x150x64x384xf32, #tpu.memory_space<vmem>>, vector<1x1x64x384xf32>
    %get3A_2225 = vector.shape_cast %get3A_2224 : vector<1x1x64x384xf32> to vector<64x384xf32>
    %exp3A_2226 = math.exp %get3A_2225 : vector<64x384xf32>
    %add3A_2227 = arith.addf %add3A_2197, %exp3A_2226 : vector<64x384xf32>
    %eq3A_2228 = arith.constant 148 : i32
    %eq3A_2229 = vector.broadcast %eq3A_2228 : i32 to vector<64x384xi32>
    %eq3A_2230 = arith.cmpi eq, %get3A_3, %eq3A_2229 : vector<64x384xi32>
    %jit3A_2231 = arith.constant 0.000000e+00 : f32
    %broadcast_in_dim3A_2232 = vector.broadcast %jit3A_2231 : f32 to vector<64x384xf32>
    %select_n3A_2233 = arith.select %eq3A_2230, %get3A_2225, %broadcast_in_dim3A_2232 : vector<64x384xi1>, vector<64x384xf32>
    %add3A_2234 = arith.addf %add3A_2204, %select_n3A_2233 : vector<64x384xf32>
    %get3A_2235 = arith.constant 0 : index
    %get3A_2236 = arith.constant 149 : index
    %get3A_2237 = arith.constant 0 : index
    %get3A_2238 = arith.constant 0 : index
    %get3A_2239 = vector.load %arg2[%get3A_2235, %get3A_2236, %get3A_2237, %get3A_2238] : memref<1x150x64x384xf32, #tpu.memory_space<vmem>>, vector<1x1x64x384xf32>
    %get3A_2240 = vector.shape_cast %get3A_2239 : vector<1x1x64x384xf32> to vector<64x384xf32>
    %exp3A_2241 = math.exp %get3A_2240 : vector<64x384xf32>
    %add3A_2242 = arith.addf %add3A_2212, %exp3A_2241 : vector<64x384xf32>
    %eq3A_2243 = arith.constant 149 : i32
    %eq3A_2244 = vector.broadcast %eq3A_2243 : i32 to vector<64x384xi32>
    %eq3A_2245 = arith.cmpi eq, %get3A_3, %eq3A_2244 : vector<64x384xi32>
    %jit3A_2246 = arith.constant 0.000000e+00 : f32
    %broadcast_in_dim3A_2247 = vector.broadcast %jit3A_2246 : f32 to vector<64x384xf32>
    %select_n3A_2248 = arith.select %eq3A_2245, %get3A_2240, %broadcast_in_dim3A_2247 : vector<64x384xi1>, vector<64x384xf32>
    %add3A_2249 = arith.addf %add3A_2219, %select_n3A_2248 : vector<64x384xf32>
    %add3A_2250 = arith.addf %add3A_2227, %add3A_2242 : vector<64x384xf32>
    %log3A = math.log %add3A_2250 : vector<64x384xf32>
    %ne3A = arith.constant 255 : i32
    %ne3A_2251 = vector.broadcast %ne3A : i32 to vector<64x384xi32>
    %ne3A_2252 = arith.cmpi ne, %get3A_3, %ne3A_2251 : vector<64x384xi32>
    %add3A_2253 = arith.addf %add3A_2234, %add3A_2249 : vector<64x384xf32>
    %sub3A = arith.subf %log3A, %add3A_2253 : vector<64x384xf32>
    %max3A = arith.constant 0.000000e+00 : f32
    %max3A_2254 = vector.broadcast %max3A : f32 to vector<64x384xf32>
    %max3A_2255 = arith.maximumf %sub3A, %max3A_2254 : vector<64x384xf32>
    %jit3A_2256 = arith.constant 0.000000e+00 : f32
    %broadcast_in_dim3A_2257 = vector.broadcast %jit3A_2256 : f32 to vector<64x384xf32>
    %select_n3A_2258 = arith.select %ne3A_2252, %max3A_2255, %broadcast_in_dim3A_2257 : vector<64x384xi1>, vector<64x384xf32>
    %swap3A = arith.constant 0 : index
    %swap3A_2259 = arith.constant 0 : index
    %swap3A_2260 = arith.constant 0 : index
    %swap3A_2261 = vector.load %arg4[%swap3A, %swap3A_2259, %swap3A_2260] : memref<1x64x384xf32, #tpu.memory_space<vmem>>, vector<1x64x384xf32>
    %swap3A_2262 = vector.shape_cast %swap3A_2261 : vector<1x64x384xf32> to vector<64x384xf32>
    %swap3A_2263 = vector.shape_cast %select_n3A_2258 : vector<64x384xf32> to vector<1x64x384xf32>
    tpu.vector_store %arg4[%swap3A, %swap3A_2259, %swap3A_2260], %swap3A_2263 {strides = array<i32>} : memref<1x64x384xf32, #tpu.memory_space<vmem>>, vector<1x64x384xf32>,
    return
  }
  func.func @transform_0(%arg0: i32, %arg1: i32) -> (i32, i32, i32, i32) {
    %add3A = arith.constant 2 : i32
    %add3A_0 = arith.addi %arg0, %add3A : i32
    %c0_i32 = arith.constant 0 : i32
    %c0_i32_1 = arith.constant 0 : i32
    %c0_i32_2 = arith.constant 0 : i32
    return %add3A_0, %c0_i32, %arg1, %c0_i32_1 : i32, i32, i32, i32
  }
  func.func @transform_1(%arg0: i32, %arg1: i32) -> (i32, i32, i32) {
    %add3A = arith.constant 2 : i32
    %add3A_0 = arith.addi %arg0, %add3A : i32
    %c0_i32 = arith.constant 0 : i32
    %c0_i32_1 = arith.constant 0 : i32
    return %add3A_0, %arg1, %c0_i32 : i32, i32, i32
  }
  func.func @transform_2(%arg0: i32, %arg1: i32) -> (i32, i32, i32) {
    %c0_i32 = arith.constant 0 : i32
    %c0_i32_0 = arith.constant 0 : i32
    return %arg0, %arg1, %c0_i32 : i32, i32, i32
  }
}

module attributes {stable_mosaic.version = 14 : i64} {
  func.func @_ce_body(%arg0: i32, %arg1: i32, %arg2: memref<1x150x64x384xf32, #tpu.memory_space<vmem>>, %arg3: memref<1x64x384xi32, #tpu.memory_space<vmem>>, %arg4: memref<1x64x384xf32, #tpu.memory_space<vmem>>) attributes {dimension_semantics = [#tpu.dimension_semantics<arbitrary>, #tpu.dimension_semantics<arbitrary>], iteration_bounds = array<i64: 2, 6>, scalar_prefetch = 0 : i64, scratch_operands = 0 : i64, tpu.core_type = #tpu.core_type<tc>, window_params = [{transform_indices = @transform_0, window_bounds = array<i64: 1, 150, 64, 384>}, {transform_indices = @transform_1, window_bounds = array<i64: 1, 64, 384>}, {transform_indices = @transform_2, window_bounds = array<i64: 1, 64, 384>}]} {
    %get3A = arith.constant 0 : index
    %get3A_0 = arith.constant 0 : index
    %get3A_1 = arith.constant 0 : index
    %get3A_2 = vector.load %arg3[%get3A, %get3A_0, %get3A_1] : memref<1x64x384xi32, #tpu.memory_space<vmem>>, vector<1x64x384xi32>
    %get3A_3 = vector.shape_cast %get3A_2 : vector<1x64x384xi32> to vector<64x384xi32>
    %broadcast_in_dim3A = arith.constant 0.000000e+00 : f32
    %broadcast_in_dim3A_4 = vector.broadcast %broadcast_in_dim3A : f32 to vector<64x384xf32>
    %get3A_5 = arith.constant 0 : index
    %get3A_6 = arith.constant 0 : index
    %get3A_7 = arith.constant 0 : index
    %get3A_8 = arith.constant 0 : index
    %get3A_9 = vector.load %arg2[%get3A_5, %get3A_6, %get3A_7, %get3A_8] : memref<1x150x64x384xf32, #tpu.memory_space<vmem>>, vector<1x1x64x384xf32>
    %get3A_10 = vector.shape_cast %get3A_9 : vector<1x1x64x384xf32> to vector<64x384xf32>
    %exp3A = math.exp %get3A_10 : vector<64x384xf32>
    %add3A = arith.addf %broadcast_in_dim3A_4, %exp3A : vector<64x384xf32>
    %eq3A = arith.constant 0 : i32
    %eq3A_11 = vector.broadcast %eq3A : i32 to vector<64x384xi32>
    %eq3A_12 = arith.cmpi eq, %get3A_3, %eq3A_11 : vector<64x384xi32>
    %jit3A = arith.constant 0.000000e+00 : f32
    %broadcast_in_dim3A_13 = vector.broadcast %jit3A : f32 to vector<64x384xf32>
    %select_n3A = arith.select %eq3A_12, %get3A_10, %broadcast_in_dim3A_13 : vector<64x384xi1>, vector<64x384xf32>
    %add3A_14 = arith.addf %broadcast_in_dim3A_4, %select_n3A : vector<64x384xf32>
    %get3A_15 = arith.constant 0 : index
    %get3A_16 = arith.constant 1 : index
    %get3A_17 = arith.constant 0 : index
    %get3A_18 = arith.constant 0 : index
    %get3A_19 = vector.load %arg2[%get3A_15, %get3A_16, %get3A_17, %get3A_18] : memref<1x150x64x384xf32, #tpu.memory_space<vmem>>, vector<1x1x64x384xf32>
    %get3A_20 = vector.shape_cast %get3A_19 : vector<1x1x64x384xf32> to vector<64x384xf32>
    %exp3A_21 = math.exp %get3A_20 : vector<64x384xf32>
    %add3A_22 = arith.addf %broadcast_in_dim3A_4, %exp3A_21 : vector<64x384xf32>
    %eq3A_23 = arith.constant 1 : i32
    %eq3A_24 = vector.broadcast %eq3A_23 : i32 to vector<64x384xi32>
    %eq3A_25 = arith.cmpi eq, %get3A_3, %eq3A_24 : vector<64x384xi32>
    %jit3A_26 = arith.constant 0.000000e+00 : f32
    %broadcast_in_dim3A_27 = vector.broadcast %jit3A_26 : f32 to vector<64x384xf32>
    %select_n3A_28 = arith.select %eq3A_25, %get3A_20, %broadcast_in_dim3A_27 : vector<64x384xi1>, vector<64x384xf32>
    %add3A_29 = arith.addf %broadcast_in_dim3A_4, %select_n3A_28 : vector<64x384xf32>
    %get3A_30 = arith.constant 0 : index
    %get3A_31 = arith.constant 2 : index
    %get3A_32 = arith.constant 0 : index
    %get3A_33 = arith.constant 0 : index
    %get3A_34 = vector.load %arg2[%get3A_30, %get3A_31, %get3A_32, %get3A_33] : memref<1x150x64x384xf32, #tpu.memory_space<vmem>>, vector<1x1x64x384xf32>
    %get3A_35 = vector.shape_cast %get3A_34 : vector<1x1x64x384xf32> to vector<64x384xf32>
    %exp3A_36 = math.exp %get3A_35 : vector<64x384xf32>
    %add3A_37 = arith.addf %add3A, %exp3A_36 : vector<64x384xf32>
    %eq3A_38 = arith.constant 2 : i32
    %eq3A_39 = vector.broadcast %eq3A_38 : i32 to vector<64x384xi32>
    %eq3A_40 = arith.cmpi eq, %get3A_3, %eq3A_39 : vector<64x384xi32>
    %jit3A_41 = arith.constant 0.000000e+00 : f32
    %broadcast_in_dim3A_42 = vector.broadcast %jit3A_41 : f32 to vector<64x384xf32>
    %select_n3A_43 = arith.select %eq3A_40, %get3A_35, %broadcast_in_dim3A_42 : vector<64x384xi1>, vector<64x384xf32>
    %add3A_44 = arith.addf %add3A_14, %select_n3A_43 : vector<64x384xf32>
    %get3A_45 = arith.constant 0 : index
    %get3A_46 = arith.constant 3 : index
    %get3A_47 = arith.constant 0 : index
    %get3A_48 = arith.constant 0 : index
    %get3A_49 = vector.load %arg2[%get3A_45, %get3A_46, %get3A_47, %get3A_48] : memref<1x150x64x384xf32, #tpu.memory_space<vmem>>, vector<1x1x64x384xf32>
    %get3A_50 = vector.shape_cast %get3A_49 : vector<1x1x64x384xf32> to vector<64x384xf32>
    %exp3A_51 = math.exp %get3A_50 : vector<64x384xf32>
    %add3A_52 = arith.addf %add3A_22, %exp3A_51 : vector<64x384xf32>
    %eq3A_53 = arith.constant 3 : i32
    %eq3A_54 = vector.broadcast %eq3A_53 : i32 to vector<64x384xi32>
    %eq3A_55 = arith.cmpi eq, %get3A_3, %eq3A_54 : vector<64x384xi32>
    %jit3A_56 = arith.constant 0.000000e+00 : f32
    %broadcast_in_dim3A_57 = vector.broadcast %jit3A_56 : f32 to vector<64x384xf32>
    %select_n3A_58 = arith.select %eq3A_55, %get3A_50, %broadcast_in_dim3A_57 : vector<64x384xi1>, vector<64x384xf32>
    %add3A_59 = arith.addf %add3A_29, %select_n3A_58 : vector<64x384xf32>
    %get3A_60 = arith.constant 0 : index
    %get3A_61 = arith.constant 4 : index
    %get3A_62 = arith.constant 0 : index
    %get3A_63 = arith.constant 0 : index
    %get3A_64 = vector.load %arg2[%get3A_60, %get3A_61, %get3A_62, %get3A_63] : memref<1x150x64x384xf32, #tpu.memory_space<vmem>>, vector<1x1x64x384xf32>
    %get3A_65 = vector.shape_cast %get3A_64 : vector<1x1x64x384xf32> to vector<64x384xf32>
    %exp3A_66 = math.exp %get3A_65 : vector<64x384xf32>
    %add3A_67 = arith.addf %add3A_37, %exp3A_66 : vector<64x384xf32>
    %eq3A_68 = arith.constant 4 : i32
    %eq3A_69 = vector.broadcast %eq3A_68 : i32 to vector<64x384xi32>
    %eq3A_70 = arith.cmpi eq, %get3A_3, %eq3A_69 : vector<64x384xi32>
    %jit3A_71 = arith.constant 0.000000e+00 : f32
    %broadcast_in_dim3A_72 = vector.broadcast %jit3A_71 : f32 to vector<64x384xf32>
    %select_n3A_73 = arith.select %eq3A_70, %get3A_65, %broadcast_in_dim3A_72 : vector<64x384xi1>, vector<64x384xf32>
    %add3A_74 = arith.addf %add3A_44, %select_n3A_73 : vector<64x384xf32>
    %get3A_75 = arith.constant 0 : index
    %get3A_76 = arith.constant 5 : index
    %get3A_77 = arith.constant 0 : index
    %get3A_78 = arith.constant 0 : index
    %get3A_79 = vector.load %arg2[%get3A_75, %get3A_76, %get3A_77, %get3A_78] : memref<1x150x64x384xf32, #tpu.memory_space<vmem>>, vector<1x1x64x384xf32>
    %get3A_80 = vector.shape_cast %get3A_79 : vector<1x1x64x384xf32> to vector<64x384xf32>
    %exp3A_81 = math.exp %get3A_80 : vector<64x384xf32>
    %add3A_82 = arith.addf %add3A_52, %exp3A_81 : vector<64x384xf32>
    %eq3A_83 = arith.constant 5 : i32
    %eq3A_84 = vector.broadcast %eq3A_83 : i32 to vector<64x384xi32>
    %eq3A_85 = arith.cmpi eq, %get3A_3, %eq3A_84 : vector<64x384xi32>
    %jit3A_86 = arith.constant 0.000000e+00 : f32
    %broadcast_in_dim3A_87 = vector.broadcast %jit3A_86 : f32 to vector<64x384xf32>
    %select_n3A_88 = arith.select %eq3A_85, %get3A_80, %broadcast_in_dim3A_87 : vector<64x384xi1>, vector<64x384xf32>
    %add3A_89 = arith.addf %add3A_59, %select_n3A_88 : vector<64x384xf32>
    %get3A_90 = arith.constant 0 : index
    %get3A_91 = arith.constant 6 : index
    %get3A_92 = arith.constant 0 : index
    %get3A_93 = arith.constant 0 : index
    %get3A_94 = vector.load %arg2[%get3A_90, %get3A_91, %get3A_92, %get3A_93] : memref<1x150x64x384xf32, #tpu.memory_space<vmem>>, vector<1x1x64x384xf32>
    %get3A_95 = vector.shape_cast %get3A_94 : vector<1x1x64x384xf32> to vector<64x384xf32>
    %exp3A_96 = math.exp %get3A_95 : vector<64x384xf32>
    %add3A_97 = arith.addf %add3A_67, %exp3A_96 : vector<64x384xf32>
    %eq3A_98 = arith.constant 6 : i32
    %eq3A_99 = vector.broadcast %eq3A_98 : i32 to vector<64x384xi32>
    %eq3A_100 = arith.cmpi eq, %get3A_3, %eq3A_99 : vector<64x384xi32>
    %jit3A_101 = arith.constant 0.000000e+00 : f32
    %broadcast_in_dim3A_102 = vector.broadcast %jit3A_101 : f32 to vector<64x384xf32>
    %select_n3A_103 = arith.select %eq3A_100, %get3A_95, %broadcast_in_dim3A_102 : vector<64x384xi1>, vector<64x384xf32>
    %add3A_104 = arith.addf %add3A_74, %select_n3A_103 : vector<64x384xf32>
    %get3A_105 = arith.constant 0 : index
    %get3A_106 = arith.constant 7 : index
    %get3A_107 = arith.constant 0 : index
    %get3A_108 = arith.constant 0 : index
    %get3A_109 = vector.load %arg2[%get3A_105, %get3A_106, %get3A_107, %get3A_108] : memref<1x150x64x384xf32, #tpu.memory_space<vmem>>, vector<1x1x64x384xf32>
    %get3A_110 = vector.shape_cast %get3A_109 : vector<1x1x64x384xf32> to vector<64x384xf32>
    %exp3A_111 = math.exp %get3A_110 : vector<64x384xf32>
    %add3A_112 = arith.addf %add3A_82, %exp3A_111 : vector<64x384xf32>
    %eq3A_113 = arith.constant 7 : i32
    %eq3A_114 = vector.broadcast %eq3A_113 : i32 to vector<64x384xi32>
    %eq3A_115 = arith.cmpi eq, %get3A_3, %eq3A_114 : vector<64x384xi32>
    %jit3A_116 = arith.constant 0.000000e+00 : f32
    %broadcast_in_dim3A_117 = vector.broadcast %jit3A_116 : f32 to vector<64x384xf32>
    %select_n3A_118 = arith.select %eq3A_115, %get3A_110, %broadcast_in_dim3A_117 : vector<64x384xi1>, vector<64x384xf32>
    %add3A_119 = arith.addf %add3A_89, %select_n3A_118 : vector<64x384xf32>
    %get3A_120 = arith.constant 0 : index
    %get3A_121 = arith.constant 8 : index
    %get3A_122 = arith.constant 0 : index
    %get3A_123 = arith.constant 0 : index
    %get3A_124 = vector.load %arg2[%get3A_120, %get3A_121, %get3A_122, %get3A_123] : memref<1x150x64x384xf32, #tpu.memory_space<vmem>>, vector<1x1x64x384xf32>
    %get3A_125 = vector.shape_cast %get3A_124 : vector<1x1x64x384xf32> to vector<64x384xf32>
    %exp3A_126 = math.exp %get3A_125 : vector<64x384xf32>
    %add3A_127 = arith.addf %add3A_97, %exp3A_126 : vector<64x384xf32>
    %eq3A_128 = arith.constant 8 : i32
    %eq3A_129 = vector.broadcast %eq3A_128 : i32 to vector<64x384xi32>
    %eq3A_130 = arith.cmpi eq, %get3A_3, %eq3A_129 : vector<64x384xi32>
    %jit3A_131 = arith.constant 0.000000e+00 : f32
    %broadcast_in_dim3A_132 = vector.broadcast %jit3A_131 : f32 to vector<64x384xf32>
    %select_n3A_133 = arith.select %eq3A_130, %get3A_125, %broadcast_in_dim3A_132 : vector<64x384xi1>, vector<64x384xf32>
    %add3A_134 = arith.addf %add3A_104, %select_n3A_133 : vector<64x384xf32>
    %get3A_135 = arith.constant 0 : index
    %get3A_136 = arith.constant 9 : index
    %get3A_137 = arith.constant 0 : index
    %get3A_138 = arith.constant 0 : index
    %get3A_139 = vector.load %arg2[%get3A_135, %get3A_136, %get3A_137, %get3A_138] : memref<1x150x64x384xf32, #tpu.memory_space<vmem>>, vector<1x1x64x384xf32>
    %get3A_140 = vector.shape_cast %get3A_139 : vector<1x1x64x384xf32> to vector<64x384xf32>
    %exp3A_141 = math.exp %get3A_140 : vector<64x384xf32>
    %add3A_142 = arith.addf %add3A_112, %exp3A_141 : vector<64x384xf32>
    %eq3A_143 = arith.constant 9 : i32
    %eq3A_144 = vector.broadcast %eq3A_143 : i32 to vector<64x384xi32>
    %eq3A_145 = arith.cmpi eq, %get3A_3, %eq3A_144 : vector<64x384xi32>
    %jit3A_146 = arith.constant 0.000000e+00 : f32
    %broadcast_in_dim3A_147 = vector.broadcast %jit3A_146 : f32 to vector<64x384xf32>
    %select_n3A_148 = arith.select %eq3A_145, %get3A_140, %broadcast_in_dim3A_147 : vector<64x384xi1>, vector<64x384xf32>
    %add3A_149 = arith.addf %add3A_119, %select_n3A_148 : vector<64x384xf32>
    %get3A_150 = arith.constant 0 : index
    %get3A_151 = arith.constant 10 : index
    %get3A_152 = arith.constant 0 : index
    %get3A_153 = arith.constant 0 : index
    %get3A_154 = vector.load %arg2[%get3A_150, %get3A_151, %get3A_152, %get3A_153] : memref<1x150x64x384xf32, #tpu.memory_space<vmem>>, vector<1x1x64x384xf32>
    %get3A_155 = vector.shape_cast %get3A_154 : vector<1x1x64x384xf32> to vector<64x384xf32>
    %exp3A_156 = math.exp %get3A_155 : vector<64x384xf32>
    %add3A_157 = arith.addf %add3A_127, %exp3A_156 : vector<64x384xf32>
    %eq3A_158 = arith.constant 10 : i32
    %eq3A_159 = vector.broadcast %eq3A_158 : i32 to vector<64x384xi32>
    %eq3A_160 = arith.cmpi eq, %get3A_3, %eq3A_159 : vector<64x384xi32>
    %jit3A_161 = arith.constant 0.000000e+00 : f32
    %broadcast_in_dim3A_162 = vector.broadcast %jit3A_161 : f32 to vector<64x384xf32>
    %select_n3A_163 = arith.select %eq3A_160, %get3A_155, %broadcast_in_dim3A_162 : vector<64x384xi1>, vector<64x384xf32>
    %add3A_164 = arith.addf %add3A_134, %select_n3A_163 : vector<64x384xf32>
    %get3A_165 = arith.constant 0 : index
    %get3A_166 = arith.constant 11 : index
    %get3A_167 = arith.constant 0 : index
    %get3A_168 = arith.constant 0 : index
    %get3A_169 = vector.load %arg2[%get3A_165, %get3A_166, %get3A_167, %get3A_168] : memref<1x150x64x384xf32, #tpu.memory_space<vmem>>, vector<1x1x64x384xf32>
    %get3A_170 = vector.shape_cast %get3A_169 : vector<1x1x64x384xf32> to vector<64x384xf32>
    %exp3A_171 = math.exp %get3A_170 : vector<64x384xf32>
    %add3A_172 = arith.addf %add3A_142, %exp3A_171 : vector<64x384xf32>
    %eq3A_173 = arith.constant 11 : i32
    %eq3A_174 = vector.broadcast %eq3A_173 : i32 to vector<64x384xi32>
    %eq3A_175 = arith.cmpi eq, %get3A_3, %eq3A_174 : vector<64x384xi32>
    %jit3A_176 = arith.constant 0.000000e+00 : f32
    %broadcast_in_dim3A_177 = vector.broadcast %jit3A_176 : f32 to vector<64x384xf32>
    %select_n3A_178 = arith.select %eq3A_175, %get3A_170, %broadcast_in_dim3A_177 : vector<64x384xi1>, vector<64x384xf32>
    %add3A_179 = arith.addf %add3A_149, %select_n3A_178 : vector<64x384xf32>
    %get3A_180 = arith.constant 0 : index
    %get3A_181 = arith.constant 12 : index
    %get3A_182 = arith.constant 0 : index
    %get3A_183 = arith.constant 0 : index
    %get3A_184 = vector.load %arg2[%get3A_180, %get3A_181, %get3A_182, %get3A_183] : memref<1x150x64x384xf32, #tpu.memory_space<vmem>>, vector<1x1x64x384xf32>
    %get3A_185 = vector.shape_cast %get3A_184 : vector<1x1x64x384xf32> to vector<64x384xf32>
    %exp3A_186 = math.exp %get3A_185 : vector<64x384xf32>
    %add3A_187 = arith.addf %add3A_157, %exp3A_186 : vector<64x384xf32>
    %eq3A_188 = arith.constant 12 : i32
    %eq3A_189 = vector.broadcast %eq3A_188 : i32 to vector<64x384xi32>
    %eq3A_190 = arith.cmpi eq, %get3A_3, %eq3A_189 : vector<64x384xi32>
    %jit3A_191 = arith.constant 0.000000e+00 : f32
    %broadcast_in_dim3A_192 = vector.broadcast %jit3A_191 : f32 to vector<64x384xf32>
    %select_n3A_193 = arith.select %eq3A_190, %get3A_185, %broadcast_in_dim3A_192 : vector<64x384xi1>, vector<64x384xf32>
    %add3A_194 = arith.addf %add3A_164, %select_n3A_193 : vector<64x384xf32>
    %get3A_195 = arith.constant 0 : index
    %get3A_196 = arith.constant 13 : index
    %get3A_197 = arith.constant 0 : index
    %get3A_198 = arith.constant 0 : index
    %get3A_199 = vector.load %arg2[%get3A_195, %get3A_196, %get3A_197, %get3A_198] : memref<1x150x64x384xf32, #tpu.memory_space<vmem>>, vector<1x1x64x384xf32>
    %get3A_200 = vector.shape_cast %get3A_199 : vector<1x1x64x384xf32> to vector<64x384xf32>
    %exp3A_201 = math.exp %get3A_200 : vector<64x384xf32>
    %add3A_202 = arith.addf %add3A_172, %exp3A_201 : vector<64x384xf32>
    %eq3A_203 = arith.constant 13 : i32
    %eq3A_204 = vector.broadcast %eq3A_203 : i32 to vector<64x384xi32>
    %eq3A_205 = arith.cmpi eq, %get3A_3, %eq3A_204 : vector<64x384xi32>
    %jit3A_206 = arith.constant 0.000000e+00 : f32
    %broadcast_in_dim3A_207 = vector.broadcast %jit3A_206 : f32 to vector<64x384xf32>
    %select_n3A_208 = arith.select %eq3A_205, %get3A_200, %broadcast_in_dim3A_207 : vector<64x384xi1>, vector<64x384xf32>
    %add3A_209 = arith.addf %add3A_179, %select_n3A_208 : vector<64x384xf32>
    %get3A_210 = arith.constant 0 : index
    %get3A_211 = arith.constant 14 : index
    %get3A_212 = arith.constant 0 : index
    %get3A_213 = arith.constant 0 : index
    %get3A_214 = vector.load %arg2[%get3A_210, %get3A_211, %get3A_212, %get3A_213] : memref<1x150x64x384xf32, #tpu.memory_space<vmem>>, vector<1x1x64x384xf32>
    %get3A_215 = vector.shape_cast %get3A_214 : vector<1x1x64x384xf32> to vector<64x384xf32>
    %exp3A_216 = math.exp %get3A_215 : vector<64x384xf32>
    %add3A_217 = arith.addf %add3A_187, %exp3A_216 : vector<64x384xf32>
    %eq3A_218 = arith.constant 14 : i32
    %eq3A_219 = vector.broadcast %eq3A_218 : i32 to vector<64x384xi32>
    %eq3A_220 = arith.cmpi eq, %get3A_3, %eq3A_219 : vector<64x384xi32>
    %jit3A_221 = arith.constant 0.000000e+00 : f32
    %broadcast_in_dim3A_222 = vector.broadcast %jit3A_221 : f32 to vector<64x384xf32>
    %select_n3A_223 = arith.select %eq3A_220, %get3A_215, %broadcast_in_dim3A_222 : vector<64x384xi1>, vector<64x384xf32>
    %add3A_224 = arith.addf %add3A_194, %select_n3A_223 : vector<64x384xf32>
    %get3A_225 = arith.constant 0 : index
    %get3A_226 = arith.constant 15 : index
    %get3A_227 = arith.constant 0 : index
    %get3A_228 = arith.constant 0 : index
    %get3A_229 = vector.load %arg2[%get3A_225, %get3A_226, %get3A_227, %get3A_228] : memref<1x150x64x384xf32, #tpu.memory_space<vmem>>, vector<1x1x64x384xf32>
    %get3A_230 = vector.shape_cast %get3A_229 : vector<1x1x64x384xf32> to vector<64x384xf32>
    %exp3A_231 = math.exp %get3A_230 : vector<64x384xf32>
    %add3A_232 = arith.addf %add3A_202, %exp3A_231 : vector<64x384xf32>
    %eq3A_233 = arith.constant 15 : i32
    %eq3A_234 = vector.broadcast %eq3A_233 : i32 to vector<64x384xi32>
    %eq3A_235 = arith.cmpi eq, %get3A_3, %eq3A_234 : vector<64x384xi32>
    %jit3A_236 = arith.constant 0.000000e+00 : f32
    %broadcast_in_dim3A_237 = vector.broadcast %jit3A_236 : f32 to vector<64x384xf32>
    %select_n3A_238 = arith.select %eq3A_235, %get3A_230, %broadcast_in_dim3A_237 : vector<64x384xi1>, vector<64x384xf32>
    %add3A_239 = arith.addf %add3A_209, %select_n3A_238 : vector<64x384xf32>
    %get3A_240 = arith.constant 0 : index
    %get3A_241 = arith.constant 16 : index
    %get3A_242 = arith.constant 0 : index
    %get3A_243 = arith.constant 0 : index
    %get3A_244 = vector.load %arg2[%get3A_240, %get3A_241, %get3A_242, %get3A_243] : memref<1x150x64x384xf32, #tpu.memory_space<vmem>>, vector<1x1x64x384xf32>
    %get3A_245 = vector.shape_cast %get3A_244 : vector<1x1x64x384xf32> to vector<64x384xf32>
    %exp3A_246 = math.exp %get3A_245 : vector<64x384xf32>
    %add3A_247 = arith.addf %add3A_217, %exp3A_246 : vector<64x384xf32>
    %eq3A_248 = arith.constant 16 : i32
    %eq3A_249 = vector.broadcast %eq3A_248 : i32 to vector<64x384xi32>
    %eq3A_250 = arith.cmpi eq, %get3A_3, %eq3A_249 : vector<64x384xi32>
    %jit3A_251 = arith.constant 0.000000e+00 : f32
    %broadcast_in_dim3A_252 = vector.broadcast %jit3A_251 : f32 to vector<64x384xf32>
    %select_n3A_253 = arith.select %eq3A_250, %get3A_245, %broadcast_in_dim3A_252 : vector<64x384xi1>, vector<64x384xf32>
    %add3A_254 = arith.addf %add3A_224, %select_n3A_253 : vector<64x384xf32>
    %get3A_255 = arith.constant 0 : index
    %get3A_256 = arith.constant 17 : index
    %get3A_257 = arith.constant 0 : index
    %get3A_258 = arith.constant 0 : index
    %get3A_259 = vector.load %arg2[%get3A_255, %get3A_256, %get3A_257, %get3A_258] : memref<1x150x64x384xf32, #tpu.memory_space<vmem>>, vector<1x1x64x384xf32>
    %get3A_260 = vector.shape_cast %get3A_259 : vector<1x1x64x384xf32> to vector<64x384xf32>
    %exp3A_261 = math.exp %get3A_260 : vector<64x384xf32>
    %add3A_262 = arith.addf %add3A_232, %exp3A_261 : vector<64x384xf32>
    %eq3A_263 = arith.constant 17 : i32
    %eq3A_264 = vector.broadcast %eq3A_263 : i32 to vector<64x384xi32>
    %eq3A_265 = arith.cmpi eq, %get3A_3, %eq3A_264 : vector<64x384xi32>
    %jit3A_266 = arith.constant 0.000000e+00 : f32
    %broadcast_in_dim3A_267 = vector.broadcast %jit3A_266 : f32 to vector<64x384xf32>
    %select_n3A_268 = arith.select %eq3A_265, %get3A_260, %broadcast_in_dim3A_267 : vector<64x384xi1>, vector<64x384xf32>
    %add3A_269 = arith.addf %add3A_239, %select_n3A_268 : vector<64x384xf32>
    %get3A_270 = arith.constant 0 : index
    %get3A_271 = arith.constant 18 : index
    %get3A_272 = arith.constant 0 : index
    %get3A_273 = arith.constant 0 : index
    %get3A_274 = vector.load %arg2[%get3A_270, %get3A_271, %get3A_272, %get3A_273] : memref<1x150x64x384xf32, #tpu.memory_space<vmem>>, vector<1x1x64x384xf32>
    %get3A_275 = vector.shape_cast %get3A_274 : vector<1x1x64x384xf32> to vector<64x384xf32>
    %exp3A_276 = math.exp %get3A_275 : vector<64x384xf32>
    %add3A_277 = arith.addf %add3A_247, %exp3A_276 : vector<64x384xf32>
    %eq3A_278 = arith.constant 18 : i32
    %eq3A_279 = vector.broadcast %eq3A_278 : i32 to vector<64x384xi32>
    %eq3A_280 = arith.cmpi eq, %get3A_3, %eq3A_279 : vector<64x384xi32>
    %jit3A_281 = arith.constant 0.000000e+00 : f32
    %broadcast_in_dim3A_282 = vector.broadcast %jit3A_281 : f32 to vector<64x384xf32>
    %select_n3A_283 = arith.select %eq3A_280, %get3A_275, %broadcast_in_dim3A_282 : vector<64x384xi1>, vector<64x384xf32>
    %add3A_284 = arith.addf %add3A_254, %select_n3A_283 : vector<64x384xf32>
    %get3A_285 = arith.constant 0 : index
    %get3A_286 = arith.constant 19 : index
    %get3A_287 = arith.constant 0 : index
    %get3A_288 = arith.constant 0 : index
    %get3A_289 = vector.load %arg2[%get3A_285, %get3A_286, %get3A_287, %get3A_288] : memref<1x150x64x384xf32, #tpu.memory_space<vmem>>, vector<1x1x64x384xf32>
    %get3A_290 = vector.shape_cast %get3A_289 : vector<1x1x64x384xf32> to vector<64x384xf32>
    %exp3A_291 = math.exp %get3A_290 : vector<64x384xf32>
    %add3A_292 = arith.addf %add3A_262, %exp3A_291 : vector<64x384xf32>
    %eq3A_293 = arith.constant 19 : i32
    %eq3A_294 = vector.broadcast %eq3A_293 : i32 to vector<64x384xi32>
    %eq3A_295 = arith.cmpi eq, %get3A_3, %eq3A_294 : vector<64x384xi32>
    %jit3A_296 = arith.constant 0.000000e+00 : f32
    %broadcast_in_dim3A_297 = vector.broadcast %jit3A_296 : f32 to vector<64x384xf32>
    %select_n3A_298 = arith.select %eq3A_295, %get3A_290, %broadcast_in_dim3A_297 : vector<64x384xi1>, vector<64x384xf32>
    %add3A_299 = arith.addf %add3A_269, %select_n3A_298 : vector<64x384xf32>
    %get3A_300 = arith.constant 0 : index
    %get3A_301 = arith.constant 20 : index
    %get3A_302 = arith.constant 0 : index
    %get3A_303 = arith.constant 0 : index
    %get3A_304 = vector.load %arg2[%get3A_300, %get3A_301, %get3A_302, %get3A_303] : memref<1x150x64x384xf32, #tpu.memory_space<vmem>>, vector<1x1x64x384xf32>
    %get3A_305 = vector.shape_cast %get3A_304 : vector<1x1x64x384xf32> to vector<64x384xf32>
    %exp3A_306 = math.exp %get3A_305 : vector<64x384xf32>
    %add3A_307 = arith.addf %add3A_277, %exp3A_306 : vector<64x384xf32>
    %eq3A_308 = arith.constant 20 : i32
    %eq3A_309 = vector.broadcast %eq3A_308 : i32 to vector<64x384xi32>
    %eq3A_310 = arith.cmpi eq, %get3A_3, %eq3A_309 : vector<64x384xi32>
    %jit3A_311 = arith.constant 0.000000e+00 : f32
    %broadcast_in_dim3A_312 = vector.broadcast %jit3A_311 : f32 to vector<64x384xf32>
    %select_n3A_313 = arith.select %eq3A_310, %get3A_305, %broadcast_in_dim3A_312 : vector<64x384xi1>, vector<64x384xf32>
    %add3A_314 = arith.addf %add3A_284, %select_n3A_313 : vector<64x384xf32>
    %get3A_315 = arith.constant 0 : index
    %get3A_316 = arith.constant 21 : index
    %get3A_317 = arith.constant 0 : index
    %get3A_318 = arith.constant 0 : index
    %get3A_319 = vector.load %arg2[%get3A_315, %get3A_316, %get3A_317, %get3A_318] : memref<1x150x64x384xf32, #tpu.memory_space<vmem>>, vector<1x1x64x384xf32>
    %get3A_320 = vector.shape_cast %get3A_319 : vector<1x1x64x384xf32> to vector<64x384xf32>
    %exp3A_321 = math.exp %get3A_320 : vector<64x384xf32>
    %add3A_322 = arith.addf %add3A_292, %exp3A_321 : vector<64x384xf32>
    %eq3A_323 = arith.constant 21 : i32
    %eq3A_324 = vector.broadcast %eq3A_323 : i32 to vector<64x384xi32>
    %eq3A_325 = arith.cmpi eq, %get3A_3, %eq3A_324 : vector<64x384xi32>
    %jit3A_326 = arith.constant 0.000000e+00 : f32
    %broadcast_in_dim3A_327 = vector.broadcast %jit3A_326 : f32 to vector<64x384xf32>
    %select_n3A_328 = arith.select %eq3A_325, %get3A_320, %broadcast_in_dim3A_327 : vector<64x384xi1>, vector<64x384xf32>
    %add3A_329 = arith.addf %add3A_299, %select_n3A_328 : vector<64x384xf32>
    %get3A_330 = arith.constant 0 : index
    %get3A_331 = arith.constant 22 : index
    %get3A_332 = arith.constant 0 : index
    %get3A_333 = arith.constant 0 : index
    %get3A_334 = vector.load %arg2[%get3A_330, %get3A_331, %get3A_332, %get3A_333] : memref<1x150x64x384xf32, #tpu.memory_space<vmem>>, vector<1x1x64x384xf32>
    %get3A_335 = vector.shape_cast %get3A_334 : vector<1x1x64x384xf32> to vector<64x384xf32>
    %exp3A_336 = math.exp %get3A_335 : vector<64x384xf32>
    %add3A_337 = arith.addf %add3A_307, %exp3A_336 : vector<64x384xf32>
    %eq3A_338 = arith.constant 22 : i32
    %eq3A_339 = vector.broadcast %eq3A_338 : i32 to vector<64x384xi32>
    %eq3A_340 = arith.cmpi eq, %get3A_3, %eq3A_339 : vector<64x384xi32>
    %jit3A_341 = arith.constant 0.000000e+00 : f32
    %broadcast_in_dim3A_342 = vector.broadcast %jit3A_341 : f32 to vector<64x384xf32>
    %select_n3A_343 = arith.select %eq3A_340, %get3A_335, %broadcast_in_dim3A_342 : vector<64x384xi1>, vector<64x384xf32>
    %add3A_344 = arith.addf %add3A_314, %select_n3A_343 : vector<64x384xf32>
    %get3A_345 = arith.constant 0 : index
    %get3A_346 = arith.constant 23 : index
    %get3A_347 = arith.constant 0 : index
    %get3A_348 = arith.constant 0 : index
    %get3A_349 = vector.load %arg2[%get3A_345, %get3A_346, %get3A_347, %get3A_348] : memref<1x150x64x384xf32, #tpu.memory_space<vmem>>, vector<1x1x64x384xf32>
    %get3A_350 = vector.shape_cast %get3A_349 : vector<1x1x64x384xf32> to vector<64x384xf32>
    %exp3A_351 = math.exp %get3A_350 : vector<64x384xf32>
    %add3A_352 = arith.addf %add3A_322, %exp3A_351 : vector<64x384xf32>
    %eq3A_353 = arith.constant 23 : i32
    %eq3A_354 = vector.broadcast %eq3A_353 : i32 to vector<64x384xi32>
    %eq3A_355 = arith.cmpi eq, %get3A_3, %eq3A_354 : vector<64x384xi32>
    %jit3A_356 = arith.constant 0.000000e+00 : f32
    %broadcast_in_dim3A_357 = vector.broadcast %jit3A_356 : f32 to vector<64x384xf32>
    %select_n3A_358 = arith.select %eq3A_355, %get3A_350, %broadcast_in_dim3A_357 : vector<64x384xi1>, vector<64x384xf32>
    %add3A_359 = arith.addf %add3A_329, %select_n3A_358 : vector<64x384xf32>
    %get3A_360 = arith.constant 0 : index
    %get3A_361 = arith.constant 24 : index
    %get3A_362 = arith.constant 0 : index
    %get3A_363 = arith.constant 0 : index
    %get3A_364 = vector.load %arg2[%get3A_360, %get3A_361, %get3A_362, %get3A_363] : memref<1x150x64x384xf32, #tpu.memory_space<vmem>>, vector<1x1x64x384xf32>
    %get3A_365 = vector.shape_cast %get3A_364 : vector<1x1x64x384xf32> to vector<64x384xf32>
    %exp3A_366 = math.exp %get3A_365 : vector<64x384xf32>
    %add3A_367 = arith.addf %add3A_337, %exp3A_366 : vector<64x384xf32>
    %eq3A_368 = arith.constant 24 : i32
    %eq3A_369 = vector.broadcast %eq3A_368 : i32 to vector<64x384xi32>
    %eq3A_370 = arith.cmpi eq, %get3A_3, %eq3A_369 : vector<64x384xi32>
    %jit3A_371 = arith.constant 0.000000e+00 : f32
    %broadcast_in_dim3A_372 = vector.broadcast %jit3A_371 : f32 to vector<64x384xf32>
    %select_n3A_373 = arith.select %eq3A_370, %get3A_365, %broadcast_in_dim3A_372 : vector<64x384xi1>, vector<64x384xf32>
    %add3A_374 = arith.addf %add3A_344, %select_n3A_373 : vector<64x384xf32>
    %get3A_375 = arith.constant 0 : index
    %get3A_376 = arith.constant 25 : index
    %get3A_377 = arith.constant 0 : index
    %get3A_378 = arith.constant 0 : index
    %get3A_379 = vector.load %arg2[%get3A_375, %get3A_376, %get3A_377, %get3A_378] : memref<1x150x64x384xf32, #tpu.memory_space<vmem>>, vector<1x1x64x384xf32>
    %get3A_380 = vector.shape_cast %get3A_379 : vector<1x1x64x384xf32> to vector<64x384xf32>
    %exp3A_381 = math.exp %get3A_380 : vector<64x384xf32>
    %add3A_382 = arith.addf %add3A_352, %exp3A_381 : vector<64x384xf32>
    %eq3A_383 = arith.constant 25 : i32
    %eq3A_384 = vector.broadcast %eq3A_383 : i32 to vector<64x384xi32>
    %eq3A_385 = arith.cmpi eq, %get3A_3, %eq3A_384 : vector<64x384xi32>
    %jit3A_386 = arith.constant 0.000000e+00 : f32
    %broadcast_in_dim3A_387 = vector.broadcast %jit3A_386 : f32 to vector<64x384xf32>
    %select_n3A_388 = arith.select %eq3A_385, %get3A_380, %broadcast_in_dim3A_387 : vector<64x384xi1>, vector<64x384xf32>
    %add3A_389 = arith.addf %add3A_359, %select_n3A_388 : vector<64x384xf32>
    %get3A_390 = arith.constant 0 : index
    %get3A_391 = arith.constant 26 : index
    %get3A_392 = arith.constant 0 : index
    %get3A_393 = arith.constant 0 : index
    %get3A_394 = vector.load %arg2[%get3A_390, %get3A_391, %get3A_392, %get3A_393] : memref<1x150x64x384xf32, #tpu.memory_space<vmem>>, vector<1x1x64x384xf32>
    %get3A_395 = vector.shape_cast %get3A_394 : vector<1x1x64x384xf32> to vector<64x384xf32>
    %exp3A_396 = math.exp %get3A_395 : vector<64x384xf32>
    %add3A_397 = arith.addf %add3A_367, %exp3A_396 : vector<64x384xf32>
    %eq3A_398 = arith.constant 26 : i32
    %eq3A_399 = vector.broadcast %eq3A_398 : i32 to vector<64x384xi32>
    %eq3A_400 = arith.cmpi eq, %get3A_3, %eq3A_399 : vector<64x384xi32>
    %jit3A_401 = arith.constant 0.000000e+00 : f32
    %broadcast_in_dim3A_402 = vector.broadcast %jit3A_401 : f32 to vector<64x384xf32>
    %select_n3A_403 = arith.select %eq3A_400, %get3A_395, %broadcast_in_dim3A_402 : vector<64x384xi1>, vector<64x384xf32>
    %add3A_404 = arith.addf %add3A_374, %select_n3A_403 : vector<64x384xf32>
    %get3A_405 = arith.constant 0 : index
    %get3A_406 = arith.constant 27 : index
    %get3A_407 = arith.constant 0 : index
    %get3A_408 = arith.constant 0 : index
    %get3A_409 = vector.load %arg2[%get3A_405, %get3A_406, %get3A_407, %get3A_408] : memref<1x150x64x384xf32, #tpu.memory_space<vmem>>, vector<1x1x64x384xf32>
    %get3A_410 = vector.shape_cast %get3A_409 : vector<1x1x64x384xf32> to vector<64x384xf32>
    %exp3A_411 = math.exp %get3A_410 : vector<64x384xf32>
    %add3A_412 = arith.addf %add3A_382, %exp3A_411 : vector<64x384xf32>
    %eq3A_413 = arith.constant 27 : i32
    %eq3A_414 = vector.broadcast %eq3A_413 : i32 to vector<64x384xi32>
    %eq3A_415 = arith.cmpi eq, %get3A_3, %eq3A_414 : vector<64x384xi32>
    %jit3A_416 = arith.constant 0.000000e+00 : f32
    %broadcast_in_dim3A_417 = vector.broadcast %jit3A_416 : f32 to vector<64x384xf32>
    %select_n3A_418 = arith.select %eq3A_415, %get3A_410, %broadcast_in_dim3A_417 : vector<64x384xi1>, vector<64x384xf32>
    %add3A_419 = arith.addf %add3A_389, %select_n3A_418 : vector<64x384xf32>
    %get3A_420 = arith.constant 0 : index
    %get3A_421 = arith.constant 28 : index
    %get3A_422 = arith.constant 0 : index
    %get3A_423 = arith.constant 0 : index
    %get3A_424 = vector.load %arg2[%get3A_420, %get3A_421, %get3A_422, %get3A_423] : memref<1x150x64x384xf32, #tpu.memory_space<vmem>>, vector<1x1x64x384xf32>
    %get3A_425 = vector.shape_cast %get3A_424 : vector<1x1x64x384xf32> to vector<64x384xf32>
    %exp3A_426 = math.exp %get3A_425 : vector<64x384xf32>
    %add3A_427 = arith.addf %add3A_397, %exp3A_426 : vector<64x384xf32>
    %eq3A_428 = arith.constant 28 : i32
    %eq3A_429 = vector.broadcast %eq3A_428 : i32 to vector<64x384xi32>
    %eq3A_430 = arith.cmpi eq, %get3A_3, %eq3A_429 : vector<64x384xi32>
    %jit3A_431 = arith.constant 0.000000e+00 : f32
    %broadcast_in_dim3A_432 = vector.broadcast %jit3A_431 : f32 to vector<64x384xf32>
    %select_n3A_433 = arith.select %eq3A_430, %get3A_425, %broadcast_in_dim3A_432 : vector<64x384xi1>, vector<64x384xf32>
    %add3A_434 = arith.addf %add3A_404, %select_n3A_433 : vector<64x384xf32>
    %get3A_435 = arith.constant 0 : index
    %get3A_436 = arith.constant 29 : index
    %get3A_437 = arith.constant 0 : index
    %get3A_438 = arith.constant 0 : index
    %get3A_439 = vector.load %arg2[%get3A_435, %get3A_436, %get3A_437, %get3A_438] : memref<1x150x64x384xf32, #tpu.memory_space<vmem>>, vector<1x1x64x384xf32>
    %get3A_440 = vector.shape_cast %get3A_439 : vector<1x1x64x384xf32> to vector<64x384xf32>
    %exp3A_441 = math.exp %get3A_440 : vector<64x384xf32>
    %add3A_442 = arith.addf %add3A_412, %exp3A_441 : vector<64x384xf32>
    %eq3A_443 = arith.constant 29 : i32
    %eq3A_444 = vector.broadcast %eq3A_443 : i32 to vector<64x384xi32>
    %eq3A_445 = arith.cmpi eq, %get3A_3, %eq3A_444 : vector<64x384xi32>
    %jit3A_446 = arith.constant 0.000000e+00 : f32
    %broadcast_in_dim3A_447 = vector.broadcast %jit3A_446 : f32 to vector<64x384xf32>
    %select_n3A_448 = arith.select %eq3A_445, %get3A_440, %broadcast_in_dim3A_447 : vector<64x384xi1>, vector<64x384xf32>
    %add3A_449 = arith.addf %add3A_419, %select_n3A_448 : vector<64x384xf32>
    %get3A_450 = arith.constant 0 : index
    %get3A_451 = arith.constant 30 : index
    %get3A_452 = arith.constant 0 : index
    %get3A_453 = arith.constant 0 : index
    %get3A_454 = vector.load %arg2[%get3A_450, %get3A_451, %get3A_452, %get3A_453] : memref<1x150x64x384xf32, #tpu.memory_space<vmem>>, vector<1x1x64x384xf32>
    %get3A_455 = vector.shape_cast %get3A_454 : vector<1x1x64x384xf32> to vector<64x384xf32>
    %exp3A_456 = math.exp %get3A_455 : vector<64x384xf32>
    %add3A_457 = arith.addf %add3A_427, %exp3A_456 : vector<64x384xf32>
    %eq3A_458 = arith.constant 30 : i32
    %eq3A_459 = vector.broadcast %eq3A_458 : i32 to vector<64x384xi32>
    %eq3A_460 = arith.cmpi eq, %get3A_3, %eq3A_459 : vector<64x384xi32>
    %jit3A_461 = arith.constant 0.000000e+00 : f32
    %broadcast_in_dim3A_462 = vector.broadcast %jit3A_461 : f32 to vector<64x384xf32>
    %select_n3A_463 = arith.select %eq3A_460, %get3A_455, %broadcast_in_dim3A_462 : vector<64x384xi1>, vector<64x384xf32>
    %add3A_464 = arith.addf %add3A_434, %select_n3A_463 : vector<64x384xf32>
    %get3A_465 = arith.constant 0 : index
    %get3A_466 = arith.constant 31 : index
    %get3A_467 = arith.constant 0 : index
    %get3A_468 = arith.constant 0 : index
    %get3A_469 = vector.load %arg2[%get3A_465, %get3A_466, %get3A_467, %get3A_468] : memref<1x150x64x384xf32, #tpu.memory_space<vmem>>, vector<1x1x64x384xf32>
    %get3A_470 = vector.shape_cast %get3A_469 : vector<1x1x64x384xf32> to vector<64x384xf32>
    %exp3A_471 = math.exp %get3A_470 : vector<64x384xf32>
    %add3A_472 = arith.addf %add3A_442, %exp3A_471 : vector<64x384xf32>
    %eq3A_473 = arith.constant 31 : i32
    %eq3A_474 = vector.broadcast %eq3A_473 : i32 to vector<64x384xi32>
    %eq3A_475 = arith.cmpi eq, %get3A_3, %eq3A_474 : vector<64x384xi32>
    %jit3A_476 = arith.constant 0.000000e+00 : f32
    %broadcast_in_dim3A_477 = vector.broadcast %jit3A_476 : f32 to vector<64x384xf32>
    %select_n3A_478 = arith.select %eq3A_475, %get3A_470, %broadcast_in_dim3A_477 : vector<64x384xi1>, vector<64x384xf32>
    %add3A_479 = arith.addf %add3A_449, %select_n3A_478 : vector<64x384xf32>
    %get3A_480 = arith.constant 0 : index
    %get3A_481 = arith.constant 32 : index
    %get3A_482 = arith.constant 0 : index
    %get3A_483 = arith.constant 0 : index
    %get3A_484 = vector.load %arg2[%get3A_480, %get3A_481, %get3A_482, %get3A_483] : memref<1x150x64x384xf32, #tpu.memory_space<vmem>>, vector<1x1x64x384xf32>
    %get3A_485 = vector.shape_cast %get3A_484 : vector<1x1x64x384xf32> to vector<64x384xf32>
    %exp3A_486 = math.exp %get3A_485 : vector<64x384xf32>
    %add3A_487 = arith.addf %add3A_457, %exp3A_486 : vector<64x384xf32>
    %eq3A_488 = arith.constant 32 : i32
    %eq3A_489 = vector.broadcast %eq3A_488 : i32 to vector<64x384xi32>
    %eq3A_490 = arith.cmpi eq, %get3A_3, %eq3A_489 : vector<64x384xi32>
    %jit3A_491 = arith.constant 0.000000e+00 : f32
    %broadcast_in_dim3A_492 = vector.broadcast %jit3A_491 : f32 to vector<64x384xf32>
    %select_n3A_493 = arith.select %eq3A_490, %get3A_485, %broadcast_in_dim3A_492 : vector<64x384xi1>, vector<64x384xf32>
    %add3A_494 = arith.addf %add3A_464, %select_n3A_493 : vector<64x384xf32>
    %get3A_495 = arith.constant 0 : index
    %get3A_496 = arith.constant 33 : index
    %get3A_497 = arith.constant 0 : index
    %get3A_498 = arith.constant 0 : index
    %get3A_499 = vector.load %arg2[%get3A_495, %get3A_496, %get3A_497, %get3A_498] : memref<1x150x64x384xf32, #tpu.memory_space<vmem>>, vector<1x1x64x384xf32>
    %get3A_500 = vector.shape_cast %get3A_499 : vector<1x1x64x384xf32> to vector<64x384xf32>
    %exp3A_501 = math.exp %get3A_500 : vector<64x384xf32>
    %add3A_502 = arith.addf %add3A_472, %exp3A_501 : vector<64x384xf32>
    %eq3A_503 = arith.constant 33 : i32
    %eq3A_504 = vector.broadcast %eq3A_503 : i32 to vector<64x384xi32>
    %eq3A_505 = arith.cmpi eq, %get3A_3, %eq3A_504 : vector<64x384xi32>
    %jit3A_506 = arith.constant 0.000000e+00 : f32
    %broadcast_in_dim3A_507 = vector.broadcast %jit3A_506 : f32 to vector<64x384xf32>
    %select_n3A_508 = arith.select %eq3A_505, %get3A_500, %broadcast_in_dim3A_507 : vector<64x384xi1>, vector<64x384xf32>
    %add3A_509 = arith.addf %add3A_479, %select_n3A_508 : vector<64x384xf32>
    %get3A_510 = arith.constant 0 : index
    %get3A_511 = arith.constant 34 : index
    %get3A_512 = arith.constant 0 : index
    %get3A_513 = arith.constant 0 : index
    %get3A_514 = vector.load %arg2[%get3A_510, %get3A_511, %get3A_512, %get3A_513] : memref<1x150x64x384xf32, #tpu.memory_space<vmem>>, vector<1x1x64x384xf32>
    %get3A_515 = vector.shape_cast %get3A_514 : vector<1x1x64x384xf32> to vector<64x384xf32>
    %exp3A_516 = math.exp %get3A_515 : vector<64x384xf32>
    %add3A_517 = arith.addf %add3A_487, %exp3A_516 : vector<64x384xf32>
    %eq3A_518 = arith.constant 34 : i32
    %eq3A_519 = vector.broadcast %eq3A_518 : i32 to vector<64x384xi32>
    %eq3A_520 = arith.cmpi eq, %get3A_3, %eq3A_519 : vector<64x384xi32>
    %jit3A_521 = arith.constant 0.000000e+00 : f32
    %broadcast_in_dim3A_522 = vector.broadcast %jit3A_521 : f32 to vector<64x384xf32>
    %select_n3A_523 = arith.select %eq3A_520, %get3A_515, %broadcast_in_dim3A_522 : vector<64x384xi1>, vector<64x384xf32>
    %add3A_524 = arith.addf %add3A_494, %select_n3A_523 : vector<64x384xf32>
    %get3A_525 = arith.constant 0 : index
    %get3A_526 = arith.constant 35 : index
    %get3A_527 = arith.constant 0 : index
    %get3A_528 = arith.constant 0 : index
    %get3A_529 = vector.load %arg2[%get3A_525, %get3A_526, %get3A_527, %get3A_528] : memref<1x150x64x384xf32, #tpu.memory_space<vmem>>, vector<1x1x64x384xf32>
    %get3A_530 = vector.shape_cast %get3A_529 : vector<1x1x64x384xf32> to vector<64x384xf32>
    %exp3A_531 = math.exp %get3A_530 : vector<64x384xf32>
    %add3A_532 = arith.addf %add3A_502, %exp3A_531 : vector<64x384xf32>
    %eq3A_533 = arith.constant 35 : i32
    %eq3A_534 = vector.broadcast %eq3A_533 : i32 to vector<64x384xi32>
    %eq3A_535 = arith.cmpi eq, %get3A_3, %eq3A_534 : vector<64x384xi32>
    %jit3A_536 = arith.constant 0.000000e+00 : f32
    %broadcast_in_dim3A_537 = vector.broadcast %jit3A_536 : f32 to vector<64x384xf32>
    %select_n3A_538 = arith.select %eq3A_535, %get3A_530, %broadcast_in_dim3A_537 : vector<64x384xi1>, vector<64x384xf32>
    %add3A_539 = arith.addf %add3A_509, %select_n3A_538 : vector<64x384xf32>
    %get3A_540 = arith.constant 0 : index
    %get3A_541 = arith.constant 36 : index
    %get3A_542 = arith.constant 0 : index
    %get3A_543 = arith.constant 0 : index
    %get3A_544 = vector.load %arg2[%get3A_540, %get3A_541, %get3A_542, %get3A_543] : memref<1x150x64x384xf32, #tpu.memory_space<vmem>>, vector<1x1x64x384xf32>
    %get3A_545 = vector.shape_cast %get3A_544 : vector<1x1x64x384xf32> to vector<64x384xf32>
    %exp3A_546 = math.exp %get3A_545 : vector<64x384xf32>
    %add3A_547 = arith.addf %add3A_517, %exp3A_546 : vector<64x384xf32>
    %eq3A_548 = arith.constant 36 : i32
    %eq3A_549 = vector.broadcast %eq3A_548 : i32 to vector<64x384xi32>
    %eq3A_550 = arith.cmpi eq, %get3A_3, %eq3A_549 : vector<64x384xi32>
    %jit3A_551 = arith.constant 0.000000e+00 : f32
    %broadcast_in_dim3A_552 = vector.broadcast %jit3A_551 : f32 to vector<64x384xf32>
    %select_n3A_553 = arith.select %eq3A_550, %get3A_545, %broadcast_in_dim3A_552 : vector<64x384xi1>, vector<64x384xf32>
    %add3A_554 = arith.addf %add3A_524, %select_n3A_553 : vector<64x384xf32>
    %get3A_555 = arith.constant 0 : index
    %get3A_556 = arith.constant 37 : index
    %get3A_557 = arith.constant 0 : index
    %get3A_558 = arith.constant 0 : index
    %get3A_559 = vector.load %arg2[%get3A_555, %get3A_556, %get3A_557, %get3A_558] : memref<1x150x64x384xf32, #tpu.memory_space<vmem>>, vector<1x1x64x384xf32>
    %get3A_560 = vector.shape_cast %get3A_559 : vector<1x1x64x384xf32> to vector<64x384xf32>
    %exp3A_561 = math.exp %get3A_560 : vector<64x384xf32>
    %add3A_562 = arith.addf %add3A_532, %exp3A_561 : vector<64x384xf32>
    %eq3A_563 = arith.constant 37 : i32
    %eq3A_564 = vector.broadcast %eq3A_563 : i32 to vector<64x384xi32>
    %eq3A_565 = arith.cmpi eq, %get3A_3, %eq3A_564 : vector<64x384xi32>
    %jit3A_566 = arith.constant 0.000000e+00 : f32
    %broadcast_in_dim3A_567 = vector.broadcast %jit3A_566 : f32 to vector<64x384xf32>
    %select_n3A_568 = arith.select %eq3A_565, %get3A_560, %broadcast_in_dim3A_567 : vector<64x384xi1>, vector<64x384xf32>
    %add3A_569 = arith.addf %add3A_539, %select_n3A_568 : vector<64x384xf32>
    %get3A_570 = arith.constant 0 : index
    %get3A_571 = arith.constant 38 : index
    %get3A_572 = arith.constant 0 : index
    %get3A_573 = arith.constant 0 : index
    %get3A_574 = vector.load %arg2[%get3A_570, %get3A_571, %get3A_572, %get3A_573] : memref<1x150x64x384xf32, #tpu.memory_space<vmem>>, vector<1x1x64x384xf32>
    %get3A_575 = vector.shape_cast %get3A_574 : vector<1x1x64x384xf32> to vector<64x384xf32>
    %exp3A_576 = math.exp %get3A_575 : vector<64x384xf32>
    %add3A_577 = arith.addf %add3A_547, %exp3A_576 : vector<64x384xf32>
    %eq3A_578 = arith.constant 38 : i32
    %eq3A_579 = vector.broadcast %eq3A_578 : i32 to vector<64x384xi32>
    %eq3A_580 = arith.cmpi eq, %get3A_3, %eq3A_579 : vector<64x384xi32>
    %jit3A_581 = arith.constant 0.000000e+00 : f32
    %broadcast_in_dim3A_582 = vector.broadcast %jit3A_581 : f32 to vector<64x384xf32>
    %select_n3A_583 = arith.select %eq3A_580, %get3A_575, %broadcast_in_dim3A_582 : vector<64x384xi1>, vector<64x384xf32>
    %add3A_584 = arith.addf %add3A_554, %select_n3A_583 : vector<64x384xf32>
    %get3A_585 = arith.constant 0 : index
    %get3A_586 = arith.constant 39 : index
    %get3A_587 = arith.constant 0 : index
    %get3A_588 = arith.constant 0 : index
    %get3A_589 = vector.load %arg2[%get3A_585, %get3A_586, %get3A_587, %get3A_588] : memref<1x150x64x384xf32, #tpu.memory_space<vmem>>, vector<1x1x64x384xf32>
    %get3A_590 = vector.shape_cast %get3A_589 : vector<1x1x64x384xf32> to vector<64x384xf32>
    %exp3A_591 = math.exp %get3A_590 : vector<64x384xf32>
    %add3A_592 = arith.addf %add3A_562, %exp3A_591 : vector<64x384xf32>
    %eq3A_593 = arith.constant 39 : i32
    %eq3A_594 = vector.broadcast %eq3A_593 : i32 to vector<64x384xi32>
    %eq3A_595 = arith.cmpi eq, %get3A_3, %eq3A_594 : vector<64x384xi32>
    %jit3A_596 = arith.constant 0.000000e+00 : f32
    %broadcast_in_dim3A_597 = vector.broadcast %jit3A_596 : f32 to vector<64x384xf32>
    %select_n3A_598 = arith.select %eq3A_595, %get3A_590, %broadcast_in_dim3A_597 : vector<64x384xi1>, vector<64x384xf32>
    %add3A_599 = arith.addf %add3A_569, %select_n3A_598 : vector<64x384xf32>
    %get3A_600 = arith.constant 0 : index
    %get3A_601 = arith.constant 40 : index
    %get3A_602 = arith.constant 0 : index
    %get3A_603 = arith.constant 0 : index
    %get3A_604 = vector.load %arg2[%get3A_600, %get3A_601, %get3A_602, %get3A_603] : memref<1x150x64x384xf32, #tpu.memory_space<vmem>>, vector<1x1x64x384xf32>
    %get3A_605 = vector.shape_cast %get3A_604 : vector<1x1x64x384xf32> to vector<64x384xf32>
    %exp3A_606 = math.exp %get3A_605 : vector<64x384xf32>
    %add3A_607 = arith.addf %add3A_577, %exp3A_606 : vector<64x384xf32>
    %eq3A_608 = arith.constant 40 : i32
    %eq3A_609 = vector.broadcast %eq3A_608 : i32 to vector<64x384xi32>
    %eq3A_610 = arith.cmpi eq, %get3A_3, %eq3A_609 : vector<64x384xi32>
    %jit3A_611 = arith.constant 0.000000e+00 : f32
    %broadcast_in_dim3A_612 = vector.broadcast %jit3A_611 : f32 to vector<64x384xf32>
    %select_n3A_613 = arith.select %eq3A_610, %get3A_605, %broadcast_in_dim3A_612 : vector<64x384xi1>, vector<64x384xf32>
    %add3A_614 = arith.addf %add3A_584, %select_n3A_613 : vector<64x384xf32>
    %get3A_615 = arith.constant 0 : index
    %get3A_616 = arith.constant 41 : index
    %get3A_617 = arith.constant 0 : index
    %get3A_618 = arith.constant 0 : index
    %get3A_619 = vector.load %arg2[%get3A_615, %get3A_616, %get3A_617, %get3A_618] : memref<1x150x64x384xf32, #tpu.memory_space<vmem>>, vector<1x1x64x384xf32>
    %get3A_620 = vector.shape_cast %get3A_619 : vector<1x1x64x384xf32> to vector<64x384xf32>
    %exp3A_621 = math.exp %get3A_620 : vector<64x384xf32>
    %add3A_622 = arith.addf %add3A_592, %exp3A_621 : vector<64x384xf32>
    %eq3A_623 = arith.constant 41 : i32
    %eq3A_624 = vector.broadcast %eq3A_623 : i32 to vector<64x384xi32>
    %eq3A_625 = arith.cmpi eq, %get3A_3, %eq3A_624 : vector<64x384xi32>
    %jit3A_626 = arith.constant 0.000000e+00 : f32
    %broadcast_in_dim3A_627 = vector.broadcast %jit3A_626 : f32 to vector<64x384xf32>
    %select_n3A_628 = arith.select %eq3A_625, %get3A_620, %broadcast_in_dim3A_627 : vector<64x384xi1>, vector<64x384xf32>
    %add3A_629 = arith.addf %add3A_599, %select_n3A_628 : vector<64x384xf32>
    %get3A_630 = arith.constant 0 : index
    %get3A_631 = arith.constant 42 : index
    %get3A_632 = arith.constant 0 : index
    %get3A_633 = arith.constant 0 : index
    %get3A_634 = vector.load %arg2[%get3A_630, %get3A_631, %get3A_632, %get3A_633] : memref<1x150x64x384xf32, #tpu.memory_space<vmem>>, vector<1x1x64x384xf32>
    %get3A_635 = vector.shape_cast %get3A_634 : vector<1x1x64x384xf32> to vector<64x384xf32>
    %exp3A_636 = math.exp %get3A_635 : vector<64x384xf32>
    %add3A_637 = arith.addf %add3A_607, %exp3A_636 : vector<64x384xf32>
    %eq3A_638 = arith.constant 42 : i32
    %eq3A_639 = vector.broadcast %eq3A_638 : i32 to vector<64x384xi32>
    %eq3A_640 = arith.cmpi eq, %get3A_3, %eq3A_639 : vector<64x384xi32>
    %jit3A_641 = arith.constant 0.000000e+00 : f32
    %broadcast_in_dim3A_642 = vector.broadcast %jit3A_641 : f32 to vector<64x384xf32>
    %select_n3A_643 = arith.select %eq3A_640, %get3A_635, %broadcast_in_dim3A_642 : vector<64x384xi1>, vector<64x384xf32>
    %add3A_644 = arith.addf %add3A_614, %select_n3A_643 : vector<64x384xf32>
    %get3A_645 = arith.constant 0 : index
    %get3A_646 = arith.constant 43 : index
    %get3A_647 = arith.constant 0 : index
    %get3A_648 = arith.constant 0 : index
    %get3A_649 = vector.load %arg2[%get3A_645, %get3A_646, %get3A_647, %get3A_648] : memref<1x150x64x384xf32, #tpu.memory_space<vmem>>, vector<1x1x64x384xf32>
    %get3A_650 = vector.shape_cast %get3A_649 : vector<1x1x64x384xf32> to vector<64x384xf32>
    %exp3A_651 = math.exp %get3A_650 : vector<64x384xf32>
    %add3A_652 = arith.addf %add3A_622, %exp3A_651 : vector<64x384xf32>
    %eq3A_653 = arith.constant 43 : i32
    %eq3A_654 = vector.broadcast %eq3A_653 : i32 to vector<64x384xi32>
    %eq3A_655 = arith.cmpi eq, %get3A_3, %eq3A_654 : vector<64x384xi32>
    %jit3A_656 = arith.constant 0.000000e+00 : f32
    %broadcast_in_dim3A_657 = vector.broadcast %jit3A_656 : f32 to vector<64x384xf32>
    %select_n3A_658 = arith.select %eq3A_655, %get3A_650, %broadcast_in_dim3A_657 : vector<64x384xi1>, vector<64x384xf32>
    %add3A_659 = arith.addf %add3A_629, %select_n3A_658 : vector<64x384xf32>
    %get3A_660 = arith.constant 0 : index
    %get3A_661 = arith.constant 44 : index
    %get3A_662 = arith.constant 0 : index
    %get3A_663 = arith.constant 0 : index
    %get3A_664 = vector.load %arg2[%get3A_660, %get3A_661, %get3A_662, %get3A_663] : memref<1x150x64x384xf32, #tpu.memory_space<vmem>>, vector<1x1x64x384xf32>
    %get3A_665 = vector.shape_cast %get3A_664 : vector<1x1x64x384xf32> to vector<64x384xf32>
    %exp3A_666 = math.exp %get3A_665 : vector<64x384xf32>
    %add3A_667 = arith.addf %add3A_637, %exp3A_666 : vector<64x384xf32>
    %eq3A_668 = arith.constant 44 : i32
    %eq3A_669 = vector.broadcast %eq3A_668 : i32 to vector<64x384xi32>
    %eq3A_670 = arith.cmpi eq, %get3A_3, %eq3A_669 : vector<64x384xi32>
    %jit3A_671 = arith.constant 0.000000e+00 : f32
    %broadcast_in_dim3A_672 = vector.broadcast %jit3A_671 : f32 to vector<64x384xf32>
    %select_n3A_673 = arith.select %eq3A_670, %get3A_665, %broadcast_in_dim3A_672 : vector<64x384xi1>, vector<64x384xf32>
    %add3A_674 = arith.addf %add3A_644, %select_n3A_673 : vector<64x384xf32>
    %get3A_675 = arith.constant 0 : index
    %get3A_676 = arith.constant 45 : index
    %get3A_677 = arith.constant 0 : index
    %get3A_678 = arith.constant 0 : index
    %get3A_679 = vector.load %arg2[%get3A_675, %get3A_676, %get3A_677, %get3A_678] : memref<1x150x64x384xf32, #tpu.memory_space<vmem>>, vector<1x1x64x384xf32>
    %get3A_680 = vector.shape_cast %get3A_679 : vector<1x1x64x384xf32> to vector<64x384xf32>
    %exp3A_681 = math.exp %get3A_680 : vector<64x384xf32>
    %add3A_682 = arith.addf %add3A_652, %exp3A_681 : vector<64x384xf32>
    %eq3A_683 = arith.constant 45 : i32
    %eq3A_684 = vector.broadcast %eq3A_683 : i32 to vector<64x384xi32>
    %eq3A_685 = arith.cmpi eq, %get3A_3, %eq3A_684 : vector<64x384xi32>
    %jit3A_686 = arith.constant 0.000000e+00 : f32
    %broadcast_in_dim3A_687 = vector.broadcast %jit3A_686 : f32 to vector<64x384xf32>
    %select_n3A_688 = arith.select %eq3A_685, %get3A_680, %broadcast_in_dim3A_687 : vector<64x384xi1>, vector<64x384xf32>
    %add3A_689 = arith.addf %add3A_659, %select_n3A_688 : vector<64x384xf32>
    %get3A_690 = arith.constant 0 : index
    %get3A_691 = arith.constant 46 : index
    %get3A_692 = arith.constant 0 : index
    %get3A_693 = arith.constant 0 : index
    %get3A_694 = vector.load %arg2[%get3A_690, %get3A_691, %get3A_692, %get3A_693] : memref<1x150x64x384xf32, #tpu.memory_space<vmem>>, vector<1x1x64x384xf32>
    %get3A_695 = vector.shape_cast %get3A_694 : vector<1x1x64x384xf32> to vector<64x384xf32>
    %exp3A_696 = math.exp %get3A_695 : vector<64x384xf32>
    %add3A_697 = arith.addf %add3A_667, %exp3A_696 : vector<64x384xf32>
    %eq3A_698 = arith.constant 46 : i32
    %eq3A_699 = vector.broadcast %eq3A_698 : i32 to vector<64x384xi32>
    %eq3A_700 = arith.cmpi eq, %get3A_3, %eq3A_699 : vector<64x384xi32>
    %jit3A_701 = arith.constant 0.000000e+00 : f32
    %broadcast_in_dim3A_702 = vector.broadcast %jit3A_701 : f32 to vector<64x384xf32>
    %select_n3A_703 = arith.select %eq3A_700, %get3A_695, %broadcast_in_dim3A_702 : vector<64x384xi1>, vector<64x384xf32>
    %add3A_704 = arith.addf %add3A_674, %select_n3A_703 : vector<64x384xf32>
    %get3A_705 = arith.constant 0 : index
    %get3A_706 = arith.constant 47 : index
    %get3A_707 = arith.constant 0 : index
    %get3A_708 = arith.constant 0 : index
    %get3A_709 = vector.load %arg2[%get3A_705, %get3A_706, %get3A_707, %get3A_708] : memref<1x150x64x384xf32, #tpu.memory_space<vmem>>, vector<1x1x64x384xf32>
    %get3A_710 = vector.shape_cast %get3A_709 : vector<1x1x64x384xf32> to vector<64x384xf32>
    %exp3A_711 = math.exp %get3A_710 : vector<64x384xf32>
    %add3A_712 = arith.addf %add3A_682, %exp3A_711 : vector<64x384xf32>
    %eq3A_713 = arith.constant 47 : i32
    %eq3A_714 = vector.broadcast %eq3A_713 : i32 to vector<64x384xi32>
    %eq3A_715 = arith.cmpi eq, %get3A_3, %eq3A_714 : vector<64x384xi32>
    %jit3A_716 = arith.constant 0.000000e+00 : f32
    %broadcast_in_dim3A_717 = vector.broadcast %jit3A_716 : f32 to vector<64x384xf32>
    %select_n3A_718 = arith.select %eq3A_715, %get3A_710, %broadcast_in_dim3A_717 : vector<64x384xi1>, vector<64x384xf32>
    %add3A_719 = arith.addf %add3A_689, %select_n3A_718 : vector<64x384xf32>
    %get3A_720 = arith.constant 0 : index
    %get3A_721 = arith.constant 48 : index
    %get3A_722 = arith.constant 0 : index
    %get3A_723 = arith.constant 0 : index
    %get3A_724 = vector.load %arg2[%get3A_720, %get3A_721, %get3A_722, %get3A_723] : memref<1x150x64x384xf32, #tpu.memory_space<vmem>>, vector<1x1x64x384xf32>
    %get3A_725 = vector.shape_cast %get3A_724 : vector<1x1x64x384xf32> to vector<64x384xf32>
    %exp3A_726 = math.exp %get3A_725 : vector<64x384xf32>
    %add3A_727 = arith.addf %add3A_697, %exp3A_726 : vector<64x384xf32>
    %eq3A_728 = arith.constant 48 : i32
    %eq3A_729 = vector.broadcast %eq3A_728 : i32 to vector<64x384xi32>
    %eq3A_730 = arith.cmpi eq, %get3A_3, %eq3A_729 : vector<64x384xi32>
    %jit3A_731 = arith.constant 0.000000e+00 : f32
    %broadcast_in_dim3A_732 = vector.broadcast %jit3A_731 : f32 to vector<64x384xf32>
    %select_n3A_733 = arith.select %eq3A_730, %get3A_725, %broadcast_in_dim3A_732 : vector<64x384xi1>, vector<64x384xf32>
    %add3A_734 = arith.addf %add3A_704, %select_n3A_733 : vector<64x384xf32>
    %get3A_735 = arith.constant 0 : index
    %get3A_736 = arith.constant 49 : index
    %get3A_737 = arith.constant 0 : index
    %get3A_738 = arith.constant 0 : index
    %get3A_739 = vector.load %arg2[%get3A_735, %get3A_736, %get3A_737, %get3A_738] : memref<1x150x64x384xf32, #tpu.memory_space<vmem>>, vector<1x1x64x384xf32>
    %get3A_740 = vector.shape_cast %get3A_739 : vector<1x1x64x384xf32> to vector<64x384xf32>
    %exp3A_741 = math.exp %get3A_740 : vector<64x384xf32>
    %add3A_742 = arith.addf %add3A_712, %exp3A_741 : vector<64x384xf32>
    %eq3A_743 = arith.constant 49 : i32
    %eq3A_744 = vector.broadcast %eq3A_743 : i32 to vector<64x384xi32>
    %eq3A_745 = arith.cmpi eq, %get3A_3, %eq3A_744 : vector<64x384xi32>
    %jit3A_746 = arith.constant 0.000000e+00 : f32
    %broadcast_in_dim3A_747 = vector.broadcast %jit3A_746 : f32 to vector<64x384xf32>
    %select_n3A_748 = arith.select %eq3A_745, %get3A_740, %broadcast_in_dim3A_747 : vector<64x384xi1>, vector<64x384xf32>
    %add3A_749 = arith.addf %add3A_719, %select_n3A_748 : vector<64x384xf32>
    %get3A_750 = arith.constant 0 : index
    %get3A_751 = arith.constant 50 : index
    %get3A_752 = arith.constant 0 : index
    %get3A_753 = arith.constant 0 : index
    %get3A_754 = vector.load %arg2[%get3A_750, %get3A_751, %get3A_752, %get3A_753] : memref<1x150x64x384xf32, #tpu.memory_space<vmem>>, vector<1x1x64x384xf32>
    %get3A_755 = vector.shape_cast %get3A_754 : vector<1x1x64x384xf32> to vector<64x384xf32>
    %exp3A_756 = math.exp %get3A_755 : vector<64x384xf32>
    %add3A_757 = arith.addf %add3A_727, %exp3A_756 : vector<64x384xf32>
    %eq3A_758 = arith.constant 50 : i32
    %eq3A_759 = vector.broadcast %eq3A_758 : i32 to vector<64x384xi32>
    %eq3A_760 = arith.cmpi eq, %get3A_3, %eq3A_759 : vector<64x384xi32>
    %jit3A_761 = arith.constant 0.000000e+00 : f32
    %broadcast_in_dim3A_762 = vector.broadcast %jit3A_761 : f32 to vector<64x384xf32>
    %select_n3A_763 = arith.select %eq3A_760, %get3A_755, %broadcast_in_dim3A_762 : vector<64x384xi1>, vector<64x384xf32>
    %add3A_764 = arith.addf %add3A_734, %select_n3A_763 : vector<64x384xf32>
    %get3A_765 = arith.constant 0 : index
    %get3A_766 = arith.constant 51 : index
    %get3A_767 = arith.constant 0 : index
    %get3A_768 = arith.constant 0 : index
    %get3A_769 = vector.load %arg2[%get3A_765, %get3A_766, %get3A_767, %get3A_768] : memref<1x150x64x384xf32, #tpu.memory_space<vmem>>, vector<1x1x64x384xf32>
    %get3A_770 = vector.shape_cast %get3A_769 : vector<1x1x64x384xf32> to vector<64x384xf32>
    %exp3A_771 = math.exp %get3A_770 : vector<64x384xf32>
    %add3A_772 = arith.addf %add3A_742, %exp3A_771 : vector<64x384xf32>
    %eq3A_773 = arith.constant 51 : i32
    %eq3A_774 = vector.broadcast %eq3A_773 : i32 to vector<64x384xi32>
    %eq3A_775 = arith.cmpi eq, %get3A_3, %eq3A_774 : vector<64x384xi32>
    %jit3A_776 = arith.constant 0.000000e+00 : f32
    %broadcast_in_dim3A_777 = vector.broadcast %jit3A_776 : f32 to vector<64x384xf32>
    %select_n3A_778 = arith.select %eq3A_775, %get3A_770, %broadcast_in_dim3A_777 : vector<64x384xi1>, vector<64x384xf32>
    %add3A_779 = arith.addf %add3A_749, %select_n3A_778 : vector<64x384xf32>
    %get3A_780 = arith.constant 0 : index
    %get3A_781 = arith.constant 52 : index
    %get3A_782 = arith.constant 0 : index
    %get3A_783 = arith.constant 0 : index
    %get3A_784 = vector.load %arg2[%get3A_780, %get3A_781, %get3A_782, %get3A_783] : memref<1x150x64x384xf32, #tpu.memory_space<vmem>>, vector<1x1x64x384xf32>
    %get3A_785 = vector.shape_cast %get3A_784 : vector<1x1x64x384xf32> to vector<64x384xf32>
    %exp3A_786 = math.exp %get3A_785 : vector<64x384xf32>
    %add3A_787 = arith.addf %add3A_757, %exp3A_786 : vector<64x384xf32>
    %eq3A_788 = arith.constant 52 : i32
    %eq3A_789 = vector.broadcast %eq3A_788 : i32 to vector<64x384xi32>
    %eq3A_790 = arith.cmpi eq, %get3A_3, %eq3A_789 : vector<64x384xi32>
    %jit3A_791 = arith.constant 0.000000e+00 : f32
    %broadcast_in_dim3A_792 = vector.broadcast %jit3A_791 : f32 to vector<64x384xf32>
    %select_n3A_793 = arith.select %eq3A_790, %get3A_785, %broadcast_in_dim3A_792 : vector<64x384xi1>, vector<64x384xf32>
    %add3A_794 = arith.addf %add3A_764, %select_n3A_793 : vector<64x384xf32>
    %get3A_795 = arith.constant 0 : index
    %get3A_796 = arith.constant 53 : index
    %get3A_797 = arith.constant 0 : index
    %get3A_798 = arith.constant 0 : index
    %get3A_799 = vector.load %arg2[%get3A_795, %get3A_796, %get3A_797, %get3A_798] : memref<1x150x64x384xf32, #tpu.memory_space<vmem>>, vector<1x1x64x384xf32>
    %get3A_800 = vector.shape_cast %get3A_799 : vector<1x1x64x384xf32> to vector<64x384xf32>
    %exp3A_801 = math.exp %get3A_800 : vector<64x384xf32>
    %add3A_802 = arith.addf %add3A_772, %exp3A_801 : vector<64x384xf32>
    %eq3A_803 = arith.constant 53 : i32
    %eq3A_804 = vector.broadcast %eq3A_803 : i32 to vector<64x384xi32>
    %eq3A_805 = arith.cmpi eq, %get3A_3, %eq3A_804 : vector<64x384xi32>
    %jit3A_806 = arith.constant 0.000000e+00 : f32
    %broadcast_in_dim3A_807 = vector.broadcast %jit3A_806 : f32 to vector<64x384xf32>
    %select_n3A_808 = arith.select %eq3A_805, %get3A_800, %broadcast_in_dim3A_807 : vector<64x384xi1>, vector<64x384xf32>
    %add3A_809 = arith.addf %add3A_779, %select_n3A_808 : vector<64x384xf32>
    %get3A_810 = arith.constant 0 : index
    %get3A_811 = arith.constant 54 : index
    %get3A_812 = arith.constant 0 : index
    %get3A_813 = arith.constant 0 : index
    %get3A_814 = vector.load %arg2[%get3A_810, %get3A_811, %get3A_812, %get3A_813] : memref<1x150x64x384xf32, #tpu.memory_space<vmem>>, vector<1x1x64x384xf32>
    %get3A_815 = vector.shape_cast %get3A_814 : vector<1x1x64x384xf32> to vector<64x384xf32>
    %exp3A_816 = math.exp %get3A_815 : vector<64x384xf32>
    %add3A_817 = arith.addf %add3A_787, %exp3A_816 : vector<64x384xf32>
    %eq3A_818 = arith.constant 54 : i32
    %eq3A_819 = vector.broadcast %eq3A_818 : i32 to vector<64x384xi32>
    %eq3A_820 = arith.cmpi eq, %get3A_3, %eq3A_819 : vector<64x384xi32>
    %jit3A_821 = arith.constant 0.000000e+00 : f32
    %broadcast_in_dim3A_822 = vector.broadcast %jit3A_821 : f32 to vector<64x384xf32>
    %select_n3A_823 = arith.select %eq3A_820, %get3A_815, %broadcast_in_dim3A_822 : vector<64x384xi1>, vector<64x384xf32>
    %add3A_824 = arith.addf %add3A_794, %select_n3A_823 : vector<64x384xf32>
    %get3A_825 = arith.constant 0 : index
    %get3A_826 = arith.constant 55 : index
    %get3A_827 = arith.constant 0 : index
    %get3A_828 = arith.constant 0 : index
    %get3A_829 = vector.load %arg2[%get3A_825, %get3A_826, %get3A_827, %get3A_828] : memref<1x150x64x384xf32, #tpu.memory_space<vmem>>, vector<1x1x64x384xf32>
    %get3A_830 = vector.shape_cast %get3A_829 : vector<1x1x64x384xf32> to vector<64x384xf32>
    %exp3A_831 = math.exp %get3A_830 : vector<64x384xf32>
    %add3A_832 = arith.addf %add3A_802, %exp3A_831 : vector<64x384xf32>
    %eq3A_833 = arith.constant 55 : i32
    %eq3A_834 = vector.broadcast %eq3A_833 : i32 to vector<64x384xi32>
    %eq3A_835 = arith.cmpi eq, %get3A_3, %eq3A_834 : vector<64x384xi32>
    %jit3A_836 = arith.constant 0.000000e+00 : f32
    %broadcast_in_dim3A_837 = vector.broadcast %jit3A_836 : f32 to vector<64x384xf32>
    %select_n3A_838 = arith.select %eq3A_835, %get3A_830, %broadcast_in_dim3A_837 : vector<64x384xi1>, vector<64x384xf32>
    %add3A_839 = arith.addf %add3A_809, %select_n3A_838 : vector<64x384xf32>
    %get3A_840 = arith.constant 0 : index
    %get3A_841 = arith.constant 56 : index
    %get3A_842 = arith.constant 0 : index
    %get3A_843 = arith.constant 0 : index
    %get3A_844 = vector.load %arg2[%get3A_840, %get3A_841, %get3A_842, %get3A_843] : memref<1x150x64x384xf32, #tpu.memory_space<vmem>>, vector<1x1x64x384xf32>
    %get3A_845 = vector.shape_cast %get3A_844 : vector<1x1x64x384xf32> to vector<64x384xf32>
    %exp3A_846 = math.exp %get3A_845 : vector<64x384xf32>
    %add3A_847 = arith.addf %add3A_817, %exp3A_846 : vector<64x384xf32>
    %eq3A_848 = arith.constant 56 : i32
    %eq3A_849 = vector.broadcast %eq3A_848 : i32 to vector<64x384xi32>
    %eq3A_850 = arith.cmpi eq, %get3A_3, %eq3A_849 : vector<64x384xi32>
    %jit3A_851 = arith.constant 0.000000e+00 : f32
    %broadcast_in_dim3A_852 = vector.broadcast %jit3A_851 : f32 to vector<64x384xf32>
    %select_n3A_853 = arith.select %eq3A_850, %get3A_845, %broadcast_in_dim3A_852 : vector<64x384xi1>, vector<64x384xf32>
    %add3A_854 = arith.addf %add3A_824, %select_n3A_853 : vector<64x384xf32>
    %get3A_855 = arith.constant 0 : index
    %get3A_856 = arith.constant 57 : index
    %get3A_857 = arith.constant 0 : index
    %get3A_858 = arith.constant 0 : index
    %get3A_859 = vector.load %arg2[%get3A_855, %get3A_856, %get3A_857, %get3A_858] : memref<1x150x64x384xf32, #tpu.memory_space<vmem>>, vector<1x1x64x384xf32>
    %get3A_860 = vector.shape_cast %get3A_859 : vector<1x1x64x384xf32> to vector<64x384xf32>
    %exp3A_861 = math.exp %get3A_860 : vector<64x384xf32>
    %add3A_862 = arith.addf %add3A_832, %exp3A_861 : vector<64x384xf32>
    %eq3A_863 = arith.constant 57 : i32
    %eq3A_864 = vector.broadcast %eq3A_863 : i32 to vector<64x384xi32>
    %eq3A_865 = arith.cmpi eq, %get3A_3, %eq3A_864 : vector<64x384xi32>
    %jit3A_866 = arith.constant 0.000000e+00 : f32
    %broadcast_in_dim3A_867 = vector.broadcast %jit3A_866 : f32 to vector<64x384xf32>
    %select_n3A_868 = arith.select %eq3A_865, %get3A_860, %broadcast_in_dim3A_867 : vector<64x384xi1>, vector<64x384xf32>
    %add3A_869 = arith.addf %add3A_839, %select_n3A_868 : vector<64x384xf32>
    %get3A_870 = arith.constant 0 : index
    %get3A_871 = arith.constant 58 : index
    %get3A_872 = arith.constant 0 : index
    %get3A_873 = arith.constant 0 : index
    %get3A_874 = vector.load %arg2[%get3A_870, %get3A_871, %get3A_872, %get3A_873] : memref<1x150x64x384xf32, #tpu.memory_space<vmem>>, vector<1x1x64x384xf32>
    %get3A_875 = vector.shape_cast %get3A_874 : vector<1x1x64x384xf32> to vector<64x384xf32>
    %exp3A_876 = math.exp %get3A_875 : vector<64x384xf32>
    %add3A_877 = arith.addf %add3A_847, %exp3A_876 : vector<64x384xf32>
    %eq3A_878 = arith.constant 58 : i32
    %eq3A_879 = vector.broadcast %eq3A_878 : i32 to vector<64x384xi32>
    %eq3A_880 = arith.cmpi eq, %get3A_3, %eq3A_879 : vector<64x384xi32>
    %jit3A_881 = arith.constant 0.000000e+00 : f32
    %broadcast_in_dim3A_882 = vector.broadcast %jit3A_881 : f32 to vector<64x384xf32>
    %select_n3A_883 = arith.select %eq3A_880, %get3A_875, %broadcast_in_dim3A_882 : vector<64x384xi1>, vector<64x384xf32>
    %add3A_884 = arith.addf %add3A_854, %select_n3A_883 : vector<64x384xf32>
    %get3A_885 = arith.constant 0 : index
    %get3A_886 = arith.constant 59 : index
    %get3A_887 = arith.constant 0 : index
    %get3A_888 = arith.constant 0 : index
    %get3A_889 = vector.load %arg2[%get3A_885, %get3A_886, %get3A_887, %get3A_888] : memref<1x150x64x384xf32, #tpu.memory_space<vmem>>, vector<1x1x64x384xf32>
    %get3A_890 = vector.shape_cast %get3A_889 : vector<1x1x64x384xf32> to vector<64x384xf32>
    %exp3A_891 = math.exp %get3A_890 : vector<64x384xf32>
    %add3A_892 = arith.addf %add3A_862, %exp3A_891 : vector<64x384xf32>
    %eq3A_893 = arith.constant 59 : i32
    %eq3A_894 = vector.broadcast %eq3A_893 : i32 to vector<64x384xi32>
    %eq3A_895 = arith.cmpi eq, %get3A_3, %eq3A_894 : vector<64x384xi32>
    %jit3A_896 = arith.constant 0.000000e+00 : f32
    %broadcast_in_dim3A_897 = vector.broadcast %jit3A_896 : f32 to vector<64x384xf32>
    %select_n3A_898 = arith.select %eq3A_895, %get3A_890, %broadcast_in_dim3A_897 : vector<64x384xi1>, vector<64x384xf32>
    %add3A_899 = arith.addf %add3A_869, %select_n3A_898 : vector<64x384xf32>
    %get3A_900 = arith.constant 0 : index
    %get3A_901 = arith.constant 60 : index
    %get3A_902 = arith.constant 0 : index
    %get3A_903 = arith.constant 0 : index
    %get3A_904 = vector.load %arg2[%get3A_900, %get3A_901, %get3A_902, %get3A_903] : memref<1x150x64x384xf32, #tpu.memory_space<vmem>>, vector<1x1x64x384xf32>
    %get3A_905 = vector.shape_cast %get3A_904 : vector<1x1x64x384xf32> to vector<64x384xf32>
    %exp3A_906 = math.exp %get3A_905 : vector<64x384xf32>
    %add3A_907 = arith.addf %add3A_877, %exp3A_906 : vector<64x384xf32>
    %eq3A_908 = arith.constant 60 : i32
    %eq3A_909 = vector.broadcast %eq3A_908 : i32 to vector<64x384xi32>
    %eq3A_910 = arith.cmpi eq, %get3A_3, %eq3A_909 : vector<64x384xi32>
    %jit3A_911 = arith.constant 0.000000e+00 : f32
    %broadcast_in_dim3A_912 = vector.broadcast %jit3A_911 : f32 to vector<64x384xf32>
    %select_n3A_913 = arith.select %eq3A_910, %get3A_905, %broadcast_in_dim3A_912 : vector<64x384xi1>, vector<64x384xf32>
    %add3A_914 = arith.addf %add3A_884, %select_n3A_913 : vector<64x384xf32>
    %get3A_915 = arith.constant 0 : index
    %get3A_916 = arith.constant 61 : index
    %get3A_917 = arith.constant 0 : index
    %get3A_918 = arith.constant 0 : index
    %get3A_919 = vector.load %arg2[%get3A_915, %get3A_916, %get3A_917, %get3A_918] : memref<1x150x64x384xf32, #tpu.memory_space<vmem>>, vector<1x1x64x384xf32>
    %get3A_920 = vector.shape_cast %get3A_919 : vector<1x1x64x384xf32> to vector<64x384xf32>
    %exp3A_921 = math.exp %get3A_920 : vector<64x384xf32>
    %add3A_922 = arith.addf %add3A_892, %exp3A_921 : vector<64x384xf32>
    %eq3A_923 = arith.constant 61 : i32
    %eq3A_924 = vector.broadcast %eq3A_923 : i32 to vector<64x384xi32>
    %eq3A_925 = arith.cmpi eq, %get3A_3, %eq3A_924 : vector<64x384xi32>
    %jit3A_926 = arith.constant 0.000000e+00 : f32
    %broadcast_in_dim3A_927 = vector.broadcast %jit3A_926 : f32 to vector<64x384xf32>
    %select_n3A_928 = arith.select %eq3A_925, %get3A_920, %broadcast_in_dim3A_927 : vector<64x384xi1>, vector<64x384xf32>
    %add3A_929 = arith.addf %add3A_899, %select_n3A_928 : vector<64x384xf32>
    %get3A_930 = arith.constant 0 : index
    %get3A_931 = arith.constant 62 : index
    %get3A_932 = arith.constant 0 : index
    %get3A_933 = arith.constant 0 : index
    %get3A_934 = vector.load %arg2[%get3A_930, %get3A_931, %get3A_932, %get3A_933] : memref<1x150x64x384xf32, #tpu.memory_space<vmem>>, vector<1x1x64x384xf32>
    %get3A_935 = vector.shape_cast %get3A_934 : vector<1x1x64x384xf32> to vector<64x384xf32>
    %exp3A_936 = math.exp %get3A_935 : vector<64x384xf32>
    %add3A_937 = arith.addf %add3A_907, %exp3A_936 : vector<64x384xf32>
    %eq3A_938 = arith.constant 62 : i32
    %eq3A_939 = vector.broadcast %eq3A_938 : i32 to vector<64x384xi32>
    %eq3A_940 = arith.cmpi eq, %get3A_3, %eq3A_939 : vector<64x384xi32>
    %jit3A_941 = arith.constant 0.000000e+00 : f32
    %broadcast_in_dim3A_942 = vector.broadcast %jit3A_941 : f32 to vector<64x384xf32>
    %select_n3A_943 = arith.select %eq3A_940, %get3A_935, %broadcast_in_dim3A_942 : vector<64x384xi1>, vector<64x384xf32>
    %add3A_944 = arith.addf %add3A_914, %select_n3A_943 : vector<64x384xf32>
    %get3A_945 = arith.constant 0 : index
    %get3A_946 = arith.constant 63 : index
    %get3A_947 = arith.constant 0 : index
    %get3A_948 = arith.constant 0 : index
    %get3A_949 = vector.load %arg2[%get3A_945, %get3A_946, %get3A_947, %get3A_948] : memref<1x150x64x384xf32, #tpu.memory_space<vmem>>, vector<1x1x64x384xf32>
    %get3A_950 = vector.shape_cast %get3A_949 : vector<1x1x64x384xf32> to vector<64x384xf32>
    %exp3A_951 = math.exp %get3A_950 : vector<64x384xf32>
    %add3A_952 = arith.addf %add3A_922, %exp3A_951 : vector<64x384xf32>
    %eq3A_953 = arith.constant 63 : i32
    %eq3A_954 = vector.broadcast %eq3A_953 : i32 to vector<64x384xi32>
    %eq3A_955 = arith.cmpi eq, %get3A_3, %eq3A_954 : vector<64x384xi32>
    %jit3A_956 = arith.constant 0.000000e+00 : f32
    %broadcast_in_dim3A_957 = vector.broadcast %jit3A_956 : f32 to vector<64x384xf32>
    %select_n3A_958 = arith.select %eq3A_955, %get3A_950, %broadcast_in_dim3A_957 : vector<64x384xi1>, vector<64x384xf32>
    %add3A_959 = arith.addf %add3A_929, %select_n3A_958 : vector<64x384xf32>
    %get3A_960 = arith.constant 0 : index
    %get3A_961 = arith.constant 64 : index
    %get3A_962 = arith.constant 0 : index
    %get3A_963 = arith.constant 0 : index
    %get3A_964 = vector.load %arg2[%get3A_960, %get3A_961, %get3A_962, %get3A_963] : memref<1x150x64x384xf32, #tpu.memory_space<vmem>>, vector<1x1x64x384xf32>
    %get3A_965 = vector.shape_cast %get3A_964 : vector<1x1x64x384xf32> to vector<64x384xf32>
    %exp3A_966 = math.exp %get3A_965 : vector<64x384xf32>
    %add3A_967 = arith.addf %add3A_937, %exp3A_966 : vector<64x384xf32>
    %eq3A_968 = arith.constant 64 : i32
    %eq3A_969 = vector.broadcast %eq3A_968 : i32 to vector<64x384xi32>
    %eq3A_970 = arith.cmpi eq, %get3A_3, %eq3A_969 : vector<64x384xi32>
    %jit3A_971 = arith.constant 0.000000e+00 : f32
    %broadcast_in_dim3A_972 = vector.broadcast %jit3A_971 : f32 to vector<64x384xf32>
    %select_n3A_973 = arith.select %eq3A_970, %get3A_965, %broadcast_in_dim3A_972 : vector<64x384xi1>, vector<64x384xf32>
    %add3A_974 = arith.addf %add3A_944, %select_n3A_973 : vector<64x384xf32>
    %get3A_975 = arith.constant 0 : index
    %get3A_976 = arith.constant 65 : index
    %get3A_977 = arith.constant 0 : index
    %get3A_978 = arith.constant 0 : index
    %get3A_979 = vector.load %arg2[%get3A_975, %get3A_976, %get3A_977, %get3A_978] : memref<1x150x64x384xf32, #tpu.memory_space<vmem>>, vector<1x1x64x384xf32>
    %get3A_980 = vector.shape_cast %get3A_979 : vector<1x1x64x384xf32> to vector<64x384xf32>
    %exp3A_981 = math.exp %get3A_980 : vector<64x384xf32>
    %add3A_982 = arith.addf %add3A_952, %exp3A_981 : vector<64x384xf32>
    %eq3A_983 = arith.constant 65 : i32
    %eq3A_984 = vector.broadcast %eq3A_983 : i32 to vector<64x384xi32>
    %eq3A_985 = arith.cmpi eq, %get3A_3, %eq3A_984 : vector<64x384xi32>
    %jit3A_986 = arith.constant 0.000000e+00 : f32
    %broadcast_in_dim3A_987 = vector.broadcast %jit3A_986 : f32 to vector<64x384xf32>
    %select_n3A_988 = arith.select %eq3A_985, %get3A_980, %broadcast_in_dim3A_987 : vector<64x384xi1>, vector<64x384xf32>
    %add3A_989 = arith.addf %add3A_959, %select_n3A_988 : vector<64x384xf32>
    %get3A_990 = arith.constant 0 : index
    %get3A_991 = arith.constant 66 : index
    %get3A_992 = arith.constant 0 : index
    %get3A_993 = arith.constant 0 : index
    %get3A_994 = vector.load %arg2[%get3A_990, %get3A_991, %get3A_992, %get3A_993] : memref<1x150x64x384xf32, #tpu.memory_space<vmem>>, vector<1x1x64x384xf32>
    %get3A_995 = vector.shape_cast %get3A_994 : vector<1x1x64x384xf32> to vector<64x384xf32>
    %exp3A_996 = math.exp %get3A_995 : vector<64x384xf32>
    %add3A_997 = arith.addf %add3A_967, %exp3A_996 : vector<64x384xf32>
    %eq3A_998 = arith.constant 66 : i32
    %eq3A_999 = vector.broadcast %eq3A_998 : i32 to vector<64x384xi32>
    %eq3A_1000 = arith.cmpi eq, %get3A_3, %eq3A_999 : vector<64x384xi32>
    %jit3A_1001 = arith.constant 0.000000e+00 : f32
    %broadcast_in_dim3A_1002 = vector.broadcast %jit3A_1001 : f32 to vector<64x384xf32>
    %select_n3A_1003 = arith.select %eq3A_1000, %get3A_995, %broadcast_in_dim3A_1002 : vector<64x384xi1>, vector<64x384xf32>
    %add3A_1004 = arith.addf %add3A_974, %select_n3A_1003 : vector<64x384xf32>
    %get3A_1005 = arith.constant 0 : index
    %get3A_1006 = arith.constant 67 : index
    %get3A_1007 = arith.constant 0 : index
    %get3A_1008 = arith.constant 0 : index
    %get3A_1009 = vector.load %arg2[%get3A_1005, %get3A_1006, %get3A_1007, %get3A_1008] : memref<1x150x64x384xf32, #tpu.memory_space<vmem>>, vector<1x1x64x384xf32>
    %get3A_1010 = vector.shape_cast %get3A_1009 : vector<1x1x64x384xf32> to vector<64x384xf32>
    %exp3A_1011 = math.exp %get3A_1010 : vector<64x384xf32>
    %add3A_1012 = arith.addf %add3A_982, %exp3A_1011 : vector<64x384xf32>
    %eq3A_1013 = arith.constant 67 : i32
    %eq3A_1014 = vector.broadcast %eq3A_1013 : i32 to vector<64x384xi32>
    %eq3A_1015 = arith.cmpi eq, %get3A_3, %eq3A_1014 : vector<64x384xi32>
    %jit3A_1016 = arith.constant 0.000000e+00 : f32
    %broadcast_in_dim3A_1017 = vector.broadcast %jit3A_1016 : f32 to vector<64x384xf32>
    %select_n3A_1018 = arith.select %eq3A_1015, %get3A_1010, %broadcast_in_dim3A_1017 : vector<64x384xi1>, vector<64x384xf32>
    %add3A_1019 = arith.addf %add3A_989, %select_n3A_1018 : vector<64x384xf32>
    %get3A_1020 = arith.constant 0 : index
    %get3A_1021 = arith.constant 68 : index
    %get3A_1022 = arith.constant 0 : index
    %get3A_1023 = arith.constant 0 : index
    %get3A_1024 = vector.load %arg2[%get3A_1020, %get3A_1021, %get3A_1022, %get3A_1023] : memref<1x150x64x384xf32, #tpu.memory_space<vmem>>, vector<1x1x64x384xf32>
    %get3A_1025 = vector.shape_cast %get3A_1024 : vector<1x1x64x384xf32> to vector<64x384xf32>
    %exp3A_1026 = math.exp %get3A_1025 : vector<64x384xf32>
    %add3A_1027 = arith.addf %add3A_997, %exp3A_1026 : vector<64x384xf32>
    %eq3A_1028 = arith.constant 68 : i32
    %eq3A_1029 = vector.broadcast %eq3A_1028 : i32 to vector<64x384xi32>
    %eq3A_1030 = arith.cmpi eq, %get3A_3, %eq3A_1029 : vector<64x384xi32>
    %jit3A_1031 = arith.constant 0.000000e+00 : f32
    %broadcast_in_dim3A_1032 = vector.broadcast %jit3A_1031 : f32 to vector<64x384xf32>
    %select_n3A_1033 = arith.select %eq3A_1030, %get3A_1025, %broadcast_in_dim3A_1032 : vector<64x384xi1>, vector<64x384xf32>
    %add3A_1034 = arith.addf %add3A_1004, %select_n3A_1033 : vector<64x384xf32>
    %get3A_1035 = arith.constant 0 : index
    %get3A_1036 = arith.constant 69 : index
    %get3A_1037 = arith.constant 0 : index
    %get3A_1038 = arith.constant 0 : index
    %get3A_1039 = vector.load %arg2[%get3A_1035, %get3A_1036, %get3A_1037, %get3A_1038] : memref<1x150x64x384xf32, #tpu.memory_space<vmem>>, vector<1x1x64x384xf32>
    %get3A_1040 = vector.shape_cast %get3A_1039 : vector<1x1x64x384xf32> to vector<64x384xf32>
    %exp3A_1041 = math.exp %get3A_1040 : vector<64x384xf32>
    %add3A_1042 = arith.addf %add3A_1012, %exp3A_1041 : vector<64x384xf32>
    %eq3A_1043 = arith.constant 69 : i32
    %eq3A_1044 = vector.broadcast %eq3A_1043 : i32 to vector<64x384xi32>
    %eq3A_1045 = arith.cmpi eq, %get3A_3, %eq3A_1044 : vector<64x384xi32>
    %jit3A_1046 = arith.constant 0.000000e+00 : f32
    %broadcast_in_dim3A_1047 = vector.broadcast %jit3A_1046 : f32 to vector<64x384xf32>
    %select_n3A_1048 = arith.select %eq3A_1045, %get3A_1040, %broadcast_in_dim3A_1047 : vector<64x384xi1>, vector<64x384xf32>
    %add3A_1049 = arith.addf %add3A_1019, %select_n3A_1048 : vector<64x384xf32>
    %get3A_1050 = arith.constant 0 : index
    %get3A_1051 = arith.constant 70 : index
    %get3A_1052 = arith.constant 0 : index
    %get3A_1053 = arith.constant 0 : index
    %get3A_1054 = vector.load %arg2[%get3A_1050, %get3A_1051, %get3A_1052, %get3A_1053] : memref<1x150x64x384xf32, #tpu.memory_space<vmem>>, vector<1x1x64x384xf32>
    %get3A_1055 = vector.shape_cast %get3A_1054 : vector<1x1x64x384xf32> to vector<64x384xf32>
    %exp3A_1056 = math.exp %get3A_1055 : vector<64x384xf32>
    %add3A_1057 = arith.addf %add3A_1027, %exp3A_1056 : vector<64x384xf32>
    %eq3A_1058 = arith.constant 70 : i32
    %eq3A_1059 = vector.broadcast %eq3A_1058 : i32 to vector<64x384xi32>
    %eq3A_1060 = arith.cmpi eq, %get3A_3, %eq3A_1059 : vector<64x384xi32>
    %jit3A_1061 = arith.constant 0.000000e+00 : f32
    %broadcast_in_dim3A_1062 = vector.broadcast %jit3A_1061 : f32 to vector<64x384xf32>
    %select_n3A_1063 = arith.select %eq3A_1060, %get3A_1055, %broadcast_in_dim3A_1062 : vector<64x384xi1>, vector<64x384xf32>
    %add3A_1064 = arith.addf %add3A_1034, %select_n3A_1063 : vector<64x384xf32>
    %get3A_1065 = arith.constant 0 : index
    %get3A_1066 = arith.constant 71 : index
    %get3A_1067 = arith.constant 0 : index
    %get3A_1068 = arith.constant 0 : index
    %get3A_1069 = vector.load %arg2[%get3A_1065, %get3A_1066, %get3A_1067, %get3A_1068] : memref<1x150x64x384xf32, #tpu.memory_space<vmem>>, vector<1x1x64x384xf32>
    %get3A_1070 = vector.shape_cast %get3A_1069 : vector<1x1x64x384xf32> to vector<64x384xf32>
    %exp3A_1071 = math.exp %get3A_1070 : vector<64x384xf32>
    %add3A_1072 = arith.addf %add3A_1042, %exp3A_1071 : vector<64x384xf32>
    %eq3A_1073 = arith.constant 71 : i32
    %eq3A_1074 = vector.broadcast %eq3A_1073 : i32 to vector<64x384xi32>
    %eq3A_1075 = arith.cmpi eq, %get3A_3, %eq3A_1074 : vector<64x384xi32>
    %jit3A_1076 = arith.constant 0.000000e+00 : f32
    %broadcast_in_dim3A_1077 = vector.broadcast %jit3A_1076 : f32 to vector<64x384xf32>
    %select_n3A_1078 = arith.select %eq3A_1075, %get3A_1070, %broadcast_in_dim3A_1077 : vector<64x384xi1>, vector<64x384xf32>
    %add3A_1079 = arith.addf %add3A_1049, %select_n3A_1078 : vector<64x384xf32>
    %get3A_1080 = arith.constant 0 : index
    %get3A_1081 = arith.constant 72 : index
    %get3A_1082 = arith.constant 0 : index
    %get3A_1083 = arith.constant 0 : index
    %get3A_1084 = vector.load %arg2[%get3A_1080, %get3A_1081, %get3A_1082, %get3A_1083] : memref<1x150x64x384xf32, #tpu.memory_space<vmem>>, vector<1x1x64x384xf32>
    %get3A_1085 = vector.shape_cast %get3A_1084 : vector<1x1x64x384xf32> to vector<64x384xf32>
    %exp3A_1086 = math.exp %get3A_1085 : vector<64x384xf32>
    %add3A_1087 = arith.addf %add3A_1057, %exp3A_1086 : vector<64x384xf32>
    %eq3A_1088 = arith.constant 72 : i32
    %eq3A_1089 = vector.broadcast %eq3A_1088 : i32 to vector<64x384xi32>
    %eq3A_1090 = arith.cmpi eq, %get3A_3, %eq3A_1089 : vector<64x384xi32>
    %jit3A_1091 = arith.constant 0.000000e+00 : f32
    %broadcast_in_dim3A_1092 = vector.broadcast %jit3A_1091 : f32 to vector<64x384xf32>
    %select_n3A_1093 = arith.select %eq3A_1090, %get3A_1085, %broadcast_in_dim3A_1092 : vector<64x384xi1>, vector<64x384xf32>
    %add3A_1094 = arith.addf %add3A_1064, %select_n3A_1093 : vector<64x384xf32>
    %get3A_1095 = arith.constant 0 : index
    %get3A_1096 = arith.constant 73 : index
    %get3A_1097 = arith.constant 0 : index
    %get3A_1098 = arith.constant 0 : index
    %get3A_1099 = vector.load %arg2[%get3A_1095, %get3A_1096, %get3A_1097, %get3A_1098] : memref<1x150x64x384xf32, #tpu.memory_space<vmem>>, vector<1x1x64x384xf32>
    %get3A_1100 = vector.shape_cast %get3A_1099 : vector<1x1x64x384xf32> to vector<64x384xf32>
    %exp3A_1101 = math.exp %get3A_1100 : vector<64x384xf32>
    %add3A_1102 = arith.addf %add3A_1072, %exp3A_1101 : vector<64x384xf32>
    %eq3A_1103 = arith.constant 73 : i32
    %eq3A_1104 = vector.broadcast %eq3A_1103 : i32 to vector<64x384xi32>
    %eq3A_1105 = arith.cmpi eq, %get3A_3, %eq3A_1104 : vector<64x384xi32>
    %jit3A_1106 = arith.constant 0.000000e+00 : f32
    %broadcast_in_dim3A_1107 = vector.broadcast %jit3A_1106 : f32 to vector<64x384xf32>
    %select_n3A_1108 = arith.select %eq3A_1105, %get3A_1100, %broadcast_in_dim3A_1107 : vector<64x384xi1>, vector<64x384xf32>
    %add3A_1109 = arith.addf %add3A_1079, %select_n3A_1108 : vector<64x384xf32>
    %get3A_1110 = arith.constant 0 : index
    %get3A_1111 = arith.constant 74 : index
    %get3A_1112 = arith.constant 0 : index
    %get3A_1113 = arith.constant 0 : index
    %get3A_1114 = vector.load %arg2[%get3A_1110, %get3A_1111, %get3A_1112, %get3A_1113] : memref<1x150x64x384xf32, #tpu.memory_space<vmem>>, vector<1x1x64x384xf32>
    %get3A_1115 = vector.shape_cast %get3A_1114 : vector<1x1x64x384xf32> to vector<64x384xf32>
    %exp3A_1116 = math.exp %get3A_1115 : vector<64x384xf32>
    %add3A_1117 = arith.addf %add3A_1087, %exp3A_1116 : vector<64x384xf32>
    %eq3A_1118 = arith.constant 74 : i32
    %eq3A_1119 = vector.broadcast %eq3A_1118 : i32 to vector<64x384xi32>
    %eq3A_1120 = arith.cmpi eq, %get3A_3, %eq3A_1119 : vector<64x384xi32>
    %jit3A_1121 = arith.constant 0.000000e+00 : f32
    %broadcast_in_dim3A_1122 = vector.broadcast %jit3A_1121 : f32 to vector<64x384xf32>
    %select_n3A_1123 = arith.select %eq3A_1120, %get3A_1115, %broadcast_in_dim3A_1122 : vector<64x384xi1>, vector<64x384xf32>
    %add3A_1124 = arith.addf %add3A_1094, %select_n3A_1123 : vector<64x384xf32>
    %get3A_1125 = arith.constant 0 : index
    %get3A_1126 = arith.constant 75 : index
    %get3A_1127 = arith.constant 0 : index
    %get3A_1128 = arith.constant 0 : index
    %get3A_1129 = vector.load %arg2[%get3A_1125, %get3A_1126, %get3A_1127, %get3A_1128] : memref<1x150x64x384xf32, #tpu.memory_space<vmem>>, vector<1x1x64x384xf32>
    %get3A_1130 = vector.shape_cast %get3A_1129 : vector<1x1x64x384xf32> to vector<64x384xf32>
    %exp3A_1131 = math.exp %get3A_1130 : vector<64x384xf32>
    %add3A_1132 = arith.addf %add3A_1102, %exp3A_1131 : vector<64x384xf32>
    %eq3A_1133 = arith.constant 75 : i32
    %eq3A_1134 = vector.broadcast %eq3A_1133 : i32 to vector<64x384xi32>
    %eq3A_1135 = arith.cmpi eq, %get3A_3, %eq3A_1134 : vector<64x384xi32>
    %jit3A_1136 = arith.constant 0.000000e+00 : f32
    %broadcast_in_dim3A_1137 = vector.broadcast %jit3A_1136 : f32 to vector<64x384xf32>
    %select_n3A_1138 = arith.select %eq3A_1135, %get3A_1130, %broadcast_in_dim3A_1137 : vector<64x384xi1>, vector<64x384xf32>
    %add3A_1139 = arith.addf %add3A_1109, %select_n3A_1138 : vector<64x384xf32>
    %get3A_1140 = arith.constant 0 : index
    %get3A_1141 = arith.constant 76 : index
    %get3A_1142 = arith.constant 0 : index
    %get3A_1143 = arith.constant 0 : index
    %get3A_1144 = vector.load %arg2[%get3A_1140, %get3A_1141, %get3A_1142, %get3A_1143] : memref<1x150x64x384xf32, #tpu.memory_space<vmem>>, vector<1x1x64x384xf32>
    %get3A_1145 = vector.shape_cast %get3A_1144 : vector<1x1x64x384xf32> to vector<64x384xf32>
    %exp3A_1146 = math.exp %get3A_1145 : vector<64x384xf32>
    %add3A_1147 = arith.addf %add3A_1117, %exp3A_1146 : vector<64x384xf32>
    %eq3A_1148 = arith.constant 76 : i32
    %eq3A_1149 = vector.broadcast %eq3A_1148 : i32 to vector<64x384xi32>
    %eq3A_1150 = arith.cmpi eq, %get3A_3, %eq3A_1149 : vector<64x384xi32>
    %jit3A_1151 = arith.constant 0.000000e+00 : f32
    %broadcast_in_dim3A_1152 = vector.broadcast %jit3A_1151 : f32 to vector<64x384xf32>
    %select_n3A_1153 = arith.select %eq3A_1150, %get3A_1145, %broadcast_in_dim3A_1152 : vector<64x384xi1>, vector<64x384xf32>
    %add3A_1154 = arith.addf %add3A_1124, %select_n3A_1153 : vector<64x384xf32>
    %get3A_1155 = arith.constant 0 : index
    %get3A_1156 = arith.constant 77 : index
    %get3A_1157 = arith.constant 0 : index
    %get3A_1158 = arith.constant 0 : index
    %get3A_1159 = vector.load %arg2[%get3A_1155, %get3A_1156, %get3A_1157, %get3A_1158] : memref<1x150x64x384xf32, #tpu.memory_space<vmem>>, vector<1x1x64x384xf32>
    %get3A_1160 = vector.shape_cast %get3A_1159 : vector<1x1x64x384xf32> to vector<64x384xf32>
    %exp3A_1161 = math.exp %get3A_1160 : vector<64x384xf32>
    %add3A_1162 = arith.addf %add3A_1132, %exp3A_1161 : vector<64x384xf32>
    %eq3A_1163 = arith.constant 77 : i32
    %eq3A_1164 = vector.broadcast %eq3A_1163 : i32 to vector<64x384xi32>
    %eq3A_1165 = arith.cmpi eq, %get3A_3, %eq3A_1164 : vector<64x384xi32>
    %jit3A_1166 = arith.constant 0.000000e+00 : f32
    %broadcast_in_dim3A_1167 = vector.broadcast %jit3A_1166 : f32 to vector<64x384xf32>
    %select_n3A_1168 = arith.select %eq3A_1165, %get3A_1160, %broadcast_in_dim3A_1167 : vector<64x384xi1>, vector<64x384xf32>
    %add3A_1169 = arith.addf %add3A_1139, %select_n3A_1168 : vector<64x384xf32>
    %get3A_1170 = arith.constant 0 : index
    %get3A_1171 = arith.constant 78 : index
    %get3A_1172 = arith.constant 0 : index
    %get3A_1173 = arith.constant 0 : index
    %get3A_1174 = vector.load %arg2[%get3A_1170, %get3A_1171, %get3A_1172, %get3A_1173] : memref<1x150x64x384xf32, #tpu.memory_space<vmem>>, vector<1x1x64x384xf32>
    %get3A_1175 = vector.shape_cast %get3A_1174 : vector<1x1x64x384xf32> to vector<64x384xf32>
    %exp3A_1176 = math.exp %get3A_1175 : vector<64x384xf32>
    %add3A_1177 = arith.addf %add3A_1147, %exp3A_1176 : vector<64x384xf32>
    %eq3A_1178 = arith.constant 78 : i32
    %eq3A_1179 = vector.broadcast %eq3A_1178 : i32 to vector<64x384xi32>
    %eq3A_1180 = arith.cmpi eq, %get3A_3, %eq3A_1179 : vector<64x384xi32>
    %jit3A_1181 = arith.constant 0.000000e+00 : f32
    %broadcast_in_dim3A_1182 = vector.broadcast %jit3A_1181 : f32 to vector<64x384xf32>
    %select_n3A_1183 = arith.select %eq3A_1180, %get3A_1175, %broadcast_in_dim3A_1182 : vector<64x384xi1>, vector<64x384xf32>
    %add3A_1184 = arith.addf %add3A_1154, %select_n3A_1183 : vector<64x384xf32>
    %get3A_1185 = arith.constant 0 : index
    %get3A_1186 = arith.constant 79 : index
    %get3A_1187 = arith.constant 0 : index
    %get3A_1188 = arith.constant 0 : index
    %get3A_1189 = vector.load %arg2[%get3A_1185, %get3A_1186, %get3A_1187, %get3A_1188] : memref<1x150x64x384xf32, #tpu.memory_space<vmem>>, vector<1x1x64x384xf32>
    %get3A_1190 = vector.shape_cast %get3A_1189 : vector<1x1x64x384xf32> to vector<64x384xf32>
    %exp3A_1191 = math.exp %get3A_1190 : vector<64x384xf32>
    %add3A_1192 = arith.addf %add3A_1162, %exp3A_1191 : vector<64x384xf32>
    %eq3A_1193 = arith.constant 79 : i32
    %eq3A_1194 = vector.broadcast %eq3A_1193 : i32 to vector<64x384xi32>
    %eq3A_1195 = arith.cmpi eq, %get3A_3, %eq3A_1194 : vector<64x384xi32>
    %jit3A_1196 = arith.constant 0.000000e+00 : f32
    %broadcast_in_dim3A_1197 = vector.broadcast %jit3A_1196 : f32 to vector<64x384xf32>
    %select_n3A_1198 = arith.select %eq3A_1195, %get3A_1190, %broadcast_in_dim3A_1197 : vector<64x384xi1>, vector<64x384xf32>
    %add3A_1199 = arith.addf %add3A_1169, %select_n3A_1198 : vector<64x384xf32>
    %get3A_1200 = arith.constant 0 : index
    %get3A_1201 = arith.constant 80 : index
    %get3A_1202 = arith.constant 0 : index
    %get3A_1203 = arith.constant 0 : index
    %get3A_1204 = vector.load %arg2[%get3A_1200, %get3A_1201, %get3A_1202, %get3A_1203] : memref<1x150x64x384xf32, #tpu.memory_space<vmem>>, vector<1x1x64x384xf32>
    %get3A_1205 = vector.shape_cast %get3A_1204 : vector<1x1x64x384xf32> to vector<64x384xf32>
    %exp3A_1206 = math.exp %get3A_1205 : vector<64x384xf32>
    %add3A_1207 = arith.addf %add3A_1177, %exp3A_1206 : vector<64x384xf32>
    %eq3A_1208 = arith.constant 80 : i32
    %eq3A_1209 = vector.broadcast %eq3A_1208 : i32 to vector<64x384xi32>
    %eq3A_1210 = arith.cmpi eq, %get3A_3, %eq3A_1209 : vector<64x384xi32>
    %jit3A_1211 = arith.constant 0.000000e+00 : f32
    %broadcast_in_dim3A_1212 = vector.broadcast %jit3A_1211 : f32 to vector<64x384xf32>
    %select_n3A_1213 = arith.select %eq3A_1210, %get3A_1205, %broadcast_in_dim3A_1212 : vector<64x384xi1>, vector<64x384xf32>
    %add3A_1214 = arith.addf %add3A_1184, %select_n3A_1213 : vector<64x384xf32>
    %get3A_1215 = arith.constant 0 : index
    %get3A_1216 = arith.constant 81 : index
    %get3A_1217 = arith.constant 0 : index
    %get3A_1218 = arith.constant 0 : index
    %get3A_1219 = vector.load %arg2[%get3A_1215, %get3A_1216, %get3A_1217, %get3A_1218] : memref<1x150x64x384xf32, #tpu.memory_space<vmem>>, vector<1x1x64x384xf32>
    %get3A_1220 = vector.shape_cast %get3A_1219 : vector<1x1x64x384xf32> to vector<64x384xf32>
    %exp3A_1221 = math.exp %get3A_1220 : vector<64x384xf32>
    %add3A_1222 = arith.addf %add3A_1192, %exp3A_1221 : vector<64x384xf32>
    %eq3A_1223 = arith.constant 81 : i32
    %eq3A_1224 = vector.broadcast %eq3A_1223 : i32 to vector<64x384xi32>
    %eq3A_1225 = arith.cmpi eq, %get3A_3, %eq3A_1224 : vector<64x384xi32>
    %jit3A_1226 = arith.constant 0.000000e+00 : f32
    %broadcast_in_dim3A_1227 = vector.broadcast %jit3A_1226 : f32 to vector<64x384xf32>
    %select_n3A_1228 = arith.select %eq3A_1225, %get3A_1220, %broadcast_in_dim3A_1227 : vector<64x384xi1>, vector<64x384xf32>
    %add3A_1229 = arith.addf %add3A_1199, %select_n3A_1228 : vector<64x384xf32>
    %get3A_1230 = arith.constant 0 : index
    %get3A_1231 = arith.constant 82 : index
    %get3A_1232 = arith.constant 0 : index
    %get3A_1233 = arith.constant 0 : index
    %get3A_1234 = vector.load %arg2[%get3A_1230, %get3A_1231, %get3A_1232, %get3A_1233] : memref<1x150x64x384xf32, #tpu.memory_space<vmem>>, vector<1x1x64x384xf32>
    %get3A_1235 = vector.shape_cast %get3A_1234 : vector<1x1x64x384xf32> to vector<64x384xf32>
    %exp3A_1236 = math.exp %get3A_1235 : vector<64x384xf32>
    %add3A_1237 = arith.addf %add3A_1207, %exp3A_1236 : vector<64x384xf32>
    %eq3A_1238 = arith.constant 82 : i32
    %eq3A_1239 = vector.broadcast %eq3A_1238 : i32 to vector<64x384xi32>
    %eq3A_1240 = arith.cmpi eq, %get3A_3, %eq3A_1239 : vector<64x384xi32>
    %jit3A_1241 = arith.constant 0.000000e+00 : f32
    %broadcast_in_dim3A_1242 = vector.broadcast %jit3A_1241 : f32 to vector<64x384xf32>
    %select_n3A_1243 = arith.select %eq3A_1240, %get3A_1235, %broadcast_in_dim3A_1242 : vector<64x384xi1>, vector<64x384xf32>
    %add3A_1244 = arith.addf %add3A_1214, %select_n3A_1243 : vector<64x384xf32>
    %get3A_1245 = arith.constant 0 : index
    %get3A_1246 = arith.constant 83 : index
    %get3A_1247 = arith.constant 0 : index
    %get3A_1248 = arith.constant 0 : index
    %get3A_1249 = vector.load %arg2[%get3A_1245, %get3A_1246, %get3A_1247, %get3A_1248] : memref<1x150x64x384xf32, #tpu.memory_space<vmem>>, vector<1x1x64x384xf32>
    %get3A_1250 = vector.shape_cast %get3A_1249 : vector<1x1x64x384xf32> to vector<64x384xf32>
    %exp3A_1251 = math.exp %get3A_1250 : vector<64x384xf32>
    %add3A_1252 = arith.addf %add3A_1222, %exp3A_1251 : vector<64x384xf32>
    %eq3A_1253 = arith.constant 83 : i32
    %eq3A_1254 = vector.broadcast %eq3A_1253 : i32 to vector<64x384xi32>
    %eq3A_1255 = arith.cmpi eq, %get3A_3, %eq3A_1254 : vector<64x384xi32>
    %jit3A_1256 = arith.constant 0.000000e+00 : f32
    %broadcast_in_dim3A_1257 = vector.broadcast %jit3A_1256 : f32 to vector<64x384xf32>
    %select_n3A_1258 = arith.select %eq3A_1255, %get3A_1250, %broadcast_in_dim3A_1257 : vector<64x384xi1>, vector<64x384xf32>
    %add3A_1259 = arith.addf %add3A_1229, %select_n3A_1258 : vector<64x384xf32>
    %get3A_1260 = arith.constant 0 : index
    %get3A_1261 = arith.constant 84 : index
    %get3A_1262 = arith.constant 0 : index
    %get3A_1263 = arith.constant 0 : index
    %get3A_1264 = vector.load %arg2[%get3A_1260, %get3A_1261, %get3A_1262, %get3A_1263] : memref<1x150x64x384xf32, #tpu.memory_space<vmem>>, vector<1x1x64x384xf32>
    %get3A_1265 = vector.shape_cast %get3A_1264 : vector<1x1x64x384xf32> to vector<64x384xf32>
    %exp3A_1266 = math.exp %get3A_1265 : vector<64x384xf32>
    %add3A_1267 = arith.addf %add3A_1237, %exp3A_1266 : vector<64x384xf32>
    %eq3A_1268 = arith.constant 84 : i32
    %eq3A_1269 = vector.broadcast %eq3A_1268 : i32 to vector<64x384xi32>
    %eq3A_1270 = arith.cmpi eq, %get3A_3, %eq3A_1269 : vector<64x384xi32>
    %jit3A_1271 = arith.constant 0.000000e+00 : f32
    %broadcast_in_dim3A_1272 = vector.broadcast %jit3A_1271 : f32 to vector<64x384xf32>
    %select_n3A_1273 = arith.select %eq3A_1270, %get3A_1265, %broadcast_in_dim3A_1272 : vector<64x384xi1>, vector<64x384xf32>
    %add3A_1274 = arith.addf %add3A_1244, %select_n3A_1273 : vector<64x384xf32>
    %get3A_1275 = arith.constant 0 : index
    %get3A_1276 = arith.constant 85 : index
    %get3A_1277 = arith.constant 0 : index
    %get3A_1278 = arith.constant 0 : index
    %get3A_1279 = vector.load %arg2[%get3A_1275, %get3A_1276, %get3A_1277, %get3A_1278] : memref<1x150x64x384xf32, #tpu.memory_space<vmem>>, vector<1x1x64x384xf32>
    %get3A_1280 = vector.shape_cast %get3A_1279 : vector<1x1x64x384xf32> to vector<64x384xf32>
    %exp3A_1281 = math.exp %get3A_1280 : vector<64x384xf32>
    %add3A_1282 = arith.addf %add3A_1252, %exp3A_1281 : vector<64x384xf32>
    %eq3A_1283 = arith.constant 85 : i32
    %eq3A_1284 = vector.broadcast %eq3A_1283 : i32 to vector<64x384xi32>
    %eq3A_1285 = arith.cmpi eq, %get3A_3, %eq3A_1284 : vector<64x384xi32>
    %jit3A_1286 = arith.constant 0.000000e+00 : f32
    %broadcast_in_dim3A_1287 = vector.broadcast %jit3A_1286 : f32 to vector<64x384xf32>
    %select_n3A_1288 = arith.select %eq3A_1285, %get3A_1280, %broadcast_in_dim3A_1287 : vector<64x384xi1>, vector<64x384xf32>
    %add3A_1289 = arith.addf %add3A_1259, %select_n3A_1288 : vector<64x384xf32>
    %get3A_1290 = arith.constant 0 : index
    %get3A_1291 = arith.constant 86 : index
    %get3A_1292 = arith.constant 0 : index
    %get3A_1293 = arith.constant 0 : index
    %get3A_1294 = vector.load %arg2[%get3A_1290, %get3A_1291, %get3A_1292, %get3A_1293] : memref<1x150x64x384xf32, #tpu.memory_space<vmem>>, vector<1x1x64x384xf32>
    %get3A_1295 = vector.shape_cast %get3A_1294 : vector<1x1x64x384xf32> to vector<64x384xf32>
    %exp3A_1296 = math.exp %get3A_1295 : vector<64x384xf32>
    %add3A_1297 = arith.addf %add3A_1267, %exp3A_1296 : vector<64x384xf32>
    %eq3A_1298 = arith.constant 86 : i32
    %eq3A_1299 = vector.broadcast %eq3A_1298 : i32 to vector<64x384xi32>
    %eq3A_1300 = arith.cmpi eq, %get3A_3, %eq3A_1299 : vector<64x384xi32>
    %jit3A_1301 = arith.constant 0.000000e+00 : f32
    %broadcast_in_dim3A_1302 = vector.broadcast %jit3A_1301 : f32 to vector<64x384xf32>
    %select_n3A_1303 = arith.select %eq3A_1300, %get3A_1295, %broadcast_in_dim3A_1302 : vector<64x384xi1>, vector<64x384xf32>
    %add3A_1304 = arith.addf %add3A_1274, %select_n3A_1303 : vector<64x384xf32>
    %get3A_1305 = arith.constant 0 : index
    %get3A_1306 = arith.constant 87 : index
    %get3A_1307 = arith.constant 0 : index
    %get3A_1308 = arith.constant 0 : index
    %get3A_1309 = vector.load %arg2[%get3A_1305, %get3A_1306, %get3A_1307, %get3A_1308] : memref<1x150x64x384xf32, #tpu.memory_space<vmem>>, vector<1x1x64x384xf32>
    %get3A_1310 = vector.shape_cast %get3A_1309 : vector<1x1x64x384xf32> to vector<64x384xf32>
    %exp3A_1311 = math.exp %get3A_1310 : vector<64x384xf32>
    %add3A_1312 = arith.addf %add3A_1282, %exp3A_1311 : vector<64x384xf32>
    %eq3A_1313 = arith.constant 87 : i32
    %eq3A_1314 = vector.broadcast %eq3A_1313 : i32 to vector<64x384xi32>
    %eq3A_1315 = arith.cmpi eq, %get3A_3, %eq3A_1314 : vector<64x384xi32>
    %jit3A_1316 = arith.constant 0.000000e+00 : f32
    %broadcast_in_dim3A_1317 = vector.broadcast %jit3A_1316 : f32 to vector<64x384xf32>
    %select_n3A_1318 = arith.select %eq3A_1315, %get3A_1310, %broadcast_in_dim3A_1317 : vector<64x384xi1>, vector<64x384xf32>
    %add3A_1319 = arith.addf %add3A_1289, %select_n3A_1318 : vector<64x384xf32>
    %get3A_1320 = arith.constant 0 : index
    %get3A_1321 = arith.constant 88 : index
    %get3A_1322 = arith.constant 0 : index
    %get3A_1323 = arith.constant 0 : index
    %get3A_1324 = vector.load %arg2[%get3A_1320, %get3A_1321, %get3A_1322, %get3A_1323] : memref<1x150x64x384xf32, #tpu.memory_space<vmem>>, vector<1x1x64x384xf32>
    %get3A_1325 = vector.shape_cast %get3A_1324 : vector<1x1x64x384xf32> to vector<64x384xf32>
    %exp3A_1326 = math.exp %get3A_1325 : vector<64x384xf32>
    %add3A_1327 = arith.addf %add3A_1297, %exp3A_1326 : vector<64x384xf32>
    %eq3A_1328 = arith.constant 88 : i32
    %eq3A_1329 = vector.broadcast %eq3A_1328 : i32 to vector<64x384xi32>
    %eq3A_1330 = arith.cmpi eq, %get3A_3, %eq3A_1329 : vector<64x384xi32>
    %jit3A_1331 = arith.constant 0.000000e+00 : f32
    %broadcast_in_dim3A_1332 = vector.broadcast %jit3A_1331 : f32 to vector<64x384xf32>
    %select_n3A_1333 = arith.select %eq3A_1330, %get3A_1325, %broadcast_in_dim3A_1332 : vector<64x384xi1>, vector<64x384xf32>
    %add3A_1334 = arith.addf %add3A_1304, %select_n3A_1333 : vector<64x384xf32>
    %get3A_1335 = arith.constant 0 : index
    %get3A_1336 = arith.constant 89 : index
    %get3A_1337 = arith.constant 0 : index
    %get3A_1338 = arith.constant 0 : index
    %get3A_1339 = vector.load %arg2[%get3A_1335, %get3A_1336, %get3A_1337, %get3A_1338] : memref<1x150x64x384xf32, #tpu.memory_space<vmem>>, vector<1x1x64x384xf32>
    %get3A_1340 = vector.shape_cast %get3A_1339 : vector<1x1x64x384xf32> to vector<64x384xf32>
    %exp3A_1341 = math.exp %get3A_1340 : vector<64x384xf32>
    %add3A_1342 = arith.addf %add3A_1312, %exp3A_1341 : vector<64x384xf32>
    %eq3A_1343 = arith.constant 89 : i32
    %eq3A_1344 = vector.broadcast %eq3A_1343 : i32 to vector<64x384xi32>
    %eq3A_1345 = arith.cmpi eq, %get3A_3, %eq3A_1344 : vector<64x384xi32>
    %jit3A_1346 = arith.constant 0.000000e+00 : f32
    %broadcast_in_dim3A_1347 = vector.broadcast %jit3A_1346 : f32 to vector<64x384xf32>
    %select_n3A_1348 = arith.select %eq3A_1345, %get3A_1340, %broadcast_in_dim3A_1347 : vector<64x384xi1>, vector<64x384xf32>
    %add3A_1349 = arith.addf %add3A_1319, %select_n3A_1348 : vector<64x384xf32>
    %get3A_1350 = arith.constant 0 : index
    %get3A_1351 = arith.constant 90 : index
    %get3A_1352 = arith.constant 0 : index
    %get3A_1353 = arith.constant 0 : index
    %get3A_1354 = vector.load %arg2[%get3A_1350, %get3A_1351, %get3A_1352, %get3A_1353] : memref<1x150x64x384xf32, #tpu.memory_space<vmem>>, vector<1x1x64x384xf32>
    %get3A_1355 = vector.shape_cast %get3A_1354 : vector<1x1x64x384xf32> to vector<64x384xf32>
    %exp3A_1356 = math.exp %get3A_1355 : vector<64x384xf32>
    %add3A_1357 = arith.addf %add3A_1327, %exp3A_1356 : vector<64x384xf32>
    %eq3A_1358 = arith.constant 90 : i32
    %eq3A_1359 = vector.broadcast %eq3A_1358 : i32 to vector<64x384xi32>
    %eq3A_1360 = arith.cmpi eq, %get3A_3, %eq3A_1359 : vector<64x384xi32>
    %jit3A_1361 = arith.constant 0.000000e+00 : f32
    %broadcast_in_dim3A_1362 = vector.broadcast %jit3A_1361 : f32 to vector<64x384xf32>
    %select_n3A_1363 = arith.select %eq3A_1360, %get3A_1355, %broadcast_in_dim3A_1362 : vector<64x384xi1>, vector<64x384xf32>
    %add3A_1364 = arith.addf %add3A_1334, %select_n3A_1363 : vector<64x384xf32>
    %get3A_1365 = arith.constant 0 : index
    %get3A_1366 = arith.constant 91 : index
    %get3A_1367 = arith.constant 0 : index
    %get3A_1368 = arith.constant 0 : index
    %get3A_1369 = vector.load %arg2[%get3A_1365, %get3A_1366, %get3A_1367, %get3A_1368] : memref<1x150x64x384xf32, #tpu.memory_space<vmem>>, vector<1x1x64x384xf32>
    %get3A_1370 = vector.shape_cast %get3A_1369 : vector<1x1x64x384xf32> to vector<64x384xf32>
    %exp3A_1371 = math.exp %get3A_1370 : vector<64x384xf32>
    %add3A_1372 = arith.addf %add3A_1342, %exp3A_1371 : vector<64x384xf32>
    %eq3A_1373 = arith.constant 91 : i32
    %eq3A_1374 = vector.broadcast %eq3A_1373 : i32 to vector<64x384xi32>
    %eq3A_1375 = arith.cmpi eq, %get3A_3, %eq3A_1374 : vector<64x384xi32>
    %jit3A_1376 = arith.constant 0.000000e+00 : f32
    %broadcast_in_dim3A_1377 = vector.broadcast %jit3A_1376 : f32 to vector<64x384xf32>
    %select_n3A_1378 = arith.select %eq3A_1375, %get3A_1370, %broadcast_in_dim3A_1377 : vector<64x384xi1>, vector<64x384xf32>
    %add3A_1379 = arith.addf %add3A_1349, %select_n3A_1378 : vector<64x384xf32>
    %get3A_1380 = arith.constant 0 : index
    %get3A_1381 = arith.constant 92 : index
    %get3A_1382 = arith.constant 0 : index
    %get3A_1383 = arith.constant 0 : index
    %get3A_1384 = vector.load %arg2[%get3A_1380, %get3A_1381, %get3A_1382, %get3A_1383] : memref<1x150x64x384xf32, #tpu.memory_space<vmem>>, vector<1x1x64x384xf32>
    %get3A_1385 = vector.shape_cast %get3A_1384 : vector<1x1x64x384xf32> to vector<64x384xf32>
    %exp3A_1386 = math.exp %get3A_1385 : vector<64x384xf32>
    %add3A_1387 = arith.addf %add3A_1357, %exp3A_1386 : vector<64x384xf32>
    %eq3A_1388 = arith.constant 92 : i32
    %eq3A_1389 = vector.broadcast %eq3A_1388 : i32 to vector<64x384xi32>
    %eq3A_1390 = arith.cmpi eq, %get3A_3, %eq3A_1389 : vector<64x384xi32>
    %jit3A_1391 = arith.constant 0.000000e+00 : f32
    %broadcast_in_dim3A_1392 = vector.broadcast %jit3A_1391 : f32 to vector<64x384xf32>
    %select_n3A_1393 = arith.select %eq3A_1390, %get3A_1385, %broadcast_in_dim3A_1392 : vector<64x384xi1>, vector<64x384xf32>
    %add3A_1394 = arith.addf %add3A_1364, %select_n3A_1393 : vector<64x384xf32>
    %get3A_1395 = arith.constant 0 : index
    %get3A_1396 = arith.constant 93 : index
    %get3A_1397 = arith.constant 0 : index
    %get3A_1398 = arith.constant 0 : index
    %get3A_1399 = vector.load %arg2[%get3A_1395, %get3A_1396, %get3A_1397, %get3A_1398] : memref<1x150x64x384xf32, #tpu.memory_space<vmem>>, vector<1x1x64x384xf32>
    %get3A_1400 = vector.shape_cast %get3A_1399 : vector<1x1x64x384xf32> to vector<64x384xf32>
    %exp3A_1401 = math.exp %get3A_1400 : vector<64x384xf32>
    %add3A_1402 = arith.addf %add3A_1372, %exp3A_1401 : vector<64x384xf32>
    %eq3A_1403 = arith.constant 93 : i32
    %eq3A_1404 = vector.broadcast %eq3A_1403 : i32 to vector<64x384xi32>
    %eq3A_1405 = arith.cmpi eq, %get3A_3, %eq3A_1404 : vector<64x384xi32>
    %jit3A_1406 = arith.constant 0.000000e+00 : f32
    %broadcast_in_dim3A_1407 = vector.broadcast %jit3A_1406 : f32 to vector<64x384xf32>
    %select_n3A_1408 = arith.select %eq3A_1405, %get3A_1400, %broadcast_in_dim3A_1407 : vector<64x384xi1>, vector<64x384xf32>
    %add3A_1409 = arith.addf %add3A_1379, %select_n3A_1408 : vector<64x384xf32>
    %get3A_1410 = arith.constant 0 : index
    %get3A_1411 = arith.constant 94 : index
    %get3A_1412 = arith.constant 0 : index
    %get3A_1413 = arith.constant 0 : index
    %get3A_1414 = vector.load %arg2[%get3A_1410, %get3A_1411, %get3A_1412, %get3A_1413] : memref<1x150x64x384xf32, #tpu.memory_space<vmem>>, vector<1x1x64x384xf32>
    %get3A_1415 = vector.shape_cast %get3A_1414 : vector<1x1x64x384xf32> to vector<64x384xf32>
    %exp3A_1416 = math.exp %get3A_1415 : vector<64x384xf32>
    %add3A_1417 = arith.addf %add3A_1387, %exp3A_1416 : vector<64x384xf32>
    %eq3A_1418 = arith.constant 94 : i32
    %eq3A_1419 = vector.broadcast %eq3A_1418 : i32 to vector<64x384xi32>
    %eq3A_1420 = arith.cmpi eq, %get3A_3, %eq3A_1419 : vector<64x384xi32>
    %jit3A_1421 = arith.constant 0.000000e+00 : f32
    %broadcast_in_dim3A_1422 = vector.broadcast %jit3A_1421 : f32 to vector<64x384xf32>
    %select_n3A_1423 = arith.select %eq3A_1420, %get3A_1415, %broadcast_in_dim3A_1422 : vector<64x384xi1>, vector<64x384xf32>
    %add3A_1424 = arith.addf %add3A_1394, %select_n3A_1423 : vector<64x384xf32>
    %get3A_1425 = arith.constant 0 : index
    %get3A_1426 = arith.constant 95 : index
    %get3A_1427 = arith.constant 0 : index
    %get3A_1428 = arith.constant 0 : index
    %get3A_1429 = vector.load %arg2[%get3A_1425, %get3A_1426, %get3A_1427, %get3A_1428] : memref<1x150x64x384xf32, #tpu.memory_space<vmem>>, vector<1x1x64x384xf32>
    %get3A_1430 = vector.shape_cast %get3A_1429 : vector<1x1x64x384xf32> to vector<64x384xf32>
    %exp3A_1431 = math.exp %get3A_1430 : vector<64x384xf32>
    %add3A_1432 = arith.addf %add3A_1402, %exp3A_1431 : vector<64x384xf32>
    %eq3A_1433 = arith.constant 95 : i32
    %eq3A_1434 = vector.broadcast %eq3A_1433 : i32 to vector<64x384xi32>
    %eq3A_1435 = arith.cmpi eq, %get3A_3, %eq3A_1434 : vector<64x384xi32>
    %jit3A_1436 = arith.constant 0.000000e+00 : f32
    %broadcast_in_dim3A_1437 = vector.broadcast %jit3A_1436 : f32 to vector<64x384xf32>
    %select_n3A_1438 = arith.select %eq3A_1435, %get3A_1430, %broadcast_in_dim3A_1437 : vector<64x384xi1>, vector<64x384xf32>
    %add3A_1439 = arith.addf %add3A_1409, %select_n3A_1438 : vector<64x384xf32>
    %get3A_1440 = arith.constant 0 : index
    %get3A_1441 = arith.constant 96 : index
    %get3A_1442 = arith.constant 0 : index
    %get3A_1443 = arith.constant 0 : index
    %get3A_1444 = vector.load %arg2[%get3A_1440, %get3A_1441, %get3A_1442, %get3A_1443] : memref<1x150x64x384xf32, #tpu.memory_space<vmem>>, vector<1x1x64x384xf32>
    %get3A_1445 = vector.shape_cast %get3A_1444 : vector<1x1x64x384xf32> to vector<64x384xf32>
    %exp3A_1446 = math.exp %get3A_1445 : vector<64x384xf32>
    %add3A_1447 = arith.addf %add3A_1417, %exp3A_1446 : vector<64x384xf32>
    %eq3A_1448 = arith.constant 96 : i32
    %eq3A_1449 = vector.broadcast %eq3A_1448 : i32 to vector<64x384xi32>
    %eq3A_1450 = arith.cmpi eq, %get3A_3, %eq3A_1449 : vector<64x384xi32>
    %jit3A_1451 = arith.constant 0.000000e+00 : f32
    %broadcast_in_dim3A_1452 = vector.broadcast %jit3A_1451 : f32 to vector<64x384xf32>
    %select_n3A_1453 = arith.select %eq3A_1450, %get3A_1445, %broadcast_in_dim3A_1452 : vector<64x384xi1>, vector<64x384xf32>
    %add3A_1454 = arith.addf %add3A_1424, %select_n3A_1453 : vector<64x384xf32>
    %get3A_1455 = arith.constant 0 : index
    %get3A_1456 = arith.constant 97 : index
    %get3A_1457 = arith.constant 0 : index
    %get3A_1458 = arith.constant 0 : index
    %get3A_1459 = vector.load %arg2[%get3A_1455, %get3A_1456, %get3A_1457, %get3A_1458] : memref<1x150x64x384xf32, #tpu.memory_space<vmem>>, vector<1x1x64x384xf32>
    %get3A_1460 = vector.shape_cast %get3A_1459 : vector<1x1x64x384xf32> to vector<64x384xf32>
    %exp3A_1461 = math.exp %get3A_1460 : vector<64x384xf32>
    %add3A_1462 = arith.addf %add3A_1432, %exp3A_1461 : vector<64x384xf32>
    %eq3A_1463 = arith.constant 97 : i32
    %eq3A_1464 = vector.broadcast %eq3A_1463 : i32 to vector<64x384xi32>
    %eq3A_1465 = arith.cmpi eq, %get3A_3, %eq3A_1464 : vector<64x384xi32>
    %jit3A_1466 = arith.constant 0.000000e+00 : f32
    %broadcast_in_dim3A_1467 = vector.broadcast %jit3A_1466 : f32 to vector<64x384xf32>
    %select_n3A_1468 = arith.select %eq3A_1465, %get3A_1460, %broadcast_in_dim3A_1467 : vector<64x384xi1>, vector<64x384xf32>
    %add3A_1469 = arith.addf %add3A_1439, %select_n3A_1468 : vector<64x384xf32>
    %get3A_1470 = arith.constant 0 : index
    %get3A_1471 = arith.constant 98 : index
    %get3A_1472 = arith.constant 0 : index
    %get3A_1473 = arith.constant 0 : index
    %get3A_1474 = vector.load %arg2[%get3A_1470, %get3A_1471, %get3A_1472, %get3A_1473] : memref<1x150x64x384xf32, #tpu.memory_space<vmem>>, vector<1x1x64x384xf32>
    %get3A_1475 = vector.shape_cast %get3A_1474 : vector<1x1x64x384xf32> to vector<64x384xf32>
    %exp3A_1476 = math.exp %get3A_1475 : vector<64x384xf32>
    %add3A_1477 = arith.addf %add3A_1447, %exp3A_1476 : vector<64x384xf32>
    %eq3A_1478 = arith.constant 98 : i32
    %eq3A_1479 = vector.broadcast %eq3A_1478 : i32 to vector<64x384xi32>
    %eq3A_1480 = arith.cmpi eq, %get3A_3, %eq3A_1479 : vector<64x384xi32>
    %jit3A_1481 = arith.constant 0.000000e+00 : f32
    %broadcast_in_dim3A_1482 = vector.broadcast %jit3A_1481 : f32 to vector<64x384xf32>
    %select_n3A_1483 = arith.select %eq3A_1480, %get3A_1475, %broadcast_in_dim3A_1482 : vector<64x384xi1>, vector<64x384xf32>
    %add3A_1484 = arith.addf %add3A_1454, %select_n3A_1483 : vector<64x384xf32>
    %get3A_1485 = arith.constant 0 : index
    %get3A_1486 = arith.constant 99 : index
    %get3A_1487 = arith.constant 0 : index
    %get3A_1488 = arith.constant 0 : index
    %get3A_1489 = vector.load %arg2[%get3A_1485, %get3A_1486, %get3A_1487, %get3A_1488] : memref<1x150x64x384xf32, #tpu.memory_space<vmem>>, vector<1x1x64x384xf32>
    %get3A_1490 = vector.shape_cast %get3A_1489 : vector<1x1x64x384xf32> to vector<64x384xf32>
    %exp3A_1491 = math.exp %get3A_1490 : vector<64x384xf32>
    %add3A_1492 = arith.addf %add3A_1462, %exp3A_1491 : vector<64x384xf32>
    %eq3A_1493 = arith.constant 99 : i32
    %eq3A_1494 = vector.broadcast %eq3A_1493 : i32 to vector<64x384xi32>
    %eq3A_1495 = arith.cmpi eq, %get3A_3, %eq3A_1494 : vector<64x384xi32>
    %jit3A_1496 = arith.constant 0.000000e+00 : f32
    %broadcast_in_dim3A_1497 = vector.broadcast %jit3A_1496 : f32 to vector<64x384xf32>
    %select_n3A_1498 = arith.select %eq3A_1495, %get3A_1490, %broadcast_in_dim3A_1497 : vector<64x384xi1>, vector<64x384xf32>
    %add3A_1499 = arith.addf %add3A_1469, %select_n3A_1498 : vector<64x384xf32>
    %get3A_1500 = arith.constant 0 : index
    %get3A_1501 = arith.constant 100 : index
    %get3A_1502 = arith.constant 0 : index
    %get3A_1503 = arith.constant 0 : index
    %get3A_1504 = vector.load %arg2[%get3A_1500, %get3A_1501, %get3A_1502, %get3A_1503] : memref<1x150x64x384xf32, #tpu.memory_space<vmem>>, vector<1x1x64x384xf32>
    %get3A_1505 = vector.shape_cast %get3A_1504 : vector<1x1x64x384xf32> to vector<64x384xf32>
    %exp3A_1506 = math.exp %get3A_1505 : vector<64x384xf32>
    %add3A_1507 = arith.addf %add3A_1477, %exp3A_1506 : vector<64x384xf32>
    %eq3A_1508 = arith.constant 100 : i32
    %eq3A_1509 = vector.broadcast %eq3A_1508 : i32 to vector<64x384xi32>
    %eq3A_1510 = arith.cmpi eq, %get3A_3, %eq3A_1509 : vector<64x384xi32>
    %jit3A_1511 = arith.constant 0.000000e+00 : f32
    %broadcast_in_dim3A_1512 = vector.broadcast %jit3A_1511 : f32 to vector<64x384xf32>
    %select_n3A_1513 = arith.select %eq3A_1510, %get3A_1505, %broadcast_in_dim3A_1512 : vector<64x384xi1>, vector<64x384xf32>
    %add3A_1514 = arith.addf %add3A_1484, %select_n3A_1513 : vector<64x384xf32>
    %get3A_1515 = arith.constant 0 : index
    %get3A_1516 = arith.constant 101 : index
    %get3A_1517 = arith.constant 0 : index
    %get3A_1518 = arith.constant 0 : index
    %get3A_1519 = vector.load %arg2[%get3A_1515, %get3A_1516, %get3A_1517, %get3A_1518] : memref<1x150x64x384xf32, #tpu.memory_space<vmem>>, vector<1x1x64x384xf32>
    %get3A_1520 = vector.shape_cast %get3A_1519 : vector<1x1x64x384xf32> to vector<64x384xf32>
    %exp3A_1521 = math.exp %get3A_1520 : vector<64x384xf32>
    %add3A_1522 = arith.addf %add3A_1492, %exp3A_1521 : vector<64x384xf32>
    %eq3A_1523 = arith.constant 101 : i32
    %eq3A_1524 = vector.broadcast %eq3A_1523 : i32 to vector<64x384xi32>
    %eq3A_1525 = arith.cmpi eq, %get3A_3, %eq3A_1524 : vector<64x384xi32>
    %jit3A_1526 = arith.constant 0.000000e+00 : f32
    %broadcast_in_dim3A_1527 = vector.broadcast %jit3A_1526 : f32 to vector<64x384xf32>
    %select_n3A_1528 = arith.select %eq3A_1525, %get3A_1520, %broadcast_in_dim3A_1527 : vector<64x384xi1>, vector<64x384xf32>
    %add3A_1529 = arith.addf %add3A_1499, %select_n3A_1528 : vector<64x384xf32>
    %get3A_1530 = arith.constant 0 : index
    %get3A_1531 = arith.constant 102 : index
    %get3A_1532 = arith.constant 0 : index
    %get3A_1533 = arith.constant 0 : index
    %get3A_1534 = vector.load %arg2[%get3A_1530, %get3A_1531, %get3A_1532, %get3A_1533] : memref<1x150x64x384xf32, #tpu.memory_space<vmem>>, vector<1x1x64x384xf32>
    %get3A_1535 = vector.shape_cast %get3A_1534 : vector<1x1x64x384xf32> to vector<64x384xf32>
    %exp3A_1536 = math.exp %get3A_1535 : vector<64x384xf32>
    %add3A_1537 = arith.addf %add3A_1507, %exp3A_1536 : vector<64x384xf32>
    %eq3A_1538 = arith.constant 102 : i32
    %eq3A_1539 = vector.broadcast %eq3A_1538 : i32 to vector<64x384xi32>
    %eq3A_1540 = arith.cmpi eq, %get3A_3, %eq3A_1539 : vector<64x384xi32>
    %jit3A_1541 = arith.constant 0.000000e+00 : f32
    %broadcast_in_dim3A_1542 = vector.broadcast %jit3A_1541 : f32 to vector<64x384xf32>
    %select_n3A_1543 = arith.select %eq3A_1540, %get3A_1535, %broadcast_in_dim3A_1542 : vector<64x384xi1>, vector<64x384xf32>
    %add3A_1544 = arith.addf %add3A_1514, %select_n3A_1543 : vector<64x384xf32>
    %get3A_1545 = arith.constant 0 : index
    %get3A_1546 = arith.constant 103 : index
    %get3A_1547 = arith.constant 0 : index
    %get3A_1548 = arith.constant 0 : index
    %get3A_1549 = vector.load %arg2[%get3A_1545, %get3A_1546, %get3A_1547, %get3A_1548] : memref<1x150x64x384xf32, #tpu.memory_space<vmem>>, vector<1x1x64x384xf32>
    %get3A_1550 = vector.shape_cast %get3A_1549 : vector<1x1x64x384xf32> to vector<64x384xf32>
    %exp3A_1551 = math.exp %get3A_1550 : vector<64x384xf32>
    %add3A_1552 = arith.addf %add3A_1522, %exp3A_1551 : vector<64x384xf32>
    %eq3A_1553 = arith.constant 103 : i32
    %eq3A_1554 = vector.broadcast %eq3A_1553 : i32 to vector<64x384xi32>
    %eq3A_1555 = arith.cmpi eq, %get3A_3, %eq3A_1554 : vector<64x384xi32>
    %jit3A_1556 = arith.constant 0.000000e+00 : f32
    %broadcast_in_dim3A_1557 = vector.broadcast %jit3A_1556 : f32 to vector<64x384xf32>
    %select_n3A_1558 = arith.select %eq3A_1555, %get3A_1550, %broadcast_in_dim3A_1557 : vector<64x384xi1>, vector<64x384xf32>
    %add3A_1559 = arith.addf %add3A_1529, %select_n3A_1558 : vector<64x384xf32>
    %get3A_1560 = arith.constant 0 : index
    %get3A_1561 = arith.constant 104 : index
    %get3A_1562 = arith.constant 0 : index
    %get3A_1563 = arith.constant 0 : index
    %get3A_1564 = vector.load %arg2[%get3A_1560, %get3A_1561, %get3A_1562, %get3A_1563] : memref<1x150x64x384xf32, #tpu.memory_space<vmem>>, vector<1x1x64x384xf32>
    %get3A_1565 = vector.shape_cast %get3A_1564 : vector<1x1x64x384xf32> to vector<64x384xf32>
    %exp3A_1566 = math.exp %get3A_1565 : vector<64x384xf32>
    %add3A_1567 = arith.addf %add3A_1537, %exp3A_1566 : vector<64x384xf32>
    %eq3A_1568 = arith.constant 104 : i32
    %eq3A_1569 = vector.broadcast %eq3A_1568 : i32 to vector<64x384xi32>
    %eq3A_1570 = arith.cmpi eq, %get3A_3, %eq3A_1569 : vector<64x384xi32>
    %jit3A_1571 = arith.constant 0.000000e+00 : f32
    %broadcast_in_dim3A_1572 = vector.broadcast %jit3A_1571 : f32 to vector<64x384xf32>
    %select_n3A_1573 = arith.select %eq3A_1570, %get3A_1565, %broadcast_in_dim3A_1572 : vector<64x384xi1>, vector<64x384xf32>
    %add3A_1574 = arith.addf %add3A_1544, %select_n3A_1573 : vector<64x384xf32>
    %get3A_1575 = arith.constant 0 : index
    %get3A_1576 = arith.constant 105 : index
    %get3A_1577 = arith.constant 0 : index
    %get3A_1578 = arith.constant 0 : index
    %get3A_1579 = vector.load %arg2[%get3A_1575, %get3A_1576, %get3A_1577, %get3A_1578] : memref<1x150x64x384xf32, #tpu.memory_space<vmem>>, vector<1x1x64x384xf32>
    %get3A_1580 = vector.shape_cast %get3A_1579 : vector<1x1x64x384xf32> to vector<64x384xf32>
    %exp3A_1581 = math.exp %get3A_1580 : vector<64x384xf32>
    %add3A_1582 = arith.addf %add3A_1552, %exp3A_1581 : vector<64x384xf32>
    %eq3A_1583 = arith.constant 105 : i32
    %eq3A_1584 = vector.broadcast %eq3A_1583 : i32 to vector<64x384xi32>
    %eq3A_1585 = arith.cmpi eq, %get3A_3, %eq3A_1584 : vector<64x384xi32>
    %jit3A_1586 = arith.constant 0.000000e+00 : f32
    %broadcast_in_dim3A_1587 = vector.broadcast %jit3A_1586 : f32 to vector<64x384xf32>
    %select_n3A_1588 = arith.select %eq3A_1585, %get3A_1580, %broadcast_in_dim3A_1587 : vector<64x384xi1>, vector<64x384xf32>
    %add3A_1589 = arith.addf %add3A_1559, %select_n3A_1588 : vector<64x384xf32>
    %get3A_1590 = arith.constant 0 : index
    %get3A_1591 = arith.constant 106 : index
    %get3A_1592 = arith.constant 0 : index
    %get3A_1593 = arith.constant 0 : index
    %get3A_1594 = vector.load %arg2[%get3A_1590, %get3A_1591, %get3A_1592, %get3A_1593] : memref<1x150x64x384xf32, #tpu.memory_space<vmem>>, vector<1x1x64x384xf32>
    %get3A_1595 = vector.shape_cast %get3A_1594 : vector<1x1x64x384xf32> to vector<64x384xf32>
    %exp3A_1596 = math.exp %get3A_1595 : vector<64x384xf32>
    %add3A_1597 = arith.addf %add3A_1567, %exp3A_1596 : vector<64x384xf32>
    %eq3A_1598 = arith.constant 106 : i32
    %eq3A_1599 = vector.broadcast %eq3A_1598 : i32 to vector<64x384xi32>
    %eq3A_1600 = arith.cmpi eq, %get3A_3, %eq3A_1599 : vector<64x384xi32>
    %jit3A_1601 = arith.constant 0.000000e+00 : f32
    %broadcast_in_dim3A_1602 = vector.broadcast %jit3A_1601 : f32 to vector<64x384xf32>
    %select_n3A_1603 = arith.select %eq3A_1600, %get3A_1595, %broadcast_in_dim3A_1602 : vector<64x384xi1>, vector<64x384xf32>
    %add3A_1604 = arith.addf %add3A_1574, %select_n3A_1603 : vector<64x384xf32>
    %get3A_1605 = arith.constant 0 : index
    %get3A_1606 = arith.constant 107 : index
    %get3A_1607 = arith.constant 0 : index
    %get3A_1608 = arith.constant 0 : index
    %get3A_1609 = vector.load %arg2[%get3A_1605, %get3A_1606, %get3A_1607, %get3A_1608] : memref<1x150x64x384xf32, #tpu.memory_space<vmem>>, vector<1x1x64x384xf32>
    %get3A_1610 = vector.shape_cast %get3A_1609 : vector<1x1x64x384xf32> to vector<64x384xf32>
    %exp3A_1611 = math.exp %get3A_1610 : vector<64x384xf32>
    %add3A_1612 = arith.addf %add3A_1582, %exp3A_1611 : vector<64x384xf32>
    %eq3A_1613 = arith.constant 107 : i32
    %eq3A_1614 = vector.broadcast %eq3A_1613 : i32 to vector<64x384xi32>
    %eq3A_1615 = arith.cmpi eq, %get3A_3, %eq3A_1614 : vector<64x384xi32>
    %jit3A_1616 = arith.constant 0.000000e+00 : f32
    %broadcast_in_dim3A_1617 = vector.broadcast %jit3A_1616 : f32 to vector<64x384xf32>
    %select_n3A_1618 = arith.select %eq3A_1615, %get3A_1610, %broadcast_in_dim3A_1617 : vector<64x384xi1>, vector<64x384xf32>
    %add3A_1619 = arith.addf %add3A_1589, %select_n3A_1618 : vector<64x384xf32>
    %get3A_1620 = arith.constant 0 : index
    %get3A_1621 = arith.constant 108 : index
    %get3A_1622 = arith.constant 0 : index
    %get3A_1623 = arith.constant 0 : index
    %get3A_1624 = vector.load %arg2[%get3A_1620, %get3A_1621, %get3A_1622, %get3A_1623] : memref<1x150x64x384xf32, #tpu.memory_space<vmem>>, vector<1x1x64x384xf32>
    %get3A_1625 = vector.shape_cast %get3A_1624 : vector<1x1x64x384xf32> to vector<64x384xf32>
    %exp3A_1626 = math.exp %get3A_1625 : vector<64x384xf32>
    %add3A_1627 = arith.addf %add3A_1597, %exp3A_1626 : vector<64x384xf32>
    %eq3A_1628 = arith.constant 108 : i32
    %eq3A_1629 = vector.broadcast %eq3A_1628 : i32 to vector<64x384xi32>
    %eq3A_1630 = arith.cmpi eq, %get3A_3, %eq3A_1629 : vector<64x384xi32>
    %jit3A_1631 = arith.constant 0.000000e+00 : f32
    %broadcast_in_dim3A_1632 = vector.broadcast %jit3A_1631 : f32 to vector<64x384xf32>
    %select_n3A_1633 = arith.select %eq3A_1630, %get3A_1625, %broadcast_in_dim3A_1632 : vector<64x384xi1>, vector<64x384xf32>
    %add3A_1634 = arith.addf %add3A_1604, %select_n3A_1633 : vector<64x384xf32>
    %get3A_1635 = arith.constant 0 : index
    %get3A_1636 = arith.constant 109 : index
    %get3A_1637 = arith.constant 0 : index
    %get3A_1638 = arith.constant 0 : index
    %get3A_1639 = vector.load %arg2[%get3A_1635, %get3A_1636, %get3A_1637, %get3A_1638] : memref<1x150x64x384xf32, #tpu.memory_space<vmem>>, vector<1x1x64x384xf32>
    %get3A_1640 = vector.shape_cast %get3A_1639 : vector<1x1x64x384xf32> to vector<64x384xf32>
    %exp3A_1641 = math.exp %get3A_1640 : vector<64x384xf32>
    %add3A_1642 = arith.addf %add3A_1612, %exp3A_1641 : vector<64x384xf32>
    %eq3A_1643 = arith.constant 109 : i32
    %eq3A_1644 = vector.broadcast %eq3A_1643 : i32 to vector<64x384xi32>
    %eq3A_1645 = arith.cmpi eq, %get3A_3, %eq3A_1644 : vector<64x384xi32>
    %jit3A_1646 = arith.constant 0.000000e+00 : f32
    %broadcast_in_dim3A_1647 = vector.broadcast %jit3A_1646 : f32 to vector<64x384xf32>
    %select_n3A_1648 = arith.select %eq3A_1645, %get3A_1640, %broadcast_in_dim3A_1647 : vector<64x384xi1>, vector<64x384xf32>
    %add3A_1649 = arith.addf %add3A_1619, %select_n3A_1648 : vector<64x384xf32>
    %get3A_1650 = arith.constant 0 : index
    %get3A_1651 = arith.constant 110 : index
    %get3A_1652 = arith.constant 0 : index
    %get3A_1653 = arith.constant 0 : index
    %get3A_1654 = vector.load %arg2[%get3A_1650, %get3A_1651, %get3A_1652, %get3A_1653] : memref<1x150x64x384xf32, #tpu.memory_space<vmem>>, vector<1x1x64x384xf32>
    %get3A_1655 = vector.shape_cast %get3A_1654 : vector<1x1x64x384xf32> to vector<64x384xf32>
    %exp3A_1656 = math.exp %get3A_1655 : vector<64x384xf32>
    %add3A_1657 = arith.addf %add3A_1627, %exp3A_1656 : vector<64x384xf32>
    %eq3A_1658 = arith.constant 110 : i32
    %eq3A_1659 = vector.broadcast %eq3A_1658 : i32 to vector<64x384xi32>
    %eq3A_1660 = arith.cmpi eq, %get3A_3, %eq3A_1659 : vector<64x384xi32>
    %jit3A_1661 = arith.constant 0.000000e+00 : f32
    %broadcast_in_dim3A_1662 = vector.broadcast %jit3A_1661 : f32 to vector<64x384xf32>
    %select_n3A_1663 = arith.select %eq3A_1660, %get3A_1655, %broadcast_in_dim3A_1662 : vector<64x384xi1>, vector<64x384xf32>
    %add3A_1664 = arith.addf %add3A_1634, %select_n3A_1663 : vector<64x384xf32>
    %get3A_1665 = arith.constant 0 : index
    %get3A_1666 = arith.constant 111 : index
    %get3A_1667 = arith.constant 0 : index
    %get3A_1668 = arith.constant 0 : index
    %get3A_1669 = vector.load %arg2[%get3A_1665, %get3A_1666, %get3A_1667, %get3A_1668] : memref<1x150x64x384xf32, #tpu.memory_space<vmem>>, vector<1x1x64x384xf32>
    %get3A_1670 = vector.shape_cast %get3A_1669 : vector<1x1x64x384xf32> to vector<64x384xf32>
    %exp3A_1671 = math.exp %get3A_1670 : vector<64x384xf32>
    %add3A_1672 = arith.addf %add3A_1642, %exp3A_1671 : vector<64x384xf32>
    %eq3A_1673 = arith.constant 111 : i32
    %eq3A_1674 = vector.broadcast %eq3A_1673 : i32 to vector<64x384xi32>
    %eq3A_1675 = arith.cmpi eq, %get3A_3, %eq3A_1674 : vector<64x384xi32>
    %jit3A_1676 = arith.constant 0.000000e+00 : f32
    %broadcast_in_dim3A_1677 = vector.broadcast %jit3A_1676 : f32 to vector<64x384xf32>
    %select_n3A_1678 = arith.select %eq3A_1675, %get3A_1670, %broadcast_in_dim3A_1677 : vector<64x384xi1>, vector<64x384xf32>
    %add3A_1679 = arith.addf %add3A_1649, %select_n3A_1678 : vector<64x384xf32>
    %get3A_1680 = arith.constant 0 : index
    %get3A_1681 = arith.constant 112 : index
    %get3A_1682 = arith.constant 0 : index
    %get3A_1683 = arith.constant 0 : index
    %get3A_1684 = vector.load %arg2[%get3A_1680, %get3A_1681, %get3A_1682, %get3A_1683] : memref<1x150x64x384xf32, #tpu.memory_space<vmem>>, vector<1x1x64x384xf32>
    %get3A_1685 = vector.shape_cast %get3A_1684 : vector<1x1x64x384xf32> to vector<64x384xf32>
    %exp3A_1686 = math.exp %get3A_1685 : vector<64x384xf32>
    %add3A_1687 = arith.addf %add3A_1657, %exp3A_1686 : vector<64x384xf32>
    %eq3A_1688 = arith.constant 112 : i32
    %eq3A_1689 = vector.broadcast %eq3A_1688 : i32 to vector<64x384xi32>
    %eq3A_1690 = arith.cmpi eq, %get3A_3, %eq3A_1689 : vector<64x384xi32>
    %jit3A_1691 = arith.constant 0.000000e+00 : f32
    %broadcast_in_dim3A_1692 = vector.broadcast %jit3A_1691 : f32 to vector<64x384xf32>
    %select_n3A_1693 = arith.select %eq3A_1690, %get3A_1685, %broadcast_in_dim3A_1692 : vector<64x384xi1>, vector<64x384xf32>
    %add3A_1694 = arith.addf %add3A_1664, %select_n3A_1693 : vector<64x384xf32>
    %get3A_1695 = arith.constant 0 : index
    %get3A_1696 = arith.constant 113 : index
    %get3A_1697 = arith.constant 0 : index
    %get3A_1698 = arith.constant 0 : index
    %get3A_1699 = vector.load %arg2[%get3A_1695, %get3A_1696, %get3A_1697, %get3A_1698] : memref<1x150x64x384xf32, #tpu.memory_space<vmem>>, vector<1x1x64x384xf32>
    %get3A_1700 = vector.shape_cast %get3A_1699 : vector<1x1x64x384xf32> to vector<64x384xf32>
    %exp3A_1701 = math.exp %get3A_1700 : vector<64x384xf32>
    %add3A_1702 = arith.addf %add3A_1672, %exp3A_1701 : vector<64x384xf32>
    %eq3A_1703 = arith.constant 113 : i32
    %eq3A_1704 = vector.broadcast %eq3A_1703 : i32 to vector<64x384xi32>
    %eq3A_1705 = arith.cmpi eq, %get3A_3, %eq3A_1704 : vector<64x384xi32>
    %jit3A_1706 = arith.constant 0.000000e+00 : f32
    %broadcast_in_dim3A_1707 = vector.broadcast %jit3A_1706 : f32 to vector<64x384xf32>
    %select_n3A_1708 = arith.select %eq3A_1705, %get3A_1700, %broadcast_in_dim3A_1707 : vector<64x384xi1>, vector<64x384xf32>
    %add3A_1709 = arith.addf %add3A_1679, %select_n3A_1708 : vector<64x384xf32>
    %get3A_1710 = arith.constant 0 : index
    %get3A_1711 = arith.constant 114 : index
    %get3A_1712 = arith.constant 0 : index
    %get3A_1713 = arith.constant 0 : index
    %get3A_1714 = vector.load %arg2[%get3A_1710, %get3A_1711, %get3A_1712, %get3A_1713] : memref<1x150x64x384xf32, #tpu.memory_space<vmem>>, vector<1x1x64x384xf32>
    %get3A_1715 = vector.shape_cast %get3A_1714 : vector<1x1x64x384xf32> to vector<64x384xf32>
    %exp3A_1716 = math.exp %get3A_1715 : vector<64x384xf32>
    %add3A_1717 = arith.addf %add3A_1687, %exp3A_1716 : vector<64x384xf32>
    %eq3A_1718 = arith.constant 114 : i32
    %eq3A_1719 = vector.broadcast %eq3A_1718 : i32 to vector<64x384xi32>
    %eq3A_1720 = arith.cmpi eq, %get3A_3, %eq3A_1719 : vector<64x384xi32>
    %jit3A_1721 = arith.constant 0.000000e+00 : f32
    %broadcast_in_dim3A_1722 = vector.broadcast %jit3A_1721 : f32 to vector<64x384xf32>
    %select_n3A_1723 = arith.select %eq3A_1720, %get3A_1715, %broadcast_in_dim3A_1722 : vector<64x384xi1>, vector<64x384xf32>
    %add3A_1724 = arith.addf %add3A_1694, %select_n3A_1723 : vector<64x384xf32>
    %get3A_1725 = arith.constant 0 : index
    %get3A_1726 = arith.constant 115 : index
    %get3A_1727 = arith.constant 0 : index
    %get3A_1728 = arith.constant 0 : index
    %get3A_1729 = vector.load %arg2[%get3A_1725, %get3A_1726, %get3A_1727, %get3A_1728] : memref<1x150x64x384xf32, #tpu.memory_space<vmem>>, vector<1x1x64x384xf32>
    %get3A_1730 = vector.shape_cast %get3A_1729 : vector<1x1x64x384xf32> to vector<64x384xf32>
    %exp3A_1731 = math.exp %get3A_1730 : vector<64x384xf32>
    %add3A_1732 = arith.addf %add3A_1702, %exp3A_1731 : vector<64x384xf32>
    %eq3A_1733 = arith.constant 115 : i32
    %eq3A_1734 = vector.broadcast %eq3A_1733 : i32 to vector<64x384xi32>
    %eq3A_1735 = arith.cmpi eq, %get3A_3, %eq3A_1734 : vector<64x384xi32>
    %jit3A_1736 = arith.constant 0.000000e+00 : f32
    %broadcast_in_dim3A_1737 = vector.broadcast %jit3A_1736 : f32 to vector<64x384xf32>
    %select_n3A_1738 = arith.select %eq3A_1735, %get3A_1730, %broadcast_in_dim3A_1737 : vector<64x384xi1>, vector<64x384xf32>
    %add3A_1739 = arith.addf %add3A_1709, %select_n3A_1738 : vector<64x384xf32>
    %get3A_1740 = arith.constant 0 : index
    %get3A_1741 = arith.constant 116 : index
    %get3A_1742 = arith.constant 0 : index
    %get3A_1743 = arith.constant 0 : index
    %get3A_1744 = vector.load %arg2[%get3A_1740, %get3A_1741, %get3A_1742, %get3A_1743] : memref<1x150x64x384xf32, #tpu.memory_space<vmem>>, vector<1x1x64x384xf32>
    %get3A_1745 = vector.shape_cast %get3A_1744 : vector<1x1x64x384xf32> to vector<64x384xf32>
    %exp3A_1746 = math.exp %get3A_1745 : vector<64x384xf32>
    %add3A_1747 = arith.addf %add3A_1717, %exp3A_1746 : vector<64x384xf32>
    %eq3A_1748 = arith.constant 116 : i32
    %eq3A_1749 = vector.broadcast %eq3A_1748 : i32 to vector<64x384xi32>
    %eq3A_1750 = arith.cmpi eq, %get3A_3, %eq3A_1749 : vector<64x384xi32>
    %jit3A_1751 = arith.constant 0.000000e+00 : f32
    %broadcast_in_dim3A_1752 = vector.broadcast %jit3A_1751 : f32 to vector<64x384xf32>
    %select_n3A_1753 = arith.select %eq3A_1750, %get3A_1745, %broadcast_in_dim3A_1752 : vector<64x384xi1>, vector<64x384xf32>
    %add3A_1754 = arith.addf %add3A_1724, %select_n3A_1753 : vector<64x384xf32>
    %get3A_1755 = arith.constant 0 : index
    %get3A_1756 = arith.constant 117 : index
    %get3A_1757 = arith.constant 0 : index
    %get3A_1758 = arith.constant 0 : index
    %get3A_1759 = vector.load %arg2[%get3A_1755, %get3A_1756, %get3A_1757, %get3A_1758] : memref<1x150x64x384xf32, #tpu.memory_space<vmem>>, vector<1x1x64x384xf32>
    %get3A_1760 = vector.shape_cast %get3A_1759 : vector<1x1x64x384xf32> to vector<64x384xf32>
    %exp3A_1761 = math.exp %get3A_1760 : vector<64x384xf32>
    %add3A_1762 = arith.addf %add3A_1732, %exp3A_1761 : vector<64x384xf32>
    %eq3A_1763 = arith.constant 117 : i32
    %eq3A_1764 = vector.broadcast %eq3A_1763 : i32 to vector<64x384xi32>
    %eq3A_1765 = arith.cmpi eq, %get3A_3, %eq3A_1764 : vector<64x384xi32>
    %jit3A_1766 = arith.constant 0.000000e+00 : f32
    %broadcast_in_dim3A_1767 = vector.broadcast %jit3A_1766 : f32 to vector<64x384xf32>
    %select_n3A_1768 = arith.select %eq3A_1765, %get3A_1760, %broadcast_in_dim3A_1767 : vector<64x384xi1>, vector<64x384xf32>
    %add3A_1769 = arith.addf %add3A_1739, %select_n3A_1768 : vector<64x384xf32>
    %get3A_1770 = arith.constant 0 : index
    %get3A_1771 = arith.constant 118 : index
    %get3A_1772 = arith.constant 0 : index
    %get3A_1773 = arith.constant 0 : index
    %get3A_1774 = vector.load %arg2[%get3A_1770, %get3A_1771, %get3A_1772, %get3A_1773] : memref<1x150x64x384xf32, #tpu.memory_space<vmem>>, vector<1x1x64x384xf32>
    %get3A_1775 = vector.shape_cast %get3A_1774 : vector<1x1x64x384xf32> to vector<64x384xf32>
    %exp3A_1776 = math.exp %get3A_1775 : vector<64x384xf32>
    %add3A_1777 = arith.addf %add3A_1747, %exp3A_1776 : vector<64x384xf32>
    %eq3A_1778 = arith.constant 118 : i32
    %eq3A_1779 = vector.broadcast %eq3A_1778 : i32 to vector<64x384xi32>
    %eq3A_1780 = arith.cmpi eq, %get3A_3, %eq3A_1779 : vector<64x384xi32>
    %jit3A_1781 = arith.constant 0.000000e+00 : f32
    %broadcast_in_dim3A_1782 = vector.broadcast %jit3A_1781 : f32 to vector<64x384xf32>
    %select_n3A_1783 = arith.select %eq3A_1780, %get3A_1775, %broadcast_in_dim3A_1782 : vector<64x384xi1>, vector<64x384xf32>
    %add3A_1784 = arith.addf %add3A_1754, %select_n3A_1783 : vector<64x384xf32>
    %get3A_1785 = arith.constant 0 : index
    %get3A_1786 = arith.constant 119 : index
    %get3A_1787 = arith.constant 0 : index
    %get3A_1788 = arith.constant 0 : index
    %get3A_1789 = vector.load %arg2[%get3A_1785, %get3A_1786, %get3A_1787, %get3A_1788] : memref<1x150x64x384xf32, #tpu.memory_space<vmem>>, vector<1x1x64x384xf32>
    %get3A_1790 = vector.shape_cast %get3A_1789 : vector<1x1x64x384xf32> to vector<64x384xf32>
    %exp3A_1791 = math.exp %get3A_1790 : vector<64x384xf32>
    %add3A_1792 = arith.addf %add3A_1762, %exp3A_1791 : vector<64x384xf32>
    %eq3A_1793 = arith.constant 119 : i32
    %eq3A_1794 = vector.broadcast %eq3A_1793 : i32 to vector<64x384xi32>
    %eq3A_1795 = arith.cmpi eq, %get3A_3, %eq3A_1794 : vector<64x384xi32>
    %jit3A_1796 = arith.constant 0.000000e+00 : f32
    %broadcast_in_dim3A_1797 = vector.broadcast %jit3A_1796 : f32 to vector<64x384xf32>
    %select_n3A_1798 = arith.select %eq3A_1795, %get3A_1790, %broadcast_in_dim3A_1797 : vector<64x384xi1>, vector<64x384xf32>
    %add3A_1799 = arith.addf %add3A_1769, %select_n3A_1798 : vector<64x384xf32>
    %get3A_1800 = arith.constant 0 : index
    %get3A_1801 = arith.constant 120 : index
    %get3A_1802 = arith.constant 0 : index
    %get3A_1803 = arith.constant 0 : index
    %get3A_1804 = vector.load %arg2[%get3A_1800, %get3A_1801, %get3A_1802, %get3A_1803] : memref<1x150x64x384xf32, #tpu.memory_space<vmem>>, vector<1x1x64x384xf32>
    %get3A_1805 = vector.shape_cast %get3A_1804 : vector<1x1x64x384xf32> to vector<64x384xf32>
    %exp3A_1806 = math.exp %get3A_1805 : vector<64x384xf32>
    %add3A_1807 = arith.addf %add3A_1777, %exp3A_1806 : vector<64x384xf32>
    %eq3A_1808 = arith.constant 120 : i32
    %eq3A_1809 = vector.broadcast %eq3A_1808 : i32 to vector<64x384xi32>
    %eq3A_1810 = arith.cmpi eq, %get3A_3, %eq3A_1809 : vector<64x384xi32>
    %jit3A_1811 = arith.constant 0.000000e+00 : f32
    %broadcast_in_dim3A_1812 = vector.broadcast %jit3A_1811 : f32 to vector<64x384xf32>
    %select_n3A_1813 = arith.select %eq3A_1810, %get3A_1805, %broadcast_in_dim3A_1812 : vector<64x384xi1>, vector<64x384xf32>
    %add3A_1814 = arith.addf %add3A_1784, %select_n3A_1813 : vector<64x384xf32>
    %get3A_1815 = arith.constant 0 : index
    %get3A_1816 = arith.constant 121 : index
    %get3A_1817 = arith.constant 0 : index
    %get3A_1818 = arith.constant 0 : index
    %get3A_1819 = vector.load %arg2[%get3A_1815, %get3A_1816, %get3A_1817, %get3A_1818] : memref<1x150x64x384xf32, #tpu.memory_space<vmem>>, vector<1x1x64x384xf32>
    %get3A_1820 = vector.shape_cast %get3A_1819 : vector<1x1x64x384xf32> to vector<64x384xf32>
    %exp3A_1821 = math.exp %get3A_1820 : vector<64x384xf32>
    %add3A_1822 = arith.addf %add3A_1792, %exp3A_1821 : vector<64x384xf32>
    %eq3A_1823 = arith.constant 121 : i32
    %eq3A_1824 = vector.broadcast %eq3A_1823 : i32 to vector<64x384xi32>
    %eq3A_1825 = arith.cmpi eq, %get3A_3, %eq3A_1824 : vector<64x384xi32>
    %jit3A_1826 = arith.constant 0.000000e+00 : f32
    %broadcast_in_dim3A_1827 = vector.broadcast %jit3A_1826 : f32 to vector<64x384xf32>
    %select_n3A_1828 = arith.select %eq3A_1825, %get3A_1820, %broadcast_in_dim3A_1827 : vector<64x384xi1>, vector<64x384xf32>
    %add3A_1829 = arith.addf %add3A_1799, %select_n3A_1828 : vector<64x384xf32>
    %get3A_1830 = arith.constant 0 : index
    %get3A_1831 = arith.constant 122 : index
    %get3A_1832 = arith.constant 0 : index
    %get3A_1833 = arith.constant 0 : index
    %get3A_1834 = vector.load %arg2[%get3A_1830, %get3A_1831, %get3A_1832, %get3A_1833] : memref<1x150x64x384xf32, #tpu.memory_space<vmem>>, vector<1x1x64x384xf32>
    %get3A_1835 = vector.shape_cast %get3A_1834 : vector<1x1x64x384xf32> to vector<64x384xf32>
    %exp3A_1836 = math.exp %get3A_1835 : vector<64x384xf32>
    %add3A_1837 = arith.addf %add3A_1807, %exp3A_1836 : vector<64x384xf32>
    %eq3A_1838 = arith.constant 122 : i32
    %eq3A_1839 = vector.broadcast %eq3A_1838 : i32 to vector<64x384xi32>
    %eq3A_1840 = arith.cmpi eq, %get3A_3, %eq3A_1839 : vector<64x384xi32>
    %jit3A_1841 = arith.constant 0.000000e+00 : f32
    %broadcast_in_dim3A_1842 = vector.broadcast %jit3A_1841 : f32 to vector<64x384xf32>
    %select_n3A_1843 = arith.select %eq3A_1840, %get3A_1835, %broadcast_in_dim3A_1842 : vector<64x384xi1>, vector<64x384xf32>
    %add3A_1844 = arith.addf %add3A_1814, %select_n3A_1843 : vector<64x384xf32>
    %get3A_1845 = arith.constant 0 : index
    %get3A_1846 = arith.constant 123 : index
    %get3A_1847 = arith.constant 0 : index
    %get3A_1848 = arith.constant 0 : index
    %get3A_1849 = vector.load %arg2[%get3A_1845, %get3A_1846, %get3A_1847, %get3A_1848] : memref<1x150x64x384xf32, #tpu.memory_space<vmem>>, vector<1x1x64x384xf32>
    %get3A_1850 = vector.shape_cast %get3A_1849 : vector<1x1x64x384xf32> to vector<64x384xf32>
    %exp3A_1851 = math.exp %get3A_1850 : vector<64x384xf32>
    %add3A_1852 = arith.addf %add3A_1822, %exp3A_1851 : vector<64x384xf32>
    %eq3A_1853 = arith.constant 123 : i32
    %eq3A_1854 = vector.broadcast %eq3A_1853 : i32 to vector<64x384xi32>
    %eq3A_1855 = arith.cmpi eq, %get3A_3, %eq3A_1854 : vector<64x384xi32>
    %jit3A_1856 = arith.constant 0.000000e+00 : f32
    %broadcast_in_dim3A_1857 = vector.broadcast %jit3A_1856 : f32 to vector<64x384xf32>
    %select_n3A_1858 = arith.select %eq3A_1855, %get3A_1850, %broadcast_in_dim3A_1857 : vector<64x384xi1>, vector<64x384xf32>
    %add3A_1859 = arith.addf %add3A_1829, %select_n3A_1858 : vector<64x384xf32>
    %get3A_1860 = arith.constant 0 : index
    %get3A_1861 = arith.constant 124 : index
    %get3A_1862 = arith.constant 0 : index
    %get3A_1863 = arith.constant 0 : index
    %get3A_1864 = vector.load %arg2[%get3A_1860, %get3A_1861, %get3A_1862, %get3A_1863] : memref<1x150x64x384xf32, #tpu.memory_space<vmem>>, vector<1x1x64x384xf32>
    %get3A_1865 = vector.shape_cast %get3A_1864 : vector<1x1x64x384xf32> to vector<64x384xf32>
    %exp3A_1866 = math.exp %get3A_1865 : vector<64x384xf32>
    %add3A_1867 = arith.addf %add3A_1837, %exp3A_1866 : vector<64x384xf32>
    %eq3A_1868 = arith.constant 124 : i32
    %eq3A_1869 = vector.broadcast %eq3A_1868 : i32 to vector<64x384xi32>
    %eq3A_1870 = arith.cmpi eq, %get3A_3, %eq3A_1869 : vector<64x384xi32>
    %jit3A_1871 = arith.constant 0.000000e+00 : f32
    %broadcast_in_dim3A_1872 = vector.broadcast %jit3A_1871 : f32 to vector<64x384xf32>
    %select_n3A_1873 = arith.select %eq3A_1870, %get3A_1865, %broadcast_in_dim3A_1872 : vector<64x384xi1>, vector<64x384xf32>
    %add3A_1874 = arith.addf %add3A_1844, %select_n3A_1873 : vector<64x384xf32>
    %get3A_1875 = arith.constant 0 : index
    %get3A_1876 = arith.constant 125 : index
    %get3A_1877 = arith.constant 0 : index
    %get3A_1878 = arith.constant 0 : index
    %get3A_1879 = vector.load %arg2[%get3A_1875, %get3A_1876, %get3A_1877, %get3A_1878] : memref<1x150x64x384xf32, #tpu.memory_space<vmem>>, vector<1x1x64x384xf32>
    %get3A_1880 = vector.shape_cast %get3A_1879 : vector<1x1x64x384xf32> to vector<64x384xf32>
    %exp3A_1881 = math.exp %get3A_1880 : vector<64x384xf32>
    %add3A_1882 = arith.addf %add3A_1852, %exp3A_1881 : vector<64x384xf32>
    %eq3A_1883 = arith.constant 125 : i32
    %eq3A_1884 = vector.broadcast %eq3A_1883 : i32 to vector<64x384xi32>
    %eq3A_1885 = arith.cmpi eq, %get3A_3, %eq3A_1884 : vector<64x384xi32>
    %jit3A_1886 = arith.constant 0.000000e+00 : f32
    %broadcast_in_dim3A_1887 = vector.broadcast %jit3A_1886 : f32 to vector<64x384xf32>
    %select_n3A_1888 = arith.select %eq3A_1885, %get3A_1880, %broadcast_in_dim3A_1887 : vector<64x384xi1>, vector<64x384xf32>
    %add3A_1889 = arith.addf %add3A_1859, %select_n3A_1888 : vector<64x384xf32>
    %get3A_1890 = arith.constant 0 : index
    %get3A_1891 = arith.constant 126 : index
    %get3A_1892 = arith.constant 0 : index
    %get3A_1893 = arith.constant 0 : index
    %get3A_1894 = vector.load %arg2[%get3A_1890, %get3A_1891, %get3A_1892, %get3A_1893] : memref<1x150x64x384xf32, #tpu.memory_space<vmem>>, vector<1x1x64x384xf32>
    %get3A_1895 = vector.shape_cast %get3A_1894 : vector<1x1x64x384xf32> to vector<64x384xf32>
    %exp3A_1896 = math.exp %get3A_1895 : vector<64x384xf32>
    %add3A_1897 = arith.addf %add3A_1867, %exp3A_1896 : vector<64x384xf32>
    %eq3A_1898 = arith.constant 126 : i32
    %eq3A_1899 = vector.broadcast %eq3A_1898 : i32 to vector<64x384xi32>
    %eq3A_1900 = arith.cmpi eq, %get3A_3, %eq3A_1899 : vector<64x384xi32>
    %jit3A_1901 = arith.constant 0.000000e+00 : f32
    %broadcast_in_dim3A_1902 = vector.broadcast %jit3A_1901 : f32 to vector<64x384xf32>
    %select_n3A_1903 = arith.select %eq3A_1900, %get3A_1895, %broadcast_in_dim3A_1902 : vector<64x384xi1>, vector<64x384xf32>
    %add3A_1904 = arith.addf %add3A_1874, %select_n3A_1903 : vector<64x384xf32>
    %get3A_1905 = arith.constant 0 : index
    %get3A_1906 = arith.constant 127 : index
    %get3A_1907 = arith.constant 0 : index
    %get3A_1908 = arith.constant 0 : index
    %get3A_1909 = vector.load %arg2[%get3A_1905, %get3A_1906, %get3A_1907, %get3A_1908] : memref<1x150x64x384xf32, #tpu.memory_space<vmem>>, vector<1x1x64x384xf32>
    %get3A_1910 = vector.shape_cast %get3A_1909 : vector<1x1x64x384xf32> to vector<64x384xf32>
    %exp3A_1911 = math.exp %get3A_1910 : vector<64x384xf32>
    %add3A_1912 = arith.addf %add3A_1882, %exp3A_1911 : vector<64x384xf32>
    %eq3A_1913 = arith.constant 127 : i32
    %eq3A_1914 = vector.broadcast %eq3A_1913 : i32 to vector<64x384xi32>
    %eq3A_1915 = arith.cmpi eq, %get3A_3, %eq3A_1914 : vector<64x384xi32>
    %jit3A_1916 = arith.constant 0.000000e+00 : f32
    %broadcast_in_dim3A_1917 = vector.broadcast %jit3A_1916 : f32 to vector<64x384xf32>
    %select_n3A_1918 = arith.select %eq3A_1915, %get3A_1910, %broadcast_in_dim3A_1917 : vector<64x384xi1>, vector<64x384xf32>
    %add3A_1919 = arith.addf %add3A_1889, %select_n3A_1918 : vector<64x384xf32>
    %get3A_1920 = arith.constant 0 : index
    %get3A_1921 = arith.constant 128 : index
    %get3A_1922 = arith.constant 0 : index
    %get3A_1923 = arith.constant 0 : index
    %get3A_1924 = vector.load %arg2[%get3A_1920, %get3A_1921, %get3A_1922, %get3A_1923] : memref<1x150x64x384xf32, #tpu.memory_space<vmem>>, vector<1x1x64x384xf32>
    %get3A_1925 = vector.shape_cast %get3A_1924 : vector<1x1x64x384xf32> to vector<64x384xf32>
    %exp3A_1926 = math.exp %get3A_1925 : vector<64x384xf32>
    %add3A_1927 = arith.addf %add3A_1897, %exp3A_1926 : vector<64x384xf32>
    %eq3A_1928 = arith.constant 128 : i32
    %eq3A_1929 = vector.broadcast %eq3A_1928 : i32 to vector<64x384xi32>
    %eq3A_1930 = arith.cmpi eq, %get3A_3, %eq3A_1929 : vector<64x384xi32>
    %jit3A_1931 = arith.constant 0.000000e+00 : f32
    %broadcast_in_dim3A_1932 = vector.broadcast %jit3A_1931 : f32 to vector<64x384xf32>
    %select_n3A_1933 = arith.select %eq3A_1930, %get3A_1925, %broadcast_in_dim3A_1932 : vector<64x384xi1>, vector<64x384xf32>
    %add3A_1934 = arith.addf %add3A_1904, %select_n3A_1933 : vector<64x384xf32>
    %get3A_1935 = arith.constant 0 : index
    %get3A_1936 = arith.constant 129 : index
    %get3A_1937 = arith.constant 0 : index
    %get3A_1938 = arith.constant 0 : index
    %get3A_1939 = vector.load %arg2[%get3A_1935, %get3A_1936, %get3A_1937, %get3A_1938] : memref<1x150x64x384xf32, #tpu.memory_space<vmem>>, vector<1x1x64x384xf32>
    %get3A_1940 = vector.shape_cast %get3A_1939 : vector<1x1x64x384xf32> to vector<64x384xf32>
    %exp3A_1941 = math.exp %get3A_1940 : vector<64x384xf32>
    %add3A_1942 = arith.addf %add3A_1912, %exp3A_1941 : vector<64x384xf32>
    %eq3A_1943 = arith.constant 129 : i32
    %eq3A_1944 = vector.broadcast %eq3A_1943 : i32 to vector<64x384xi32>
    %eq3A_1945 = arith.cmpi eq, %get3A_3, %eq3A_1944 : vector<64x384xi32>
    %jit3A_1946 = arith.constant 0.000000e+00 : f32
    %broadcast_in_dim3A_1947 = vector.broadcast %jit3A_1946 : f32 to vector<64x384xf32>
    %select_n3A_1948 = arith.select %eq3A_1945, %get3A_1940, %broadcast_in_dim3A_1947 : vector<64x384xi1>, vector<64x384xf32>
    %add3A_1949 = arith.addf %add3A_1919, %select_n3A_1948 : vector<64x384xf32>
    %get3A_1950 = arith.constant 0 : index
    %get3A_1951 = arith.constant 130 : index
    %get3A_1952 = arith.constant 0 : index
    %get3A_1953 = arith.constant 0 : index
    %get3A_1954 = vector.load %arg2[%get3A_1950, %get3A_1951, %get3A_1952, %get3A_1953] : memref<1x150x64x384xf32, #tpu.memory_space<vmem>>, vector<1x1x64x384xf32>
    %get3A_1955 = vector.shape_cast %get3A_1954 : vector<1x1x64x384xf32> to vector<64x384xf32>
    %exp3A_1956 = math.exp %get3A_1955 : vector<64x384xf32>
    %add3A_1957 = arith.addf %add3A_1927, %exp3A_1956 : vector<64x384xf32>
    %eq3A_1958 = arith.constant 130 : i32
    %eq3A_1959 = vector.broadcast %eq3A_1958 : i32 to vector<64x384xi32>
    %eq3A_1960 = arith.cmpi eq, %get3A_3, %eq3A_1959 : vector<64x384xi32>
    %jit3A_1961 = arith.constant 0.000000e+00 : f32
    %broadcast_in_dim3A_1962 = vector.broadcast %jit3A_1961 : f32 to vector<64x384xf32>
    %select_n3A_1963 = arith.select %eq3A_1960, %get3A_1955, %broadcast_in_dim3A_1962 : vector<64x384xi1>, vector<64x384xf32>
    %add3A_1964 = arith.addf %add3A_1934, %select_n3A_1963 : vector<64x384xf32>
    %get3A_1965 = arith.constant 0 : index
    %get3A_1966 = arith.constant 131 : index
    %get3A_1967 = arith.constant 0 : index
    %get3A_1968 = arith.constant 0 : index
    %get3A_1969 = vector.load %arg2[%get3A_1965, %get3A_1966, %get3A_1967, %get3A_1968] : memref<1x150x64x384xf32, #tpu.memory_space<vmem>>, vector<1x1x64x384xf32>
    %get3A_1970 = vector.shape_cast %get3A_1969 : vector<1x1x64x384xf32> to vector<64x384xf32>
    %exp3A_1971 = math.exp %get3A_1970 : vector<64x384xf32>
    %add3A_1972 = arith.addf %add3A_1942, %exp3A_1971 : vector<64x384xf32>
    %eq3A_1973 = arith.constant 131 : i32
    %eq3A_1974 = vector.broadcast %eq3A_1973 : i32 to vector<64x384xi32>
    %eq3A_1975 = arith.cmpi eq, %get3A_3, %eq3A_1974 : vector<64x384xi32>
    %jit3A_1976 = arith.constant 0.000000e+00 : f32
    %broadcast_in_dim3A_1977 = vector.broadcast %jit3A_1976 : f32 to vector<64x384xf32>
    %select_n3A_1978 = arith.select %eq3A_1975, %get3A_1970, %broadcast_in_dim3A_1977 : vector<64x384xi1>, vector<64x384xf32>
    %add3A_1979 = arith.addf %add3A_1949, %select_n3A_1978 : vector<64x384xf32>
    %get3A_1980 = arith.constant 0 : index
    %get3A_1981 = arith.constant 132 : index
    %get3A_1982 = arith.constant 0 : index
    %get3A_1983 = arith.constant 0 : index
    %get3A_1984 = vector.load %arg2[%get3A_1980, %get3A_1981, %get3A_1982, %get3A_1983] : memref<1x150x64x384xf32, #tpu.memory_space<vmem>>, vector<1x1x64x384xf32>
    %get3A_1985 = vector.shape_cast %get3A_1984 : vector<1x1x64x384xf32> to vector<64x384xf32>
    %exp3A_1986 = math.exp %get3A_1985 : vector<64x384xf32>
    %add3A_1987 = arith.addf %add3A_1957, %exp3A_1986 : vector<64x384xf32>
    %eq3A_1988 = arith.constant 132 : i32
    %eq3A_1989 = vector.broadcast %eq3A_1988 : i32 to vector<64x384xi32>
    %eq3A_1990 = arith.cmpi eq, %get3A_3, %eq3A_1989 : vector<64x384xi32>
    %jit3A_1991 = arith.constant 0.000000e+00 : f32
    %broadcast_in_dim3A_1992 = vector.broadcast %jit3A_1991 : f32 to vector<64x384xf32>
    %select_n3A_1993 = arith.select %eq3A_1990, %get3A_1985, %broadcast_in_dim3A_1992 : vector<64x384xi1>, vector<64x384xf32>
    %add3A_1994 = arith.addf %add3A_1964, %select_n3A_1993 : vector<64x384xf32>
    %get3A_1995 = arith.constant 0 : index
    %get3A_1996 = arith.constant 133 : index
    %get3A_1997 = arith.constant 0 : index
    %get3A_1998 = arith.constant 0 : index
    %get3A_1999 = vector.load %arg2[%get3A_1995, %get3A_1996, %get3A_1997, %get3A_1998] : memref<1x150x64x384xf32, #tpu.memory_space<vmem>>, vector<1x1x64x384xf32>
    %get3A_2000 = vector.shape_cast %get3A_1999 : vector<1x1x64x384xf32> to vector<64x384xf32>
    %exp3A_2001 = math.exp %get3A_2000 : vector<64x384xf32>
    %add3A_2002 = arith.addf %add3A_1972, %exp3A_2001 : vector<64x384xf32>
    %eq3A_2003 = arith.constant 133 : i32
    %eq3A_2004 = vector.broadcast %eq3A_2003 : i32 to vector<64x384xi32>
    %eq3A_2005 = arith.cmpi eq, %get3A_3, %eq3A_2004 : vector<64x384xi32>
    %jit3A_2006 = arith.constant 0.000000e+00 : f32
    %broadcast_in_dim3A_2007 = vector.broadcast %jit3A_2006 : f32 to vector<64x384xf32>
    %select_n3A_2008 = arith.select %eq3A_2005, %get3A_2000, %broadcast_in_dim3A_2007 : vector<64x384xi1>, vector<64x384xf32>
    %add3A_2009 = arith.addf %add3A_1979, %select_n3A_2008 : vector<64x384xf32>
    %get3A_2010 = arith.constant 0 : index
    %get3A_2011 = arith.constant 134 : index
    %get3A_2012 = arith.constant 0 : index
    %get3A_2013 = arith.constant 0 : index
    %get3A_2014 = vector.load %arg2[%get3A_2010, %get3A_2011, %get3A_2012, %get3A_2013] : memref<1x150x64x384xf32, #tpu.memory_space<vmem>>, vector<1x1x64x384xf32>
    %get3A_2015 = vector.shape_cast %get3A_2014 : vector<1x1x64x384xf32> to vector<64x384xf32>
    %exp3A_2016 = math.exp %get3A_2015 : vector<64x384xf32>
    %add3A_2017 = arith.addf %add3A_1987, %exp3A_2016 : vector<64x384xf32>
    %eq3A_2018 = arith.constant 134 : i32
    %eq3A_2019 = vector.broadcast %eq3A_2018 : i32 to vector<64x384xi32>
    %eq3A_2020 = arith.cmpi eq, %get3A_3, %eq3A_2019 : vector<64x384xi32>
    %jit3A_2021 = arith.constant 0.000000e+00 : f32
    %broadcast_in_dim3A_2022 = vector.broadcast %jit3A_2021 : f32 to vector<64x384xf32>
    %select_n3A_2023 = arith.select %eq3A_2020, %get3A_2015, %broadcast_in_dim3A_2022 : vector<64x384xi1>, vector<64x384xf32>
    %add3A_2024 = arith.addf %add3A_1994, %select_n3A_2023 : vector<64x384xf32>
    %get3A_2025 = arith.constant 0 : index
    %get3A_2026 = arith.constant 135 : index
    %get3A_2027 = arith.constant 0 : index
    %get3A_2028 = arith.constant 0 : index
    %get3A_2029 = vector.load %arg2[%get3A_2025, %get3A_2026, %get3A_2027, %get3A_2028] : memref<1x150x64x384xf32, #tpu.memory_space<vmem>>, vector<1x1x64x384xf32>
    %get3A_2030 = vector.shape_cast %get3A_2029 : vector<1x1x64x384xf32> to vector<64x384xf32>
    %exp3A_2031 = math.exp %get3A_2030 : vector<64x384xf32>
    %add3A_2032 = arith.addf %add3A_2002, %exp3A_2031 : vector<64x384xf32>
    %eq3A_2033 = arith.constant 135 : i32
    %eq3A_2034 = vector.broadcast %eq3A_2033 : i32 to vector<64x384xi32>
    %eq3A_2035 = arith.cmpi eq, %get3A_3, %eq3A_2034 : vector<64x384xi32>
    %jit3A_2036 = arith.constant 0.000000e+00 : f32
    %broadcast_in_dim3A_2037 = vector.broadcast %jit3A_2036 : f32 to vector<64x384xf32>
    %select_n3A_2038 = arith.select %eq3A_2035, %get3A_2030, %broadcast_in_dim3A_2037 : vector<64x384xi1>, vector<64x384xf32>
    %add3A_2039 = arith.addf %add3A_2009, %select_n3A_2038 : vector<64x384xf32>
    %get3A_2040 = arith.constant 0 : index
    %get3A_2041 = arith.constant 136 : index
    %get3A_2042 = arith.constant 0 : index
    %get3A_2043 = arith.constant 0 : index
    %get3A_2044 = vector.load %arg2[%get3A_2040, %get3A_2041, %get3A_2042, %get3A_2043] : memref<1x150x64x384xf32, #tpu.memory_space<vmem>>, vector<1x1x64x384xf32>
    %get3A_2045 = vector.shape_cast %get3A_2044 : vector<1x1x64x384xf32> to vector<64x384xf32>
    %exp3A_2046 = math.exp %get3A_2045 : vector<64x384xf32>
    %add3A_2047 = arith.addf %add3A_2017, %exp3A_2046 : vector<64x384xf32>
    %eq3A_2048 = arith.constant 136 : i32
    %eq3A_2049 = vector.broadcast %eq3A_2048 : i32 to vector<64x384xi32>
    %eq3A_2050 = arith.cmpi eq, %get3A_3, %eq3A_2049 : vector<64x384xi32>
    %jit3A_2051 = arith.constant 0.000000e+00 : f32
    %broadcast_in_dim3A_2052 = vector.broadcast %jit3A_2051 : f32 to vector<64x384xf32>
    %select_n3A_2053 = arith.select %eq3A_2050, %get3A_2045, %broadcast_in_dim3A_2052 : vector<64x384xi1>, vector<64x384xf32>
    %add3A_2054 = arith.addf %add3A_2024, %select_n3A_2053 : vector<64x384xf32>
    %get3A_2055 = arith.constant 0 : index
    %get3A_2056 = arith.constant 137 : index
    %get3A_2057 = arith.constant 0 : index
    %get3A_2058 = arith.constant 0 : index
    %get3A_2059 = vector.load %arg2[%get3A_2055, %get3A_2056, %get3A_2057, %get3A_2058] : memref<1x150x64x384xf32, #tpu.memory_space<vmem>>, vector<1x1x64x384xf32>
    %get3A_2060 = vector.shape_cast %get3A_2059 : vector<1x1x64x384xf32> to vector<64x384xf32>
    %exp3A_2061 = math.exp %get3A_2060 : vector<64x384xf32>
    %add3A_2062 = arith.addf %add3A_2032, %exp3A_2061 : vector<64x384xf32>
    %eq3A_2063 = arith.constant 137 : i32
    %eq3A_2064 = vector.broadcast %eq3A_2063 : i32 to vector<64x384xi32>
    %eq3A_2065 = arith.cmpi eq, %get3A_3, %eq3A_2064 : vector<64x384xi32>
    %jit3A_2066 = arith.constant 0.000000e+00 : f32
    %broadcast_in_dim3A_2067 = vector.broadcast %jit3A_2066 : f32 to vector<64x384xf32>
    %select_n3A_2068 = arith.select %eq3A_2065, %get3A_2060, %broadcast_in_dim3A_2067 : vector<64x384xi1>, vector<64x384xf32>
    %add3A_2069 = arith.addf %add3A_2039, %select_n3A_2068 : vector<64x384xf32>
    %get3A_2070 = arith.constant 0 : index
    %get3A_2071 = arith.constant 138 : index
    %get3A_2072 = arith.constant 0 : index
    %get3A_2073 = arith.constant 0 : index
    %get3A_2074 = vector.load %arg2[%get3A_2070, %get3A_2071, %get3A_2072, %get3A_2073] : memref<1x150x64x384xf32, #tpu.memory_space<vmem>>, vector<1x1x64x384xf32>
    %get3A_2075 = vector.shape_cast %get3A_2074 : vector<1x1x64x384xf32> to vector<64x384xf32>
    %exp3A_2076 = math.exp %get3A_2075 : vector<64x384xf32>
    %add3A_2077 = arith.addf %add3A_2047, %exp3A_2076 : vector<64x384xf32>
    %eq3A_2078 = arith.constant 138 : i32
    %eq3A_2079 = vector.broadcast %eq3A_2078 : i32 to vector<64x384xi32>
    %eq3A_2080 = arith.cmpi eq, %get3A_3, %eq3A_2079 : vector<64x384xi32>
    %jit3A_2081 = arith.constant 0.000000e+00 : f32
    %broadcast_in_dim3A_2082 = vector.broadcast %jit3A_2081 : f32 to vector<64x384xf32>
    %select_n3A_2083 = arith.select %eq3A_2080, %get3A_2075, %broadcast_in_dim3A_2082 : vector<64x384xi1>, vector<64x384xf32>
    %add3A_2084 = arith.addf %add3A_2054, %select_n3A_2083 : vector<64x384xf32>
    %get3A_2085 = arith.constant 0 : index
    %get3A_2086 = arith.constant 139 : index
    %get3A_2087 = arith.constant 0 : index
    %get3A_2088 = arith.constant 0 : index
    %get3A_2089 = vector.load %arg2[%get3A_2085, %get3A_2086, %get3A_2087, %get3A_2088] : memref<1x150x64x384xf32, #tpu.memory_space<vmem>>, vector<1x1x64x384xf32>
    %get3A_2090 = vector.shape_cast %get3A_2089 : vector<1x1x64x384xf32> to vector<64x384xf32>
    %exp3A_2091 = math.exp %get3A_2090 : vector<64x384xf32>
    %add3A_2092 = arith.addf %add3A_2062, %exp3A_2091 : vector<64x384xf32>
    %eq3A_2093 = arith.constant 139 : i32
    %eq3A_2094 = vector.broadcast %eq3A_2093 : i32 to vector<64x384xi32>
    %eq3A_2095 = arith.cmpi eq, %get3A_3, %eq3A_2094 : vector<64x384xi32>
    %jit3A_2096 = arith.constant 0.000000e+00 : f32
    %broadcast_in_dim3A_2097 = vector.broadcast %jit3A_2096 : f32 to vector<64x384xf32>
    %select_n3A_2098 = arith.select %eq3A_2095, %get3A_2090, %broadcast_in_dim3A_2097 : vector<64x384xi1>, vector<64x384xf32>
    %add3A_2099 = arith.addf %add3A_2069, %select_n3A_2098 : vector<64x384xf32>
    %get3A_2100 = arith.constant 0 : index
    %get3A_2101 = arith.constant 140 : index
    %get3A_2102 = arith.constant 0 : index
    %get3A_2103 = arith.constant 0 : index
    %get3A_2104 = vector.load %arg2[%get3A_2100, %get3A_2101, %get3A_2102, %get3A_2103] : memref<1x150x64x384xf32, #tpu.memory_space<vmem>>, vector<1x1x64x384xf32>
    %get3A_2105 = vector.shape_cast %get3A_2104 : vector<1x1x64x384xf32> to vector<64x384xf32>
    %exp3A_2106 = math.exp %get3A_2105 : vector<64x384xf32>
    %add3A_2107 = arith.addf %add3A_2077, %exp3A_2106 : vector<64x384xf32>
    %eq3A_2108 = arith.constant 140 : i32
    %eq3A_2109 = vector.broadcast %eq3A_2108 : i32 to vector<64x384xi32>
    %eq3A_2110 = arith.cmpi eq, %get3A_3, %eq3A_2109 : vector<64x384xi32>
    %jit3A_2111 = arith.constant 0.000000e+00 : f32
    %broadcast_in_dim3A_2112 = vector.broadcast %jit3A_2111 : f32 to vector<64x384xf32>
    %select_n3A_2113 = arith.select %eq3A_2110, %get3A_2105, %broadcast_in_dim3A_2112 : vector<64x384xi1>, vector<64x384xf32>
    %add3A_2114 = arith.addf %add3A_2084, %select_n3A_2113 : vector<64x384xf32>
    %get3A_2115 = arith.constant 0 : index
    %get3A_2116 = arith.constant 141 : index
    %get3A_2117 = arith.constant 0 : index
    %get3A_2118 = arith.constant 0 : index
    %get3A_2119 = vector.load %arg2[%get3A_2115, %get3A_2116, %get3A_2117, %get3A_2118] : memref<1x150x64x384xf32, #tpu.memory_space<vmem>>, vector<1x1x64x384xf32>
    %get3A_2120 = vector.shape_cast %get3A_2119 : vector<1x1x64x384xf32> to vector<64x384xf32>
    %exp3A_2121 = math.exp %get3A_2120 : vector<64x384xf32>
    %add3A_2122 = arith.addf %add3A_2092, %exp3A_2121 : vector<64x384xf32>
    %eq3A_2123 = arith.constant 141 : i32
    %eq3A_2124 = vector.broadcast %eq3A_2123 : i32 to vector<64x384xi32>
    %eq3A_2125 = arith.cmpi eq, %get3A_3, %eq3A_2124 : vector<64x384xi32>
    %jit3A_2126 = arith.constant 0.000000e+00 : f32
    %broadcast_in_dim3A_2127 = vector.broadcast %jit3A_2126 : f32 to vector<64x384xf32>
    %select_n3A_2128 = arith.select %eq3A_2125, %get3A_2120, %broadcast_in_dim3A_2127 : vector<64x384xi1>, vector<64x384xf32>
    %add3A_2129 = arith.addf %add3A_2099, %select_n3A_2128 : vector<64x384xf32>
    %get3A_2130 = arith.constant 0 : index
    %get3A_2131 = arith.constant 142 : index
    %get3A_2132 = arith.constant 0 : index
    %get3A_2133 = arith.constant 0 : index
    %get3A_2134 = vector.load %arg2[%get3A_2130, %get3A_2131, %get3A_2132, %get3A_2133] : memref<1x150x64x384xf32, #tpu.memory_space<vmem>>, vector<1x1x64x384xf32>
    %get3A_2135 = vector.shape_cast %get3A_2134 : vector<1x1x64x384xf32> to vector<64x384xf32>
    %exp3A_2136 = math.exp %get3A_2135 : vector<64x384xf32>
    %add3A_2137 = arith.addf %add3A_2107, %exp3A_2136 : vector<64x384xf32>
    %eq3A_2138 = arith.constant 142 : i32
    %eq3A_2139 = vector.broadcast %eq3A_2138 : i32 to vector<64x384xi32>
    %eq3A_2140 = arith.cmpi eq, %get3A_3, %eq3A_2139 : vector<64x384xi32>
    %jit3A_2141 = arith.constant 0.000000e+00 : f32
    %broadcast_in_dim3A_2142 = vector.broadcast %jit3A_2141 : f32 to vector<64x384xf32>
    %select_n3A_2143 = arith.select %eq3A_2140, %get3A_2135, %broadcast_in_dim3A_2142 : vector<64x384xi1>, vector<64x384xf32>
    %add3A_2144 = arith.addf %add3A_2114, %select_n3A_2143 : vector<64x384xf32>
    %get3A_2145 = arith.constant 0 : index
    %get3A_2146 = arith.constant 143 : index
    %get3A_2147 = arith.constant 0 : index
    %get3A_2148 = arith.constant 0 : index
    %get3A_2149 = vector.load %arg2[%get3A_2145, %get3A_2146, %get3A_2147, %get3A_2148] : memref<1x150x64x384xf32, #tpu.memory_space<vmem>>, vector<1x1x64x384xf32>
    %get3A_2150 = vector.shape_cast %get3A_2149 : vector<1x1x64x384xf32> to vector<64x384xf32>
    %exp3A_2151 = math.exp %get3A_2150 : vector<64x384xf32>
    %add3A_2152 = arith.addf %add3A_2122, %exp3A_2151 : vector<64x384xf32>
    %eq3A_2153 = arith.constant 143 : i32
    %eq3A_2154 = vector.broadcast %eq3A_2153 : i32 to vector<64x384xi32>
    %eq3A_2155 = arith.cmpi eq, %get3A_3, %eq3A_2154 : vector<64x384xi32>
    %jit3A_2156 = arith.constant 0.000000e+00 : f32
    %broadcast_in_dim3A_2157 = vector.broadcast %jit3A_2156 : f32 to vector<64x384xf32>
    %select_n3A_2158 = arith.select %eq3A_2155, %get3A_2150, %broadcast_in_dim3A_2157 : vector<64x384xi1>, vector<64x384xf32>
    %add3A_2159 = arith.addf %add3A_2129, %select_n3A_2158 : vector<64x384xf32>
    %get3A_2160 = arith.constant 0 : index
    %get3A_2161 = arith.constant 144 : index
    %get3A_2162 = arith.constant 0 : index
    %get3A_2163 = arith.constant 0 : index
    %get3A_2164 = vector.load %arg2[%get3A_2160, %get3A_2161, %get3A_2162, %get3A_2163] : memref<1x150x64x384xf32, #tpu.memory_space<vmem>>, vector<1x1x64x384xf32>
    %get3A_2165 = vector.shape_cast %get3A_2164 : vector<1x1x64x384xf32> to vector<64x384xf32>
    %exp3A_2166 = math.exp %get3A_2165 : vector<64x384xf32>
    %add3A_2167 = arith.addf %add3A_2137, %exp3A_2166 : vector<64x384xf32>
    %eq3A_2168 = arith.constant 144 : i32
    %eq3A_2169 = vector.broadcast %eq3A_2168 : i32 to vector<64x384xi32>
    %eq3A_2170 = arith.cmpi eq, %get3A_3, %eq3A_2169 : vector<64x384xi32>
    %jit3A_2171 = arith.constant 0.000000e+00 : f32
    %broadcast_in_dim3A_2172 = vector.broadcast %jit3A_2171 : f32 to vector<64x384xf32>
    %select_n3A_2173 = arith.select %eq3A_2170, %get3A_2165, %broadcast_in_dim3A_2172 : vector<64x384xi1>, vector<64x384xf32>
    %add3A_2174 = arith.addf %add3A_2144, %select_n3A_2173 : vector<64x384xf32>
    %get3A_2175 = arith.constant 0 : index
    %get3A_2176 = arith.constant 145 : index
    %get3A_2177 = arith.constant 0 : index
    %get3A_2178 = arith.constant 0 : index
    %get3A_2179 = vector.load %arg2[%get3A_2175, %get3A_2176, %get3A_2177, %get3A_2178] : memref<1x150x64x384xf32, #tpu.memory_space<vmem>>, vector<1x1x64x384xf32>
    %get3A_2180 = vector.shape_cast %get3A_2179 : vector<1x1x64x384xf32> to vector<64x384xf32>
    %exp3A_2181 = math.exp %get3A_2180 : vector<64x384xf32>
    %add3A_2182 = arith.addf %add3A_2152, %exp3A_2181 : vector<64x384xf32>
    %eq3A_2183 = arith.constant 145 : i32
    %eq3A_2184 = vector.broadcast %eq3A_2183 : i32 to vector<64x384xi32>
    %eq3A_2185 = arith.cmpi eq, %get3A_3, %eq3A_2184 : vector<64x384xi32>
    %jit3A_2186 = arith.constant 0.000000e+00 : f32
    %broadcast_in_dim3A_2187 = vector.broadcast %jit3A_2186 : f32 to vector<64x384xf32>
    %select_n3A_2188 = arith.select %eq3A_2185, %get3A_2180, %broadcast_in_dim3A_2187 : vector<64x384xi1>, vector<64x384xf32>
    %add3A_2189 = arith.addf %add3A_2159, %select_n3A_2188 : vector<64x384xf32>
    %get3A_2190 = arith.constant 0 : index
    %get3A_2191 = arith.constant 146 : index
    %get3A_2192 = arith.constant 0 : index
    %get3A_2193 = arith.constant 0 : index
    %get3A_2194 = vector.load %arg2[%get3A_2190, %get3A_2191, %get3A_2192, %get3A_2193] : memref<1x150x64x384xf32, #tpu.memory_space<vmem>>, vector<1x1x64x384xf32>
    %get3A_2195 = vector.shape_cast %get3A_2194 : vector<1x1x64x384xf32> to vector<64x384xf32>
    %exp3A_2196 = math.exp %get3A_2195 : vector<64x384xf32>
    %add3A_2197 = arith.addf %add3A_2167, %exp3A_2196 : vector<64x384xf32>
    %eq3A_2198 = arith.constant 146 : i32
    %eq3A_2199 = vector.broadcast %eq3A_2198 : i32 to vector<64x384xi32>
    %eq3A_2200 = arith.cmpi eq, %get3A_3, %eq3A_2199 : vector<64x384xi32>
    %jit3A_2201 = arith.constant 0.000000e+00 : f32
    %broadcast_in_dim3A_2202 = vector.broadcast %jit3A_2201 : f32 to vector<64x384xf32>
    %select_n3A_2203 = arith.select %eq3A_2200, %get3A_2195, %broadcast_in_dim3A_2202 : vector<64x384xi1>, vector<64x384xf32>
    %add3A_2204 = arith.addf %add3A_2174, %select_n3A_2203 : vector<64x384xf32>
    %get3A_2205 = arith.constant 0 : index
    %get3A_2206 = arith.constant 147 : index
    %get3A_2207 = arith.constant 0 : index
    %get3A_2208 = arith.constant 0 : index
    %get3A_2209 = vector.load %arg2[%get3A_2205, %get3A_2206, %get3A_2207, %get3A_2208] : memref<1x150x64x384xf32, #tpu.memory_space<vmem>>, vector<1x1x64x384xf32>
    %get3A_2210 = vector.shape_cast %get3A_2209 : vector<1x1x64x384xf32> to vector<64x384xf32>
    %exp3A_2211 = math.exp %get3A_2210 : vector<64x384xf32>
    %add3A_2212 = arith.addf %add3A_2182, %exp3A_2211 : vector<64x384xf32>
    %eq3A_2213 = arith.constant 147 : i32
    %eq3A_2214 = vector.broadcast %eq3A_2213 : i32 to vector<64x384xi32>
    %eq3A_2215 = arith.cmpi eq, %get3A_3, %eq3A_2214 : vector<64x384xi32>
    %jit3A_2216 = arith.constant 0.000000e+00 : f32
    %broadcast_in_dim3A_2217 = vector.broadcast %jit3A_2216 : f32 to vector<64x384xf32>
    %select_n3A_2218 = arith.select %eq3A_2215, %get3A_2210, %broadcast_in_dim3A_2217 : vector<64x384xi1>, vector<64x384xf32>
    %add3A_2219 = arith.addf %add3A_2189, %select_n3A_2218 : vector<64x384xf32>
    %get3A_2220 = arith.constant 0 : index
    %get3A_2221 = arith.constant 148 : index
    %get3A_2222 = arith.constant 0 : index
    %get3A_2223 = arith.constant 0 : index
    %get3A_2224 = vector.load %arg2[%get3A_2220, %get3A_2221, %get3A_2222, %get3A_2223] : memref<1x150x64x384xf32, #tpu.memory_space<vmem>>, vector<1x1x64x384xf32>
    %get3A_2225 = vector.shape_cast %get3A_2224 : vector<1x1x64x384xf32> to vector<64x384xf32>
    %exp3A_2226 = math.exp %get3A_2225 : vector<64x384xf32>
    %add3A_2227 = arith.addf %add3A_2197, %exp3A_2226 : vector<64x384xf32>
    %eq3A_2228 = arith.constant 148 : i32
    %eq3A_2229 = vector.broadcast %eq3A_2228 : i32 to vector<64x384xi32>
    %eq3A_2230 = arith.cmpi eq, %get3A_3, %eq3A_2229 : vector<64x384xi32>
    %jit3A_2231 = arith.constant 0.000000e+00 : f32
    %broadcast_in_dim3A_2232 = vector.broadcast %jit3A_2231 : f32 to vector<64x384xf32>
    %select_n3A_2233 = arith.select %eq3A_2230, %get3A_2225, %broadcast_in_dim3A_2232 : vector<64x384xi1>, vector<64x384xf32>
    %add3A_2234 = arith.addf %add3A_2204, %select_n3A_2233 : vector<64x384xf32>
    %get3A_2235 = arith.constant 0 : index
    %get3A_2236 = arith.constant 149 : index
    %get3A_2237 = arith.constant 0 : index
    %get3A_2238 = arith.constant 0 : index
    %get3A_2239 = vector.load %arg2[%get3A_2235, %get3A_2236, %get3A_2237, %get3A_2238] : memref<1x150x64x384xf32, #tpu.memory_space<vmem>>, vector<1x1x64x384xf32>
    %get3A_2240 = vector.shape_cast %get3A_2239 : vector<1x1x64x384xf32> to vector<64x384xf32>
    %exp3A_2241 = math.exp %get3A_2240 : vector<64x384xf32>
    %add3A_2242 = arith.addf %add3A_2212, %exp3A_2241 : vector<64x384xf32>
    %eq3A_2243 = arith.constant 149 : i32
    %eq3A_2244 = vector.broadcast %eq3A_2243 : i32 to vector<64x384xi32>
    %eq3A_2245 = arith.cmpi eq, %get3A_3, %eq3A_2244 : vector<64x384xi32>
    %jit3A_2246 = arith.constant 0.000000e+00 : f32
    %broadcast_in_dim3A_2247 = vector.broadcast %jit3A_2246 : f32 to vector<64x384xf32>
    %select_n3A_2248 = arith.select %eq3A_2245, %get3A_2240, %broadcast_in_dim3A_2247 : vector<64x384xi1>, vector<64x384xf32>
    %add3A_2249 = arith.addf %add3A_2219, %select_n3A_2248 : vector<64x384xf32>
    %add3A_2250 = arith.addf %add3A_2227, %add3A_2242 : vector<64x384xf32>
    %log3A = math.log %add3A_2250 : vector<64x384xf32>
    %ne3A = arith.constant 255 : i32
    %ne3A_2251 = vector.broadcast %ne3A : i32 to vector<64x384xi32>
    %ne3A_2252 = arith.cmpi ne, %get3A_3, %ne3A_2251 : vector<64x384xi32>
    %add3A_2253 = arith.addf %add3A_2234, %add3A_2249 : vector<64x384xf32>
    %sub3A = arith.subf %log3A, %add3A_2253 : vector<64x384xf32>
    %max3A = arith.constant 0.000000e+00 : f32
    %max3A_2254 = vector.broadcast %max3A : f32 to vector<64x384xf32>
    %max3A_2255 = arith.maximumf %sub3A, %max3A_2254 : vector<64x384xf32>
    %jit3A_2256 = arith.constant 0.000000e+00 : f32
    %broadcast_in_dim3A_2257 = vector.broadcast %jit3A_2256 : f32 to vector<64x384xf32>
    %select_n3A_2258 = arith.select %ne3A_2252, %max3A_2255, %broadcast_in_dim3A_2257 : vector<64x384xi1>, vector<64x384xf32>
    %swap3A = arith.constant 0 : index
    %swap3A_2259 = arith.constant 0 : index
    %swap3A_2260 = arith.constant 0 : index
    %swap3A_2261 = vector.load %arg4[%swap3A, %swap3A_2259, %swap3A_2260] : memref<1x64x384xf32, #tpu.memory_space<vmem>>, vector<1x64x384xf32>
    %swap3A_2262 = vector.shape_cast %swap3A_2261 : vector<1x64x384xf32> to vector<64x384xf32>
    %swap3A_2263 = vector.shape_cast %select_n3A_2258 : vector<64x384xf32> to vector<1x64x384xf32>
    tpu.vector_store %arg4[%swap3A, %swap3A_2259, %swap3A_2260], %swap3A_2263 {strides = array<i32>} : memref<1x64x384xf32, #tpu.memory_space<vmem>>, vector<1x64x384xf32>,
    return
  }
  func.func @transform_0(%arg0: i32, %arg1: i32) -> (i32, i32, i32, i32) {
    %add3A = arith.constant 0 : i32
    %add3A_0 = arith.addi %arg0, %add3A : i32
    %c0_i32 = arith.constant 0 : i32
    %c0_i32_1 = arith.constant 0 : i32
    %c0_i32_2 = arith.constant 0 : i32
    return %add3A_0, %c0_i32, %arg1, %c0_i32_1 : i32, i32, i32, i32
  }
  func.func @transform_1(%arg0: i32, %arg1: i32) -> (i32, i32, i32) {
    %add3A = arith.constant 0 : i32
    %add3A_0 = arith.addi %arg0, %add3A : i32
    %c0_i32 = arith.constant 0 : i32
    %c0_i32_1 = arith.constant 0 : i32
    return %add3A_0, %arg1, %c0_i32 : i32, i32, i32
  }
  func.func @transform_2(%arg0: i32, %arg1: i32) -> (i32, i32, i32) {
    %c0_i32 = arith.constant 0 : i32
    %c0_i32_0 = arith.constant 0 : i32
    return %arg0, %arg1, %c0_i32 : i32, i32, i32
  }
}

</mosaic_0001>

<sc_bundles>
// kernel: kernel.10.cloned.1.call-start
scs
__scs_entry_jumppad:
0x0: {  	(pc) =	sbr.rel $0x88, $3  }
0x1: {  	(tag) =	ssettag $0x0;
	lr =	simm.s32 $0x1  }
0x2: {  	[smem:$0x3F9F] =	sst lr;
	_ =	strace $0xD0000000  }
0x3: {  	_ = 	snop  }
0x4: {  	_ = 	snop  }
0x5: {  	_ = 	snop  }
0x6: {  	_ = 	snop  }
0x7: {  	_ = 	snop  }
__scs_overlays_trampoline_lowered:
0x8: {  	[smem:$0x3FAE] =	sst s0  }
0x9: {  	[smem:$0x3FAF] =	sst s1  }
0xa: {  	[smem:$0x3FB0] =	sst s2  }
0xb: {  	[smem:$0x3FB1] =	sst s3  }
0xc: {  	[smem:$0x3FB2] =	sst s4  }
0xd: {  	[smem:$0x3FB3] =	sst s5  }
0xe: {  	[smem:$0x3FB4] =	sst s6  }
0xf: {  	[smem:$0x3FB5] =	sst s7  }
0x10: {  	[smem:$0x3FB6] =	sst s8  }
0x11: {  	[smem:$0x3FB7] =	sst s9;
	s0 =	simm.s32 @!p0 $0x0  }
0x12: {  	s1 =	sld [smem:$0x3F9D];
	s0 =	simm.s32 @p0 $0x1  }
0x13: {  	[smem:$0x3FB8] =	sst s0;
	s0 =	simm.s32 @!p1 $0x0  }
0x14: {  	s2 =	sld [smem:$0x3F9C];
	s0 =	simm.s32 @p1 $0x1  }
0x15: {  	[smem:$0x3FB9] =	sst s0;
	s0 =	simm.s32 @!p2 $0x0  }
0x16: {  	s3 =	sld [smem:$0x3FDB];
	s0 =	simm.s32 @p2 $0x1  }
0x17: {  	s4 =	simm.s32 $0x1BF5;
	[smem:$0x3FBB] =	sst s0  }
0x18: {  	s0 =	sld [smem:$0x3F9E];
	_ =	swait.ge [sflag:s4], $0x0  }
0x19: {  	s7 =	sld [smem:$0x3F9F]  }
0x1a: {  	s8 =	sadd.s32 $0xFFFFE003, lr  }
0x1b: {  	s9 =	sadd.s32 $0xFFFFFEF7, lr;
	s5 =	simm.s32 $0xFFFFFFFF;
	p2 =	slt.u32 s8, $0xFFFFF086  }
0x1c: {  	p1 =	slt.u32 s9, $0xF7A;
	s5 =	simm.s32 @!p2 $0x0  }
0x1d: {  	s5 =	simm.s32 @p1 $0x1;
	p0 =	seq.s32 s7, s2  }
0x1e: {  	s7 =	smul.u32 @!p0 $0xF7A, s2;
	p2 =	seq.s32 @!p0 s5, $0x0  }
0x1f: {  	s9 =	smul.u32 $0xF7A, s1;
	s8 =	simm.s32 @!p0 $0x1BF5;
	p2 =	por !p2, p0  }
0x20: {  	[sflag:s8] =	ssyncset.s32 @!p0 $0xFFFFF086;
	s6 =	sadd.s32 @!p0 s3, s7;
	s7 =	simm.s32 @!p0 $0x108  }
0x21: {  	s3 =	sadd.s32 s3, s9;
	s6 =	sadd.s32 @!p0 $0x88, s6;
	s7 =	simm.s32 @p2 $0x1082  }
0x22: {  	[simem:s7], [sflag:s8] =	dma.local @!p0 [hbm:s6], $0xF7A  }
0x23: {  	s9 =	sor.u32 $0xD0000000, s2;
	s6 =	simm.s32 $0x108;
	_ =	swait.ge @!p0 [sflag:s8], $0x0  }
0x24: {  	s3 =	sadd.s32 $0x88, s3;
	s6 =	simm.s32 @!p1 $0x1082;
	[sflag:s4] =	ssyncset.s32 $0xFFFFF086  }
0x25: {  	[simem:s6], [sflag:s4] =	dma.local [hbm:s3], $0xF7A  }
0x26: {  	[smem:$0x3F9F] =	sst s1;
	(tag) =	ssettag s2;
	_ =	strace s9  }
0x27: {  	s1 =	sld [smem:$0x3FAF]  }
0x28: {  	s2 =	sld [smem:$0x3FB0]  }
0x29: {  	s4 =	sld [smem:$0x3FB2]  }
0x2a: {  	p0 =	seq.s32 s5, $0x0;
	s5 =	sld [smem:$0x3FB3]  }
0x2b: {  	s6 =	sld [smem:$0x3FB4]  }
0x2c: {  	s7 =	sld [smem:$0x3FB5]  }
0x2d: {  	s3 =	simm.s32 $0x108;
	s8 =	sld [smem:$0x3FB6]  }
0x2e: {  	s3 =	simm.s32 @!p0 $0x1082;
	s9 =	sld [smem:$0x3FB7]  }
0x2f: {  	lr =	sadd.s32 s0, s3;
	s0 =	sld [smem:$0x3FAE]  }
0x30: {  	s3 =	sld [smem:$0x3FB1]  }
0x31: {  	[smem:$0x3FBA] =	sst s10  }
0x32: {  	s10 =	sld [smem:$0x3FB8];
	_ =	sdelay $0x3  }
0x33: {  	p0 =	seq.s32 s10, $0x1;
	s10 =	sld [smem:$0x3FBA];
	_ =	sdelay $0x3  }
0x34: {  	[smem:$0x3FBA] =	sst s10  }
0x35: {  	s10 =	sld [smem:$0x3FB9];
	_ =	sdelay $0x3  }
0x36: {  	p1 =	seq.s32 s10, $0x1;
	s10 =	sld [smem:$0x3FBA];
	_ =	sdelay $0x3  }
0x37: {  	[smem:$0x3FBA] =	sst s10  }
0x38: {  	s10 =	sld [smem:$0x3FBB]  }
0x39: {  	_ = 	snop;
	(pc) =	sbr.ind lr, $3  }
0x3a: {  	_ = 	snop  }
0x3b: {  	_ = 	snop  }
0x3c: {  	p2 =	seq.s32 s10, $0x1;
	s10 =	sld [smem:$0x3FBA]  }
0x3d: {  	_ =	shalt  }
0x3e: {  	_ =	shalt  }
0x3f: {  	_ =	shalt  }
0x40: {  	_ =	shalt  }
0x41: {  	_ =	shalt  }
0x42: {  	_ =	shalt  }
0x43: {  	_ =	shalt  }
0x44: {  	_ =	shalt  }
0x45: {  	_ =	shalt  }
0x46: {  	_ =	shalt  }
0x47: {  	_ =	shalt  }
0x48: {  	_ =	shalt  }
0x49: {  	_ =	shalt  }
0x4a: {  	_ =	shalt  }
0x4b: {  	_ =	shalt  }
0x4c: {  	_ =	shalt  }
0x4d: {  	_ =	shalt  }
0x4e: {  	_ =	shalt  }
0x4f: {  	_ =	shalt  }
0x50: {  	_ =	shalt  }
0x51: {  	_ =	shalt  }
0x52: {  	_ =	shalt  }
0x53: {  	_ =	shalt  }
0x54: {  	_ =	shalt  }
0x55: {  	_ =	shalt  }
0x56: {  	_ =	shalt  }
0x57: {  	_ =	shalt  }
0x58: {  	_ =	shalt  }
0x59: {  	_ =	shalt  }
0x5a: {  	_ =	shalt  }
0x5b: {  	_ =	shalt  }
0x5c: {  	_ =	shalt  }
0x5d: {  	_ =	shalt  }
0x5e: {  	_ =	shalt  }
0x5f: {  	_ =	shalt  }
0x60: {  	_ =	shalt  }
0x61: {  	_ =	shalt  }
0x62: {  	_ =	shalt  }
0x63: {  	_ =	shalt  }
0x64: {  	_ =	shalt  }
0x65: {  	_ =	shalt  }
0x66: {  	_ =	shalt  }
0x67: {  	_ =	shalt  }
0x68: {  	_ =	shalt  }
0x69: {  	_ =	shalt  }
0x6a: {  	_ =	shalt  }
0x6b: {  	_ =	shalt  }
0x6c: {  	_ =	shalt  }
0x6d: {  	_ =	shalt  }
0x6e: {  	_ =	shalt  }
0x6f: {  	_ =	shalt  }
0x70: {  	_ =	shalt  }
0x71: {  	_ =	shalt  }
0x72: {  	_ =	shalt  }
0x73: {  	_ =	shalt  }
0x74: {  	_ =	shalt  }
0x75: {  	_ =	shalt  }
0x76: {  	_ =	shalt  }
0x77: {  	_ =	shalt  }
0x78: {  	_ =	shalt  }
0x79: {  	_ =	shalt  }
0x7a: {  	_ =	shalt  }
0x7b: {  	_ =	shalt  }
0x7c: {  	_ =	shalt  }
0x7d: {  	_ =	shalt  }
0x7e: {  	_ =	shalt  }
0x7f: {  	_ =	shalt  }
0x80: {  	_ =	shalt  }
0x81: {  	_ =	shalt  }
0x82: {  	_ =	shalt  }
0x83: {  	_ =	shalt  }
0x84: {  	_ =	shalt  }
0x85: {  	_ =	shalt  }
0x86: {  	_ =	shalt  }
0x87: {  	_ =	shalt  }
.Lfunc_end0:
.L_simem_size_0:
called_computation.1_lowered:
.L_overlay_start_0:
0x88: {  	s2 =	sld [smem:$0x3FD9]  }
0x89: {  	s3 =	sld [smem:$0x3FFE];
	_ =	sdelay $0x1  }
0x8a: {  	s1 =	srdreg.scid  }
0x8b: {  	s0 =	sand.u32 $0x1, s1  }
0x8c: {  	s16 =	sshll.u32 s0, $0xA;
	s2 =	sadd.s32 s3, s2  }
0x8d: {  	s2 =	sadd.s32 s2, s16  }
0x8e: {  	[smem:$0x3FC6] =	sst s2  }
0x8f: {  	_ = 	snop  }
0x90: {  	(tm) =	ssettm $0x1  }
0x91: {  	s17 =	sld [smem:$0x3FFB];
	_ =	sdelay $0x3  }
0x92: {  	_ =	strace s17  }
0x93: {  	s2 =	sld [smem:$0x3FFC];
	_ =	sdelay $0x3  }
0x94: {  	_ =	strace s2  }
0x95: {  	s2 =	sld [smem:$0x3FFD];
	_ =	sdelay $0x3  }
0x96: {  	_ =	strace s2  }
0x97: {  	_ =	strace $0x8FFFFFFF  }
0x98: {  	s18 =	sld [smem:$0x3FDB];
	_ =	sdelay $0x1  }
0x99: {  	s19 =	simm.s32 $_scs_section_size  }
0x9a: {  	s4 =	simm.s32 $_size__tile_overlayer_lowered;
	s5 =	simm.s32 $_tile_overlayer_lowered  }
0x9b: {  	s22 =	simm.s32 $0x1BFF;
	s21 =	sshll.u32 s5, $0x1;
	s2 =	sadd.s32 s19, s18  }
0x9c: {  	s6 =	simm.s32 $0x0;
	s20 =	sshll.u32 s4, $0x1;
	s4 =	sadd.s32 s21, s2  }
0x9d: {  	[timem:s6], [sflag:s22] =	dma.local [hbm:s4], s20  }
0x9e: {  	_ =	swait.ge [sflag:s22], s20  }
0x9f: {  	s3 =	ssub.s32 $0x0, s20;
	[sflag:s22] =	ssyncset.done $0x0  }
0xa0: {  	[sflag:s22] =	ssyncadd.s32 s3;
	_ =	sdelay $0x1  }
0xa1: {  	s23 =	simm.s32 $0x1B8B  }
0xa2: {  	_ =	swait.ge [sflag:s23], $0x1  }
0xa3: {  	[sflag:s23] =	ssyncset.done $0x0  }
0xa4: {  	s25 =	simm.s32 $0x1B8E;
	s24 =	sld [smem:$0x3FFE];
	[sflag:s23] =	ssyncadd.s32 $0xFFFFFFFF  }
0xa5: {  	s26 =	simm.s32 $execute0_lowered;
	[smem:$0x3FD2] =	sst s25  }
0xa6: {  	s4 =	sshll.u32 s26, $0x1;
	_ =	strace $0x80000046;
	[dreg:$0x1] =	wrdreg $0xFFFFFFFF  }
0xa7: {  	s28 =	simm.s32 $_size_execute0_lowered;
	s2 =	sadd.s32 s2, s4;
	[dreg:$0x0] =	wrdreg $0x0  }
0xa8: {  	s4 =	sshll.u32 s28, $0x1;
	[dreg:$0x2] =	wrdreg s2  }
0xa9: {  	[dreg:$0x3] =	wrdreg s4  }
0xaa: {  	[dreg:$0x4] =	wrdreg $0xC0  }
0xab: {  	_ =	task [dreg:s6], $0x5FFFF  }
0xac: {  	[dreg:$0x1] =	wrdreg $0xFFFFFFFF  }
0xad: {  	[dreg:$0x0] =	wrdreg $0x60  }
0xae: {  	[dreg:$0x2] =	wrdreg s24  }
0xaf: {  	[dreg:$0x3] =	wrdreg $0xA  }
0xb0: {  	_ =	task.clear_ibuf [dreg:s6], $0x4FFFF;
	_ =	strace $0x90000046  }
0xb1: {  	s29 =	simm.s32 $0xA;
	_ =	strace $0x80000048  }
0xb2: {  	_ =	swait.ge [sflag:s29], $0x1  }
0xb3: {  	[sflag:s29] =	ssyncadd.s32 $0xFFFFFFFF  }
0xb4: {  	_ =	strace $0x90000048  }
0xb5: {  	_ =	sfence  }
0xb6: {  	s30 =	sld [smem:$0x0];
	_ =	sdelay $0x2  }
0xb7: {  	s31 =	sshll.u32 s1, $0xD;
	s1 =	sshrl.u32 s1, $0x2  }
0xb8: {  	s3 =	sand.u32 $0x4000, s31;
	s1 =	sadd.s32 s1, s30  }
0xb9: {  	s0 =	sor.u32 s3, s0;
	s1 =	sshll.u32 s1, $0x11  }
0xba: {  	s0 =	sor.u32 s1, s0  }
0xbb: {  	s0 =	sadd.s32 $0x8F2B, s0  }
0xbc: {  	[sflag:s0] =	ssyncadd.remote.s32 $0x1  }
0xbd: {  	_ =	sfence.sel $0xFFFF  }
0xbe: {  	[dreg:$0x0] =	wrdreg $0xFFFFFFFF;
	(pc) =	sbr.abs _section_cstart, $3  }
0xbf: {  	[dreg:$0x1] =	wrdreg $0xFFFFFFFF  }
0xc0: {  	_ =	task.clear_ibuf [dreg:s6], $0x2FFFF;
	_ =	strace $0x9FFFFFFF  }
0xc1: {  	(tm) =	ssettm $0x7FFFFFFF  }
tec
execute0_lowered:
.L_overlay_start_1:
0x0: {  	(tag) =	ssettag $0x1  }
0x1: {  	v0 =	vimm.s32 $0x2380;
	vm0 =	vcmask $0x300  }
0x2: {  	vm14 =	vcmask $0x704;
	v0 =	vsel vm0, $0x0, v0  }
0x3: {  	vm15 =	vcmask $0xB08;
	v0 =	vsel vm14, $0x80, v0  }
0x4: {  	vm4 =	vcmask $0xF0C;
	v0 =	vsel vm15, $0x100, v0  }
0x5: {  	vm5 =	vcmask $0x1310;
	v0 =	vsel vm4, $0x180, v0  }
0x6: {  	vm6 =	vcmask $0x1714;
	v0 =	vsel vm5, $0x200, v0  }
0x7: {  	vm7 =	vcmask $0x1B18;
	v0 =	vsel vm6, $0x280, v0  }
0x8: {  	s1 =	srdreg.scid;
	vm8 =	vcmask $0x1F1C;
	v0 =	vsel vm7, $0x300, v0  }
0x9: {  	s0 =	stileid.u32;
	s4 =	rddreg [dreg:$0x0];
	vm9 =	vcmask $0x2320;
	v0 =	vsel vm8, $0x380, v0  }
0xa: {  	s2 =	simm.s32 $0x0;
	vm10 =	vcmask $0x2724;
	s3 =	sand.u32 $0x1, s1;
	s1 =	rddreg [dreg:$0x1];
	v0 =	vsel vm9, $0x2000, v0  }
0xb: {  	vm11 =	vcmask $0x2B28;
	s9 =	simm.s32 $0x0;
	s5 =	sshll.u32 s0, $0x1;
	[smem:$0x7FF] =	sst s2;
	v0 =	vsel vm10, $0x2080, v0  }
0xc: {  	vm12 =	vcmask $0x2F2C;
	s5 =	sor.u32 s3, s5;
	_ =	strace $0x80000047;
	s7 =	ssub.s32 $0x2, s3;
	v0 =	vsel vm11, $0x2100, v0  }
0xd: {  	vm13 =	vcmask $0x3330;
	s6 =	smul.u32 $0x480, s5;
	s5 =	sshll.u32 s5, $0xB;
	s8 =	sshrl.u32 s7, $0x1;
	v0 =	vsel vm12, $0x2180, v0  }
0xe: {  	s3 =	sadd.s32 $0xA000, s4;
	vm14 =	vcmask $0x3734;
	s5 =	sadd.s32 s5, s4;
	s7 =	ssub.s32 s7, s8;
	v0 =	vsel vm13, $0x2200, v0  }
0xf: {  	vm15 =	vcmask $0x3B38;
	s8 =	simm.s32 $0x2400;
	s6 =	sadd.s32 s6, s4;
	s5 =	sadd.s32 $0xA800, s5;
	v0 =	vsel vm14, $0x2280, v0  }
0x10: {  	v1 =	vimm.s32 $0x1;
	s4 =	sadd.s32 $0x1000, s6;
	s6 =	smax.u32 s7, $0x1;
	s7 =	simm.s32 $0x1;
	v0 =	vsel vm15, $0x2300, v0  }
.LBB2_1:
0x11: {  	[tilespmem:s2], [sflag:$0x1] =	stream.linear.gather [hbm4b:s4+s2], $0x2400, $0x38;
	[tilespmem:$0x6400] =	vst v63  }
0x12: {  	_ =	swait.ge [sflag:s7], $0x2400  }
0x13: {  	[sflag:s7] =	ssyncset.done $0x0  }
0x14: {  	[sflag:s7] =	ssyncadd.s32 $0xFFFFDC00  }
0x15: {  	[tilespmem:s8], [sflag:$0x1] =	stream.linear.gather [hbm4b:s3+s2], $0x4000, $0x38;
	[tilespmem:$0x6400] =	vst v63  }
0x16: {  	_ =	swait.ge [sflag:s7], $0x4000  }
0x17: {  	[sflag:s7] =	ssyncset.done $0x0  }
0x18: {  	s10 =	simm.s32 $0x0;
	[sflag:s7] =	ssyncadd.s32 $0xFFFFC000  }
.LBB2_2:
0x19: {  	s11 =	sshra.s32 s10, $0x2  }
0x1a: {  	v2 =	vld [tilespmem:s11+$0x0];
	_ =	sdelay $0x4  }
0x1b: {  	v2 =	vshrl.u32 v2, $0x15  }
0x1c: {  	v2 =	vmin.u32 v2, $0x3FF  }
0x1d: {  	v3 =	vshll.u32 v2, $0x3  }
0x1e: {  	v2 =	vand.u32 $0x7F, v2;
	v3 =	vand.u32 $0x1C00, v3  }
0x1f: {  	v2 =	vor.u32 v3, v2  }
0x20: {  	v2 =	vor.u32 v0, v2;
	_ =	sdelay $0x4  }
0x21: {  	[tilespmem:v2+s8+$0x0] =	vst.idx.add.s32.msk $0xffff, v1  }
0x22: {  	v2 =	vld [tilespmem:s11+$0x10];
	_ =	sdelay $0x4  }
0x23: {  	v2 =	vshrl.u32 v2, $0x15  }
0x24: {  	v2 =	vmin.u32 v2, $0x3FF  }
0x25: {  	v3 =	vshll.u32 v2, $0x3  }
0x26: {  	v2 =	vand.u32 $0x7F, v2;
	v3 =	vand.u32 $0x1C00, v3  }
0x27: {  	v2 =	vor.u32 v3, v2  }
0x28: {  	v2 =	vor.u32 v0, v2;
	_ =	sdelay $0x4  }
0x29: {  	[tilespmem:v2+s8+$0x0] =	vst.idx.add.s32.msk $0xffff, v1  }
0x2a: {  	v2 =	vld [tilespmem:s11+$0x20];
	_ =	sdelay $0x4  }
0x2b: {  	v2 =	vshrl.u32 v2, $0x15  }
0x2c: {  	v2 =	vmin.u32 v2, $0x3FF  }
0x2d: {  	v3 =	vshll.u32 v2, $0x3  }
0x2e: {  	v2 =	vand.u32 $0x7F, v2;
	v3 =	vand.u32 $0x1C00, v3  }
0x2f: {  	v2 =	vor.u32 v3, v2  }
0x30: {  	v2 =	vor.u32 v0, v2;
	_ =	sdelay $0x4  }
0x31: {  	[tilespmem:v2+s8+$0x0] =	vst.idx.add.s32.msk $0xffff, v1  }
0x32: {  	v2 =	vld [tilespmem:s11+$0x30];
	_ =	sdelay $0x4  }
0x33: {  	v2 =	vshrl.u32 v2, $0x15  }
0x34: {  	v2 =	vmin.u32 v2, $0x3FF  }
0x35: {  	v3 =	vshll.u32 v2, $0x3  }
0x36: {  	v2 =	vand.u32 $0x7F, v2;
	v3 =	vand.u32 $0x1C00, v3  }
0x37: {  	v2 =	vor.u32 v3, v2  }
0x38: {  	p0 =	sne.s32 s10, $0x8F00;
	v2 =	vor.u32 v0, v2  }
.Ltmp0:
0x39: {  	_ = 	snop;
	(pc) =	sbr.rel @p0 .LBB2_2-.Ltmp0, $2  }
0x3a: {  	_ =	sdelay $0x2  }
0x3b: {  	s10 =	sadd.s32 $0x100, s10;
	[tilespmem:v2+s8+$0x0] =	vst.idx.add.s32.msk $0xffff, v1  }
0x3c: {  	s9 =	sadd.s32 $0x1, s9  }
0x3d: {  	p0 =	sne.s32 s9, s6  }
.Ltmp1:
0x3e: {  	_ = 	snop;
	(pc) =	sbr.rel @p0 .LBB2_1-.Ltmp1, $4  }
0x3f: {  	[hbm4b:s5+s2] =	stream.linear.scatter [tilespmem:s8], [sflag:$0x1], $0x4000, $0x38;
	[tilespmem:$0x6400] =	vst v63  }
0x40: {  	_ =	swait.ge [sflag:s7], $0x4000  }
0x41: {  	[sflag:s7] =	ssyncset.done $0x0  }
0x42: {  	[sflag:s7] =	ssyncadd.s32 $0xFFFFC000  }
0x43: {  	_ =	sfence.sel $0x180000  }
0x44: {  	[bflag:$0x0] =	sbarrier.arrive $0xFFFF  }
0x45: {  	p0 =	sne.s32 s0, $0x0;
	_ =	strace $0x90000047  }
0x46: {  	s0 =	sadd.s32 @!p0 $0x100000, s1;
	[bflag:$0x2] =	sbarrier.arrive $0xFFFF  }
0x47: {  	[sflag:s0] =	ssyncadd.tile.s32 @!p0 $0x1;
	_ =	shalt  }
.Lfunc_end2:
_tile_overlayer_lowered:
.L_overlay_start_2:
0x48: {  	(tag) =	ssettag $0x2  }
0x49: {  	s0 =	rddreg [dreg:$0x0];
	s2 =	stileid.u32  }
0x4a: {  	s1 =	rddreg [dreg:$0x1];
	p0 =	sne.s32 s2, $0x0  }
0x4b: {  	s3 =	rddreg [dreg:$0x2];
	[bflag:$0x3] =	sbarrier.arrive $0xFFFF;
	s2 =	simm.s32 @!p0 $0x1C01  }
0x4c: {  	[timem:s3], [sflag:s2] =	dma.local @!p0 [hbm:s0], s1  }
0x4d: {  	s0 =	simm.s32 @!p0 $0x1  }
0x4e: {  	_ =	swait.ge @!p0 [sflag:s0], s1  }
0x4f: {  	s1 =	ssub.s32 @!p0 $0x0, s1;
	[sflag:s0] =	ssyncset.done @!p0 $0x0  }
0x50: {  	[sflag:s0] =	ssyncadd.s32 @!p0 s1  }
0x51: {  	[bflag:$0x3] =	sbarrier.arrive $0xFFFF  }
0x52: {  	_ =	shalt  }

// kernel: kernel.7.cloned.1.call-start
scs
__scs_entry_jumppad:
0x0: {  	(pc) =	sbr.rel $0x88, $3  }
0x1: {  	(tag) =	ssettag $0x0;
	lr =	simm.s32 $0x1  }
0x2: {  	[smem:$0x3F9F] =	sst lr;
	_ =	strace $0xD0000000  }
0x3: {  	_ = 	snop  }
0x4: {  	_ = 	snop  }
0x5: {  	_ = 	snop  }
0x6: {  	_ = 	snop  }
0x7: {  	_ = 	snop  }
__scs_overlays_trampoline_lowered:
0x8: {  	[smem:$0x3FAE] =	sst s0  }
0x9: {  	[smem:$0x3FAF] =	sst s1  }
0xa: {  	[smem:$0x3FB0] =	sst s2  }
0xb: {  	[smem:$0x3FB1] =	sst s3  }
0xc: {  	[smem:$0x3FB2] =	sst s4  }
0xd: {  	[smem:$0x3FB3] =	sst s5  }
0xe: {  	[smem:$0x3FB4] =	sst s6  }
0xf: {  	[smem:$0x3FB5] =	sst s7  }
0x10: {  	[smem:$0x3FB6] =	sst s8  }
0x11: {  	[smem:$0x3FB7] =	sst s9;
	s0 =	simm.s32 @!p0 $0x0  }
0x12: {  	s1 =	sld [smem:$0x3F9D];
	s0 =	simm.s32 @p0 $0x1  }
0x13: {  	[smem:$0x3FB8] =	sst s0;
	s0 =	simm.s32 @!p1 $0x0  }
0x14: {  	s2 =	sld [smem:$0x3F9C];
	s0 =	simm.s32 @p1 $0x1  }
0x15: {  	[smem:$0x3FB9] =	sst s0;
	s0 =	simm.s32 @!p2 $0x0  }
0x16: {  	s3 =	sld [smem:$0x3FDB];
	s0 =	simm.s32 @p2 $0x1  }
0x17: {  	s4 =	simm.s32 $0x1BF5;
	[smem:$0x3FBB] =	sst s0  }
0x18: {  	s0 =	sld [smem:$0x3F9E];
	_ =	swait.ge [sflag:s4], $0x0  }
0x19: {  	s7 =	sld [smem:$0x3F9F]  }
0x1a: {  	s8 =	sadd.s32 $0xFFFFE003, lr  }
0x1b: {  	s9 =	sadd.s32 $0xFFFFFEF7, lr;
	s5 =	simm.s32 $0xFFFFFFFF;
	p2 =	slt.u32 s8, $0xFFFFF086  }
0x1c: {  	p1 =	slt.u32 s9, $0xF7A;
	s5 =	simm.s32 @!p2 $0x0  }
0x1d: {  	s5 =	simm.s32 @p1 $0x1;
	p0 =	seq.s32 s7, s2  }
0x1e: {  	s7 =	smul.u32 @!p0 $0xF7A, s2;
	p2 =	seq.s32 @!p0 s5, $0x0  }
0x1f: {  	s9 =	smul.u32 $0xF7A, s1;
	s8 =	simm.s32 @!p0 $0x1BF5;
	p2 =	por !p2, p0  }
0x20: {  	[sflag:s8] =	ssyncset.s32 @!p0 $0xFFFFF086;
	s6 =	sadd.s32 @!p0 s3, s7;
	s7 =	simm.s32 @!p0 $0x108  }
0x21: {  	s3 =	sadd.s32 s3, s9;
	s6 =	sadd.s32 @!p0 $0x88, s6;
	s7 =	simm.s32 @p2 $0x1082  }
0x22: {  	[simem:s7], [sflag:s8] =	dma.local @!p0 [hbm:s6], $0xF7A  }
0x23: {  	s9 =	sor.u32 $0xD0000000, s2;
	s6 =	simm.s32 $0x108;
	_ =	swait.ge @!p0 [sflag:s8], $0x0  }
0x24: {  	s3 =	sadd.s32 $0x88, s3;
	s6 =	simm.s32 @!p1 $0x1082;
	[sflag:s4] =	ssyncset.s32 $0xFFFFF086  }
0x25: {  	[simem:s6], [sflag:s4] =	dma.local [hbm:s3], $0xF7A  }
0x26: {  	[smem:$0x3F9F] =	sst s1;
	(tag) =	ssettag s2;
	_ =	strace s9  }
0x27: {  	s1 =	sld [smem:$0x3FAF]  }
0x28: {  	s2 =	sld [smem:$0x3FB0]  }
0x29: {  	s4 =	sld [smem:$0x3FB2]  }
0x2a: {  	p0 =	seq.s32 s5, $0x0;
	s5 =	sld [smem:$0x3FB3]  }
0x2b: {  	s6 =	sld [smem:$0x3FB4]  }
0x2c: {  	s7 =	sld [smem:$0x3FB5]  }
0x2d: {  	s3 =	simm.s32 $0x108;
	s8 =	sld [smem:$0x3FB6]  }
0x2e: {  	s3 =	simm.s32 @!p0 $0x1082;
	s9 =	sld [smem:$0x3FB7]  }
0x2f: {  	lr =	sadd.s32 s0, s3;
	s0 =	sld [smem:$0x3FAE]  }
0x30: {  	s3 =	sld [smem:$0x3FB1]  }
0x31: {  	[smem:$0x3FBA] =	sst s10  }
0x32: {  	s10 =	sld [smem:$0x3FB8];
	_ =	sdelay $0x3  }
0x33: {  	p0 =	seq.s32 s10, $0x1;
	s10 =	sld [smem:$0x3FBA];
	_ =	sdelay $0x3  }
0x34: {  	[smem:$0x3FBA] =	sst s10  }
0x35: {  	s10 =	sld [smem:$0x3FB9];
	_ =	sdelay $0x3  }
0x36: {  	p1 =	seq.s32 s10, $0x1;
	s10 =	sld [smem:$0x3FBA];
	_ =	sdelay $0x3  }
0x37: {  	[smem:$0x3FBA] =	sst s10  }
0x38: {  	s10 =	sld [smem:$0x3FBB]  }
0x39: {  	_ = 	snop;
	(pc) =	sbr.ind lr, $3  }
0x3a: {  	_ = 	snop  }
0x3b: {  	_ = 	snop  }
0x3c: {  	p2 =	seq.s32 s10, $0x1;
	s10 =	sld [smem:$0x3FBA]  }
0x3d: {  	_ =	shalt  }
0x3e: {  	_ =	shalt  }
0x3f: {  	_ =	shalt  }
0x40: {  	_ =	shalt  }
0x41: {  	_ =	shalt  }
0x42: {  	_ =	shalt  }
0x43: {  	_ =	shalt  }
0x44: {  	_ =	shalt  }
0x45: {  	_ =	shalt  }
0x46: {  	_ =	shalt  }
0x47: {  	_ =	shalt  }
0x48: {  	_ =	shalt  }
0x49: {  	_ =	shalt  }
0x4a: {  	_ =	shalt  }
0x4b: {  	_ =	shalt  }
0x4c: {  	_ =	shalt  }
0x4d: {  	_ =	shalt  }
0x4e: {  	_ =	shalt  }
0x4f: {  	_ =	shalt  }
0x50: {  	_ =	shalt  }
0x51: {  	_ =	shalt  }
0x52: {  	_ =	shalt  }
0x53: {  	_ =	shalt  }
0x54: {  	_ =	shalt  }
0x55: {  	_ =	shalt  }
0x56: {  	_ =	shalt  }
0x57: {  	_ =	shalt  }
0x58: {  	_ =	shalt  }
0x59: {  	_ =	shalt  }
0x5a: {  	_ =	shalt  }
0x5b: {  	_ =	shalt  }
0x5c: {  	_ =	shalt  }
0x5d: {  	_ =	shalt  }
0x5e: {  	_ =	shalt  }
0x5f: {  	_ =	shalt  }
0x60: {  	_ =	shalt  }
0x61: {  	_ =	shalt  }
0x62: {  	_ =	shalt  }
0x63: {  	_ =	shalt  }
0x64: {  	_ =	shalt  }
0x65: {  	_ =	shalt  }
0x66: {  	_ =	shalt  }
0x67: {  	_ =	shalt  }
0x68: {  	_ =	shalt  }
0x69: {  	_ =	shalt  }
0x6a: {  	_ =	shalt  }
0x6b: {  	_ =	shalt  }
0x6c: {  	_ =	shalt  }
0x6d: {  	_ =	shalt  }
0x6e: {  	_ =	shalt  }
0x6f: {  	_ =	shalt  }
0x70: {  	_ =	shalt  }
0x71: {  	_ =	shalt  }
0x72: {  	_ =	shalt  }
0x73: {  	_ =	shalt  }
0x74: {  	_ =	shalt  }
0x75: {  	_ =	shalt  }
0x76: {  	_ =	shalt  }
0x77: {  	_ =	shalt  }
0x78: {  	_ =	shalt  }
0x79: {  	_ =	shalt  }
0x7a: {  	_ =	shalt  }
0x7b: {  	_ =	shalt  }
0x7c: {  	_ =	shalt  }
0x7d: {  	_ =	shalt  }
0x7e: {  	_ =	shalt  }
0x7f: {  	_ =	shalt  }
0x80: {  	_ =	shalt  }
0x81: {  	_ =	shalt  }
0x82: {  	_ =	shalt  }
0x83: {  	_ =	shalt  }
0x84: {  	_ =	shalt  }
0x85: {  	_ =	shalt  }
0x86: {  	_ =	shalt  }
0x87: {  	_ =	shalt  }
.Lfunc_end0:
.L_simem_size_0:
called_computation_lowered:
.L_overlay_start_0:
0x88: {  	s2 =	sld [smem:$0x3FD9]  }
0x89: {  	s3 =	sld [smem:$0x3FFE];
	_ =	sdelay $0x1  }
0x8a: {  	s1 =	srdreg.scid  }
0x8b: {  	s0 =	sand.u32 $0x1, s1  }
0x8c: {  	s17 =	sshll.u32 s0, $0xA;
	s2 =	sadd.s32 s3, s2  }
0x8d: {  	s2 =	sadd.s32 s2, s17  }
0x8e: {  	[smem:$0x3FC6] =	sst s2  }
0x8f: {  	_ = 	snop  }
0x90: {  	(tm) =	ssettm $0x1  }
0x91: {  	s18 =	sld [smem:$0x3FFB];
	_ =	sdelay $0x3  }
0x92: {  	_ =	strace s18  }
0x93: {  	s2 =	sld [smem:$0x3FFC];
	_ =	sdelay $0x3  }
0x94: {  	_ =	strace s2  }
0x95: {  	s2 =	sld [smem:$0x3FFD];
	_ =	sdelay $0x3  }
0x96: {  	_ =	strace s2  }
0x97: {  	_ =	strace $0x8FFFFFFF  }
0x98: {  	s19 =	sld [smem:$0x3FDB];
	_ =	sdelay $0x1  }
0x99: {  	s20 =	simm.s32 $_scs_section_size  }
0x9a: {  	s4 =	simm.s32 $_size__tile_overlayer_lowered;
	s5 =	simm.s32 $_tile_overlayer_lowered  }
0x9b: {  	s6 =	simm.s32 $0x1BFF;
	s21 =	sshll.u32 s5, $0x1;
	s3 =	sadd.s32 s20, s19  }
0x9c: {  	s22 =	simm.s32 $0x0;
	s4 =	sshll.u32 s4, $0x1;
	s5 =	sadd.s32 s21, s3  }
0x9d: {  	[timem:s22], [sflag:s6] =	dma.local [hbm:s5], s4  }
0x9e: {  	_ =	swait.ge [sflag:s6], s4  }
0x9f: {  	s4 =	ssub.s32 $0x0, s4;
	[sflag:s6] =	ssyncset.done $0x0  }
0xa0: {  	[sflag:s6] =	ssyncadd.s32 s4;
	_ =	sdelay $0x1  }
0xa1: {  	s23 =	simm.s32 $0x1B8B  }
0xa2: {  	_ =	swait.ge [sflag:s23], $0x1  }
0xa3: {  	[sflag:s23] =	ssyncset.done $0x0  }
0xa4: {  	[sflag:s23] =	ssyncadd.s32 $0xFFFFFFFF  }
0xa5: {  	s4 =	sld [smem:$0x0]  }
0xa6: {  	s5 =	sand.u32 $0xFFFFFFFE, s1  }
0xa7: {  	p0 =	sne.s32 s1, s5  }
0xa8: {  	s5 =	sshll.u32 @p0 s5, $0xE  }
0xa9: {  	s5 =	sadd.s32 @p0 $0x11B8D, s5;
	s6 =	sshll.u32 @p0 s4, $0x11  }
0xaa: {  	s5 =	sor.u32 @p0 s6, s5  }
0xab: {  	[sflag:s5] =	ssyncadd.remote.s32 @p0 $0x1;
	_ =	sdelay $0x1  }
0xac: {  	s5 =	simm.s32 @p0 $0x1B8D  }
0xad: {  	_ =	swait.eq @p0 [sflag:s5], $0x1  }
0xae: {  	[sflag:s5] =	ssyncadd.s32 @p0 $0xFFFFFFFF  }
0xaf: {  	s6 =	sshll.u32 @!p0 s1, $0xE  }
0xb0: {  	s6 =	sor.u32 @!p0 $0x4000, s6;
	s5 =	simm.s32 @!p0 $0x1B8D  }
0xb1: {  	s4 =	sshll.u32 @!p0 s4, $0x11;
	s6 =	sadd.s32 @!p0 $0x11B8D, s6;
	_ =	swait.eq @!p0 [sflag:s5], $0x1  }
0xb2: {  	s4 =	sor.u32 @!p0 s4, s6;
	[sflag:s5] =	ssyncadd.s32 @!p0 $0xFFFFFFFF  }
0xb3: {  	s25 =	simm.s32 $0x1B8E;
	s24 =	sld [smem:$0x3FFE];
	[sflag:s4] =	ssyncadd.remote.s32 @!p0 $0x1  }
0xb4: {  	s26 =	simm.s32 $execute0_lowered;
	[smem:$0x3FD2] =	sst s25  }
0xb5: {  	s5 =	sshll.u32 s26, $0x1;
	_ =	strace $0x80000049;
	[dreg:$0x1] =	wrdreg $0xFFFFFFFF  }
0xb6: {  	s28 =	simm.s32 $_size_execute0_lowered;
	s3 =	sadd.s32 s3, s5;
	[dreg:$0x0] =	wrdreg $0x0  }
0xb7: {  	s5 =	sshll.u32 s28, $0x1;
	[dreg:$0x2] =	wrdreg s3  }
0xb8: {  	[dreg:$0x3] =	wrdreg s5  }
0xb9: {  	[dreg:$0x4] =	wrdreg $0xC0  }
0xba: {  	_ =	task [dreg:s22], $0x5FFFF  }
0xbb: {  	[dreg:$0x1] =	wrdreg $0xFFFFFFFF  }
0xbc: {  	[dreg:$0x0] =	wrdreg $0x60  }
0xbd: {  	[dreg:$0x2] =	wrdreg s24  }
0xbe: {  	[dreg:$0x3] =	wrdreg $0x9  }
0xbf: {  	_ =	task.clear_ibuf [dreg:s22], $0x4FFFF;
	_ =	strace $0x90000049  }
0xc0: {  	s29 =	simm.s32 $0x9;
	_ =	strace $0x8000004B  }
0xc1: {  	_ =	swait.ge [sflag:s29], $0x1  }
0xc2: {  	[sflag:s29] =	ssyncadd.s32 $0xFFFFFFFF  }
0xc3: {  	_ =	strace $0x9000004B  }
0xc4: {  	_ =	sfence  }
0xc5: {  	s30 =	sld [smem:$0x0];
	_ =	sdelay $0x2  }
0xc6: {  	s31 =	sshll.u32 s1, $0xD;
	s1 =	sshrl.u32 s1, $0x2  }
0xc7: {  	s4 =	sand.u32 $0x4000, s31;
	s1 =	sadd.s32 s1, s30  }
0xc8: {  	s0 =	sor.u32 s4, s0;
	s1 =	sshll.u32 s1, $0x11  }
0xc9: {  	s0 =	sor.u32 s1, s0  }
0xca: {  	s0 =	sadd.s32 $0x8F2B, s0  }
0xcb: {  	[sflag:s0] =	ssyncadd.remote.s32 $0x1  }
0xcc: {  	_ =	sfence.sel $0xFFFF  }
0xcd: {  	[dreg:$0x0] =	wrdreg $0xFFFFFFFF;
	(pc) =	sbr.abs _section_cstart, $3  }
0xce: {  	[dreg:$0x1] =	wrdreg $0xFFFFFFFF  }
0xcf: {  	_ =	task.clear_ibuf [dreg:s22], $0x2FFFF;
	_ =	strace $0x9FFFFFFF  }
0xd0: {  	(tm) =	ssettm $0x7FFFFFFF  }
0xd1: {  	_ =	shalt  }
tec
execute0_lowered:
.L_overlay_start_1:
0x0: {  	(tag) =	ssettag $0x1  }
0x1: {  	v0 =	vimm.s32 $0x2380;
	vm0 =	vcmask $0x300  }
0x2: {  	vm14 =	vcmask $0x704;
	v0 =	vsel vm0, $0x0, v0  }
0x3: {  	vm15 =	vcmask $0xB08;
	v0 =	vsel vm14, $0x80, v0  }
0x4: {  	vm4 =	vcmask $0xF0C;
	v0 =	vsel vm15, $0x100, v0  }
0x5: {  	vm5 =	vcmask $0x1310;
	v0 =	vsel vm4, $0x180, v0  }
0x6: {  	vm6 =	vcmask $0x1714;
	v0 =	vsel vm5, $0x200, v0  }
0x7: {  	vm7 =	vcmask $0x1B18;
	v0 =	vsel vm6, $0x280, v0  }
0x8: {  	s1 =	srdreg.scid;
	vm8 =	vcmask $0x1F1C;
	v0 =	vsel vm7, $0x300, v0  }
0x9: {  	s0 =	stileid.u32;
	s4 =	rddreg [dreg:$0x0];
	vm9 =	vcmask $0x2320;
	v0 =	vsel vm8, $0x380, v0  }
0xa: {  	s2 =	simm.s32 $0x0;
	vm10 =	vcmask $0x2724;
	s3 =	sand.u32 $0x1, s1;
	s1 =	rddreg [dreg:$0x1];
	v0 =	vsel vm9, $0x2000, v0  }
0xb: {  	vm11 =	vcmask $0x2B28;
	s9 =	simm.s32 $0x0;
	s5 =	sshll.u32 s0, $0x1;
	[smem:$0x7FF] =	sst s2;
	v0 =	vsel vm10, $0x2080, v0  }
0xc: {  	vm12 =	vcmask $0x2F2C;
	s5 =	sor.u32 s3, s5;
	_ =	strace $0x8000004A;
	s7 =	ssub.s32 $0x2, s3;
	v0 =	vsel vm11, $0x2100, v0  }
0xd: {  	vm13 =	vcmask $0x3330;
	s6 =	smul.u32 $0x480, s5;
	s5 =	sshll.u32 s5, $0xB;
	s8 =	sshrl.u32 s7, $0x1;
	v0 =	vsel vm12, $0x2180, v0  }
0xe: {  	s3 =	sadd.s32 $0xA000, s4;
	vm14 =	vcmask $0x3734;
	s5 =	sadd.s32 s5, s4;
	s7 =	ssub.s32 s7, s8;
	v0 =	vsel vm13, $0x2200, v0  }
0xf: {  	vm15 =	vcmask $0x3B38;
	s8 =	simm.s32 $0x2400;
	s6 =	sadd.s32 s6, s4;
	s5 =	sadd.s32 $0x23800, s5;
	v0 =	vsel vm14, $0x2280, v0  }
0x10: {  	v1 =	vimm.s32 $0x1;
	s4 =	sadd.s32 $0x1A800, s6;
	s6 =	smax.u32 s7, $0x1;
	s7 =	simm.s32 $0x1;
	v0 =	vsel vm15, $0x2300, v0  }
.LBB2_1:
0x11: {  	[tilespmem:s2], [sflag:$0x1] =	stream.linear.gather [hbm4b:s4+s2], $0x2400, $0x38;
	[tilespmem:$0x6400] =	vst v63  }
0x12: {  	_ =	swait.ge [sflag:s7], $0x2400  }
0x13: {  	[sflag:s7] =	ssyncset.done $0x0  }
0x14: {  	[sflag:s7] =	ssyncadd.s32 $0xFFFFDC00  }
0x15: {  	[tilespmem:s8], [sflag:$0x1] =	stream.linear.gather [hbm4b:s3+s2], $0x4000, $0x38;
	[tilespmem:$0x6400] =	vst v63  }
0x16: {  	_ =	swait.ge [sflag:s7], $0x4000  }
0x17: {  	[sflag:s7] =	ssyncset.done $0x0  }
0x18: {  	s10 =	simm.s32 $0x0;
	[sflag:s7] =	ssyncadd.s32 $0xFFFFC000  }
.LBB2_2:
0x19: {  	s11 =	sshra.s32 s10, $0x2  }
0x1a: {  	v2 =	vld [tilespmem:s11+$0x0];
	_ =	sdelay $0x4  }
0x1b: {  	v2 =	vshrl.u32 v2, $0x15  }
0x1c: {  	v2 =	vmin.u32 v2, $0x3FF  }
0x1d: {  	v3 =	vshll.u32 v2, $0x3  }
0x1e: {  	v2 =	vand.u32 $0x7F, v2;
	v3 =	vand.u32 $0x1C00, v3  }
0x1f: {  	v2 =	vor.u32 v3, v2  }
0x20: {  	v2 =	vor.u32 v0, v2;
	_ =	sdelay $0x4  }
0x21: {  	[tilespmem:v2+s8+$0x0] =	vst.idx.add.s32.msk $0xffff, v1  }
0x22: {  	v2 =	vld [tilespmem:s11+$0x10];
	_ =	sdelay $0x4  }
0x23: {  	v2 =	vshrl.u32 v2, $0x15  }
0x24: {  	v2 =	vmin.u32 v2, $0x3FF  }
0x25: {  	v3 =	vshll.u32 v2, $0x3  }
0x26: {  	v2 =	vand.u32 $0x7F, v2;
	v3 =	vand.u32 $0x1C00, v3  }
0x27: {  	v2 =	vor.u32 v3, v2  }
0x28: {  	v2 =	vor.u32 v0, v2;
	_ =	sdelay $0x4  }
0x29: {  	[tilespmem:v2+s8+$0x0] =	vst.idx.add.s32.msk $0xffff, v1  }
0x2a: {  	v2 =	vld [tilespmem:s11+$0x20];
	_ =	sdelay $0x4  }
0x2b: {  	v2 =	vshrl.u32 v2, $0x15  }
0x2c: {  	v2 =	vmin.u32 v2, $0x3FF  }
0x2d: {  	v3 =	vshll.u32 v2, $0x3  }
0x2e: {  	v2 =	vand.u32 $0x7F, v2;
	v3 =	vand.u32 $0x1C00, v3  }
0x2f: {  	v2 =	vor.u32 v3, v2  }
0x30: {  	v2 =	vor.u32 v0, v2;
	_ =	sdelay $0x4  }
0x31: {  	[tilespmem:v2+s8+$0x0] =	vst.idx.add.s32.msk $0xffff, v1  }
0x32: {  	v2 =	vld [tilespmem:s11+$0x30];
	_ =	sdelay $0x4  }
0x33: {  	v2 =	vshrl.u32 v2, $0x15  }
0x34: {  	v2 =	vmin.u32 v2, $0x3FF  }
0x35: {  	v3 =	vshll.u32 v2, $0x3  }
0x36: {  	v2 =	vand.u32 $0x7F, v2;
	v3 =	vand.u32 $0x1C00, v3  }
0x37: {  	v2 =	vor.u32 v3, v2  }
0x38: {  	p0 =	sne.s32 s10, $0x8F00;
	v2 =	vor.u32 v0, v2  }
.Ltmp0:
0x39: {  	_ = 	snop;
	(pc) =	sbr.rel @p0 .LBB2_2-.Ltmp0, $2  }
0x3a: {  	_ =	sdelay $0x2  }
0x3b: {  	s10 =	sadd.s32 $0x100, s10;
	[tilespmem:v2+s8+$0x0] =	vst.idx.add.s32.msk $0xffff, v1  }
0x3c: {  	s9 =	sadd.s32 $0x1, s9  }
0x3d: {  	p0 =	sne.s32 s9, s6  }
.Ltmp1:
0x3e: {  	_ = 	snop;
	(pc) =	sbr.rel @p0 .LBB2_1-.Ltmp1, $4  }
0x3f: {  	[hbm4b:s5+s2] =	stream.linear.scatter [tilespmem:s8], [sflag:$0x1], $0x4000, $0x38;
	[tilespmem:$0x6400] =	vst v63  }
0x40: {  	_ =	swait.ge [sflag:s7], $0x4000  }
0x41: {  	[sflag:s7] =	ssyncset.done $0x0  }
0x42: {  	[sflag:s7] =	ssyncadd.s32 $0xFFFFC000  }
0x43: {  	_ =	sfence.sel $0x180000  }
0x44: {  	[bflag:$0x0] =	sbarrier.arrive $0xFFFF  }
0x45: {  	p0 =	sne.s32 s0, $0x0;
	_ =	strace $0x9000004A  }
0x46: {  	s0 =	sadd.s32 @!p0 $0x100000, s1;
	[bflag:$0x2] =	sbarrier.arrive $0xFFFF  }
0x47: {  	[sflag:s0] =	ssyncadd.tile.s32 @!p0 $0x1;
	_ =	shalt  }
.Lfunc_end2:
_tile_overlayer_lowered:
.L_overlay_start_2:
0x48: {  	(tag) =	ssettag $0x2  }
0x49: {  	s0 =	rddreg [dreg:$0x0];
	s2 =	stileid.u32  }
0x4a: {  	s1 =	rddreg [dreg:$0x1];
	p0 =	sne.s32 s2, $0x0  }
0x4b: {  	s3 =	rddreg [dreg:$0x2];
	[bflag:$0x3] =	sbarrier.arrive $0xFFFF;
	s2 =	simm.s32 @!p0 $0x1C01  }
0x4c: {  	[timem:s3], [sflag:s2] =	dma.local @!p0 [hbm:s0], s1  }
0x4d: {  	s0 =	simm.s32 @!p0 $0x1  }
0x4e: {  	_ =	swait.ge @!p0 [sflag:s0], s1  }
0x4f: {  	s1 =	ssub.s32 @!p0 $0x0, s1;
	[sflag:s0] =	ssyncset.done @!p0 $0x0  }
0x50: {  	[sflag:s0] =	ssyncadd.s32 @!p0 s1  }
0x51: {  	[bflag:$0x3] =	sbarrier.arrive $0xFFFF  }
0x52: {  	_ =	shalt  }

</sc_bundles>
